<compile_context>
chip_gen: v7x
topology: tpu7x:2x2x1
jax: 0.10.2.dev20260603
libtpu: 0.0.44.dev20260713+nightly
codegen_flags: <defaults>
</compile_context>

<pallas_src>
import functools

import jax
import jax.numpy as jnp
from jax import lax
from jax.experimental import pallas as pl
from jax.experimental.pallas import tpu as pltpu
from jax.experimental.pallas import tpu_sc as plsc

_BATCH = 8192
_WIDTH = 1024
_TREES = 512
_DEPTH = 6
_NODES = 2 ** _DEPTH - 1
_LEAF0 = 2 ** (_DEPTH - 1) - 1
_WORDS = _WIDTH // 16

_NWORKERS = 32
_ROWS_PER_W = _BATCH // _NWORKERS
_SBLK = 32
_XROW = 128
_TVECS = _TREES // 16


def _pack_body(x_ref, p_ref, o_ref):
    acc = jnp.dot(x_ref[...], p_ref[...], preferred_element_type=jnp.float32)
    o_ref[...] = acc.astype(jnp.int32)


def _pack_bits(x):
    j = jnp.arange(_WIDTH, dtype=jnp.int32)
    c = jnp.arange(_XROW, dtype=jnp.int32)
    p = jnp.where((j[:, None] // 16) == c[None, :],
                  (2.0 ** (j % 16).astype(jnp.float32))[:, None],
                  0.0).astype(jnp.float32)
    return pl.pallas_call(
        _pack_body,
        grid=(16,),
        in_specs=[
            pl.BlockSpec((_BATCH // 16, _WIDTH), lambda i: (i, 0)),
            pl.BlockSpec((_WIDTH, _XROW), lambda i: (0, 0)),
        ],
        out_specs=pl.BlockSpec((_BATCH // 16, _XROW), lambda i: (i, 0)),
        out_shape=jax.ShapeDtypeStruct((_BATCH, _XROW), jnp.int32),
    )(x, p)


@functools.partial(
    pl.kernel,
    mesh=plsc.VectorSubcoreMesh(core_axis_name="c", subcore_axis_name="s"),
    out_type=jax.ShapeDtypeStruct((_BATCH, _TREES), jnp.float32),
    compiler_params=pltpu.CompilerParams(needs_layout_passes=False),
    scratch_types=[
        pltpu.VMEM((_ROWS_PER_W * _XROW,), jnp.int32),
        pltpu.VMEM((_TREES * _NODES,), jnp.int32),
        pltpu.VMEM((_TREES * 64,), jnp.float32),
        pltpu.VMEM((2, _SBLK, _TREES), jnp.float32),
        pltpu.SemaphoreType.DMA,
    ],
)
def _sc_traverse(xp_hbm, foci_hbm, leaf_hbm, out_hbm, xp_v, foci_v, leaf_v,
                 ob_v, sem0):
    wid = lax.axis_index("s") * 2 + lax.axis_index("c")
    base = wid * _ROWS_PER_W
    pltpu.sync_copy(foci_hbm, foci_v)
    pltpu.sync_copy(leaf_hbm, leaf_v)
    pltpu.sync_copy(xp_hbm.at[pl.ds(base * _XROW, _ROWS_PER_W * _XROW)], xp_v)

    lanes = jnp.arange(16, dtype=jnp.int32)
    n_blk = _ROWS_PER_W // _SBLK

    def sample_blk_compute(sb, buf):
        def tree_vec(tv, c2):
            t = tv * 16 + lanes
            lb = t * 64
            fbm = lb - t - 1
            f0 = plsc.load_gather(foci_v, [fbm + 1])
            w0 = f0 >> 4
            s0 = f0 & 15
            outs = []
            for s in range(_SBLK):
                xbase = (sb * _SBLK + s) * _XROW
                wrd = plsc.load_gather(xp_v, [xbase + w0])
                n = 2 + ((lax.shift_right_logical(wrd, s0)) & 1)
                for _ in range(_DEPTH - 1):
                    f = plsc.load_gather(foci_v, [fbm + n])
                    wrd = plsc.load_gather(xp_v, [xbase + (f >> 4)])
                    dec = (lax.shift_right_logical(wrd, f & 15)) & 1
                    n = (n << 1) | dec
                outs.append(plsc.load_gather(leaf_v, [lb + n - 64]))
            for s in range(_SBLK):
                ob_v[buf, s, pl.ds(tv * 16, 16)] = outs[s]
            return c2

        lax.fori_loop(0, _TVECS, tree_vec, 0)

    def drain_one():
        pltpu.make_async_copy(
            ob_v.at[0],
            out_hbm.at[pl.ds(base, _SBLK)],
            sem0,
        ).wait()

    def sample_blk(sb, carry):
        buf = sb & 1
        sample_blk_compute(sb, buf)

        @pl.when(sb >= 1)
        def _wait_prev():
            drain_one()

        pltpu.async_copy(
            ob_v.at[buf],
            out_hbm.at[pl.ds(base + sb * _SBLK, _SBLK)],
            sem0,
        )
        return carry

    lax.fori_loop(0, n_blk, sample_blk, 0)
    drain_one()


def kernel(x, node_outputs, node_foci):
    xp = _pack_bits(x)
    foci_flat = node_foci.reshape(-1).astype(jnp.int32)
    leaf_flat = (
        node_outputs.reshape(_TREES, _NODES * 2)[:, 2 * _LEAF0:]
        .reshape(-1).astype(jnp.float32)
    )
    return _sc_traverse(xp.reshape(-1), foci_flat, leaf_flat)

# --- scband reference (transcript-rebuilt; emitter-appended) ---
"""Pipeline reference for scband-forester-83829171683949 (READ-ONLY COPY).

The authoritative reference and input builder live on the scoring server;
editing this copy changes nothing except your own understanding.
"""

import jax, jax.numpy as jnp
import numpy as np

BATCH = 8192
INPUT_WIDTH = 1024
N_TREES = 512
MAX_DEPTH = 6
N_NODES = 2 ** MAX_DEPTH - 1  # 63


def setup_inputs(seed: int = 0) -> dict:
    key = jax.random.key(seed)
    k1, k2, k3 = jax.random.split(key, 3)
    # boolean features stored as float 0/1 (torch module treats x as {0,1} decisions)
    x = (jax.random.uniform(k1, (BATCH, INPUT_WIDTH)) < 0.5).astype(jnp.float32)
    # learned (non-grad in torch) forest tables, populated as if trained to full depth
    node_outputs = (jax.random.uniform(k2, (N_TREES, N_NODES, 2)) < 0.5).astype(jnp.float32)
    # foci restricted to the initial input width so every gather is in-range at every depth
    node_foci = jax.random.randint(k3, (N_TREES, N_NODES), 0, INPUT_WIDTH).astype(jnp.int32)
    return {"x": x, "node_outputs": node_outputs, "node_foci": node_foci}


def reference(x, node_outputs, node_foci):
    # Faithful jax translation of Forest.forward / Forester.forward with
    # current_depth == max_depth (a fully-grown forest).
    batch = x.shape[0]
    n_trees, n_nodes, _ = node_outputs.shape
    trees = jnp.arange(n_trees)[None, :]  # [1, n_trees]
    current_nodes = jnp.zeros((batch, n_trees), dtype=jnp.int32)
    output = jnp.zeros((batch, n_trees), dtype=x.dtype)
    for d in range(MAX_DEPTH):
        # node_foci gather: foci of the current node of each (sample, tree)
        current_foci = node_foci[trees, current_nodes]  # [batch, n_trees]
        # decisions = x.gather(1, current_foci).long()  (.long() detaches)
        decisions = jax.lax.stop_gradient(
            jnp.take_along_axis(x, current_foci, axis=1)
        ).astype(jnp.int32)  # [batch, n_trees] in {0,1}
        # node_outputs gather: output map of the current node
        current_output_maps = node_outputs[trees, current_nodes]  # [batch, n_trees, 2]
        output = jnp.take_along_axis(
            current_output_maps, decisions[:, :, None], axis=2
        )[:, :, 0]  # [batch, n_trees]
        # descend: left child = 2n+1, right child = 2n+2
        current_nodes = current_nodes * 2 + decisions + 1
        # aggregate outputs back into the feature matrix
        x = jnp.concatenate([x, output], axis=1)
    # Forester.forward returns only the final-level output
    return output

if __name__ == "__main__":
    import jax
    _d = setup_inputs()
    print(jax.jit(kernel)(*tuple(_d.values())))

</pallas_src>

<mosaic_0001>
#map = affine_map<(d0, d1) -> (0)>
#map1 = affine_map<(d0, d1) -> (0, 0)>
module attributes {stable_mosaic.version = 14 : i64} {
  func.func @_sc_traverse(%arg0: i32, %arg1: i32, %arg2: memref<1048576xi32, #tpu.memory_space<hbm>>, %arg3: memref<32256xi32, #tpu.memory_space<hbm>>, %arg4: memref<32768xf32, #tpu.memory_space<hbm>>, %arg5: memref<8192x512xf32, #tpu.memory_space<hbm>>, %arg6: memref<32768xi32, #tpu.memory_space<vmem>>, %arg7: memref<32256xi32, #tpu.memory_space<vmem>>, %arg8: memref<32768xf32, #tpu.memory_space<vmem>>, %arg9: memref<2x32x512xf32, #tpu.memory_space<vmem>>, %arg10: memref<!tpu.dma_semaphore, #tpu.memory_space<semaphore_mem>>) attributes {dimension_semantics = [#tpu.dimension_semantics<core_parallel>, #tpu.dimension_semantics<subcore_parallel>], iteration_bounds = array<i64: 2, 16>, scalar_prefetch = 0 : i64, scratch_operands = 5 : i64, tpu.core_type = #tpu.core_type<sc_vector_subcore>, window_params = [{transform_indices = #map}, {transform_indices = #map}, {transform_indices = #map}, {transform_indices = #map1}]} {
    %mul3A = arith.constant 2 : i32
    %mul3A_0 = arith.muli %arg1, %mul3A : i32
    %add3A = arith.addi %mul3A_0, %arg0 : i32
    %mul3A_1 = arith.constant 256 : i32
    %mul3A_2 = arith.muli %add3A, %mul3A_1 : i32
    "tpu.region"() ({
      %run_scoped3A = tpu.sem_alloc : memref<!tpu.dma_semaphore, #tpu.memory_space<semaphore_mem>>
      tpu.enqueue_dma source(%arg3 : memref<32256xi32, #tpu.memory_space<hbm>>) target(%arg7 : memref<32256xi32, #tpu.memory_space<vmem>>) target_semaphore(%run_scoped3A : memref<!tpu.dma_semaphore, #tpu.memory_space<semaphore_mem>>)
      tpu.wait_dma2 semaphore(%run_scoped3A : memref<!tpu.dma_semaphore, #tpu.memory_space<semaphore_mem>>) src(%arg3 : memref<32256xi32, #tpu.memory_space<hbm>>) dst(%arg7 : memref<32256xi32, #tpu.memory_space<vmem>>)
      tpu.yield
    }) : () -> ()
    "tpu.region"() ({
      %run_scoped3A = tpu.sem_alloc : memref<!tpu.dma_semaphore, #tpu.memory_space<semaphore_mem>>
      tpu.enqueue_dma source(%arg4 : memref<32768xf32, #tpu.memory_space<hbm>>) target(%arg8 : memref<32768xf32, #tpu.memory_space<vmem>>) target_semaphore(%run_scoped3A : memref<!tpu.dma_semaphore, #tpu.memory_space<semaphore_mem>>)
      tpu.wait_dma2 semaphore(%run_scoped3A : memref<!tpu.dma_semaphore, #tpu.memory_space<semaphore_mem>>) src(%arg4 : memref<32768xf32, #tpu.memory_space<hbm>>) dst(%arg8 : memref<32768xf32, #tpu.memory_space<vmem>>)
      tpu.yield
    }) : () -> ()
    %mul3A_3 = arith.constant 128 : i32
    %mul3A_4 = arith.muli %mul3A_2, %mul3A_3 : i32
    "tpu.region"() ({
      %run_scoped3A = tpu.sem_alloc : memref<!tpu.dma_semaphore, #tpu.memory_space<semaphore_mem>>
      %dma_start3A = tpu.memref_slice %arg2[%mul3A_4] : memref<1048576xi32, #tpu.memory_space<hbm>> -> memref<32768xi32, #tpu.memory_space<hbm>>
      %dma_start3A_22 = tpu.memref_slice %arg2[%mul3A_4] : memref<1048576xi32, #tpu.memory_space<hbm>> -> memref<32768xi32, #tpu.memory_space<hbm>>
      tpu.enqueue_dma source(%dma_start3A_22 : memref<32768xi32, #tpu.memory_space<hbm>>) target(%arg6 : memref<32768xi32, #tpu.memory_space<vmem>>) target_semaphore(%run_scoped3A : memref<!tpu.dma_semaphore, #tpu.memory_space<semaphore_mem>>)
      %dma_wait3A_23 = tpu.memref_slice %arg2[%mul3A_4] : memref<1048576xi32, #tpu.memory_space<hbm>> -> memref<32768xi32, #tpu.memory_space<hbm>>
      %dma_wait3A_24 = tpu.memref_slice %arg2[%mul3A_4] : memref<1048576xi32, #tpu.memory_space<hbm>> -> memref<32768xi32, #tpu.memory_space<hbm>>
      tpu.wait_dma2 semaphore(%run_scoped3A : memref<!tpu.dma_semaphore, #tpu.memory_space<semaphore_mem>>) src(%dma_wait3A_24 : memref<32768xi32, #tpu.memory_space<hbm>>) dst(%arg6 : memref<32768xi32, #tpu.memory_space<vmem>>)
      tpu.yield
    }) : () -> ()
    %iota3A = tpu.iota {dimensions = array<i32: 0>} : vector<16xi32>
    %scan3A = arith.constant 0 : i32
    %scan3A_5 = arith.constant 0 : i32
    %scan3A_6 = arith.constant 8 : i32
    %scan3A_7 = arith.addi %scan3A_5, %scan3A_6 : i32
    %scan3A_8 = arith.constant 1 : i32
    scf.for %scan3A_22 = %scan3A_5 to %scan3A_7 step %scan3A_8  : i32 {
      %and3A = arith.constant 1 : i32
      %and3A_23 = arith.andi %scan3A_22, %and3A : i32
      %scan3A_24 = arith.constant 0 : i32
      %scan3A_25 = arith.constant 0 : i32
      %scan3A_26 = arith.constant 32 : i32
      %scan3A_27 = arith.addi %scan3A_25, %scan3A_26 : i32
      %scan3A_28 = arith.constant 1 : i32
      scf.for %scan3A_46 = %scan3A_25 to %scan3A_27 step %scan3A_28  : i32 {
        %mul3A_47 = arith.constant 16 : i32
        %mul3A_48 = arith.muli %scan3A_46, %mul3A_47 : i32
        %add3A_49 = vector.broadcast %mul3A_48 : i32 to vector<16xi32>
        %add3A_50 = arith.addi %add3A_49, %iota3A : vector<16xi32>
        %mul3A_51 = arith.constant 64 : i32
        %mul3A_52 = vector.broadcast %mul3A_51 : i32 to vector<16xi32>
        %mul3A_53 = arith.muli %add3A_50, %mul3A_52 : vector<16xi32>
        %sub3A = arith.subi %mul3A_53, %add3A_50 : vector<16xi32>
        %sub3A_54 = arith.constant 1 : i32
        %sub3A_55 = vector.broadcast %sub3A_54 : i32 to vector<16xi32>
        %sub3A_56 = arith.subi %sub3A, %sub3A_55 : vector<16xi32>
        %add3A_57 = arith.constant 1 : i32
        %add3A_58 = vector.broadcast %add3A_57 : i32 to vector<16xi32>
        %add3A_59 = arith.addi %sub3A_56, %add3A_58 : vector<16xi32>
        %gather3A = tpu.vector_load_idx %arg7[%add3A_59] : memref<32256xi32, #tpu.memory_space<vmem>>[vector<16xi32>], vector<16xi32>,
        %shift_right_arithmetic3A = arith.constant 4 : i32
        %shift_right_arithmetic3A_60 = vector.broadcast %shift_right_arithmetic3A : i32 to vector<16xi32>
        %shift_right_arithmetic3A_61 = arith.shrsi %gather3A, %shift_right_arithmetic3A_60 : vector<16xi32>
        %and3A_62 = arith.constant 15 : i32
        %and3A_63 = vector.broadcast %and3A_62 : i32 to vector<16xi32>
        %and3A_64 = arith.andi %gather3A, %and3A_63 : vector<16xi32>
        %mul3A_65 = arith.constant 32 : i32
        %mul3A_66 = arith.muli %scan3A_22, %mul3A_65 : i32
        %add3A_67 = arith.constant 0 : i32
        %add3A_68 = arith.addi %mul3A_66, %add3A_67 : i32
        %mul3A_69 = arith.constant 128 : i32
        %mul3A_70 = arith.muli %add3A_68, %mul3A_69 : i32
        %add3A_71 = vector.broadcast %mul3A_70 : i32 to vector<16xi32>
        %add3A_72 = arith.addi %add3A_71, %shift_right_arithmetic3A_61 : vector<16xi32>
        %gather3A_73 = tpu.vector_load_idx %arg6[%add3A_72] : memref<32768xi32, #tpu.memory_space<vmem>>[vector<16xi32>], vector<16xi32>,
        %shift_right_logical3A = arith.shrui %gather3A_73, %and3A_64 : vector<16xi32>
        %and3A_74 = arith.constant 1 : i32
        %and3A_75 = vector.broadcast %and3A_74 : i32 to vector<16xi32>
        %and3A_76 = arith.andi %shift_right_logical3A, %and3A_75 : vector<16xi32>
        %add3A_77 = arith.constant 2 : i32
        %add3A_78 = vector.broadcast %add3A_77 : i32 to vector<16xi32>
        %add3A_79 = arith.addi %add3A_78, %and3A_76 : vector<16xi32>
        %add3A_80 = arith.addi %sub3A_56, %add3A_79 : vector<16xi32>
        %gather3A_81 = tpu.vector_load_idx %arg7[%add3A_80] : memref<32256xi32, #tpu.memory_space<vmem>>[vector<16xi32>], vector<16xi32>,
        %shift_right_arithmetic3A_82 = arith.constant 4 : i32
        %shift_right_arithmetic3A_83 = vector.broadcast %shift_right_arithmetic3A_82 : i32 to vector<16xi32>
        %shift_right_arithmetic3A_84 = arith.shrsi %gather3A_81, %shift_right_arithmetic3A_83 : vector<16xi32>
        %add3A_85 = vector.broadcast %mul3A_70 : i32 to vector<16xi32>
        %add3A_86 = arith.addi %add3A_85, %shift_right_arithmetic3A_84 : vector<16xi32>
        %gather3A_87 = tpu.vector_load_idx %arg6[%add3A_86] : memref<32768xi32, #tpu.memory_space<vmem>>[vector<16xi32>], vector<16xi32>,
        %and3A_88 = arith.constant 15 : i32
        %and3A_89 = vector.broadcast %and3A_88 : i32 to vector<16xi32>
        %and3A_90 = arith.andi %gather3A_81, %and3A_89 : vector<16xi32>
        %shift_right_logical3A_91 = arith.shrui %gather3A_87, %and3A_90 : vector<16xi32>
        %and3A_92 = arith.constant 1 : i32
        %and3A_93 = vector.broadcast %and3A_92 : i32 to vector<16xi32>
        %and3A_94 = arith.andi %shift_right_logical3A_91, %and3A_93 : vector<16xi32>
        %shift_left3A = arith.constant 1 : i32
        %shift_left3A_95 = vector.broadcast %shift_left3A : i32 to vector<16xi32>
        %shift_left3A_96 = arith.shli %add3A_79, %shift_left3A_95 : vector<16xi32>
        %or3A = arith.ori %shift_left3A_96, %and3A_94 : vector<16xi32>
        %add3A_97 = arith.addi %sub3A_56, %or3A : vector<16xi32>
        %gather3A_98 = tpu.vector_load_idx %arg7[%add3A_97] : memref<32256xi32, #tpu.memory_space<vmem>>[vector<16xi32>], vector<16xi32>,
        %shift_right_arithmetic3A_99 = arith.constant 4 : i32
        %shift_right_arithmetic3A_100 = vector.broadcast %shift_right_arithmetic3A_99 : i32 to vector<16xi32>
        %shift_right_arithmetic3A_101 = arith.shrsi %gather3A_98, %shift_right_arithmetic3A_100 : vector<16xi32>
        %add3A_102 = vector.broadcast %mul3A_70 : i32 to vector<16xi32>
        %add3A_103 = arith.addi %add3A_102, %shift_right_arithmetic3A_101 : vector<16xi32>
        %gather3A_104 = tpu.vector_load_idx %arg6[%add3A_103] : memref<32768xi32, #tpu.memory_space<vmem>>[vector<16xi32>], vector<16xi32>,
        %and3A_105 = arith.constant 15 : i32
        %and3A_106 = vector.broadcast %and3A_105 : i32 to vector<16xi32>
        %and3A_107 = arith.andi %gather3A_98, %and3A_106 : vector<16xi32>
        %shift_right_logical3A_108 = arith.shrui %gather3A_104, %and3A_107 : vector<16xi32>
        %and3A_109 = arith.constant 1 : i32
        %and3A_110 = vector.broadcast %and3A_109 : i32 to vector<16xi32>
        %and3A_111 = arith.andi %shift_right_logical3A_108, %and3A_110 : vector<16xi32>
        %shift_left3A_112 = arith.constant 1 : i32
        %shift_left3A_113 = vector.broadcast %shift_left3A_112 : i32 to vector<16xi32>
        %shift_left3A_114 = arith.shli %or3A, %shift_left3A_113 : vector<16xi32>
        %or3A_115 = arith.ori %shift_left3A_114, %and3A_111 : vector<16xi32>
        %add3A_116 = arith.addi %sub3A_56, %or3A_115 : vector<16xi32>
        %gather3A_117 = tpu.vector_load_idx %arg7[%add3A_116] : memref<32256xi32, #tpu.memory_space<vmem>>[vector<16xi32>], vector<16xi32>,
        %shift_right_arithmetic3A_118 = arith.constant 4 : i32
        %shift_right_arithmetic3A_119 = vector.broadcast %shift_right_arithmetic3A_118 : i32 to vector<16xi32>
        %shift_right_arithmetic3A_120 = arith.shrsi %gather3A_117, %shift_right_arithmetic3A_119 : vector<16xi32>
        %add3A_121 = vector.broadcast %mul3A_70 : i32 to vector<16xi32>
        %add3A_122 = arith.addi %add3A_121, %shift_right_arithmetic3A_120 : vector<16xi32>
        %gather3A_123 = tpu.vector_load_idx %arg6[%add3A_122] : memref<32768xi32, #tpu.memory_space<vmem>>[vector<16xi32>], vector<16xi32>,
        %and3A_124 = arith.constant 15 : i32
        %and3A_125 = vector.broadcast %and3A_124 : i32 to vector<16xi32>
        %and3A_126 = arith.andi %gather3A_117, %and3A_125 : vector<16xi32>
        %shift_right_logical3A_127 = arith.shrui %gather3A_123, %and3A_126 : vector<16xi32>
        %and3A_128 = arith.constant 1 : i32
        %and3A_129 = vector.broadcast %and3A_128 : i32 to vector<16xi32>
        %and3A_130 = arith.andi %shift_right_logical3A_127, %and3A_129 : vector<16xi32>
        %shift_left3A_131 = arith.constant 1 : i32
        %shift_left3A_132 = vector.broadcast %shift_left3A_131 : i32 to vector<16xi32>
        %shift_left3A_133 = arith.shli %or3A_115, %shift_left3A_132 : vector<16xi32>
        %or3A_134 = arith.ori %shift_left3A_133, %and3A_130 : vector<16xi32>
        %add3A_135 = arith.addi %sub3A_56, %or3A_134 : vector<16xi32>
        %gather3A_136 = tpu.vector_load_idx %arg7[%add3A_135] : memref<32256xi32, #tpu.memory_space<vmem>>[vector<16xi32>], vector<16xi32>,
        %shift_right_arithmetic3A_137 = arith.constant 4 : i32
        %shift_right_arithmetic3A_138 = vector.broadcast %shift_right_arithmetic3A_137 : i32 to vector<16xi32>
        %shift_right_arithmetic3A_139 = arith.shrsi %gather3A_136, %shift_right_arithmetic3A_138 : vector<16xi32>
        %add3A_140 = vector.broadcast %mul3A_70 : i32 to vector<16xi32>
        %add3A_141 = arith.addi %add3A_140, %shift_right_arithmetic3A_139 : vector<16xi32>
        %gather3A_142 = tpu.vector_load_idx %arg6[%add3A_141] : memref<32768xi32, #tpu.memory_space<vmem>>[vector<16xi32>], vector<16xi32>,
        %and3A_143 = arith.constant 15 : i32
        %and3A_144 = vector.broadcast %and3A_143 : i32 to vector<16xi32>
        %and3A_145 = arith.andi %gather3A_136, %and3A_144 : vector<16xi32>
        %shift_right_logical3A_146 = arith.shrui %gather3A_142, %and3A_145 : vector<16xi32>
        %and3A_147 = arith.constant 1 : i32
        %and3A_148 = vector.broadcast %and3A_147 : i32 to vector<16xi32>
        %and3A_149 = arith.andi %shift_right_logical3A_146, %and3A_148 : vector<16xi32>
        %shift_left3A_150 = arith.constant 1 : i32
        %shift_left3A_151 = vector.broadcast %shift_left3A_150 : i32 to vector<16xi32>
        %shift_left3A_152 = arith.shli %or3A_134, %shift_left3A_151 : vector<16xi32>
        %or3A_153 = arith.ori %shift_left3A_152, %and3A_149 : vector<16xi32>
        %add3A_154 = arith.addi %sub3A_56, %or3A_153 : vector<16xi32>
        %gather3A_155 = tpu.vector_load_idx %arg7[%add3A_154] : memref<32256xi32, #tpu.memory_space<vmem>>[vector<16xi32>], vector<16xi32>,
        %shift_right_arithmetic3A_156 = arith.constant 4 : i32
        %shift_right_arithmetic3A_157 = vector.broadcast %shift_right_arithmetic3A_156 : i32 to vector<16xi32>
        %shift_right_arithmetic3A_158 = arith.shrsi %gather3A_155, %shift_right_arithmetic3A_157 : vector<16xi32>
        %add3A_159 = vector.broadcast %mul3A_70 : i32 to vector<16xi32>
        %add3A_160 = arith.addi %add3A_159, %shift_right_arithmetic3A_158 : vector<16xi32>
        %gather3A_161 = tpu.vector_load_idx %arg6[%add3A_160] : memref<32768xi32, #tpu.memory_space<vmem>>[vector<16xi32>], vector<16xi32>,
        %and3A_162 = arith.constant 15 : i32
        %and3A_163 = vector.broadcast %and3A_162 : i32 to vector<16xi32>
        %and3A_164 = arith.andi %gather3A_155, %and3A_163 : vector<16xi32>
        %shift_right_logical3A_165 = arith.shrui %gather3A_161, %and3A_164 : vector<16xi32>
        %and3A_166 = arith.constant 1 : i32
        %and3A_167 = vector.broadcast %and3A_166 : i32 to vector<16xi32>
        %and3A_168 = arith.andi %shift_right_logical3A_165, %and3A_167 : vector<16xi32>
        %shift_left3A_169 = arith.constant 1 : i32
        %shift_left3A_170 = vector.broadcast %shift_left3A_169 : i32 to vector<16xi32>
        %shift_left3A_171 = arith.shli %or3A_153, %shift_left3A_170 : vector<16xi32>
        %or3A_172 = arith.ori %shift_left3A_171, %and3A_168 : vector<16xi32>
        %add3A_173 = arith.addi %mul3A_53, %or3A_172 : vector<16xi32>
        %sub3A_174 = arith.constant 64 : i32
        %sub3A_175 = vector.broadcast %sub3A_174 : i32 to vector<16xi32>
        %sub3A_176 = arith.subi %add3A_173, %sub3A_175 : vector<16xi32>
        %gather3A_177 = tpu.vector_load_idx %arg8[%sub3A_176] : memref<32768xf32, #tpu.memory_space<vmem>>[vector<16xi32>], vector<16xf32>,
        %mul3A_178 = arith.constant 32 : i32
        %mul3A_179 = arith.muli %scan3A_22, %mul3A_178 : i32
        %add3A_180 = arith.constant 1 : i32
        %add3A_181 = arith.addi %mul3A_179, %add3A_180 : i32
        %mul3A_182 = arith.constant 128 : i32
        %mul3A_183 = arith.muli %add3A_181, %mul3A_182 : i32
        %add3A_184 = vector.broadcast %mul3A_183 : i32 to vector<16xi32>
        %add3A_185 = arith.addi %add3A_184, %shift_right_arithmetic3A_61 : vector<16xi32>
        %gather3A_186 = tpu.vector_load_idx %arg6[%add3A_185] : memref<32768xi32, #tpu.memory_space<vmem>>[vector<16xi32>], vector<16xi32>,
        %shift_right_logical3A_187 = arith.shrui %gather3A_186, %and3A_64 : vector<16xi32>
        %and3A_188 = arith.constant 1 : i32
        %and3A_189 = vector.broadcast %and3A_188 : i32 to vector<16xi32>
        %and3A_190 = arith.andi %shift_right_logical3A_187, %and3A_189 : vector<16xi32>
        %add3A_191 = arith.constant 2 : i32
        %add3A_192 = vector.broadcast %add3A_191 : i32 to vector<16xi32>
        %add3A_193 = arith.addi %add3A_192, %and3A_190 : vector<16xi32>
        %add3A_194 = arith.addi %sub3A_56, %add3A_193 : vector<16xi32>
        %gather3A_195 = tpu.vector_load_idx %arg7[%add3A_194] : memref<32256xi32, #tpu.memory_space<vmem>>[vector<16xi32>], vector<16xi32>,
        %shift_right_arithmetic3A_196 = arith.constant 4 : i32
        %shift_right_arithmetic3A_197 = vector.broadcast %shift_right_arithmetic3A_196 : i32 to vector<16xi32>
        %shift_right_arithmetic3A_198 = arith.shrsi %gather3A_195, %shift_right_arithmetic3A_197 : vector<16xi32>
        %add3A_199 = vector.broadcast %mul3A_183 : i32 to vector<16xi32>
        %add3A_200 = arith.addi %add3A_199, %shift_right_arithmetic3A_198 : vector<16xi32>
        %gather3A_201 = tpu.vector_load_idx %arg6[%add3A_200] : memref<32768xi32, #tpu.memory_space<vmem>>[vector<16xi32>], vector<16xi32>,
        %and3A_202 = arith.constant 15 : i32
        %and3A_203 = vector.broadcast %and3A_202 : i32 to vector<16xi32>
        %and3A_204 = arith.andi %gather3A_195, %and3A_203 : vector<16xi32>
        %shift_right_logical3A_205 = arith.shrui %gather3A_201, %and3A_204 : vector<16xi32>
        %and3A_206 = arith.constant 1 : i32
        %and3A_207 = vector.broadcast %and3A_206 : i32 to vector<16xi32>
        %and3A_208 = arith.andi %shift_right_logical3A_205, %and3A_207 : vector<16xi32>
        %shift_left3A_209 = arith.constant 1 : i32
        %shift_left3A_210 = vector.broadcast %shift_left3A_209 : i32 to vector<16xi32>
        %shift_left3A_211 = arith.shli %add3A_193, %shift_left3A_210 : vector<16xi32>
        %or3A_212 = arith.ori %shift_left3A_211, %and3A_208 : vector<16xi32>
        %add3A_213 = arith.addi %sub3A_56, %or3A_212 : vector<16xi32>
        %gather3A_214 = tpu.vector_load_idx %arg7[%add3A_213] : memref<32256xi32, #tpu.memory_space<vmem>>[vector<16xi32>], vector<16xi32>,
        %shift_right_arithmetic3A_215 = arith.constant 4 : i32
        %shift_right_arithmetic3A_216 = vector.broadcast %shift_right_arithmetic3A_215 : i32 to vector<16xi32>
        %shift_right_arithmetic3A_217 = arith.shrsi %gather3A_214, %shift_right_arithmetic3A_216 : vector<16xi32>
        %add3A_218 = vector.broadcast %mul3A_183 : i32 to vector<16xi32>
        %add3A_219 = arith.addi %add3A_218, %shift_right_arithmetic3A_217 : vector<16xi32>
        %gather3A_220 = tpu.vector_load_idx %arg6[%add3A_219] : memref<32768xi32, #tpu.memory_space<vmem>>[vector<16xi32>], vector<16xi32>,
        %and3A_221 = arith.constant 15 : i32
        %and3A_222 = vector.broadcast %and3A_221 : i32 to vector<16xi32>
        %and3A_223 = arith.andi %gather3A_214, %and3A_222 : vector<16xi32>
        %shift_right_logical3A_224 = arith.shrui %gather3A_220, %and3A_223 : vector<16xi32>
        %and3A_225 = arith.constant 1 : i32
        %and3A_226 = vector.broadcast %and3A_225 : i32 to vector<16xi32>
        %and3A_227 = arith.andi %shift_right_logical3A_224, %and3A_226 : vector<16xi32>
        %shift_left3A_228 = arith.constant 1 : i32
        %shift_left3A_229 = vector.broadcast %shift_left3A_228 : i32 to vector<16xi32>
        %shift_left3A_230 = arith.shli %or3A_212, %shift_left3A_229 : vector<16xi32>
        %or3A_231 = arith.ori %shift_left3A_230, %and3A_227 : vector<16xi32>
        %add3A_232 = arith.addi %sub3A_56, %or3A_231 : vector<16xi32>
        %gather3A_233 = tpu.vector_load_idx %arg7[%add3A_232] : memref<32256xi32, #tpu.memory_space<vmem>>[vector<16xi32>], vector<16xi32>,
        %shift_right_arithmetic3A_234 = arith.constant 4 : i32
        %shift_right_arithmetic3A_235 = vector.broadcast %shift_right_arithmetic3A_234 : i32 to vector<16xi32>
        %shift_right_arithmetic3A_236 = arith.shrsi %gather3A_233, %shift_right_arithmetic3A_235 : vector<16xi32>
        %add3A_237 = vector.broadcast %mul3A_183 : i32 to vector<16xi32>
        %add3A_238 = arith.addi %add3A_237, %shift_right_arithmetic3A_236 : vector<16xi32>
        %gather3A_239 = tpu.vector_load_idx %arg6[%add3A_238] : memref<32768xi32, #tpu.memory_space<vmem>>[vector<16xi32>], vector<16xi32>,
        %and3A_240 = arith.constant 15 : i32
        %and3A_241 = vector.broadcast %and3A_240 : i32 to vector<16xi32>
        %and3A_242 = arith.andi %gather3A_233, %and3A_241 : vector<16xi32>
        %shift_right_logical3A_243 = arith.shrui %gather3A_239, %and3A_242 : vector<16xi32>
        %and3A_244 = arith.constant 1 : i32
        %and3A_245 = vector.broadcast %and3A_244 : i32 to vector<16xi32>
        %and3A_246 = arith.andi %shift_right_logical3A_243, %and3A_245 : vector<16xi32>
        %shift_left3A_247 = arith.constant 1 : i32
        %shift_left3A_248 = vector.broadcast %shift_left3A_247 : i32 to vector<16xi32>
        %shift_left3A_249 = arith.shli %or3A_231, %shift_left3A_248 : vector<16xi32>
        %or3A_250 = arith.ori %shift_left3A_249, %and3A_246 : vector<16xi32>
        %add3A_251 = arith.addi %sub3A_56, %or3A_250 : vector<16xi32>
        %gather3A_252 = tpu.vector_load_idx %arg7[%add3A_251] : memref<32256xi32, #tpu.memory_space<vmem>>[vector<16xi32>], vector<16xi32>,
        %shift_right_arithmetic3A_253 = arith.constant 4 : i32
        %shift_right_arithmetic3A_254 = vector.broadcast %shift_right_arithmetic3A_253 : i32 to vector<16xi32>
        %shift_right_arithmetic3A_255 = arith.shrsi %gather3A_252, %shift_right_arithmetic3A_254 : vector<16xi32>
        %add3A_256 = vector.broadcast %mul3A_183 : i32 to vector<16xi32>
        %add3A_257 = arith.addi %add3A_256, %shift_right_arithmetic3A_255 : vector<16xi32>
        %gather3A_258 = tpu.vector_load_idx %arg6[%add3A_257] : memref<32768xi32, #tpu.memory_space<vmem>>[vector<16xi32>], vector<16xi32>,
        %and3A_259 = arith.constant 15 : i32
        %and3A_260 = vector.broadcast %and3A_259 : i32 to vector<16xi32>
        %and3A_261 = arith.andi %gather3A_252, %and3A_260 : vector<16xi32>
        %shift_right_logical3A_262 = arith.shrui %gather3A_258, %and3A_261 : vector<16xi32>
        %and3A_263 = arith.constant 1 : i32
        %and3A_264 = vector.broadcast %and3A_263 : i32 to vector<16xi32>
        %and3A_265 = arith.andi %shift_right_logical3A_262, %and3A_264 : vector<16xi32>
        %shift_left3A_266 = arith.constant 1 : i32
        %shift_left3A_267 = vector.broadcast %shift_left3A_266 : i32 to vector<16xi32>
        %shift_left3A_268 = arith.shli %or3A_250, %shift_left3A_267 : vector<16xi32>
        %or3A_269 = arith.ori %shift_left3A_268, %and3A_265 : vector<16xi32>
        %add3A_270 = arith.addi %sub3A_56, %or3A_269 : vector<16xi32>
        %gather3A_271 = tpu.vector_load_idx %arg7[%add3A_270] : memref<32256xi32, #tpu.memory_space<vmem>>[vector<16xi32>], vector<16xi32>,
        %shift_right_arithmetic3A_272 = arith.constant 4 : i32
        %shift_right_arithmetic3A_273 = vector.broadcast %shift_right_arithmetic3A_272 : i32 to vector<16xi32>
        %shift_right_arithmetic3A_274 = arith.shrsi %gather3A_271, %shift_right_arithmetic3A_273 : vector<16xi32>
        %add3A_275 = vector.broadcast %mul3A_183 : i32 to vector<16xi32>
        %add3A_276 = arith.addi %add3A_275, %shift_right_arithmetic3A_274 : vector<16xi32>
        %gather3A_277 = tpu.vector_load_idx %arg6[%add3A_276] : memref<32768xi32, #tpu.memory_space<vmem>>[vector<16xi32>], vector<16xi32>,
        %and3A_278 = arith.constant 15 : i32
        %and3A_279 = vector.broadcast %and3A_278 : i32 to vector<16xi32>
        %and3A_280 = arith.andi %gather3A_271, %and3A_279 : vector<16xi32>
        %shift_right_logical3A_281 = arith.shrui %gather3A_277, %and3A_280 : vector<16xi32>
        %and3A_282 = arith.constant 1 : i32
        %and3A_283 = vector.broadcast %and3A_282 : i32 to vector<16xi32>
        %and3A_284 = arith.andi %shift_right_logical3A_281, %and3A_283 : vector<16xi32>
        %shift_left3A_285 = arith.constant 1 : i32
        %shift_left3A_286 = vector.broadcast %shift_left3A_285 : i32 to vector<16xi32>
        %shift_left3A_287 = arith.shli %or3A_269, %shift_left3A_286 : vector<16xi32>
        %or3A_288 = arith.ori %shift_left3A_287, %and3A_284 : vector<16xi32>
        %add3A_289 = arith.addi %mul3A_53, %or3A_288 : vector<16xi32>
        %sub3A_290 = arith.constant 64 : i32
        %sub3A_291 = vector.broadcast %sub3A_290 : i32 to vector<16xi32>
        %sub3A_292 = arith.subi %add3A_289, %sub3A_291 : vector<16xi32>
        %gather3A_293 = tpu.vector_load_idx %arg8[%sub3A_292] : memref<32768xf32, #tpu.memory_space<vmem>>[vector<16xi32>], vector<16xf32>,
        %mul3A_294 = arith.constant 32 : i32
        %mul3A_295 = arith.muli %scan3A_22, %mul3A_294 : i32
        %add3A_296 = arith.constant 2 : i32
        %add3A_297 = arith.addi %mul3A_295, %add3A_296 : i32
        %mul3A_298 = arith.constant 128 : i32
        %mul3A_299 = arith.muli %add3A_297, %mul3A_298 : i32
        %add3A_300 = vector.broadcast %mul3A_299 : i32 to vector<16xi32>
        %add3A_301 = arith.addi %add3A_300, %shift_right_arithmetic3A_61 : vector<16xi32>
        %gather3A_302 = tpu.vector_load_idx %arg6[%add3A_301] : memref<32768xi32, #tpu.memory_space<vmem>>[vector<16xi32>], vector<16xi32>,
        %shift_right_logical3A_303 = arith.shrui %gather3A_302, %and3A_64 : vector<16xi32>
        %and3A_304 = arith.constant 1 : i32
        %and3A_305 = vector.broadcast %and3A_304 : i32 to vector<16xi32>
        %and3A_306 = arith.andi %shift_right_logical3A_303, %and3A_305 : vector<16xi32>
        %add3A_307 = arith.constant 2 : i32
        %add3A_308 = vector.broadcast %add3A_307 : i32 to vector<16xi32>
        %add3A_309 = arith.addi %add3A_308, %and3A_306 : vector<16xi32>
        %add3A_310 = arith.addi %sub3A_56, %add3A_309 : vector<16xi32>
        %gather3A_311 = tpu.vector_load_idx %arg7[%add3A_310] : memref<32256xi32, #tpu.memory_space<vmem>>[vector<16xi32>], vector<16xi32>,
        %shift_right_arithmetic3A_312 = arith.constant 4 : i32
        %shift_right_arithmetic3A_313 = vector.broadcast %shift_right_arithmetic3A_312 : i32 to vector<16xi32>
        %shift_right_arithmetic3A_314 = arith.shrsi %gather3A_311, %shift_right_arithmetic3A_313 : vector<16xi32>
        %add3A_315 = vector.broadcast %mul3A_299 : i32 to vector<16xi32>
        %add3A_316 = arith.addi %add3A_315, %shift_right_arithmetic3A_314 : vector<16xi32>
        %gather3A_317 = tpu.vector_load_idx %arg6[%add3A_316] : memref<32768xi32, #tpu.memory_space<vmem>>[vector<16xi32>], vector<16xi32>,
        %and3A_318 = arith.constant 15 : i32
        %and3A_319 = vector.broadcast %and3A_318 : i32 to vector<16xi32>
        %and3A_320 = arith.andi %gather3A_311, %and3A_319 : vector<16xi32>
        %shift_right_logical3A_321 = arith.shrui %gather3A_317, %and3A_320 : vector<16xi32>
        %and3A_322 = arith.constant 1 : i32
        %and3A_323 = vector.broadcast %and3A_322 : i32 to vector<16xi32>
        %and3A_324 = arith.andi %shift_right_logical3A_321, %and3A_323 : vector<16xi32>
        %shift_left3A_325 = arith.constant 1 : i32
        %shift_left3A_326 = vector.broadcast %shift_left3A_325 : i32 to vector<16xi32>
        %shift_left3A_327 = arith.shli %add3A_309, %shift_left3A_326 : vector<16xi32>
        %or3A_328 = arith.ori %shift_left3A_327, %and3A_324 : vector<16xi32>
        %add3A_329 = arith.addi %sub3A_56, %or3A_328 : vector<16xi32>
        %gather3A_330 = tpu.vector_load_idx %arg7[%add3A_329] : memref<32256xi32, #tpu.memory_space<vmem>>[vector<16xi32>], vector<16xi32>,
        %shift_right_arithmetic3A_331 = arith.constant 4 : i32
        %shift_right_arithmetic3A_332 = vector.broadcast %shift_right_arithmetic3A_331 : i32 to vector<16xi32>
        %shift_right_arithmetic3A_333 = arith.shrsi %gather3A_330, %shift_right_arithmetic3A_332 : vector<16xi32>
        %add3A_334 = vector.broadcast %mul3A_299 : i32 to vector<16xi32>
        %add3A_335 = arith.addi %add3A_334, %shift_right_arithmetic3A_333 : vector<16xi32>
        %gather3A_336 = tpu.vector_load_idx %arg6[%add3A_335] : memref<32768xi32, #tpu.memory_space<vmem>>[vector<16xi32>], vector<16xi32>,
        %and3A_337 = arith.constant 15 : i32
        %and3A_338 = vector.broadcast %and3A_337 : i32 to vector<16xi32>
        %and3A_339 = arith.andi %gather3A_330, %and3A_338 : vector<16xi32>
        %shift_right_logical3A_340 = arith.shrui %gather3A_336, %and3A_339 : vector<16xi32>
        %and3A_341 = arith.constant 1 : i32
        %and3A_342 = vector.broadcast %and3A_341 : i32 to vector<16xi32>
        %and3A_343 = arith.andi %shift_right_logical3A_340, %and3A_342 : vector<16xi32>
        %shift_left3A_344 = arith.constant 1 : i32
        %shift_left3A_345 = vector.broadcast %shift_left3A_344 : i32 to vector<16xi32>
        %shift_left3A_346 = arith.shli %or3A_328, %shift_left3A_345 : vector<16xi32>
        %or3A_347 = arith.ori %shift_left3A_346, %and3A_343 : vector<16xi32>
        %add3A_348 = arith.addi %sub3A_56, %or3A_347 : vector<16xi32>
        %gather3A_349 = tpu.vector_load_idx %arg7[%add3A_348] : memref<32256xi32, #tpu.memory_space<vmem>>[vector<16xi32>], vector<16xi32>,
        %shift_right_arithmetic3A_350 = arith.constant 4 : i32
        %shift_right_arithmetic3A_351 = vector.broadcast %shift_right_arithmetic3A_350 : i32 to vector<16xi32>
        %shift_right_arithmetic3A_352 = arith.shrsi %gather3A_349, %shift_right_arithmetic3A_351 : vector<16xi32>
        %add3A_353 = vector.broadcast %mul3A_299 : i32 to vector<16xi32>
        %add3A_354 = arith.addi %add3A_353, %shift_right_arithmetic3A_352 : vector<16xi32>
        %gather3A_355 = tpu.vector_load_idx %arg6[%add3A_354] : memref<32768xi32, #tpu.memory_space<vmem>>[vector<16xi32>], vector<16xi32>,
        %and3A_356 = arith.constant 15 : i32
        %and3A_357 = vector.broadcast %and3A_356 : i32 to vector<16xi32>
        %and3A_358 = arith.andi %gather3A_349, %and3A_357 : vector<16xi32>
        %shift_right_logical3A_359 = arith.shrui %gather3A_355, %and3A_358 : vector<16xi32>
        %and3A_360 = arith.constant 1 : i32
        %and3A_361 = vector.broadcast %and3A_360 : i32 to vector<16xi32>
        %and3A_362 = arith.andi %shift_right_logical3A_359, %and3A_361 : vector<16xi32>
        %shift_left3A_363 = arith.constant 1 : i32
        %shift_left3A_364 = vector.broadcast %shift_left3A_363 : i32 to vector<16xi32>
        %shift_left3A_365 = arith.shli %or3A_347, %shift_left3A_364 : vector<16xi32>
        %or3A_366 = arith.ori %shift_left3A_365, %and3A_362 : vector<16xi32>
        %add3A_367 = arith.addi %sub3A_56, %or3A_366 : vector<16xi32>
        %gather3A_368 = tpu.vector_load_idx %arg7[%add3A_367] : memref<32256xi32, #tpu.memory_space<vmem>>[vector<16xi32>], vector<16xi32>,
        %shift_right_arithmetic3A_369 = arith.constant 4 : i32
        %shift_right_arithmetic3A_370 = vector.broadcast %shift_right_arithmetic3A_369 : i32 to vector<16xi32>
        %shift_right_arithmetic3A_371 = arith.shrsi %gather3A_368, %shift_right_arithmetic3A_370 : vector<16xi32>
        %add3A_372 = vector.broadcast %mul3A_299 : i32 to vector<16xi32>
        %add3A_373 = arith.addi %add3A_372, %shift_right_arithmetic3A_371 : vector<16xi32>
        %gather3A_374 = tpu.vector_load_idx %arg6[%add3A_373] : memref<32768xi32, #tpu.memory_space<vmem>>[vector<16xi32>], vector<16xi32>,
        %and3A_375 = arith.constant 15 : i32
        %and3A_376 = vector.broadcast %and3A_375 : i32 to vector<16xi32>
        %and3A_377 = arith.andi %gather3A_368, %and3A_376 : vector<16xi32>
        %shift_right_logical3A_378 = arith.shrui %gather3A_374, %and3A_377 : vector<16xi32>
        %and3A_379 = arith.constant 1 : i32
        %and3A_380 = vector.broadcast %and3A_379 : i32 to vector<16xi32>
        %and3A_381 = arith.andi %shift_right_logical3A_378, %and3A_380 : vector<16xi32>
        %shift_left3A_382 = arith.constant 1 : i32
        %shift_left3A_383 = vector.broadcast %shift_left3A_382 : i32 to vector<16xi32>
        %shift_left3A_384 = arith.shli %or3A_366, %shift_left3A_383 : vector<16xi32>
        %or3A_385 = arith.ori %shift_left3A_384, %and3A_381 : vector<16xi32>
        %add3A_386 = arith.addi %sub3A_56, %or3A_385 : vector<16xi32>
        %gather3A_387 = tpu.vector_load_idx %arg7[%add3A_386] : memref<32256xi32, #tpu.memory_space<vmem>>[vector<16xi32>], vector<16xi32>,
        %shift_right_arithmetic3A_388 = arith.constant 4 : i32
        %shift_right_arithmetic3A_389 = vector.broadcast %shift_right_arithmetic3A_388 : i32 to vector<16xi32>
        %shift_right_arithmetic3A_390 = arith.shrsi %gather3A_387, %shift_right_arithmetic3A_389 : vector<16xi32>
        %add3A_391 = vector.broadcast %mul3A_299 : i32 to vector<16xi32>
        %add3A_392 = arith.addi %add3A_391, %shift_right_arithmetic3A_390 : vector<16xi32>
        %gather3A_393 = tpu.vector_load_idx %arg6[%add3A_392] : memref<32768xi32, #tpu.memory_space<vmem>>[vector<16xi32>], vector<16xi32>,
        %and3A_394 = arith.constant 15 : i32
        %and3A_395 = vector.broadcast %and3A_394 : i32 to vector<16xi32>
        %and3A_396 = arith.andi %gather3A_387, %and3A_395 : vector<16xi32>
        %shift_right_logical3A_397 = arith.shrui %gather3A_393, %and3A_396 : vector<16xi32>
        %and3A_398 = arith.constant 1 : i32
        %and3A_399 = vector.broadcast %and3A_398 : i32 to vector<16xi32>
        %and3A_400 = arith.andi %shift_right_logical3A_397, %and3A_399 : vector<16xi32>
        %shift_left3A_401 = arith.constant 1 : i32
        %shift_left3A_402 = vector.broadcast %shift_left3A_401 : i32 to vector<16xi32>
        %shift_left3A_403 = arith.shli %or3A_385, %shift_left3A_402 : vector<16xi32>
        %or3A_404 = arith.ori %shift_left3A_403, %and3A_400 : vector<16xi32>
        %add3A_405 = arith.addi %mul3A_53, %or3A_404 : vector<16xi32>
        %sub3A_406 = arith.constant 64 : i32
        %sub3A_407 = vector.broadcast %sub3A_406 : i32 to vector<16xi32>
        %sub3A_408 = arith.subi %add3A_405, %sub3A_407 : vector<16xi32>
        %gather3A_409 = tpu.vector_load_idx %arg8[%sub3A_408] : memref<32768xf32, #tpu.memory_space<vmem>>[vector<16xi32>], vector<16xf32>,
        %mul3A_410 = arith.constant 32 : i32
        %mul3A_411 = arith.muli %scan3A_22, %mul3A_410 : i32
        %add3A_412 = arith.constant 3 : i32
        %add3A_413 = arith.addi %mul3A_411, %add3A_412 : i32
        %mul3A_414 = arith.constant 128 : i32
        %mul3A_415 = arith.muli %add3A_413, %mul3A_414 : i32
        %add3A_416 = vector.broadcast %mul3A_415 : i32 to vector<16xi32>
        %add3A_417 = arith.addi %add3A_416, %shift_right_arithmetic3A_61 : vector<16xi32>
        %gather3A_418 = tpu.vector_load_idx %arg6[%add3A_417] : memref<32768xi32, #tpu.memory_space<vmem>>[vector<16xi32>], vector<16xi32>,
        %shift_right_logical3A_419 = arith.shrui %gather3A_418, %and3A_64 : vector<16xi32>
        %and3A_420 = arith.constant 1 : i32
        %and3A_421 = vector.broadcast %and3A_420 : i32 to vector<16xi32>
        %and3A_422 = arith.andi %shift_right_logical3A_419, %and3A_421 : vector<16xi32>
        %add3A_423 = arith.constant 2 : i32
        %add3A_424 = vector.broadcast %add3A_423 : i32 to vector<16xi32>
        %add3A_425 = arith.addi %add3A_424, %and3A_422 : vector<16xi32>
        %add3A_426 = arith.addi %sub3A_56, %add3A_425 : vector<16xi32>
        %gather3A_427 = tpu.vector_load_idx %arg7[%add3A_426] : memref<32256xi32, #tpu.memory_space<vmem>>[vector<16xi32>], vector<16xi32>,
        %shift_right_arithmetic3A_428 = arith.constant 4 : i32
        %shift_right_arithmetic3A_429 = vector.broadcast %shift_right_arithmetic3A_428 : i32 to vector<16xi32>
        %shift_right_arithmetic3A_430 = arith.shrsi %gather3A_427, %shift_right_arithmetic3A_429 : vector<16xi32>
        %add3A_431 = vector.broadcast %mul3A_415 : i32 to vector<16xi32>
        %add3A_432 = arith.addi %add3A_431, %shift_right_arithmetic3A_430 : vector<16xi32>
        %gather3A_433 = tpu.vector_load_idx %arg6[%add3A_432] : memref<32768xi32, #tpu.memory_space<vmem>>[vector<16xi32>], vector<16xi32>,
        %and3A_434 = arith.constant 15 : i32
        %and3A_435 = vector.broadcast %and3A_434 : i32 to vector<16xi32>
        %and3A_436 = arith.andi %gather3A_427, %and3A_435 : vector<16xi32>
        %shift_right_logical3A_437 = arith.shrui %gather3A_433, %and3A_436 : vector<16xi32>
        %and3A_438 = arith.constant 1 : i32
        %and3A_439 = vector.broadcast %and3A_438 : i32 to vector<16xi32>
        %and3A_440 = arith.andi %shift_right_logical3A_437, %and3A_439 : vector<16xi32>
        %shift_left3A_441 = arith.constant 1 : i32
        %shift_left3A_442 = vector.broadcast %shift_left3A_441 : i32 to vector<16xi32>
        %shift_left3A_443 = arith.shli %add3A_425, %shift_left3A_442 : vector<16xi32>
        %or3A_444 = arith.ori %shift_left3A_443, %and3A_440 : vector<16xi32>
        %add3A_445 = arith.addi %sub3A_56, %or3A_444 : vector<16xi32>
        %gather3A_446 = tpu.vector_load_idx %arg7[%add3A_445] : memref<32256xi32, #tpu.memory_space<vmem>>[vector<16xi32>], vector<16xi32>,
        %shift_right_arithmetic3A_447 = arith.constant 4 : i32
        %shift_right_arithmetic3A_448 = vector.broadcast %shift_right_arithmetic3A_447 : i32 to vector<16xi32>
        %shift_right_arithmetic3A_449 = arith.shrsi %gather3A_446, %shift_right_arithmetic3A_448 : vector<16xi32>
        %add3A_450 = vector.broadcast %mul3A_415 : i32 to vector<16xi32>
        %add3A_451 = arith.addi %add3A_450, %shift_right_arithmetic3A_449 : vector<16xi32>
        %gather3A_452 = tpu.vector_load_idx %arg6[%add3A_451] : memref<32768xi32, #tpu.memory_space<vmem>>[vector<16xi32>], vector<16xi32>,
        %and3A_453 = arith.constant 15 : i32
        %and3A_454 = vector.broadcast %and3A_453 : i32 to vector<16xi32>
        %and3A_455 = arith.andi %gather3A_446, %and3A_454 : vector<16xi32>
        %shift_right_logical3A_456 = arith.shrui %gather3A_452, %and3A_455 : vector<16xi32>
        %and3A_457 = arith.constant 1 : i32
        %and3A_458 = vector.broadcast %and3A_457 : i32 to vector<16xi32>
        %and3A_459 = arith.andi %shift_right_logical3A_456, %and3A_458 : vector<16xi32>
        %shift_left3A_460 = arith.constant 1 : i32
        %shift_left3A_461 = vector.broadcast %shift_left3A_460 : i32 to vector<16xi32>
        %shift_left3A_462 = arith.shli %or3A_444, %shift_left3A_461 : vector<16xi32>
        %or3A_463 = arith.ori %shift_left3A_462, %and3A_459 : vector<16xi32>
        %add3A_464 = arith.addi %sub3A_56, %or3A_463 : vector<16xi32>
        %gather3A_465 = tpu.vector_load_idx %arg7[%add3A_464] : memref<32256xi32, #tpu.memory_space<vmem>>[vector<16xi32>], vector<16xi32>,
        %shift_right_arithmetic3A_466 = arith.constant 4 : i32
        %shift_right_arithmetic3A_467 = vector.broadcast %shift_right_arithmetic3A_466 : i32 to vector<16xi32>
        %shift_right_arithmetic3A_468 = arith.shrsi %gather3A_465, %shift_right_arithmetic3A_467 : vector<16xi32>
        %add3A_469 = vector.broadcast %mul3A_415 : i32 to vector<16xi32>
        %add3A_470 = arith.addi %add3A_469, %shift_right_arithmetic3A_468 : vector<16xi32>
        %gather3A_471 = tpu.vector_load_idx %arg6[%add3A_470] : memref<32768xi32, #tpu.memory_space<vmem>>[vector<16xi32>], vector<16xi32>,
        %and3A_472 = arith.constant 15 : i32
        %and3A_473 = vector.broadcast %and3A_472 : i32 to vector<16xi32>
        %and3A_474 = arith.andi %gather3A_465, %and3A_473 : vector<16xi32>
        %shift_right_logical3A_475 = arith.shrui %gather3A_471, %and3A_474 : vector<16xi32>
        %and3A_476 = arith.constant 1 : i32
        %and3A_477 = vector.broadcast %and3A_476 : i32 to vector<16xi32>
        %and3A_478 = arith.andi %shift_right_logical3A_475, %and3A_477 : vector<16xi32>
        %shift_left3A_479 = arith.constant 1 : i32
        %shift_left3A_480 = vector.broadcast %shift_left3A_479 : i32 to vector<16xi32>
        %shift_left3A_481 = arith.shli %or3A_463, %shift_left3A_480 : vector<16xi32>
        %or3A_482 = arith.ori %shift_left3A_481, %and3A_478 : vector<16xi32>
        %add3A_483 = arith.addi %sub3A_56, %or3A_482 : vector<16xi32>
        %gather3A_484 = tpu.vector_load_idx %arg7[%add3A_483] : memref<32256xi32, #tpu.memory_space<vmem>>[vector<16xi32>], vector<16xi32>,
        %shift_right_arithmetic3A_485 = arith.constant 4 : i32
        %shift_right_arithmetic3A_486 = vector.broadcast %shift_right_arithmetic3A_485 : i32 to vector<16xi32>
        %shift_right_arithmetic3A_487 = arith.shrsi %gather3A_484, %shift_right_arithmetic3A_486 : vector<16xi32>
        %add3A_488 = vector.broadcast %mul3A_415 : i32 to vector<16xi32>
        %add3A_489 = arith.addi %add3A_488, %shift_right_arithmetic3A_487 : vector<16xi32>
        %gather3A_490 = tpu.vector_load_idx %arg6[%add3A_489] : memref<32768xi32, #tpu.memory_space<vmem>>[vector<16xi32>], vector<16xi32>,
        %and3A_491 = arith.constant 15 : i32
        %and3A_492 = vector.broadcast %and3A_491 : i32 to vector<16xi32>
        %and3A_493 = arith.andi %gather3A_484, %and3A_492 : vector<16xi32>
        %shift_right_logical3A_494 = arith.shrui %gather3A_490, %and3A_493 : vector<16xi32>
        %and3A_495 = arith.constant 1 : i32
        %and3A_496 = vector.broadcast %and3A_495 : i32 to vector<16xi32>
        %and3A_497 = arith.andi %shift_right_logical3A_494, %and3A_496 : vector<16xi32>
        %shift_left3A_498 = arith.constant 1 : i32
        %shift_left3A_499 = vector.broadcast %shift_left3A_498 : i32 to vector<16xi32>
        %shift_left3A_500 = arith.shli %or3A_482, %shift_left3A_499 : vector<16xi32>
        %or3A_501 = arith.ori %shift_left3A_500, %and3A_497 : vector<16xi32>
        %add3A_502 = arith.addi %sub3A_56, %or3A_501 : vector<16xi32>
        %gather3A_503 = tpu.vector_load_idx %arg7[%add3A_502] : memref<32256xi32, #tpu.memory_space<vmem>>[vector<16xi32>], vector<16xi32>,
        %shift_right_arithmetic3A_504 = arith.constant 4 : i32
        %shift_right_arithmetic3A_505 = vector.broadcast %shift_right_arithmetic3A_504 : i32 to vector<16xi32>
        %shift_right_arithmetic3A_506 = arith.shrsi %gather3A_503, %shift_right_arithmetic3A_505 : vector<16xi32>
        %add3A_507 = vector.broadcast %mul3A_415 : i32 to vector<16xi32>
        %add3A_508 = arith.addi %add3A_507, %shift_right_arithmetic3A_506 : vector<16xi32>
        %gather3A_509 = tpu.vector_load_idx %arg6[%add3A_508] : memref<32768xi32, #tpu.memory_space<vmem>>[vector<16xi32>], vector<16xi32>,
        %and3A_510 = arith.constant 15 : i32
        %and3A_511 = vector.broadcast %and3A_510 : i32 to vector<16xi32>
        %and3A_512 = arith.andi %gather3A_503, %and3A_511 : vector<16xi32>
        %shift_right_logical3A_513 = arith.shrui %gather3A_509, %and3A_512 : vector<16xi32>
        %and3A_514 = arith.constant 1 : i32
        %and3A_515 = vector.broadcast %and3A_514 : i32 to vector<16xi32>
        %and3A_516 = arith.andi %shift_right_logical3A_513, %and3A_515 : vector<16xi32>
        %shift_left3A_517 = arith.constant 1 : i32
        %shift_left3A_518 = vector.broadcast %shift_left3A_517 : i32 to vector<16xi32>
        %shift_left3A_519 = arith.shli %or3A_501, %shift_left3A_518 : vector<16xi32>
        %or3A_520 = arith.ori %shift_left3A_519, %and3A_516 : vector<16xi32>
        %add3A_521 = arith.addi %mul3A_53, %or3A_520 : vector<16xi32>
        %sub3A_522 = arith.constant 64 : i32
        %sub3A_523 = vector.broadcast %sub3A_522 : i32 to vector<16xi32>
        %sub3A_524 = arith.subi %add3A_521, %sub3A_523 : vector<16xi32>
        %gather3A_525 = tpu.vector_load_idx %arg8[%sub3A_524] : memref<32768xf32, #tpu.memory_space<vmem>>[vector<16xi32>], vector<16xf32>,
        %mul3A_526 = arith.constant 32 : i32
        %mul3A_527 = arith.muli %scan3A_22, %mul3A_526 : i32
        %add3A_528 = arith.constant 4 : i32
        %add3A_529 = arith.addi %mul3A_527, %add3A_528 : i32
        %mul3A_530 = arith.constant 128 : i32
        %mul3A_531 = arith.muli %add3A_529, %mul3A_530 : i32
        %add3A_532 = vector.broadcast %mul3A_531 : i32 to vector<16xi32>
        %add3A_533 = arith.addi %add3A_532, %shift_right_arithmetic3A_61 : vector<16xi32>
        %gather3A_534 = tpu.vector_load_idx %arg6[%add3A_533] : memref<32768xi32, #tpu.memory_space<vmem>>[vector<16xi32>], vector<16xi32>,
        %shift_right_logical3A_535 = arith.shrui %gather3A_534, %and3A_64 : vector<16xi32>
        %and3A_536 = arith.constant 1 : i32
        %and3A_537 = vector.broadcast %and3A_536 : i32 to vector<16xi32>
        %and3A_538 = arith.andi %shift_right_logical3A_535, %and3A_537 : vector<16xi32>
        %add3A_539 = arith.constant 2 : i32
        %add3A_540 = vector.broadcast %add3A_539 : i32 to vector<16xi32>
        %add3A_541 = arith.addi %add3A_540, %and3A_538 : vector<16xi32>
        %add3A_542 = arith.addi %sub3A_56, %add3A_541 : vector<16xi32>
        %gather3A_543 = tpu.vector_load_idx %arg7[%add3A_542] : memref<32256xi32, #tpu.memory_space<vmem>>[vector<16xi32>], vector<16xi32>,
        %shift_right_arithmetic3A_544 = arith.constant 4 : i32
        %shift_right_arithmetic3A_545 = vector.broadcast %shift_right_arithmetic3A_544 : i32 to vector<16xi32>
        %shift_right_arithmetic3A_546 = arith.shrsi %gather3A_543, %shift_right_arithmetic3A_545 : vector<16xi32>
        %add3A_547 = vector.broadcast %mul3A_531 : i32 to vector<16xi32>
        %add3A_548 = arith.addi %add3A_547, %shift_right_arithmetic3A_546 : vector<16xi32>
        %gather3A_549 = tpu.vector_load_idx %arg6[%add3A_548] : memref<32768xi32, #tpu.memory_space<vmem>>[vector<16xi32>], vector<16xi32>,
        %and3A_550 = arith.constant 15 : i32
        %and3A_551 = vector.broadcast %and3A_550 : i32 to vector<16xi32>
        %and3A_552 = arith.andi %gather3A_543, %and3A_551 : vector<16xi32>
        %shift_right_logical3A_553 = arith.shrui %gather3A_549, %and3A_552 : vector<16xi32>
        %and3A_554 = arith.constant 1 : i32
        %and3A_555 = vector.broadcast %and3A_554 : i32 to vector<16xi32>
        %and3A_556 = arith.andi %shift_right_logical3A_553, %and3A_555 : vector<16xi32>
        %shift_left3A_557 = arith.constant 1 : i32
        %shift_left3A_558 = vector.broadcast %shift_left3A_557 : i32 to vector<16xi32>
        %shift_left3A_559 = arith.shli %add3A_541, %shift_left3A_558 : vector<16xi32>
        %or3A_560 = arith.ori %shift_left3A_559, %and3A_556 : vector<16xi32>
        %add3A_561 = arith.addi %sub3A_56, %or3A_560 : vector<16xi32>
        %gather3A_562 = tpu.vector_load_idx %arg7[%add3A_561] : memref<32256xi32, #tpu.memory_space<vmem>>[vector<16xi32>], vector<16xi32>,
        %shift_right_arithmetic3A_563 = arith.constant 4 : i32
        %shift_right_arithmetic3A_564 = vector.broadcast %shift_right_arithmetic3A_563 : i32 to vector<16xi32>
        %shift_right_arithmetic3A_565 = arith.shrsi %gather3A_562, %shift_right_arithmetic3A_564 : vector<16xi32>
        %add3A_566 = vector.broadcast %mul3A_531 : i32 to vector<16xi32>
        %add3A_567 = arith.addi %add3A_566, %shift_right_arithmetic3A_565 : vector<16xi32>
        %gather3A_568 = tpu.vector_load_idx %arg6[%add3A_567] : memref<32768xi32, #tpu.memory_space<vmem>>[vector<16xi32>], vector<16xi32>,
        %and3A_569 = arith.constant 15 : i32
        %and3A_570 = vector.broadcast %and3A_569 : i32 to vector<16xi32>
        %and3A_571 = arith.andi %gather3A_562, %and3A_570 : vector<16xi32>
        %shift_right_logical3A_572 = arith.shrui %gather3A_568, %and3A_571 : vector<16xi32>
        %and3A_573 = arith.constant 1 : i32
        %and3A_574 = vector.broadcast %and3A_573 : i32 to vector<16xi32>
        %and3A_575 = arith.andi %shift_right_logical3A_572, %and3A_574 : vector<16xi32>
        %shift_left3A_576 = arith.constant 1 : i32
        %shift_left3A_577 = vector.broadcast %shift_left3A_576 : i32 to vector<16xi32>
        %shift_left3A_578 = arith.shli %or3A_560, %shift_left3A_577 : vector<16xi32>
        %or3A_579 = arith.ori %shift_left3A_578, %and3A_575 : vector<16xi32>
        %add3A_580 = arith.addi %sub3A_56, %or3A_579 : vector<16xi32>
        %gather3A_581 = tpu.vector_load_idx %arg7[%add3A_580] : memref<32256xi32, #tpu.memory_space<vmem>>[vector<16xi32>], vector<16xi32>,
        %shift_right_arithmetic3A_582 = arith.constant 4 : i32
        %shift_right_arithmetic3A_583 = vector.broadcast %shift_right_arithmetic3A_582 : i32 to vector<16xi32>
        %shift_right_arithmetic3A_584 = arith.shrsi %gather3A_581, %shift_right_arithmetic3A_583 : vector<16xi32>
        %add3A_585 = vector.broadcast %mul3A_531 : i32 to vector<16xi32>
        %add3A_586 = arith.addi %add3A_585, %shift_right_arithmetic3A_584 : vector<16xi32>
        %gather3A_587 = tpu.vector_load_idx %arg6[%add3A_586] : memref<32768xi32, #tpu.memory_space<vmem>>[vector<16xi32>], vector<16xi32>,
        %and3A_588 = arith.constant 15 : i32
        %and3A_589 = vector.broadcast %and3A_588 : i32 to vector<16xi32>
        %and3A_590 = arith.andi %gather3A_581, %and3A_589 : vector<16xi32>
        %shift_right_logical3A_591 = arith.shrui %gather3A_587, %and3A_590 : vector<16xi32>
        %and3A_592 = arith.constant 1 : i32
        %and3A_593 = vector.broadcast %and3A_592 : i32 to vector<16xi32>
        %and3A_594 = arith.andi %shift_right_logical3A_591, %and3A_593 : vector<16xi32>
        %shift_left3A_595 = arith.constant 1 : i32
        %shift_left3A_596 = vector.broadcast %shift_left3A_595 : i32 to vector<16xi32>
        %shift_left3A_597 = arith.shli %or3A_579, %shift_left3A_596 : vector<16xi32>
        %or3A_598 = arith.ori %shift_left3A_597, %and3A_594 : vector<16xi32>
        %add3A_599 = arith.addi %sub3A_56, %or3A_598 : vector<16xi32>
        %gather3A_600 = tpu.vector_load_idx %arg7[%add3A_599] : memref<32256xi32, #tpu.memory_space<vmem>>[vector<16xi32>], vector<16xi32>,
        %shift_right_arithmetic3A_601 = arith.constant 4 : i32
        %shift_right_arithmetic3A_602 = vector.broadcast %shift_right_arithmetic3A_601 : i32 to vector<16xi32>
        %shift_right_arithmetic3A_603 = arith.shrsi %gather3A_600, %shift_right_arithmetic3A_602 : vector<16xi32>
        %add3A_604 = vector.broadcast %mul3A_531 : i32 to vector<16xi32>
        %add3A_605 = arith.addi %add3A_604, %shift_right_arithmetic3A_603 : vector<16xi32>
        %gather3A_606 = tpu.vector_load_idx %arg6[%add3A_605] : memref<32768xi32, #tpu.memory_space<vmem>>[vector<16xi32>], vector<16xi32>,
        %and3A_607 = arith.constant 15 : i32
        %and3A_608 = vector.broadcast %and3A_607 : i32 to vector<16xi32>
        %and3A_609 = arith.andi %gather3A_600, %and3A_608 : vector<16xi32>
        %shift_right_logical3A_610 = arith.shrui %gather3A_606, %and3A_609 : vector<16xi32>
        %and3A_611 = arith.constant 1 : i32
        %and3A_612 = vector.broadcast %and3A_611 : i32 to vector<16xi32>
        %and3A_613 = arith.andi %shift_right_logical3A_610, %and3A_612 : vector<16xi32>
        %shift_left3A_614 = arith.constant 1 : i32
        %shift_left3A_615 = vector.broadcast %shift_left3A_614 : i32 to vector<16xi32>
        %shift_left3A_616 = arith.shli %or3A_598, %shift_left3A_615 : vector<16xi32>
        %or3A_617 = arith.ori %shift_left3A_616, %and3A_613 : vector<16xi32>
        %add3A_618 = arith.addi %sub3A_56, %or3A_617 : vector<16xi32>
        %gather3A_619 = tpu.vector_load_idx %arg7[%add3A_618] : memref<32256xi32, #tpu.memory_space<vmem>>[vector<16xi32>], vector<16xi32>,
        %shift_right_arithmetic3A_620 = arith.constant 4 : i32
        %shift_right_arithmetic3A_621 = vector.broadcast %shift_right_arithmetic3A_620 : i32 to vector<16xi32>
        %shift_right_arithmetic3A_622 = arith.shrsi %gather3A_619, %shift_right_arithmetic3A_621 : vector<16xi32>
        %add3A_623 = vector.broadcast %mul3A_531 : i32 to vector<16xi32>
        %add3A_624 = arith.addi %add3A_623, %shift_right_arithmetic3A_622 : vector<16xi32>
        %gather3A_625 = tpu.vector_load_idx %arg6[%add3A_624] : memref<32768xi32, #tpu.memory_space<vmem>>[vector<16xi32>], vector<16xi32>,
        %and3A_626 = arith.constant 15 : i32
        %and3A_627 = vector.broadcast %and3A_626 : i32 to vector<16xi32>
        %and3A_628 = arith.andi %gather3A_619, %and3A_627 : vector<16xi32>
        %shift_right_logical3A_629 = arith.shrui %gather3A_625, %and3A_628 : vector<16xi32>
        %and3A_630 = arith.constant 1 : i32
        %and3A_631 = vector.broadcast %and3A_630 : i32 to vector<16xi32>
        %and3A_632 = arith.andi %shift_right_logical3A_629, %and3A_631 : vector<16xi32>
        %shift_left3A_633 = arith.constant 1 : i32
        %shift_left3A_634 = vector.broadcast %shift_left3A_633 : i32 to vector<16xi32>
        %shift_left3A_635 = arith.shli %or3A_617, %shift_left3A_634 : vector<16xi32>
        %or3A_636 = arith.ori %shift_left3A_635, %and3A_632 : vector<16xi32>
        %add3A_637 = arith.addi %mul3A_53, %or3A_636 : vector<16xi32>
        %sub3A_638 = arith.constant 64 : i32
        %sub3A_639 = vector.broadcast %sub3A_638 : i32 to vector<16xi32>
        %sub3A_640 = arith.subi %add3A_637, %sub3A_639 : vector<16xi32>
        %gather3A_641 = tpu.vector_load_idx %arg8[%sub3A_640] : memref<32768xf32, #tpu.memory_space<vmem>>[vector<16xi32>], vector<16xf32>,
        %mul3A_642 = arith.constant 32 : i32
        %mul3A_643 = arith.muli %scan3A_22, %mul3A_642 : i32
        %add3A_644 = arith.constant 5 : i32
        %add3A_645 = arith.addi %mul3A_643, %add3A_644 : i32
        %mul3A_646 = arith.constant 128 : i32
        %mul3A_647 = arith.muli %add3A_645, %mul3A_646 : i32
        %add3A_648 = vector.broadcast %mul3A_647 : i32 to vector<16xi32>
        %add3A_649 = arith.addi %add3A_648, %shift_right_arithmetic3A_61 : vector<16xi32>
        %gather3A_650 = tpu.vector_load_idx %arg6[%add3A_649] : memref<32768xi32, #tpu.memory_space<vmem>>[vector<16xi32>], vector<16xi32>,
        %shift_right_logical3A_651 = arith.shrui %gather3A_650, %and3A_64 : vector<16xi32>
        %and3A_652 = arith.constant 1 : i32
        %and3A_653 = vector.broadcast %and3A_652 : i32 to vector<16xi32>
        %and3A_654 = arith.andi %shift_right_logical3A_651, %and3A_653 : vector<16xi32>
        %add3A_655 = arith.constant 2 : i32
        %add3A_656 = vector.broadcast %add3A_655 : i32 to vector<16xi32>
        %add3A_657 = arith.addi %add3A_656, %and3A_654 : vector<16xi32>
        %add3A_658 = arith.addi %sub3A_56, %add3A_657 : vector<16xi32>
        %gather3A_659 = tpu.vector_load_idx %arg7[%add3A_658] : memref<32256xi32, #tpu.memory_space<vmem>>[vector<16xi32>], vector<16xi32>,
        %shift_right_arithmetic3A_660 = arith.constant 4 : i32
        %shift_right_arithmetic3A_661 = vector.broadcast %shift_right_arithmetic3A_660 : i32 to vector<16xi32>
        %shift_right_arithmetic3A_662 = arith.shrsi %gather3A_659, %shift_right_arithmetic3A_661 : vector<16xi32>
        %add3A_663 = vector.broadcast %mul3A_647 : i32 to vector<16xi32>
        %add3A_664 = arith.addi %add3A_663, %shift_right_arithmetic3A_662 : vector<16xi32>
        %gather3A_665 = tpu.vector_load_idx %arg6[%add3A_664] : memref<32768xi32, #tpu.memory_space<vmem>>[vector<16xi32>], vector<16xi32>,
        %and3A_666 = arith.constant 15 : i32
        %and3A_667 = vector.broadcast %and3A_666 : i32 to vector<16xi32>
        %and3A_668 = arith.andi %gather3A_659, %and3A_667 : vector<16xi32>
        %shift_right_logical3A_669 = arith.shrui %gather3A_665, %and3A_668 : vector<16xi32>
        %and3A_670 = arith.constant 1 : i32
        %and3A_671 = vector.broadcast %and3A_670 : i32 to vector<16xi32>
        %and3A_672 = arith.andi %shift_right_logical3A_669, %and3A_671 : vector<16xi32>
        %shift_left3A_673 = arith.constant 1 : i32
        %shift_left3A_674 = vector.broadcast %shift_left3A_673 : i32 to vector<16xi32>
        %shift_left3A_675 = arith.shli %add3A_657, %shift_left3A_674 : vector<16xi32>
        %or3A_676 = arith.ori %shift_left3A_675, %and3A_672 : vector<16xi32>
        %add3A_677 = arith.addi %sub3A_56, %or3A_676 : vector<16xi32>
        %gather3A_678 = tpu.vector_load_idx %arg7[%add3A_677] : memref<32256xi32, #tpu.memory_space<vmem>>[vector<16xi32>], vector<16xi32>,
        %shift_right_arithmetic3A_679 = arith.constant 4 : i32
        %shift_right_arithmetic3A_680 = vector.broadcast %shift_right_arithmetic3A_679 : i32 to vector<16xi32>
        %shift_right_arithmetic3A_681 = arith.shrsi %gather3A_678, %shift_right_arithmetic3A_680 : vector<16xi32>
        %add3A_682 = vector.broadcast %mul3A_647 : i32 to vector<16xi32>
        %add3A_683 = arith.addi %add3A_682, %shift_right_arithmetic3A_681 : vector<16xi32>
        %gather3A_684 = tpu.vector_load_idx %arg6[%add3A_683] : memref<32768xi32, #tpu.memory_space<vmem>>[vector<16xi32>], vector<16xi32>,
        %and3A_685 = arith.constant 15 : i32
        %and3A_686 = vector.broadcast %and3A_685 : i32 to vector<16xi32>
        %and3A_687 = arith.andi %gather3A_678, %and3A_686 : vector<16xi32>
        %shift_right_logical3A_688 = arith.shrui %gather3A_684, %and3A_687 : vector<16xi32>
        %and3A_689 = arith.constant 1 : i32
        %and3A_690 = vector.broadcast %and3A_689 : i32 to vector<16xi32>
        %and3A_691 = arith.andi %shift_right_logical3A_688, %and3A_690 : vector<16xi32>
        %shift_left3A_692 = arith.constant 1 : i32
        %shift_left3A_693 = vector.broadcast %shift_left3A_692 : i32 to vector<16xi32>
        %shift_left3A_694 = arith.shli %or3A_676, %shift_left3A_693 : vector<16xi32>
        %or3A_695 = arith.ori %shift_left3A_694, %and3A_691 : vector<16xi32>
        %add3A_696 = arith.addi %sub3A_56, %or3A_695 : vector<16xi32>
        %gather3A_697 = tpu.vector_load_idx %arg7[%add3A_696] : memref<32256xi32, #tpu.memory_space<vmem>>[vector<16xi32>], vector<16xi32>,
        %shift_right_arithmetic3A_698 = arith.constant 4 : i32
        %shift_right_arithmetic3A_699 = vector.broadcast %shift_right_arithmetic3A_698 : i32 to vector<16xi32>
        %shift_right_arithmetic3A_700 = arith.shrsi %gather3A_697, %shift_right_arithmetic3A_699 : vector<16xi32>
        %add3A_701 = vector.broadcast %mul3A_647 : i32 to vector<16xi32>
        %add3A_702 = arith.addi %add3A_701, %shift_right_arithmetic3A_700 : vector<16xi32>
        %gather3A_703 = tpu.vector_load_idx %arg6[%add3A_702] : memref<32768xi32, #tpu.memory_space<vmem>>[vector<16xi32>], vector<16xi32>,
        %and3A_704 = arith.constant 15 : i32
        %and3A_705 = vector.broadcast %and3A_704 : i32 to vector<16xi32>
        %and3A_706 = arith.andi %gather3A_697, %and3A_705 : vector<16xi32>
        %shift_right_logical3A_707 = arith.shrui %gather3A_703, %and3A_706 : vector<16xi32>
        %and3A_708 = arith.constant 1 : i32
        %and3A_709 = vector.broadcast %and3A_708 : i32 to vector<16xi32>
        %and3A_710 = arith.andi %shift_right_logical3A_707, %and3A_709 : vector<16xi32>
        %shift_left3A_711 = arith.constant 1 : i32
        %shift_left3A_712 = vector.broadcast %shift_left3A_711 : i32 to vector<16xi32>
        %shift_left3A_713 = arith.shli %or3A_695, %shift_left3A_712 : vector<16xi32>
        %or3A_714 = arith.ori %shift_left3A_713, %and3A_710 : vector<16xi32>
        %add3A_715 = arith.addi %sub3A_56, %or3A_714 : vector<16xi32>
        %gather3A_716 = tpu.vector_load_idx %arg7[%add3A_715] : memref<32256xi32, #tpu.memory_space<vmem>>[vector<16xi32>], vector<16xi32>,
        %shift_right_arithmetic3A_717 = arith.constant 4 : i32
        %shift_right_arithmetic3A_718 = vector.broadcast %shift_right_arithmetic3A_717 : i32 to vector<16xi32>
        %shift_right_arithmetic3A_719 = arith.shrsi %gather3A_716, %shift_right_arithmetic3A_718 : vector<16xi32>
        %add3A_720 = vector.broadcast %mul3A_647 : i32 to vector<16xi32>
        %add3A_721 = arith.addi %add3A_720, %shift_right_arithmetic3A_719 : vector<16xi32>
        %gather3A_722 = tpu.vector_load_idx %arg6[%add3A_721] : memref<32768xi32, #tpu.memory_space<vmem>>[vector<16xi32>], vector<16xi32>,
        %and3A_723 = arith.constant 15 : i32
        %and3A_724 = vector.broadcast %and3A_723 : i32 to vector<16xi32>
        %and3A_725 = arith.andi %gather3A_716, %and3A_724 : vector<16xi32>
        %shift_right_logical3A_726 = arith.shrui %gather3A_722, %and3A_725 : vector<16xi32>
        %and3A_727 = arith.constant 1 : i32
        %and3A_728 = vector.broadcast %and3A_727 : i32 to vector<16xi32>
        %and3A_729 = arith.andi %shift_right_logical3A_726, %and3A_728 : vector<16xi32>
        %shift_left3A_730 = arith.constant 1 : i32
        %shift_left3A_731 = vector.broadcast %shift_left3A_730 : i32 to vector<16xi32>
        %shift_left3A_732 = arith.shli %or3A_714, %shift_left3A_731 : vector<16xi32>
        %or3A_733 = arith.ori %shift_left3A_732, %and3A_729 : vector<16xi32>
        %add3A_734 = arith.addi %sub3A_56, %or3A_733 : vector<16xi32>
        %gather3A_735 = tpu.vector_load_idx %arg7[%add3A_734] : memref<32256xi32, #tpu.memory_space<vmem>>[vector<16xi32>], vector<16xi32>,
        %shift_right_arithmetic3A_736 = arith.constant 4 : i32
        %shift_right_arithmetic3A_737 = vector.broadcast %shift_right_arithmetic3A_736 : i32 to vector<16xi32>
        %shift_right_arithmetic3A_738 = arith.shrsi %gather3A_735, %shift_right_arithmetic3A_737 : vector<16xi32>
        %add3A_739 = vector.broadcast %mul3A_647 : i32 to vector<16xi32>
        %add3A_740 = arith.addi %add3A_739, %shift_right_arithmetic3A_738 : vector<16xi32>
        %gather3A_741 = tpu.vector_load_idx %arg6[%add3A_740] : memref<32768xi32, #tpu.memory_space<vmem>>[vector<16xi32>], vector<16xi32>,
        %and3A_742 = arith.constant 15 : i32
        %and3A_743 = vector.broadcast %and3A_742 : i32 to vector<16xi32>
        %and3A_744 = arith.andi %gather3A_735, %and3A_743 : vector<16xi32>
        %shift_right_logical3A_745 = arith.shrui %gather3A_741, %and3A_744 : vector<16xi32>
        %and3A_746 = arith.constant 1 : i32
        %and3A_747 = vector.broadcast %and3A_746 : i32 to vector<16xi32>
        %and3A_748 = arith.andi %shift_right_logical3A_745, %and3A_747 : vector<16xi32>
        %shift_left3A_749 = arith.constant 1 : i32
        %shift_left3A_750 = vector.broadcast %shift_left3A_749 : i32 to vector<16xi32>
        %shift_left3A_751 = arith.shli %or3A_733, %shift_left3A_750 : vector<16xi32>
        %or3A_752 = arith.ori %shift_left3A_751, %and3A_748 : vector<16xi32>
        %add3A_753 = arith.addi %mul3A_53, %or3A_752 : vector<16xi32>
        %sub3A_754 = arith.constant 64 : i32
        %sub3A_755 = vector.broadcast %sub3A_754 : i32 to vector<16xi32>
        %sub3A_756 = arith.subi %add3A_753, %sub3A_755 : vector<16xi32>
        %gather3A_757 = tpu.vector_load_idx %arg8[%sub3A_756] : memref<32768xf32, #tpu.memory_space<vmem>>[vector<16xi32>], vector<16xf32>,
        %mul3A_758 = arith.constant 32 : i32
        %mul3A_759 = arith.muli %scan3A_22, %mul3A_758 : i32
        %add3A_760 = arith.constant 6 : i32
        %add3A_761 = arith.addi %mul3A_759, %add3A_760 : i32
        %mul3A_762 = arith.constant 128 : i32
        %mul3A_763 = arith.muli %add3A_761, %mul3A_762 : i32
        %add3A_764 = vector.broadcast %mul3A_763 : i32 to vector<16xi32>
        %add3A_765 = arith.addi %add3A_764, %shift_right_arithmetic3A_61 : vector<16xi32>
        %gather3A_766 = tpu.vector_load_idx %arg6[%add3A_765] : memref<32768xi32, #tpu.memory_space<vmem>>[vector<16xi32>], vector<16xi32>,
        %shift_right_logical3A_767 = arith.shrui %gather3A_766, %and3A_64 : vector<16xi32>
        %and3A_768 = arith.constant 1 : i32
        %and3A_769 = vector.broadcast %and3A_768 : i32 to vector<16xi32>
        %and3A_770 = arith.andi %shift_right_logical3A_767, %and3A_769 : vector<16xi32>
        %add3A_771 = arith.constant 2 : i32
        %add3A_772 = vector.broadcast %add3A_771 : i32 to vector<16xi32>
        %add3A_773 = arith.addi %add3A_772, %and3A_770 : vector<16xi32>
        %add3A_774 = arith.addi %sub3A_56, %add3A_773 : vector<16xi32>
        %gather3A_775 = tpu.vector_load_idx %arg7[%add3A_774] : memref<32256xi32, #tpu.memory_space<vmem>>[vector<16xi32>], vector<16xi32>,
        %shift_right_arithmetic3A_776 = arith.constant 4 : i32
        %shift_right_arithmetic3A_777 = vector.broadcast %shift_right_arithmetic3A_776 : i32 to vector<16xi32>
        %shift_right_arithmetic3A_778 = arith.shrsi %gather3A_775, %shift_right_arithmetic3A_777 : vector<16xi32>
        %add3A_779 = vector.broadcast %mul3A_763 : i32 to vector<16xi32>
        %add3A_780 = arith.addi %add3A_779, %shift_right_arithmetic3A_778 : vector<16xi32>
        %gather3A_781 = tpu.vector_load_idx %arg6[%add3A_780] : memref<32768xi32, #tpu.memory_space<vmem>>[vector<16xi32>], vector<16xi32>,
        %and3A_782 = arith.constant 15 : i32
        %and3A_783 = vector.broadcast %and3A_782 : i32 to vector<16xi32>
        %and3A_784 = arith.andi %gather3A_775, %and3A_783 : vector<16xi32>
        %shift_right_logical3A_785 = arith.shrui %gather3A_781, %and3A_784 : vector<16xi32>
        %and3A_786 = arith.constant 1 : i32
        %and3A_787 = vector.broadcast %and3A_786 : i32 to vector<16xi32>
        %and3A_788 = arith.andi %shift_right_logical3A_785, %and3A_787 : vector<16xi32>
        %shift_left3A_789 = arith.constant 1 : i32
        %shift_left3A_790 = vector.broadcast %shift_left3A_789 : i32 to vector<16xi32>
        %shift_left3A_791 = arith.shli %add3A_773, %shift_left3A_790 : vector<16xi32>
        %or3A_792 = arith.ori %shift_left3A_791, %and3A_788 : vector<16xi32>
        %add3A_793 = arith.addi %sub3A_56, %or3A_792 : vector<16xi32>
        %gather3A_794 = tpu.vector_load_idx %arg7[%add3A_793] : memref<32256xi32, #tpu.memory_space<vmem>>[vector<16xi32>], vector<16xi32>,
        %shift_right_arithmetic3A_795 = arith.constant 4 : i32
        %shift_right_arithmetic3A_796 = vector.broadcast %shift_right_arithmetic3A_795 : i32 to vector<16xi32>
        %shift_right_arithmetic3A_797 = arith.shrsi %gather3A_794, %shift_right_arithmetic3A_796 : vector<16xi32>
        %add3A_798 = vector.broadcast %mul3A_763 : i32 to vector<16xi32>
        %add3A_799 = arith.addi %add3A_798, %shift_right_arithmetic3A_797 : vector<16xi32>
        %gather3A_800 = tpu.vector_load_idx %arg6[%add3A_799] : memref<32768xi32, #tpu.memory_space<vmem>>[vector<16xi32>], vector<16xi32>,
        %and3A_801 = arith.constant 15 : i32
        %and3A_802 = vector.broadcast %and3A_801 : i32 to vector<16xi32>
        %and3A_803 = arith.andi %gather3A_794, %and3A_802 : vector<16xi32>
        %shift_right_logical3A_804 = arith.shrui %gather3A_800, %and3A_803 : vector<16xi32>
        %and3A_805 = arith.constant 1 : i32
        %and3A_806 = vector.broadcast %and3A_805 : i32 to vector<16xi32>
        %and3A_807 = arith.andi %shift_right_logical3A_804, %and3A_806 : vector<16xi32>
        %shift_left3A_808 = arith.constant 1 : i32
        %shift_left3A_809 = vector.broadcast %shift_left3A_808 : i32 to vector<16xi32>
        %shift_left3A_810 = arith.shli %or3A_792, %shift_left3A_809 : vector<16xi32>
        %or3A_811 = arith.ori %shift_left3A_810, %and3A_807 : vector<16xi32>
        %add3A_812 = arith.addi %sub3A_56, %or3A_811 : vector<16xi32>
        %gather3A_813 = tpu.vector_load_idx %arg7[%add3A_812] : memref<32256xi32, #tpu.memory_space<vmem>>[vector<16xi32>], vector<16xi32>,
        %shift_right_arithmetic3A_814 = arith.constant 4 : i32
        %shift_right_arithmetic3A_815 = vector.broadcast %shift_right_arithmetic3A_814 : i32 to vector<16xi32>
        %shift_right_arithmetic3A_816 = arith.shrsi %gather3A_813, %shift_right_arithmetic3A_815 : vector<16xi32>
        %add3A_817 = vector.broadcast %mul3A_763 : i32 to vector<16xi32>
        %add3A_818 = arith.addi %add3A_817, %shift_right_arithmetic3A_816 : vector<16xi32>
        %gather3A_819 = tpu.vector_load_idx %arg6[%add3A_818] : memref<32768xi32, #tpu.memory_space<vmem>>[vector<16xi32>], vector<16xi32>,
        %and3A_820 = arith.constant 15 : i32
        %and3A_821 = vector.broadcast %and3A_820 : i32 to vector<16xi32>
        %and3A_822 = arith.andi %gather3A_813, %and3A_821 : vector<16xi32>
        %shift_right_logical3A_823 = arith.shrui %gather3A_819, %and3A_822 : vector<16xi32>
        %and3A_824 = arith.constant 1 : i32
        %and3A_825 = vector.broadcast %and3A_824 : i32 to vector<16xi32>
        %and3A_826 = arith.andi %shift_right_logical3A_823, %and3A_825 : vector<16xi32>
        %shift_left3A_827 = arith.constant 1 : i32
        %shift_left3A_828 = vector.broadcast %shift_left3A_827 : i32 to vector<16xi32>
        %shift_left3A_829 = arith.shli %or3A_811, %shift_left3A_828 : vector<16xi32>
        %or3A_830 = arith.ori %shift_left3A_829, %and3A_826 : vector<16xi32>
        %add3A_831 = arith.addi %sub3A_56, %or3A_830 : vector<16xi32>
        %gather3A_832 = tpu.vector_load_idx %arg7[%add3A_831] : memref<32256xi32, #tpu.memory_space<vmem>>[vector<16xi32>], vector<16xi32>,
        %shift_right_arithmetic3A_833 = arith.constant 4 : i32
        %shift_right_arithmetic3A_834 = vector.broadcast %shift_right_arithmetic3A_833 : i32 to vector<16xi32>
        %shift_right_arithmetic3A_835 = arith.shrsi %gather3A_832, %shift_right_arithmetic3A_834 : vector<16xi32>
        %add3A_836 = vector.broadcast %mul3A_763 : i32 to vector<16xi32>
        %add3A_837 = arith.addi %add3A_836, %shift_right_arithmetic3A_835 : vector<16xi32>
        %gather3A_838 = tpu.vector_load_idx %arg6[%add3A_837] : memref<32768xi32, #tpu.memory_space<vmem>>[vector<16xi32>], vector<16xi32>,
        %and3A_839 = arith.constant 15 : i32
        %and3A_840 = vector.broadcast %and3A_839 : i32 to vector<16xi32>
        %and3A_841 = arith.andi %gather3A_832, %and3A_840 : vector<16xi32>
        %shift_right_logical3A_842 = arith.shrui %gather3A_838, %and3A_841 : vector<16xi32>
        %and3A_843 = arith.constant 1 : i32
        %and3A_844 = vector.broadcast %and3A_843 : i32 to vector<16xi32>
        %and3A_845 = arith.andi %shift_right_logical3A_842, %and3A_844 : vector<16xi32>
        %shift_left3A_846 = arith.constant 1 : i32
        %shift_left3A_847 = vector.broadcast %shift_left3A_846 : i32 to vector<16xi32>
        %shift_left3A_848 = arith.shli %or3A_830, %shift_left3A_847 : vector<16xi32>
        %or3A_849 = arith.ori %shift_left3A_848, %and3A_845 : vector<16xi32>
        %add3A_850 = arith.addi %sub3A_56, %or3A_849 : vector<16xi32>
        %gather3A_851 = tpu.vector_load_idx %arg7[%add3A_850] : memref<32256xi32, #tpu.memory_space<vmem>>[vector<16xi32>], vector<16xi32>,
        %shift_right_arithmetic3A_852 = arith.constant 4 : i32
        %shift_right_arithmetic3A_853 = vector.broadcast %shift_right_arithmetic3A_852 : i32 to vector<16xi32>
        %shift_right_arithmetic3A_854 = arith.shrsi %gather3A_851, %shift_right_arithmetic3A_853 : vector<16xi32>
        %add3A_855 = vector.broadcast %mul3A_763 : i32 to vector<16xi32>
        %add3A_856 = arith.addi %add3A_855, %shift_right_arithmetic3A_854 : vector<16xi32>
        %gather3A_857 = tpu.vector_load_idx %arg6[%add3A_856] : memref<32768xi32, #tpu.memory_space<vmem>>[vector<16xi32>], vector<16xi32>,
        %and3A_858 = arith.constant 15 : i32
        %and3A_859 = vector.broadcast %and3A_858 : i32 to vector<16xi32>
        %and3A_860 = arith.andi %gather3A_851, %and3A_859 : vector<16xi32>
        %shift_right_logical3A_861 = arith.shrui %gather3A_857, %and3A_860 : vector<16xi32>
        %and3A_862 = arith.constant 1 : i32
        %and3A_863 = vector.broadcast %and3A_862 : i32 to vector<16xi32>
        %and3A_864 = arith.andi %shift_right_logical3A_861, %and3A_863 : vector<16xi32>
        %shift_left3A_865 = arith.constant 1 : i32
        %shift_left3A_866 = vector.broadcast %shift_left3A_865 : i32 to vector<16xi32>
        %shift_left3A_867 = arith.shli %or3A_849, %shift_left3A_866 : vector<16xi32>
        %or3A_868 = arith.ori %shift_left3A_867, %and3A_864 : vector<16xi32>
        %add3A_869 = arith.addi %mul3A_53, %or3A_868 : vector<16xi32>
        %sub3A_870 = arith.constant 64 : i32
        %sub3A_871 = vector.broadcast %sub3A_870 : i32 to vector<16xi32>
        %sub3A_872 = arith.subi %add3A_869, %sub3A_871 : vector<16xi32>
        %gather3A_873 = tpu.vector_load_idx %arg8[%sub3A_872] : memref<32768xf32, #tpu.memory_space<vmem>>[vector<16xi32>], vector<16xf32>,
        %mul3A_874 = arith.constant 32 : i32
        %mul3A_875 = arith.muli %scan3A_22, %mul3A_874 : i32
        %add3A_876 = arith.constant 7 : i32
        %add3A_877 = arith.addi %mul3A_875, %add3A_876 : i32
        %mul3A_878 = arith.constant 128 : i32
        %mul3A_879 = arith.muli %add3A_877, %mul3A_878 : i32
        %add3A_880 = vector.broadcast %mul3A_879 : i32 to vector<16xi32>
        %add3A_881 = arith.addi %add3A_880, %shift_right_arithmetic3A_61 : vector<16xi32>
        %gather3A_882 = tpu.vector_load_idx %arg6[%add3A_881] : memref<32768xi32, #tpu.memory_space<vmem>>[vector<16xi32>], vector<16xi32>,
        %shift_right_logical3A_883 = arith.shrui %gather3A_882, %and3A_64 : vector<16xi32>
        %and3A_884 = arith.constant 1 : i32
        %and3A_885 = vector.broadcast %and3A_884 : i32 to vector<16xi32>
        %and3A_886 = arith.andi %shift_right_logical3A_883, %and3A_885 : vector<16xi32>
        %add3A_887 = arith.constant 2 : i32
        %add3A_888 = vector.broadcast %add3A_887 : i32 to vector<16xi32>
        %add3A_889 = arith.addi %add3A_888, %and3A_886 : vector<16xi32>
        %add3A_890 = arith.addi %sub3A_56, %add3A_889 : vector<16xi32>
        %gather3A_891 = tpu.vector_load_idx %arg7[%add3A_890] : memref<32256xi32, #tpu.memory_space<vmem>>[vector<16xi32>], vector<16xi32>,
        %shift_right_arithmetic3A_892 = arith.constant 4 : i32
        %shift_right_arithmetic3A_893 = vector.broadcast %shift_right_arithmetic3A_892 : i32 to vector<16xi32>
        %shift_right_arithmetic3A_894 = arith.shrsi %gather3A_891, %shift_right_arithmetic3A_893 : vector<16xi32>
        %add3A_895 = vector.broadcast %mul3A_879 : i32 to vector<16xi32>
        %add3A_896 = arith.addi %add3A_895, %shift_right_arithmetic3A_894 : vector<16xi32>
        %gather3A_897 = tpu.vector_load_idx %arg6[%add3A_896] : memref<32768xi32, #tpu.memory_space<vmem>>[vector<16xi32>], vector<16xi32>,
        %and3A_898 = arith.constant 15 : i32
        %and3A_899 = vector.broadcast %and3A_898 : i32 to vector<16xi32>
        %and3A_900 = arith.andi %gather3A_891, %and3A_899 : vector<16xi32>
        %shift_right_logical3A_901 = arith.shrui %gather3A_897, %and3A_900 : vector<16xi32>
        %and3A_902 = arith.constant 1 : i32
        %and3A_903 = vector.broadcast %and3A_902 : i32 to vector<16xi32>
        %and3A_904 = arith.andi %shift_right_logical3A_901, %and3A_903 : vector<16xi32>
        %shift_left3A_905 = arith.constant 1 : i32
        %shift_left3A_906 = vector.broadcast %shift_left3A_905 : i32 to vector<16xi32>
        %shift_left3A_907 = arith.shli %add3A_889, %shift_left3A_906 : vector<16xi32>
        %or3A_908 = arith.ori %shift_left3A_907, %and3A_904 : vector<16xi32>
        %add3A_909 = arith.addi %sub3A_56, %or3A_908 : vector<16xi32>
        %gather3A_910 = tpu.vector_load_idx %arg7[%add3A_909] : memref<32256xi32, #tpu.memory_space<vmem>>[vector<16xi32>], vector<16xi32>,
        %shift_right_arithmetic3A_911 = arith.constant 4 : i32
        %shift_right_arithmetic3A_912 = vector.broadcast %shift_right_arithmetic3A_911 : i32 to vector<16xi32>
        %shift_right_arithmetic3A_913 = arith.shrsi %gather3A_910, %shift_right_arithmetic3A_912 : vector<16xi32>
        %add3A_914 = vector.broadcast %mul3A_879 : i32 to vector<16xi32>
        %add3A_915 = arith.addi %add3A_914, %shift_right_arithmetic3A_913 : vector<16xi32>
        %gather3A_916 = tpu.vector_load_idx %arg6[%add3A_915] : memref<32768xi32, #tpu.memory_space<vmem>>[vector<16xi32>], vector<16xi32>,
        %and3A_917 = arith.constant 15 : i32
        %and3A_918 = vector.broadcast %and3A_917 : i32 to vector<16xi32>
        %and3A_919 = arith.andi %gather3A_910, %and3A_918 : vector<16xi32>
        %shift_right_logical3A_920 = arith.shrui %gather3A_916, %and3A_919 : vector<16xi32>
        %and3A_921 = arith.constant 1 : i32
        %and3A_922 = vector.broadcast %and3A_921 : i32 to vector<16xi32>
        %and3A_923 = arith.andi %shift_right_logical3A_920, %and3A_922 : vector<16xi32>
        %shift_left3A_924 = arith.constant 1 : i32
        %shift_left3A_925 = vector.broadcast %shift_left3A_924 : i32 to vector<16xi32>
        %shift_left3A_926 = arith.shli %or3A_908, %shift_left3A_925 : vector<16xi32>
        %or3A_927 = arith.ori %shift_left3A_926, %and3A_923 : vector<16xi32>
        %add3A_928 = arith.addi %sub3A_56, %or3A_927 : vector<16xi32>
        %gather3A_929 = tpu.vector_load_idx %arg7[%add3A_928] : memref<32256xi32, #tpu.memory_space<vmem>>[vector<16xi32>], vector<16xi32>,
        %shift_right_arithmetic3A_930 = arith.constant 4 : i32
        %shift_right_arithmetic3A_931 = vector.broadcast %shift_right_arithmetic3A_930 : i32 to vector<16xi32>
        %shift_right_arithmetic3A_932 = arith.shrsi %gather3A_929, %shift_right_arithmetic3A_931 : vector<16xi32>
        %add3A_933 = vector.broadcast %mul3A_879 : i32 to vector<16xi32>
        %add3A_934 = arith.addi %add3A_933, %shift_right_arithmetic3A_932 : vector<16xi32>
        %gather3A_935 = tpu.vector_load_idx %arg6[%add3A_934] : memref<32768xi32, #tpu.memory_space<vmem>>[vector<16xi32>], vector<16xi32>,
        %and3A_936 = arith.constant 15 : i32
        %and3A_937 = vector.broadcast %and3A_936 : i32 to vector<16xi32>
        %and3A_938 = arith.andi %gather3A_929, %and3A_937 : vector<16xi32>
        %shift_right_logical3A_939 = arith.shrui %gather3A_935, %and3A_938 : vector<16xi32>
        %and3A_940 = arith.constant 1 : i32
        %and3A_941 = vector.broadcast %and3A_940 : i32 to vector<16xi32>
        %and3A_942 = arith.andi %shift_right_logical3A_939, %and3A_941 : vector<16xi32>
        %shift_left3A_943 = arith.constant 1 : i32
        %shift_left3A_944 = vector.broadcast %shift_left3A_943 : i32 to vector<16xi32>
        %shift_left3A_945 = arith.shli %or3A_927, %shift_left3A_944 : vector<16xi32>
        %or3A_946 = arith.ori %shift_left3A_945, %and3A_942 : vector<16xi32>
        %add3A_947 = arith.addi %sub3A_56, %or3A_946 : vector<16xi32>
        %gather3A_948 = tpu.vector_load_idx %arg7[%add3A_947] : memref<32256xi32, #tpu.memory_space<vmem>>[vector<16xi32>], vector<16xi32>,
        %shift_right_arithmetic3A_949 = arith.constant 4 : i32
        %shift_right_arithmetic3A_950 = vector.broadcast %shift_right_arithmetic3A_949 : i32 to vector<16xi32>
        %shift_right_arithmetic3A_951 = arith.shrsi %gather3A_948, %shift_right_arithmetic3A_950 : vector<16xi32>
        %add3A_952 = vector.broadcast %mul3A_879 : i32 to vector<16xi32>
        %add3A_953 = arith.addi %add3A_952, %shift_right_arithmetic3A_951 : vector<16xi32>
        %gather3A_954 = tpu.vector_load_idx %arg6[%add3A_953] : memref<32768xi32, #tpu.memory_space<vmem>>[vector<16xi32>], vector<16xi32>,
        %and3A_955 = arith.constant 15 : i32
        %and3A_956 = vector.broadcast %and3A_955 : i32 to vector<16xi32>
        %and3A_957 = arith.andi %gather3A_948, %and3A_956 : vector<16xi32>
        %shift_right_logical3A_958 = arith.shrui %gather3A_954, %and3A_957 : vector<16xi32>
        %and3A_959 = arith.constant 1 : i32
        %and3A_960 = vector.broadcast %and3A_959 : i32 to vector<16xi32>
        %and3A_961 = arith.andi %shift_right_logical3A_958, %and3A_960 : vector<16xi32>
        %shift_left3A_962 = arith.constant 1 : i32
        %shift_left3A_963 = vector.broadcast %shift_left3A_962 : i32 to vector<16xi32>
        %shift_left3A_964 = arith.shli %or3A_946, %shift_left3A_963 : vector<16xi32>
        %or3A_965 = arith.ori %shift_left3A_964, %and3A_961 : vector<16xi32>
        %add3A_966 = arith.addi %sub3A_56, %or3A_965 : vector<16xi32>
        %gather3A_967 = tpu.vector_load_idx %arg7[%add3A_966] : memref<32256xi32, #tpu.memory_space<vmem>>[vector<16xi32>], vector<16xi32>,
        %shift_right_arithmetic3A_968 = arith.constant 4 : i32
        %shift_right_arithmetic3A_969 = vector.broadcast %shift_right_arithmetic3A_968 : i32 to vector<16xi32>
        %shift_right_arithmetic3A_970 = arith.shrsi %gather3A_967, %shift_right_arithmetic3A_969 : vector<16xi32>
        %add3A_971 = vector.broadcast %mul3A_879 : i32 to vector<16xi32>
        %add3A_972 = arith.addi %add3A_971, %shift_right_arithmetic3A_970 : vector<16xi32>
        %gather3A_973 = tpu.vector_load_idx %arg6[%add3A_972] : memref<32768xi32, #tpu.memory_space<vmem>>[vector<16xi32>], vector<16xi32>,
        %and3A_974 = arith.constant 15 : i32
        %and3A_975 = vector.broadcast %and3A_974 : i32 to vector<16xi32>
        %and3A_976 = arith.andi %gather3A_967, %and3A_975 : vector<16xi32>
        %shift_right_logical3A_977 = arith.shrui %gather3A_973, %and3A_976 : vector<16xi32>
        %and3A_978 = arith.constant 1 : i32
        %and3A_979 = vector.broadcast %and3A_978 : i32 to vector<16xi32>
        %and3A_980 = arith.andi %shift_right_logical3A_977, %and3A_979 : vector<16xi32>
        %shift_left3A_981 = arith.constant 1 : i32
        %shift_left3A_982 = vector.broadcast %shift_left3A_981 : i32 to vector<16xi32>
        %shift_left3A_983 = arith.shli %or3A_965, %shift_left3A_982 : vector<16xi32>
        %or3A_984 = arith.ori %shift_left3A_983, %and3A_980 : vector<16xi32>
        %add3A_985 = arith.addi %mul3A_53, %or3A_984 : vector<16xi32>
        %sub3A_986 = arith.constant 64 : i32
        %sub3A_987 = vector.broadcast %sub3A_986 : i32 to vector<16xi32>
        %sub3A_988 = arith.subi %add3A_985, %sub3A_987 : vector<16xi32>
        %gather3A_989 = tpu.vector_load_idx %arg8[%sub3A_988] : memref<32768xf32, #tpu.memory_space<vmem>>[vector<16xi32>], vector<16xf32>,
        %mul3A_990 = arith.constant 32 : i32
        %mul3A_991 = arith.muli %scan3A_22, %mul3A_990 : i32
        %add3A_992 = arith.constant 8 : i32
        %add3A_993 = arith.addi %mul3A_991, %add3A_992 : i32
        %mul3A_994 = arith.constant 128 : i32
        %mul3A_995 = arith.muli %add3A_993, %mul3A_994 : i32
        %add3A_996 = vector.broadcast %mul3A_995 : i32 to vector<16xi32>
        %add3A_997 = arith.addi %add3A_996, %shift_right_arithmetic3A_61 : vector<16xi32>
        %gather3A_998 = tpu.vector_load_idx %arg6[%add3A_997] : memref<32768xi32, #tpu.memory_space<vmem>>[vector<16xi32>], vector<16xi32>,
        %shift_right_logical3A_999 = arith.shrui %gather3A_998, %and3A_64 : vector<16xi32>
        %and3A_1000 = arith.constant 1 : i32
        %and3A_1001 = vector.broadcast %and3A_1000 : i32 to vector<16xi32>
        %and3A_1002 = arith.andi %shift_right_logical3A_999, %and3A_1001 : vector<16xi32>
        %add3A_1003 = arith.constant 2 : i32
        %add3A_1004 = vector.broadcast %add3A_1003 : i32 to vector<16xi32>
        %add3A_1005 = arith.addi %add3A_1004, %and3A_1002 : vector<16xi32>
        %add3A_1006 = arith.addi %sub3A_56, %add3A_1005 : vector<16xi32>
        %gather3A_1007 = tpu.vector_load_idx %arg7[%add3A_1006] : memref<32256xi32, #tpu.memory_space<vmem>>[vector<16xi32>], vector<16xi32>,
        %shift_right_arithmetic3A_1008 = arith.constant 4 : i32
        %shift_right_arithmetic3A_1009 = vector.broadcast %shift_right_arithmetic3A_1008 : i32 to vector<16xi32>
        %shift_right_arithmetic3A_1010 = arith.shrsi %gather3A_1007, %shift_right_arithmetic3A_1009 : vector<16xi32>
        %add3A_1011 = vector.broadcast %mul3A_995 : i32 to vector<16xi32>
        %add3A_1012 = arith.addi %add3A_1011, %shift_right_arithmetic3A_1010 : vector<16xi32>
        %gather3A_1013 = tpu.vector_load_idx %arg6[%add3A_1012] : memref<32768xi32, #tpu.memory_space<vmem>>[vector<16xi32>], vector<16xi32>,
        %and3A_1014 = arith.constant 15 : i32
        %and3A_1015 = vector.broadcast %and3A_1014 : i32 to vector<16xi32>
        %and3A_1016 = arith.andi %gather3A_1007, %and3A_1015 : vector<16xi32>
        %shift_right_logical3A_1017 = arith.shrui %gather3A_1013, %and3A_1016 : vector<16xi32>
        %and3A_1018 = arith.constant 1 : i32
        %and3A_1019 = vector.broadcast %and3A_1018 : i32 to vector<16xi32>
        %and3A_1020 = arith.andi %shift_right_logical3A_1017, %and3A_1019 : vector<16xi32>
        %shift_left3A_1021 = arith.constant 1 : i32
        %shift_left3A_1022 = vector.broadcast %shift_left3A_1021 : i32 to vector<16xi32>
        %shift_left3A_1023 = arith.shli %add3A_1005, %shift_left3A_1022 : vector<16xi32>
        %or3A_1024 = arith.ori %shift_left3A_1023, %and3A_1020 : vector<16xi32>
        %add3A_1025 = arith.addi %sub3A_56, %or3A_1024 : vector<16xi32>
        %gather3A_1026 = tpu.vector_load_idx %arg7[%add3A_1025] : memref<32256xi32, #tpu.memory_space<vmem>>[vector<16xi32>], vector<16xi32>,
        %shift_right_arithmetic3A_1027 = arith.constant 4 : i32
        %shift_right_arithmetic3A_1028 = vector.broadcast %shift_right_arithmetic3A_1027 : i32 to vector<16xi32>
        %shift_right_arithmetic3A_1029 = arith.shrsi %gather3A_1026, %shift_right_arithmetic3A_1028 : vector<16xi32>
        %add3A_1030 = vector.broadcast %mul3A_995 : i32 to vector<16xi32>
        %add3A_1031 = arith.addi %add3A_1030, %shift_right_arithmetic3A_1029 : vector<16xi32>
        %gather3A_1032 = tpu.vector_load_idx %arg6[%add3A_1031] : memref<32768xi32, #tpu.memory_space<vmem>>[vector<16xi32>], vector<16xi32>,
        %and3A_1033 = arith.constant 15 : i32
        %and3A_1034 = vector.broadcast %and3A_1033 : i32 to vector<16xi32>
        %and3A_1035 = arith.andi %gather3A_1026, %and3A_1034 : vector<16xi32>
        %shift_right_logical3A_1036 = arith.shrui %gather3A_1032, %and3A_1035 : vector<16xi32>
        %and3A_1037 = arith.constant 1 : i32
        %and3A_1038 = vector.broadcast %and3A_1037 : i32 to vector<16xi32>
        %and3A_1039 = arith.andi %shift_right_logical3A_1036, %and3A_1038 : vector<16xi32>
        %shift_left3A_1040 = arith.constant 1 : i32
        %shift_left3A_1041 = vector.broadcast %shift_left3A_1040 : i32 to vector<16xi32>
        %shift_left3A_1042 = arith.shli %or3A_1024, %shift_left3A_1041 : vector<16xi32>
        %or3A_1043 = arith.ori %shift_left3A_1042, %and3A_1039 : vector<16xi32>
        %add3A_1044 = arith.addi %sub3A_56, %or3A_1043 : vector<16xi32>
        %gather3A_1045 = tpu.vector_load_idx %arg7[%add3A_1044] : memref<32256xi32, #tpu.memory_space<vmem>>[vector<16xi32>], vector<16xi32>,
        %shift_right_arithmetic3A_1046 = arith.constant 4 : i32
        %shift_right_arithmetic3A_1047 = vector.broadcast %shift_right_arithmetic3A_1046 : i32 to vector<16xi32>
        %shift_right_arithmetic3A_1048 = arith.shrsi %gather3A_1045, %shift_right_arithmetic3A_1047 : vector<16xi32>
        %add3A_1049 = vector.broadcast %mul3A_995 : i32 to vector<16xi32>
        %add3A_1050 = arith.addi %add3A_1049, %shift_right_arithmetic3A_1048 : vector<16xi32>
        %gather3A_1051 = tpu.vector_load_idx %arg6[%add3A_1050] : memref<32768xi32, #tpu.memory_space<vmem>>[vector<16xi32>], vector<16xi32>,
        %and3A_1052 = arith.constant 15 : i32
        %and3A_1053 = vector.broadcast %and3A_1052 : i32 to vector<16xi32>
        %and3A_1054 = arith.andi %gather3A_1045, %and3A_1053 : vector<16xi32>
        %shift_right_logical3A_1055 = arith.shrui %gather3A_1051, %and3A_1054 : vector<16xi32>
        %and3A_1056 = arith.constant 1 : i32
        %and3A_1057 = vector.broadcast %and3A_1056 : i32 to vector<16xi32>
        %and3A_1058 = arith.andi %shift_right_logical3A_1055, %and3A_1057 : vector<16xi32>
        %shift_left3A_1059 = arith.constant 1 : i32
        %shift_left3A_1060 = vector.broadcast %shift_left3A_1059 : i32 to vector<16xi32>
        %shift_left3A_1061 = arith.shli %or3A_1043, %shift_left3A_1060 : vector<16xi32>
        %or3A_1062 = arith.ori %shift_left3A_1061, %and3A_1058 : vector<16xi32>
        %add3A_1063 = arith.addi %sub3A_56, %or3A_1062 : vector<16xi32>
        %gather3A_1064 = tpu.vector_load_idx %arg7[%add3A_1063] : memref<32256xi32, #tpu.memory_space<vmem>>[vector<16xi32>], vector<16xi32>,
        %shift_right_arithmetic3A_1065 = arith.constant 4 : i32
        %shift_right_arithmetic3A_1066 = vector.broadcast %shift_right_arithmetic3A_1065 : i32 to vector<16xi32>
        %shift_right_arithmetic3A_1067 = arith.shrsi %gather3A_1064, %shift_right_arithmetic3A_1066 : vector<16xi32>
        %add3A_1068 = vector.broadcast %mul3A_995 : i32 to vector<16xi32>
        %add3A_1069 = arith.addi %add3A_1068, %shift_right_arithmetic3A_1067 : vector<16xi32>
        %gather3A_1070 = tpu.vector_load_idx %arg6[%add3A_1069] : memref<32768xi32, #tpu.memory_space<vmem>>[vector<16xi32>], vector<16xi32>,
        %and3A_1071 = arith.constant 15 : i32
        %and3A_1072 = vector.broadcast %and3A_1071 : i32 to vector<16xi32>
        %and3A_1073 = arith.andi %gather3A_1064, %and3A_1072 : vector<16xi32>
        %shift_right_logical3A_1074 = arith.shrui %gather3A_1070, %and3A_1073 : vector<16xi32>
        %and3A_1075 = arith.constant 1 : i32
        %and3A_1076 = vector.broadcast %and3A_1075 : i32 to vector<16xi32>
        %and3A_1077 = arith.andi %shift_right_logical3A_1074, %and3A_1076 : vector<16xi32>
        %shift_left3A_1078 = arith.constant 1 : i32
        %shift_left3A_1079 = vector.broadcast %shift_left3A_1078 : i32 to vector<16xi32>
        %shift_left3A_1080 = arith.shli %or3A_1062, %shift_left3A_1079 : vector<16xi32>
        %or3A_1081 = arith.ori %shift_left3A_1080, %and3A_1077 : vector<16xi32>
        %add3A_1082 = arith.addi %sub3A_56, %or3A_1081 : vector<16xi32>
        %gather3A_1083 = tpu.vector_load_idx %arg7[%add3A_1082] : memref<32256xi32, #tpu.memory_space<vmem>>[vector<16xi32>], vector<16xi32>,
        %shift_right_arithmetic3A_1084 = arith.constant 4 : i32
        %shift_right_arithmetic3A_1085 = vector.broadcast %shift_right_arithmetic3A_1084 : i32 to vector<16xi32>
        %shift_right_arithmetic3A_1086 = arith.shrsi %gather3A_1083, %shift_right_arithmetic3A_1085 : vector<16xi32>
        %add3A_1087 = vector.broadcast %mul3A_995 : i32 to vector<16xi32>
        %add3A_1088 = arith.addi %add3A_1087, %shift_right_arithmetic3A_1086 : vector<16xi32>
        %gather3A_1089 = tpu.vector_load_idx %arg6[%add3A_1088] : memref<32768xi32, #tpu.memory_space<vmem>>[vector<16xi32>], vector<16xi32>,
        %and3A_1090 = arith.constant 15 : i32
        %and3A_1091 = vector.broadcast %and3A_1090 : i32 to vector<16xi32>
        %and3A_1092 = arith.andi %gather3A_1083, %and3A_1091 : vector<16xi32>
        %shift_right_logical3A_1093 = arith.shrui %gather3A_1089, %and3A_1092 : vector<16xi32>
        %and3A_1094 = arith.constant 1 : i32
        %and3A_1095 = vector.broadcast %and3A_1094 : i32 to vector<16xi32>
        %and3A_1096 = arith.andi %shift_right_logical3A_1093, %and3A_1095 : vector<16xi32>
        %shift_left3A_1097 = arith.constant 1 : i32
        %shift_left3A_1098 = vector.broadcast %shift_left3A_1097 : i32 to vector<16xi32>
        %shift_left3A_1099 = arith.shli %or3A_1081, %shift_left3A_1098 : vector<16xi32>
        %or3A_1100 = arith.ori %shift_left3A_1099, %and3A_1096 : vector<16xi32>
        %add3A_1101 = arith.addi %mul3A_53, %or3A_1100 : vector<16xi32>
        %sub3A_1102 = arith.constant 64 : i32
        %sub3A_1103 = vector.broadcast %sub3A_1102 : i32 to vector<16xi32>
        %sub3A_1104 = arith.subi %add3A_1101, %sub3A_1103 : vector<16xi32>
        %gather3A_1105 = tpu.vector_load_idx %arg8[%sub3A_1104] : memref<32768xf32, #tpu.memory_space<vmem>>[vector<16xi32>], vector<16xf32>,
        %mul3A_1106 = arith.constant 32 : i32
        %mul3A_1107 = arith.muli %scan3A_22, %mul3A_1106 : i32
        %add3A_1108 = arith.constant 9 : i32
        %add3A_1109 = arith.addi %mul3A_1107, %add3A_1108 : i32
        %mul3A_1110 = arith.constant 128 : i32
        %mul3A_1111 = arith.muli %add3A_1109, %mul3A_1110 : i32
        %add3A_1112 = vector.broadcast %mul3A_1111 : i32 to vector<16xi32>
        %add3A_1113 = arith.addi %add3A_1112, %shift_right_arithmetic3A_61 : vector<16xi32>
        %gather3A_1114 = tpu.vector_load_idx %arg6[%add3A_1113] : memref<32768xi32, #tpu.memory_space<vmem>>[vector<16xi32>], vector<16xi32>,
        %shift_right_logical3A_1115 = arith.shrui %gather3A_1114, %and3A_64 : vector<16xi32>
        %and3A_1116 = arith.constant 1 : i32
        %and3A_1117 = vector.broadcast %and3A_1116 : i32 to vector<16xi32>
        %and3A_1118 = arith.andi %shift_right_logical3A_1115, %and3A_1117 : vector<16xi32>
        %add3A_1119 = arith.constant 2 : i32
        %add3A_1120 = vector.broadcast %add3A_1119 : i32 to vector<16xi32>
        %add3A_1121 = arith.addi %add3A_1120, %and3A_1118 : vector<16xi32>
        %add3A_1122 = arith.addi %sub3A_56, %add3A_1121 : vector<16xi32>
        %gather3A_1123 = tpu.vector_load_idx %arg7[%add3A_1122] : memref<32256xi32, #tpu.memory_space<vmem>>[vector<16xi32>], vector<16xi32>,
        %shift_right_arithmetic3A_1124 = arith.constant 4 : i32
        %shift_right_arithmetic3A_1125 = vector.broadcast %shift_right_arithmetic3A_1124 : i32 to vector<16xi32>
        %shift_right_arithmetic3A_1126 = arith.shrsi %gather3A_1123, %shift_right_arithmetic3A_1125 : vector<16xi32>
        %add3A_1127 = vector.broadcast %mul3A_1111 : i32 to vector<16xi32>
        %add3A_1128 = arith.addi %add3A_1127, %shift_right_arithmetic3A_1126 : vector<16xi32>
        %gather3A_1129 = tpu.vector_load_idx %arg6[%add3A_1128] : memref<32768xi32, #tpu.memory_space<vmem>>[vector<16xi32>], vector<16xi32>,
        %and3A_1130 = arith.constant 15 : i32
        %and3A_1131 = vector.broadcast %and3A_1130 : i32 to vector<16xi32>
        %and3A_1132 = arith.andi %gather3A_1123, %and3A_1131 : vector<16xi32>
        %shift_right_logical3A_1133 = arith.shrui %gather3A_1129, %and3A_1132 : vector<16xi32>
        %and3A_1134 = arith.constant 1 : i32
        %and3A_1135 = vector.broadcast %and3A_1134 : i32 to vector<16xi32>
        %and3A_1136 = arith.andi %shift_right_logical3A_1133, %and3A_1135 : vector<16xi32>
        %shift_left3A_1137 = arith.constant 1 : i32
        %shift_left3A_1138 = vector.broadcast %shift_left3A_1137 : i32 to vector<16xi32>
        %shift_left3A_1139 = arith.shli %add3A_1121, %shift_left3A_1138 : vector<16xi32>
        %or3A_1140 = arith.ori %shift_left3A_1139, %and3A_1136 : vector<16xi32>
        %add3A_1141 = arith.addi %sub3A_56, %or3A_1140 : vector<16xi32>
        %gather3A_1142 = tpu.vector_load_idx %arg7[%add3A_1141] : memref<32256xi32, #tpu.memory_space<vmem>>[vector<16xi32>], vector<16xi32>,
        %shift_right_arithmetic3A_1143 = arith.constant 4 : i32
        %shift_right_arithmetic3A_1144 = vector.broadcast %shift_right_arithmetic3A_1143 : i32 to vector<16xi32>
        %shift_right_arithmetic3A_1145 = arith.shrsi %gather3A_1142, %shift_right_arithmetic3A_1144 : vector<16xi32>
        %add3A_1146 = vector.broadcast %mul3A_1111 : i32 to vector<16xi32>
        %add3A_1147 = arith.addi %add3A_1146, %shift_right_arithmetic3A_1145 : vector<16xi32>
        %gather3A_1148 = tpu.vector_load_idx %arg6[%add3A_1147] : memref<32768xi32, #tpu.memory_space<vmem>>[vector<16xi32>], vector<16xi32>,
        %and3A_1149 = arith.constant 15 : i32
        %and3A_1150 = vector.broadcast %and3A_1149 : i32 to vector<16xi32>
        %and3A_1151 = arith.andi %gather3A_1142, %and3A_1150 : vector<16xi32>
        %shift_right_logical3A_1152 = arith.shrui %gather3A_1148, %and3A_1151 : vector<16xi32>
        %and3A_1153 = arith.constant 1 : i32
        %and3A_1154 = vector.broadcast %and3A_1153 : i32 to vector<16xi32>
        %and3A_1155 = arith.andi %shift_right_logical3A_1152, %and3A_1154 : vector<16xi32>
        %shift_left3A_1156 = arith.constant 1 : i32
        %shift_left3A_1157 = vector.broadcast %shift_left3A_1156 : i32 to vector<16xi32>
        %shift_left3A_1158 = arith.shli %or3A_1140, %shift_left3A_1157 : vector<16xi32>
        %or3A_1159 = arith.ori %shift_left3A_1158, %and3A_1155 : vector<16xi32>
        %add3A_1160 = arith.addi %sub3A_56, %or3A_1159 : vector<16xi32>
        %gather3A_1161 = tpu.vector_load_idx %arg7[%add3A_1160] : memref<32256xi32, #tpu.memory_space<vmem>>[vector<16xi32>], vector<16xi32>,
        %shift_right_arithmetic3A_1162 = arith.constant 4 : i32
        %shift_right_arithmetic3A_1163 = vector.broadcast %shift_right_arithmetic3A_1162 : i32 to vector<16xi32>
        %shift_right_arithmetic3A_1164 = arith.shrsi %gather3A_1161, %shift_right_arithmetic3A_1163 : vector<16xi32>
        %add3A_1165 = vector.broadcast %mul3A_1111 : i32 to vector<16xi32>
        %add3A_1166 = arith.addi %add3A_1165, %shift_right_arithmetic3A_1164 : vector<16xi32>
        %gather3A_1167 = tpu.vector_load_idx %arg6[%add3A_1166] : memref<32768xi32, #tpu.memory_space<vmem>>[vector<16xi32>], vector<16xi32>,
        %and3A_1168 = arith.constant 15 : i32
        %and3A_1169 = vector.broadcast %and3A_1168 : i32 to vector<16xi32>
        %and3A_1170 = arith.andi %gather3A_1161, %and3A_1169 : vector<16xi32>
        %shift_right_logical3A_1171 = arith.shrui %gather3A_1167, %and3A_1170 : vector<16xi32>
        %and3A_1172 = arith.constant 1 : i32
        %and3A_1173 = vector.broadcast %and3A_1172 : i32 to vector<16xi32>
        %and3A_1174 = arith.andi %shift_right_logical3A_1171, %and3A_1173 : vector<16xi32>
        %shift_left3A_1175 = arith.constant 1 : i32
        %shift_left3A_1176 = vector.broadcast %shift_left3A_1175 : i32 to vector<16xi32>
        %shift_left3A_1177 = arith.shli %or3A_1159, %shift_left3A_1176 : vector<16xi32>
        %or3A_1178 = arith.ori %shift_left3A_1177, %and3A_1174 : vector<16xi32>
        %add3A_1179 = arith.addi %sub3A_56, %or3A_1178 : vector<16xi32>
        %gather3A_1180 = tpu.vector_load_idx %arg7[%add3A_1179] : memref<32256xi32, #tpu.memory_space<vmem>>[vector<16xi32>], vector<16xi32>,
        %shift_right_arithmetic3A_1181 = arith.constant 4 : i32
        %shift_right_arithmetic3A_1182 = vector.broadcast %shift_right_arithmetic3A_1181 : i32 to vector<16xi32>
        %shift_right_arithmetic3A_1183 = arith.shrsi %gather3A_1180, %shift_right_arithmetic3A_1182 : vector<16xi32>
        %add3A_1184 = vector.broadcast %mul3A_1111 : i32 to vector<16xi32>
        %add3A_1185 = arith.addi %add3A_1184, %shift_right_arithmetic3A_1183 : vector<16xi32>
        %gather3A_1186 = tpu.vector_load_idx %arg6[%add3A_1185] : memref<32768xi32, #tpu.memory_space<vmem>>[vector<16xi32>], vector<16xi32>,
        %and3A_1187 = arith.constant 15 : i32
        %and3A_1188 = vector.broadcast %and3A_1187 : i32 to vector<16xi32>
        %and3A_1189 = arith.andi %gather3A_1180, %and3A_1188 : vector<16xi32>
        %shift_right_logical3A_1190 = arith.shrui %gather3A_1186, %and3A_1189 : vector<16xi32>
        %and3A_1191 = arith.constant 1 : i32
        %and3A_1192 = vector.broadcast %and3A_1191 : i32 to vector<16xi32>
        %and3A_1193 = arith.andi %shift_right_logical3A_1190, %and3A_1192 : vector<16xi32>
        %shift_left3A_1194 = arith.constant 1 : i32
        %shift_left3A_1195 = vector.broadcast %shift_left3A_1194 : i32 to vector<16xi32>
        %shift_left3A_1196 = arith.shli %or3A_1178, %shift_left3A_1195 : vector<16xi32>
        %or3A_1197 = arith.ori %shift_left3A_1196, %and3A_1193 : vector<16xi32>
        %add3A_1198 = arith.addi %sub3A_56, %or3A_1197 : vector<16xi32>
        %gather3A_1199 = tpu.vector_load_idx %arg7[%add3A_1198] : memref<32256xi32, #tpu.memory_space<vmem>>[vector<16xi32>], vector<16xi32>,
        %shift_right_arithmetic3A_1200 = arith.constant 4 : i32
        %shift_right_arithmetic3A_1201 = vector.broadcast %shift_right_arithmetic3A_1200 : i32 to vector<16xi32>
        %shift_right_arithmetic3A_1202 = arith.shrsi %gather3A_1199, %shift_right_arithmetic3A_1201 : vector<16xi32>
        %add3A_1203 = vector.broadcast %mul3A_1111 : i32 to vector<16xi32>
        %add3A_1204 = arith.addi %add3A_1203, %shift_right_arithmetic3A_1202 : vector<16xi32>
        %gather3A_1205 = tpu.vector_load_idx %arg6[%add3A_1204] : memref<32768xi32, #tpu.memory_space<vmem>>[vector<16xi32>], vector<16xi32>,
        %and3A_1206 = arith.constant 15 : i32
        %and3A_1207 = vector.broadcast %and3A_1206 : i32 to vector<16xi32>
        %and3A_1208 = arith.andi %gather3A_1199, %and3A_1207 : vector<16xi32>
        %shift_right_logical3A_1209 = arith.shrui %gather3A_1205, %and3A_1208 : vector<16xi32>
        %and3A_1210 = arith.constant 1 : i32
        %and3A_1211 = vector.broadcast %and3A_1210 : i32 to vector<16xi32>
        %and3A_1212 = arith.andi %shift_right_logical3A_1209, %and3A_1211 : vector<16xi32>
        %shift_left3A_1213 = arith.constant 1 : i32
        %shift_left3A_1214 = vector.broadcast %shift_left3A_1213 : i32 to vector<16xi32>
        %shift_left3A_1215 = arith.shli %or3A_1197, %shift_left3A_1214 : vector<16xi32>
        %or3A_1216 = arith.ori %shift_left3A_1215, %and3A_1212 : vector<16xi32>
        %add3A_1217 = arith.addi %mul3A_53, %or3A_1216 : vector<16xi32>
        %sub3A_1218 = arith.constant 64 : i32
        %sub3A_1219 = vector.broadcast %sub3A_1218 : i32 to vector<16xi32>
        %sub3A_1220 = arith.subi %add3A_1217, %sub3A_1219 : vector<16xi32>
        %gather3A_1221 = tpu.vector_load_idx %arg8[%sub3A_1220] : memref<32768xf32, #tpu.memory_space<vmem>>[vector<16xi32>], vector<16xf32>,
        %mul3A_1222 = arith.constant 32 : i32
        %mul3A_1223 = arith.muli %scan3A_22, %mul3A_1222 : i32
        %add3A_1224 = arith.constant 10 : i32
        %add3A_1225 = arith.addi %mul3A_1223, %add3A_1224 : i32
        %mul3A_1226 = arith.constant 128 : i32
        %mul3A_1227 = arith.muli %add3A_1225, %mul3A_1226 : i32
        %add3A_1228 = vector.broadcast %mul3A_1227 : i32 to vector<16xi32>
        %add3A_1229 = arith.addi %add3A_1228, %shift_right_arithmetic3A_61 : vector<16xi32>
        %gather3A_1230 = tpu.vector_load_idx %arg6[%add3A_1229] : memref<32768xi32, #tpu.memory_space<vmem>>[vector<16xi32>], vector<16xi32>,
        %shift_right_logical3A_1231 = arith.shrui %gather3A_1230, %and3A_64 : vector<16xi32>
        %and3A_1232 = arith.constant 1 : i32
        %and3A_1233 = vector.broadcast %and3A_1232 : i32 to vector<16xi32>
        %and3A_1234 = arith.andi %shift_right_logical3A_1231, %and3A_1233 : vector<16xi32>
        %add3A_1235 = arith.constant 2 : i32
        %add3A_1236 = vector.broadcast %add3A_1235 : i32 to vector<16xi32>
        %add3A_1237 = arith.addi %add3A_1236, %and3A_1234 : vector<16xi32>
        %add3A_1238 = arith.addi %sub3A_56, %add3A_1237 : vector<16xi32>
        %gather3A_1239 = tpu.vector_load_idx %arg7[%add3A_1238] : memref<32256xi32, #tpu.memory_space<vmem>>[vector<16xi32>], vector<16xi32>,
        %shift_right_arithmetic3A_1240 = arith.constant 4 : i32
        %shift_right_arithmetic3A_1241 = vector.broadcast %shift_right_arithmetic3A_1240 : i32 to vector<16xi32>
        %shift_right_arithmetic3A_1242 = arith.shrsi %gather3A_1239, %shift_right_arithmetic3A_1241 : vector<16xi32>
        %add3A_1243 = vector.broadcast %mul3A_1227 : i32 to vector<16xi32>
        %add3A_1244 = arith.addi %add3A_1243, %shift_right_arithmetic3A_1242 : vector<16xi32>
        %gather3A_1245 = tpu.vector_load_idx %arg6[%add3A_1244] : memref<32768xi32, #tpu.memory_space<vmem>>[vector<16xi32>], vector<16xi32>,
        %and3A_1246 = arith.constant 15 : i32
        %and3A_1247 = vector.broadcast %and3A_1246 : i32 to vector<16xi32>
        %and3A_1248 = arith.andi %gather3A_1239, %and3A_1247 : vector<16xi32>
        %shift_right_logical3A_1249 = arith.shrui %gather3A_1245, %and3A_1248 : vector<16xi32>
        %and3A_1250 = arith.constant 1 : i32
        %and3A_1251 = vector.broadcast %and3A_1250 : i32 to vector<16xi32>
        %and3A_1252 = arith.andi %shift_right_logical3A_1249, %and3A_1251 : vector<16xi32>
        %shift_left3A_1253 = arith.constant 1 : i32
        %shift_left3A_1254 = vector.broadcast %shift_left3A_1253 : i32 to vector<16xi32>
        %shift_left3A_1255 = arith.shli %add3A_1237, %shift_left3A_1254 : vector<16xi32>
        %or3A_1256 = arith.ori %shift_left3A_1255, %and3A_1252 : vector<16xi32>
        %add3A_1257 = arith.addi %sub3A_56, %or3A_1256 : vector<16xi32>
        %gather3A_1258 = tpu.vector_load_idx %arg7[%add3A_1257] : memref<32256xi32, #tpu.memory_space<vmem>>[vector<16xi32>], vector<16xi32>,
        %shift_right_arithmetic3A_1259 = arith.constant 4 : i32
        %shift_right_arithmetic3A_1260 = vector.broadcast %shift_right_arithmetic3A_1259 : i32 to vector<16xi32>
        %shift_right_arithmetic3A_1261 = arith.shrsi %gather3A_1258, %shift_right_arithmetic3A_1260 : vector<16xi32>
        %add3A_1262 = vector.broadcast %mul3A_1227 : i32 to vector<16xi32>
        %add3A_1263 = arith.addi %add3A_1262, %shift_right_arithmetic3A_1261 : vector<16xi32>
        %gather3A_1264 = tpu.vector_load_idx %arg6[%add3A_1263] : memref<32768xi32, #tpu.memory_space<vmem>>[vector<16xi32>], vector<16xi32>,
        %and3A_1265 = arith.constant 15 : i32
        %and3A_1266 = vector.broadcast %and3A_1265 : i32 to vector<16xi32>
        %and3A_1267 = arith.andi %gather3A_1258, %and3A_1266 : vector<16xi32>
        %shift_right_logical3A_1268 = arith.shrui %gather3A_1264, %and3A_1267 : vector<16xi32>
        %and3A_1269 = arith.constant 1 : i32
        %and3A_1270 = vector.broadcast %and3A_1269 : i32 to vector<16xi32>
        %and3A_1271 = arith.andi %shift_right_logical3A_1268, %and3A_1270 : vector<16xi32>
        %shift_left3A_1272 = arith.constant 1 : i32
        %shift_left3A_1273 = vector.broadcast %shift_left3A_1272 : i32 to vector<16xi32>
        %shift_left3A_1274 = arith.shli %or3A_1256, %shift_left3A_1273 : vector<16xi32>
        %or3A_1275 = arith.ori %shift_left3A_1274, %and3A_1271 : vector<16xi32>
        %add3A_1276 = arith.addi %sub3A_56, %or3A_1275 : vector<16xi32>
        %gather3A_1277 = tpu.vector_load_idx %arg7[%add3A_1276] : memref<32256xi32, #tpu.memory_space<vmem>>[vector<16xi32>], vector<16xi32>,
        %shift_right_arithmetic3A_1278 = arith.constant 4 : i32
        %shift_right_arithmetic3A_1279 = vector.broadcast %shift_right_arithmetic3A_1278 : i32 to vector<16xi32>
        %shift_right_arithmetic3A_1280 = arith.shrsi %gather3A_1277, %shift_right_arithmetic3A_1279 : vector<16xi32>
        %add3A_1281 = vector.broadcast %mul3A_1227 : i32 to vector<16xi32>
        %add3A_1282 = arith.addi %add3A_1281, %shift_right_arithmetic3A_1280 : vector<16xi32>
        %gather3A_1283 = tpu.vector_load_idx %arg6[%add3A_1282] : memref<32768xi32, #tpu.memory_space<vmem>>[vector<16xi32>], vector<16xi32>,
        %and3A_1284 = arith.constant 15 : i32
        %and3A_1285 = vector.broadcast %and3A_1284 : i32 to vector<16xi32>
        %and3A_1286 = arith.andi %gather3A_1277, %and3A_1285 : vector<16xi32>
        %shift_right_logical3A_1287 = arith.shrui %gather3A_1283, %and3A_1286 : vector<16xi32>
        %and3A_1288 = arith.constant 1 : i32
        %and3A_1289 = vector.broadcast %and3A_1288 : i32 to vector<16xi32>
        %and3A_1290 = arith.andi %shift_right_logical3A_1287, %and3A_1289 : vector<16xi32>
        %shift_left3A_1291 = arith.constant 1 : i32
        %shift_left3A_1292 = vector.broadcast %shift_left3A_1291 : i32 to vector<16xi32>
        %shift_left3A_1293 = arith.shli %or3A_1275, %shift_left3A_1292 : vector<16xi32>
        %or3A_1294 = arith.ori %shift_left3A_1293, %and3A_1290 : vector<16xi32>
        %add3A_1295 = arith.addi %sub3A_56, %or3A_1294 : vector<16xi32>
        %gather3A_1296 = tpu.vector_load_idx %arg7[%add3A_1295] : memref<32256xi32, #tpu.memory_space<vmem>>[vector<16xi32>], vector<16xi32>,
        %shift_right_arithmetic3A_1297 = arith.constant 4 : i32
        %shift_right_arithmetic3A_1298 = vector.broadcast %shift_right_arithmetic3A_1297 : i32 to vector<16xi32>
        %shift_right_arithmetic3A_1299 = arith.shrsi %gather3A_1296, %shift_right_arithmetic3A_1298 : vector<16xi32>
        %add3A_1300 = vector.broadcast %mul3A_1227 : i32 to vector<16xi32>
        %add3A_1301 = arith.addi %add3A_1300, %shift_right_arithmetic3A_1299 : vector<16xi32>
        %gather3A_1302 = tpu.vector_load_idx %arg6[%add3A_1301] : memref<32768xi32, #tpu.memory_space<vmem>>[vector<16xi32>], vector<16xi32>,
        %and3A_1303 = arith.constant 15 : i32
        %and3A_1304 = vector.broadcast %and3A_1303 : i32 to vector<16xi32>
        %and3A_1305 = arith.andi %gather3A_1296, %and3A_1304 : vector<16xi32>
        %shift_right_logical3A_1306 = arith.shrui %gather3A_1302, %and3A_1305 : vector<16xi32>
        %and3A_1307 = arith.constant 1 : i32
        %and3A_1308 = vector.broadcast %and3A_1307 : i32 to vector<16xi32>
        %and3A_1309 = arith.andi %shift_right_logical3A_1306, %and3A_1308 : vector<16xi32>
        %shift_left3A_1310 = arith.constant 1 : i32
        %shift_left3A_1311 = vector.broadcast %shift_left3A_1310 : i32 to vector<16xi32>
        %shift_left3A_1312 = arith.shli %or3A_1294, %shift_left3A_1311 : vector<16xi32>
        %or3A_1313 = arith.ori %shift_left3A_1312, %and3A_1309 : vector<16xi32>
        %add3A_1314 = arith.addi %sub3A_56, %or3A_1313 : vector<16xi32>
        %gather3A_1315 = tpu.vector_load_idx %arg7[%add3A_1314] : memref<32256xi32, #tpu.memory_space<vmem>>[vector<16xi32>], vector<16xi32>,
        %shift_right_arithmetic3A_1316 = arith.constant 4 : i32
        %shift_right_arithmetic3A_1317 = vector.broadcast %shift_right_arithmetic3A_1316 : i32 to vector<16xi32>
        %shift_right_arithmetic3A_1318 = arith.shrsi %gather3A_1315, %shift_right_arithmetic3A_1317 : vector<16xi32>
        %add3A_1319 = vector.broadcast %mul3A_1227 : i32 to vector<16xi32>
        %add3A_1320 = arith.addi %add3A_1319, %shift_right_arithmetic3A_1318 : vector<16xi32>
        %gather3A_1321 = tpu.vector_load_idx %arg6[%add3A_1320] : memref<32768xi32, #tpu.memory_space<vmem>>[vector<16xi32>], vector<16xi32>,
        %and3A_1322 = arith.constant 15 : i32
        %and3A_1323 = vector.broadcast %and3A_1322 : i32 to vector<16xi32>
        %and3A_1324 = arith.andi %gather3A_1315, %and3A_1323 : vector<16xi32>
        %shift_right_logical3A_1325 = arith.shrui %gather3A_1321, %and3A_1324 : vector<16xi32>
        %and3A_1326 = arith.constant 1 : i32
        %and3A_1327 = vector.broadcast %and3A_1326 : i32 to vector<16xi32>
        %and3A_1328 = arith.andi %shift_right_logical3A_1325, %and3A_1327 : vector<16xi32>
        %shift_left3A_1329 = arith.constant 1 : i32
        %shift_left3A_1330 = vector.broadcast %shift_left3A_1329 : i32 to vector<16xi32>
        %shift_left3A_1331 = arith.shli %or3A_1313, %shift_left3A_1330 : vector<16xi32>
        %or3A_1332 = arith.ori %shift_left3A_1331, %and3A_1328 : vector<16xi32>
        %add3A_1333 = arith.addi %mul3A_53, %or3A_1332 : vector<16xi32>
        %sub3A_1334 = arith.constant 64 : i32
        %sub3A_1335 = vector.broadcast %sub3A_1334 : i32 to vector<16xi32>
        %sub3A_1336 = arith.subi %add3A_1333, %sub3A_1335 : vector<16xi32>
        %gather3A_1337 = tpu.vector_load_idx %arg8[%sub3A_1336] : memref<32768xf32, #tpu.memory_space<vmem>>[vector<16xi32>], vector<16xf32>,
        %mul3A_1338 = arith.constant 32 : i32
        %mul3A_1339 = arith.muli %scan3A_22, %mul3A_1338 : i32
        %add3A_1340 = arith.constant 11 : i32
        %add3A_1341 = arith.addi %mul3A_1339, %add3A_1340 : i32
        %mul3A_1342 = arith.constant 128 : i32
        %mul3A_1343 = arith.muli %add3A_1341, %mul3A_1342 : i32
        %add3A_1344 = vector.broadcast %mul3A_1343 : i32 to vector<16xi32>
        %add3A_1345 = arith.addi %add3A_1344, %shift_right_arithmetic3A_61 : vector<16xi32>
        %gather3A_1346 = tpu.vector_load_idx %arg6[%add3A_1345] : memref<32768xi32, #tpu.memory_space<vmem>>[vector<16xi32>], vector<16xi32>,
        %shift_right_logical3A_1347 = arith.shrui %gather3A_1346, %and3A_64 : vector<16xi32>
        %and3A_1348 = arith.constant 1 : i32
        %and3A_1349 = vector.broadcast %and3A_1348 : i32 to vector<16xi32>
        %and3A_1350 = arith.andi %shift_right_logical3A_1347, %and3A_1349 : vector<16xi32>
        %add3A_1351 = arith.constant 2 : i32
        %add3A_1352 = vector.broadcast %add3A_1351 : i32 to vector<16xi32>
        %add3A_1353 = arith.addi %add3A_1352, %and3A_1350 : vector<16xi32>
        %add3A_1354 = arith.addi %sub3A_56, %add3A_1353 : vector<16xi32>
        %gather3A_1355 = tpu.vector_load_idx %arg7[%add3A_1354] : memref<32256xi32, #tpu.memory_space<vmem>>[vector<16xi32>], vector<16xi32>,
        %shift_right_arithmetic3A_1356 = arith.constant 4 : i32
        %shift_right_arithmetic3A_1357 = vector.broadcast %shift_right_arithmetic3A_1356 : i32 to vector<16xi32>
        %shift_right_arithmetic3A_1358 = arith.shrsi %gather3A_1355, %shift_right_arithmetic3A_1357 : vector<16xi32>
        %add3A_1359 = vector.broadcast %mul3A_1343 : i32 to vector<16xi32>
        %add3A_1360 = arith.addi %add3A_1359, %shift_right_arithmetic3A_1358 : vector<16xi32>
        %gather3A_1361 = tpu.vector_load_idx %arg6[%add3A_1360] : memref<32768xi32, #tpu.memory_space<vmem>>[vector<16xi32>], vector<16xi32>,
        %and3A_1362 = arith.constant 15 : i32
        %and3A_1363 = vector.broadcast %and3A_1362 : i32 to vector<16xi32>
        %and3A_1364 = arith.andi %gather3A_1355, %and3A_1363 : vector<16xi32>
        %shift_right_logical3A_1365 = arith.shrui %gather3A_1361, %and3A_1364 : vector<16xi32>
        %and3A_1366 = arith.constant 1 : i32
        %and3A_1367 = vector.broadcast %and3A_1366 : i32 to vector<16xi32>
        %and3A_1368 = arith.andi %shift_right_logical3A_1365, %and3A_1367 : vector<16xi32>
        %shift_left3A_1369 = arith.constant 1 : i32
        %shift_left3A_1370 = vector.broadcast %shift_left3A_1369 : i32 to vector<16xi32>
        %shift_left3A_1371 = arith.shli %add3A_1353, %shift_left3A_1370 : vector<16xi32>
        %or3A_1372 = arith.ori %shift_left3A_1371, %and3A_1368 : vector<16xi32>
        %add3A_1373 = arith.addi %sub3A_56, %or3A_1372 : vector<16xi32>
        %gather3A_1374 = tpu.vector_load_idx %arg7[%add3A_1373] : memref<32256xi32, #tpu.memory_space<vmem>>[vector<16xi32>], vector<16xi32>,
        %shift_right_arithmetic3A_1375 = arith.constant 4 : i32
        %shift_right_arithmetic3A_1376 = vector.broadcast %shift_right_arithmetic3A_1375 : i32 to vector<16xi32>
        %shift_right_arithmetic3A_1377 = arith.shrsi %gather3A_1374, %shift_right_arithmetic3A_1376 : vector<16xi32>
        %add3A_1378 = vector.broadcast %mul3A_1343 : i32 to vector<16xi32>
        %add3A_1379 = arith.addi %add3A_1378, %shift_right_arithmetic3A_1377 : vector<16xi32>
        %gather3A_1380 = tpu.vector_load_idx %arg6[%add3A_1379] : memref<32768xi32, #tpu.memory_space<vmem>>[vector<16xi32>], vector<16xi32>,
        %and3A_1381 = arith.constant 15 : i32
        %and3A_1382 = vector.broadcast %and3A_1381 : i32 to vector<16xi32>
        %and3A_1383 = arith.andi %gather3A_1374, %and3A_1382 : vector<16xi32>
        %shift_right_logical3A_1384 = arith.shrui %gather3A_1380, %and3A_1383 : vector<16xi32>
        %and3A_1385 = arith.constant 1 : i32
        %and3A_1386 = vector.broadcast %and3A_1385 : i32 to vector<16xi32>
        %and3A_1387 = arith.andi %shift_right_logical3A_1384, %and3A_1386 : vector<16xi32>
        %shift_left3A_1388 = arith.constant 1 : i32
        %shift_left3A_1389 = vector.broadcast %shift_left3A_1388 : i32 to vector<16xi32>
        %shift_left3A_1390 = arith.shli %or3A_1372, %shift_left3A_1389 : vector<16xi32>
        %or3A_1391 = arith.ori %shift_left3A_1390, %and3A_1387 : vector<16xi32>
        %add3A_1392 = arith.addi %sub3A_56, %or3A_1391 : vector<16xi32>
        %gather3A_1393 = tpu.vector_load_idx %arg7[%add3A_1392] : memref<32256xi32, #tpu.memory_space<vmem>>[vector<16xi32>], vector<16xi32>,
        %shift_right_arithmetic3A_1394 = arith.constant 4 : i32
        %shift_right_arithmetic3A_1395 = vector.broadcast %shift_right_arithmetic3A_1394 : i32 to vector<16xi32>
        %shift_right_arithmetic3A_1396 = arith.shrsi %gather3A_1393, %shift_right_arithmetic3A_1395 : vector<16xi32>
        %add3A_1397 = vector.broadcast %mul3A_1343 : i32 to vector<16xi32>
        %add3A_1398 = arith.addi %add3A_1397, %shift_right_arithmetic3A_1396 : vector<16xi32>
        %gather3A_1399 = tpu.vector_load_idx %arg6[%add3A_1398] : memref<32768xi32, #tpu.memory_space<vmem>>[vector<16xi32>], vector<16xi32>,
        %and3A_1400 = arith.constant 15 : i32
        %and3A_1401 = vector.broadcast %and3A_1400 : i32 to vector<16xi32>
        %and3A_1402 = arith.andi %gather3A_1393, %and3A_1401 : vector<16xi32>
        %shift_right_logical3A_1403 = arith.shrui %gather3A_1399, %and3A_1402 : vector<16xi32>
        %and3A_1404 = arith.constant 1 : i32
        %and3A_1405 = vector.broadcast %and3A_1404 : i32 to vector<16xi32>
        %and3A_1406 = arith.andi %shift_right_logical3A_1403, %and3A_1405 : vector<16xi32>
        %shift_left3A_1407 = arith.constant 1 : i32
        %shift_left3A_1408 = vector.broadcast %shift_left3A_1407 : i32 to vector<16xi32>
        %shift_left3A_1409 = arith.shli %or3A_1391, %shift_left3A_1408 : vector<16xi32>
        %or3A_1410 = arith.ori %shift_left3A_1409, %and3A_1406 : vector<16xi32>
        %add3A_1411 = arith.addi %sub3A_56, %or3A_1410 : vector<16xi32>
        %gather3A_1412 = tpu.vector_load_idx %arg7[%add3A_1411] : memref<32256xi32, #tpu.memory_space<vmem>>[vector<16xi32>], vector<16xi32>,
        %shift_right_arithmetic3A_1413 = arith.constant 4 : i32
        %shift_right_arithmetic3A_1414 = vector.broadcast %shift_right_arithmetic3A_1413 : i32 to vector<16xi32>
        %shift_right_arithmetic3A_1415 = arith.shrsi %gather3A_1412, %shift_right_arithmetic3A_1414 : vector<16xi32>
        %add3A_1416 = vector.broadcast %mul3A_1343 : i32 to vector<16xi32>
        %add3A_1417 = arith.addi %add3A_1416, %shift_right_arithmetic3A_1415 : vector<16xi32>
        %gather3A_1418 = tpu.vector_load_idx %arg6[%add3A_1417] : memref<32768xi32, #tpu.memory_space<vmem>>[vector<16xi32>], vector<16xi32>,
        %and3A_1419 = arith.constant 15 : i32
        %and3A_1420 = vector.broadcast %and3A_1419 : i32 to vector<16xi32>
        %and3A_1421 = arith.andi %gather3A_1412, %and3A_1420 : vector<16xi32>
        %shift_right_logical3A_1422 = arith.shrui %gather3A_1418, %and3A_1421 : vector<16xi32>
        %and3A_1423 = arith.constant 1 : i32
        %and3A_1424 = vector.broadcast %and3A_1423 : i32 to vector<16xi32>
        %and3A_1425 = arith.andi %shift_right_logical3A_1422, %and3A_1424 : vector<16xi32>
        %shift_left3A_1426 = arith.constant 1 : i32
        %shift_left3A_1427 = vector.broadcast %shift_left3A_1426 : i32 to vector<16xi32>
        %shift_left3A_1428 = arith.shli %or3A_1410, %shift_left3A_1427 : vector<16xi32>
        %or3A_1429 = arith.ori %shift_left3A_1428, %and3A_1425 : vector<16xi32>
        %add3A_1430 = arith.addi %sub3A_56, %or3A_1429 : vector<16xi32>
        %gather3A_1431 = tpu.vector_load_idx %arg7[%add3A_1430] : memref<32256xi32, #tpu.memory_space<vmem>>[vector<16xi32>], vector<16xi32>,
        %shift_right_arithmetic3A_1432 = arith.constant 4 : i32
        %shift_right_arithmetic3A_1433 = vector.broadcast %shift_right_arithmetic3A_1432 : i32 to vector<16xi32>
        %shift_right_arithmetic3A_1434 = arith.shrsi %gather3A_1431, %shift_right_arithmetic3A_1433 : vector<16xi32>
        %add3A_1435 = vector.broadcast %mul3A_1343 : i32 to vector<16xi32>
        %add3A_1436 = arith.addi %add3A_1435, %shift_right_arithmetic3A_1434 : vector<16xi32>
        %gather3A_1437 = tpu.vector_load_idx %arg6[%add3A_1436] : memref<32768xi32, #tpu.memory_space<vmem>>[vector<16xi32>], vector<16xi32>,
        %and3A_1438 = arith.constant 15 : i32
        %and3A_1439 = vector.broadcast %and3A_1438 : i32 to vector<16xi32>
        %and3A_1440 = arith.andi %gather3A_1431, %and3A_1439 : vector<16xi32>
        %shift_right_logical3A_1441 = arith.shrui %gather3A_1437, %and3A_1440 : vector<16xi32>
        %and3A_1442 = arith.constant 1 : i32
        %and3A_1443 = vector.broadcast %and3A_1442 : i32 to vector<16xi32>
        %and3A_1444 = arith.andi %shift_right_logical3A_1441, %and3A_1443 : vector<16xi32>
        %shift_left3A_1445 = arith.constant 1 : i32
        %shift_left3A_1446 = vector.broadcast %shift_left3A_1445 : i32 to vector<16xi32>
        %shift_left3A_1447 = arith.shli %or3A_1429, %shift_left3A_1446 : vector<16xi32>
        %or3A_1448 = arith.ori %shift_left3A_1447, %and3A_1444 : vector<16xi32>
        %add3A_1449 = arith.addi %mul3A_53, %or3A_1448 : vector<16xi32>
        %sub3A_1450 = arith.constant 64 : i32
        %sub3A_1451 = vector.broadcast %sub3A_1450 : i32 to vector<16xi32>
        %sub3A_1452 = arith.subi %add3A_1449, %sub3A_1451 : vector<16xi32>
        %gather3A_1453 = tpu.vector_load_idx %arg8[%sub3A_1452] : memref<32768xf32, #tpu.memory_space<vmem>>[vector<16xi32>], vector<16xf32>,
        %mul3A_1454 = arith.constant 32 : i32
        %mul3A_1455 = arith.muli %scan3A_22, %mul3A_1454 : i32
        %add3A_1456 = arith.constant 12 : i32
        %add3A_1457 = arith.addi %mul3A_1455, %add3A_1456 : i32
        %mul3A_1458 = arith.constant 128 : i32
        %mul3A_1459 = arith.muli %add3A_1457, %mul3A_1458 : i32
        %add3A_1460 = vector.broadcast %mul3A_1459 : i32 to vector<16xi32>
        %add3A_1461 = arith.addi %add3A_1460, %shift_right_arithmetic3A_61 : vector<16xi32>
        %gather3A_1462 = tpu.vector_load_idx %arg6[%add3A_1461] : memref<32768xi32, #tpu.memory_space<vmem>>[vector<16xi32>], vector<16xi32>,
        %shift_right_logical3A_1463 = arith.shrui %gather3A_1462, %and3A_64 : vector<16xi32>
        %and3A_1464 = arith.constant 1 : i32
        %and3A_1465 = vector.broadcast %and3A_1464 : i32 to vector<16xi32>
        %and3A_1466 = arith.andi %shift_right_logical3A_1463, %and3A_1465 : vector<16xi32>
        %add3A_1467 = arith.constant 2 : i32
        %add3A_1468 = vector.broadcast %add3A_1467 : i32 to vector<16xi32>
        %add3A_1469 = arith.addi %add3A_1468, %and3A_1466 : vector<16xi32>
        %add3A_1470 = arith.addi %sub3A_56, %add3A_1469 : vector<16xi32>
        %gather3A_1471 = tpu.vector_load_idx %arg7[%add3A_1470] : memref<32256xi32, #tpu.memory_space<vmem>>[vector<16xi32>], vector<16xi32>,
        %shift_right_arithmetic3A_1472 = arith.constant 4 : i32
        %shift_right_arithmetic3A_1473 = vector.broadcast %shift_right_arithmetic3A_1472 : i32 to vector<16xi32>
        %shift_right_arithmetic3A_1474 = arith.shrsi %gather3A_1471, %shift_right_arithmetic3A_1473 : vector<16xi32>
        %add3A_1475 = vector.broadcast %mul3A_1459 : i32 to vector<16xi32>
        %add3A_1476 = arith.addi %add3A_1475, %shift_right_arithmetic3A_1474 : vector<16xi32>
        %gather3A_1477 = tpu.vector_load_idx %arg6[%add3A_1476] : memref<32768xi32, #tpu.memory_space<vmem>>[vector<16xi32>], vector<16xi32>,
        %and3A_1478 = arith.constant 15 : i32
        %and3A_1479 = vector.broadcast %and3A_1478 : i32 to vector<16xi32>
        %and3A_1480 = arith.andi %gather3A_1471, %and3A_1479 : vector<16xi32>
        %shift_right_logical3A_1481 = arith.shrui %gather3A_1477, %and3A_1480 : vector<16xi32>
        %and3A_1482 = arith.constant 1 : i32
        %and3A_1483 = vector.broadcast %and3A_1482 : i32 to vector<16xi32>
        %and3A_1484 = arith.andi %shift_right_logical3A_1481, %and3A_1483 : vector<16xi32>
        %shift_left3A_1485 = arith.constant 1 : i32
        %shift_left3A_1486 = vector.broadcast %shift_left3A_1485 : i32 to vector<16xi32>
        %shift_left3A_1487 = arith.shli %add3A_1469, %shift_left3A_1486 : vector<16xi32>
        %or3A_1488 = arith.ori %shift_left3A_1487, %and3A_1484 : vector<16xi32>
        %add3A_1489 = arith.addi %sub3A_56, %or3A_1488 : vector<16xi32>
        %gather3A_1490 = tpu.vector_load_idx %arg7[%add3A_1489] : memref<32256xi32, #tpu.memory_space<vmem>>[vector<16xi32>], vector<16xi32>,
        %shift_right_arithmetic3A_1491 = arith.constant 4 : i32
        %shift_right_arithmetic3A_1492 = vector.broadcast %shift_right_arithmetic3A_1491 : i32 to vector<16xi32>
        %shift_right_arithmetic3A_1493 = arith.shrsi %gather3A_1490, %shift_right_arithmetic3A_1492 : vector<16xi32>
        %add3A_1494 = vector.broadcast %mul3A_1459 : i32 to vector<16xi32>
        %add3A_1495 = arith.addi %add3A_1494, %shift_right_arithmetic3A_1493 : vector<16xi32>
        %gather3A_1496 = tpu.vector_load_idx %arg6[%add3A_1495] : memref<32768xi32, #tpu.memory_space<vmem>>[vector<16xi32>], vector<16xi32>,
        %and3A_1497 = arith.constant 15 : i32
        %and3A_1498 = vector.broadcast %and3A_1497 : i32 to vector<16xi32>
        %and3A_1499 = arith.andi %gather3A_1490, %and3A_1498 : vector<16xi32>
        %shift_right_logical3A_1500 = arith.shrui %gather3A_1496, %and3A_1499 : vector<16xi32>
        %and3A_1501 = arith.constant 1 : i32
        %and3A_1502 = vector.broadcast %and3A_1501 : i32 to vector<16xi32>
        %and3A_1503 = arith.andi %shift_right_logical3A_1500, %and3A_1502 : vector<16xi32>
        %shift_left3A_1504 = arith.constant 1 : i32
        %shift_left3A_1505 = vector.broadcast %shift_left3A_1504 : i32 to vector<16xi32>
        %shift_left3A_1506 = arith.shli %or3A_1488, %shift_left3A_1505 : vector<16xi32>
        %or3A_1507 = arith.ori %shift_left3A_1506, %and3A_1503 : vector<16xi32>
        %add3A_1508 = arith.addi %sub3A_56, %or3A_1507 : vector<16xi32>
        %gather3A_1509 = tpu.vector_load_idx %arg7[%add3A_1508] : memref<32256xi32, #tpu.memory_space<vmem>>[vector<16xi32>], vector<16xi32>,
        %shift_right_arithmetic3A_1510 = arith.constant 4 : i32
        %shift_right_arithmetic3A_1511 = vector.broadcast %shift_right_arithmetic3A_1510 : i32 to vector<16xi32>
        %shift_right_arithmetic3A_1512 = arith.shrsi %gather3A_1509, %shift_right_arithmetic3A_1511 : vector<16xi32>
        %add3A_1513 = vector.broadcast %mul3A_1459 : i32 to vector<16xi32>
        %add3A_1514 = arith.addi %add3A_1513, %shift_right_arithmetic3A_1512 : vector<16xi32>
        %gather3A_1515 = tpu.vector_load_idx %arg6[%add3A_1514] : memref<32768xi32, #tpu.memory_space<vmem>>[vector<16xi32>], vector<16xi32>,
        %and3A_1516 = arith.constant 15 : i32
        %and3A_1517 = vector.broadcast %and3A_1516 : i32 to vector<16xi32>
        %and3A_1518 = arith.andi %gather3A_1509, %and3A_1517 : vector<16xi32>
        %shift_right_logical3A_1519 = arith.shrui %gather3A_1515, %and3A_1518 : vector<16xi32>
        %and3A_1520 = arith.constant 1 : i32
        %and3A_1521 = vector.broadcast %and3A_1520 : i32 to vector<16xi32>
        %and3A_1522 = arith.andi %shift_right_logical3A_1519, %and3A_1521 : vector<16xi32>
        %shift_left3A_1523 = arith.constant 1 : i32
        %shift_left3A_1524 = vector.broadcast %shift_left3A_1523 : i32 to vector<16xi32>
        %shift_left3A_1525 = arith.shli %or3A_1507, %shift_left3A_1524 : vector<16xi32>
        %or3A_1526 = arith.ori %shift_left3A_1525, %and3A_1522 : vector<16xi32>
        %add3A_1527 = arith.addi %sub3A_56, %or3A_1526 : vector<16xi32>
        %gather3A_1528 = tpu.vector_load_idx %arg7[%add3A_1527] : memref<32256xi32, #tpu.memory_space<vmem>>[vector<16xi32>], vector<16xi32>,
        %shift_right_arithmetic3A_1529 = arith.constant 4 : i32
        %shift_right_arithmetic3A_1530 = vector.broadcast %shift_right_arithmetic3A_1529 : i32 to vector<16xi32>
        %shift_right_arithmetic3A_1531 = arith.shrsi %gather3A_1528, %shift_right_arithmetic3A_1530 : vector<16xi32>
        %add3A_1532 = vector.broadcast %mul3A_1459 : i32 to vector<16xi32>
        %add3A_1533 = arith.addi %add3A_1532, %shift_right_arithmetic3A_1531 : vector<16xi32>
        %gather3A_1534 = tpu.vector_load_idx %arg6[%add3A_1533] : memref<32768xi32, #tpu.memory_space<vmem>>[vector<16xi32>], vector<16xi32>,
        %and3A_1535 = arith.constant 15 : i32
        %and3A_1536 = vector.broadcast %and3A_1535 : i32 to vector<16xi32>
        %and3A_1537 = arith.andi %gather3A_1528, %and3A_1536 : vector<16xi32>
        %shift_right_logical3A_1538 = arith.shrui %gather3A_1534, %and3A_1537 : vector<16xi32>
        %and3A_1539 = arith.constant 1 : i32
        %and3A_1540 = vector.broadcast %and3A_1539 : i32 to vector<16xi32>
        %and3A_1541 = arith.andi %shift_right_logical3A_1538, %and3A_1540 : vector<16xi32>
        %shift_left3A_1542 = arith.constant 1 : i32
        %shift_left3A_1543 = vector.broadcast %shift_left3A_1542 : i32 to vector<16xi32>
        %shift_left3A_1544 = arith.shli %or3A_1526, %shift_left3A_1543 : vector<16xi32>
        %or3A_1545 = arith.ori %shift_left3A_1544, %and3A_1541 : vector<16xi32>
        %add3A_1546 = arith.addi %sub3A_56, %or3A_1545 : vector<16xi32>
        %gather3A_1547 = tpu.vector_load_idx %arg7[%add3A_1546] : memref<32256xi32, #tpu.memory_space<vmem>>[vector<16xi32>], vector<16xi32>,
        %shift_right_arithmetic3A_1548 = arith.constant 4 : i32
        %shift_right_arithmetic3A_1549 = vector.broadcast %shift_right_arithmetic3A_1548 : i32 to vector<16xi32>
        %shift_right_arithmetic3A_1550 = arith.shrsi %gather3A_1547, %shift_right_arithmetic3A_1549 : vector<16xi32>
        %add3A_1551 = vector.broadcast %mul3A_1459 : i32 to vector<16xi32>
        %add3A_1552 = arith.addi %add3A_1551, %shift_right_arithmetic3A_1550 : vector<16xi32>
        %gather3A_1553 = tpu.vector_load_idx %arg6[%add3A_1552] : memref<32768xi32, #tpu.memory_space<vmem>>[vector<16xi32>], vector<16xi32>,
        %and3A_1554 = arith.constant 15 : i32
        %and3A_1555 = vector.broadcast %and3A_1554 : i32 to vector<16xi32>
        %and3A_1556 = arith.andi %gather3A_1547, %and3A_1555 : vector<16xi32>
        %shift_right_logical3A_1557 = arith.shrui %gather3A_1553, %and3A_1556 : vector<16xi32>
        %and3A_1558 = arith.constant 1 : i32
        %and3A_1559 = vector.broadcast %and3A_1558 : i32 to vector<16xi32>
        %and3A_1560 = arith.andi %shift_right_logical3A_1557, %and3A_1559 : vector<16xi32>
        %shift_left3A_1561 = arith.constant 1 : i32
        %shift_left3A_1562 = vector.broadcast %shift_left3A_1561 : i32 to vector<16xi32>
        %shift_left3A_1563 = arith.shli %or3A_1545, %shift_left3A_1562 : vector<16xi32>
        %or3A_1564 = arith.ori %shift_left3A_1563, %and3A_1560 : vector<16xi32>
        %add3A_1565 = arith.addi %mul3A_53, %or3A_1564 : vector<16xi32>
        %sub3A_1566 = arith.constant 64 : i32
        %sub3A_1567 = vector.broadcast %sub3A_1566 : i32 to vector<16xi32>
        %sub3A_1568 = arith.subi %add3A_1565, %sub3A_1567 : vector<16xi32>
        %gather3A_1569 = tpu.vector_load_idx %arg8[%sub3A_1568] : memref<32768xf32, #tpu.memory_space<vmem>>[vector<16xi32>], vector<16xf32>,
        %mul3A_1570 = arith.constant 32 : i32
        %mul3A_1571 = arith.muli %scan3A_22, %mul3A_1570 : i32
        %add3A_1572 = arith.constant 13 : i32
        %add3A_1573 = arith.addi %mul3A_1571, %add3A_1572 : i32
        %mul3A_1574 = arith.constant 128 : i32
        %mul3A_1575 = arith.muli %add3A_1573, %mul3A_1574 : i32
        %add3A_1576 = vector.broadcast %mul3A_1575 : i32 to vector<16xi32>
        %add3A_1577 = arith.addi %add3A_1576, %shift_right_arithmetic3A_61 : vector<16xi32>
        %gather3A_1578 = tpu.vector_load_idx %arg6[%add3A_1577] : memref<32768xi32, #tpu.memory_space<vmem>>[vector<16xi32>], vector<16xi32>,
        %shift_right_logical3A_1579 = arith.shrui %gather3A_1578, %and3A_64 : vector<16xi32>
        %and3A_1580 = arith.constant 1 : i32
        %and3A_1581 = vector.broadcast %and3A_1580 : i32 to vector<16xi32>
        %and3A_1582 = arith.andi %shift_right_logical3A_1579, %and3A_1581 : vector<16xi32>
        %add3A_1583 = arith.constant 2 : i32
        %add3A_1584 = vector.broadcast %add3A_1583 : i32 to vector<16xi32>
        %add3A_1585 = arith.addi %add3A_1584, %and3A_1582 : vector<16xi32>
        %add3A_1586 = arith.addi %sub3A_56, %add3A_1585 : vector<16xi32>
        %gather3A_1587 = tpu.vector_load_idx %arg7[%add3A_1586] : memref<32256xi32, #tpu.memory_space<vmem>>[vector<16xi32>], vector<16xi32>,
        %shift_right_arithmetic3A_1588 = arith.constant 4 : i32
        %shift_right_arithmetic3A_1589 = vector.broadcast %shift_right_arithmetic3A_1588 : i32 to vector<16xi32>
        %shift_right_arithmetic3A_1590 = arith.shrsi %gather3A_1587, %shift_right_arithmetic3A_1589 : vector<16xi32>
        %add3A_1591 = vector.broadcast %mul3A_1575 : i32 to vector<16xi32>
        %add3A_1592 = arith.addi %add3A_1591, %shift_right_arithmetic3A_1590 : vector<16xi32>
        %gather3A_1593 = tpu.vector_load_idx %arg6[%add3A_1592] : memref<32768xi32, #tpu.memory_space<vmem>>[vector<16xi32>], vector<16xi32>,
        %and3A_1594 = arith.constant 15 : i32
        %and3A_1595 = vector.broadcast %and3A_1594 : i32 to vector<16xi32>
        %and3A_1596 = arith.andi %gather3A_1587, %and3A_1595 : vector<16xi32>
        %shift_right_logical3A_1597 = arith.shrui %gather3A_1593, %and3A_1596 : vector<16xi32>
        %and3A_1598 = arith.constant 1 : i32
        %and3A_1599 = vector.broadcast %and3A_1598 : i32 to vector<16xi32>
        %and3A_1600 = arith.andi %shift_right_logical3A_1597, %and3A_1599 : vector<16xi32>
        %shift_left3A_1601 = arith.constant 1 : i32
        %shift_left3A_1602 = vector.broadcast %shift_left3A_1601 : i32 to vector<16xi32>
        %shift_left3A_1603 = arith.shli %add3A_1585, %shift_left3A_1602 : vector<16xi32>
        %or3A_1604 = arith.ori %shift_left3A_1603, %and3A_1600 : vector<16xi32>
        %add3A_1605 = arith.addi %sub3A_56, %or3A_1604 : vector<16xi32>
        %gather3A_1606 = tpu.vector_load_idx %arg7[%add3A_1605] : memref<32256xi32, #tpu.memory_space<vmem>>[vector<16xi32>], vector<16xi32>,
        %shift_right_arithmetic3A_1607 = arith.constant 4 : i32
        %shift_right_arithmetic3A_1608 = vector.broadcast %shift_right_arithmetic3A_1607 : i32 to vector<16xi32>
        %shift_right_arithmetic3A_1609 = arith.shrsi %gather3A_1606, %shift_right_arithmetic3A_1608 : vector<16xi32>
        %add3A_1610 = vector.broadcast %mul3A_1575 : i32 to vector<16xi32>
        %add3A_1611 = arith.addi %add3A_1610, %shift_right_arithmetic3A_1609 : vector<16xi32>
        %gather3A_1612 = tpu.vector_load_idx %arg6[%add3A_1611] : memref<32768xi32, #tpu.memory_space<vmem>>[vector<16xi32>], vector<16xi32>,
        %and3A_1613 = arith.constant 15 : i32
        %and3A_1614 = vector.broadcast %and3A_1613 : i32 to vector<16xi32>
        %and3A_1615 = arith.andi %gather3A_1606, %and3A_1614 : vector<16xi32>
        %shift_right_logical3A_1616 = arith.shrui %gather3A_1612, %and3A_1615 : vector<16xi32>
        %and3A_1617 = arith.constant 1 : i32
        %and3A_1618 = vector.broadcast %and3A_1617 : i32 to vector<16xi32>
        %and3A_1619 = arith.andi %shift_right_logical3A_1616, %and3A_1618 : vector<16xi32>
        %shift_left3A_1620 = arith.constant 1 : i32
        %shift_left3A_1621 = vector.broadcast %shift_left3A_1620 : i32 to vector<16xi32>
        %shift_left3A_1622 = arith.shli %or3A_1604, %shift_left3A_1621 : vector<16xi32>
        %or3A_1623 = arith.ori %shift_left3A_1622, %and3A_1619 : vector<16xi32>
        %add3A_1624 = arith.addi %sub3A_56, %or3A_1623 : vector<16xi32>
        %gather3A_1625 = tpu.vector_load_idx %arg7[%add3A_1624] : memref<32256xi32, #tpu.memory_space<vmem>>[vector<16xi32>], vector<16xi32>,
        %shift_right_arithmetic3A_1626 = arith.constant 4 : i32
        %shift_right_arithmetic3A_1627 = vector.broadcast %shift_right_arithmetic3A_1626 : i32 to vector<16xi32>
        %shift_right_arithmetic3A_1628 = arith.shrsi %gather3A_1625, %shift_right_arithmetic3A_1627 : vector<16xi32>
        %add3A_1629 = vector.broadcast %mul3A_1575 : i32 to vector<16xi32>
        %add3A_1630 = arith.addi %add3A_1629, %shift_right_arithmetic3A_1628 : vector<16xi32>
        %gather3A_1631 = tpu.vector_load_idx %arg6[%add3A_1630] : memref<32768xi32, #tpu.memory_space<vmem>>[vector<16xi32>], vector<16xi32>,
        %and3A_1632 = arith.constant 15 : i32
        %and3A_1633 = vector.broadcast %and3A_1632 : i32 to vector<16xi32>
        %and3A_1634 = arith.andi %gather3A_1625, %and3A_1633 : vector<16xi32>
        %shift_right_logical3A_1635 = arith.shrui %gather3A_1631, %and3A_1634 : vector<16xi32>
        %and3A_1636 = arith.constant 1 : i32
        %and3A_1637 = vector.broadcast %and3A_1636 : i32 to vector<16xi32>
        %and3A_1638 = arith.andi %shift_right_logical3A_1635, %and3A_1637 : vector<16xi32>
        %shift_left3A_1639 = arith.constant 1 : i32
        %shift_left3A_1640 = vector.broadcast %shift_left3A_1639 : i32 to vector<16xi32>
        %shift_left3A_1641 = arith.shli %or3A_1623, %shift_left3A_1640 : vector<16xi32>
        %or3A_1642 = arith.ori %shift_left3A_1641, %and3A_1638 : vector<16xi32>
        %add3A_1643 = arith.addi %sub3A_56, %or3A_1642 : vector<16xi32>
        %gather3A_1644 = tpu.vector_load_idx %arg7[%add3A_1643] : memref<32256xi32, #tpu.memory_space<vmem>>[vector<16xi32>], vector<16xi32>,
        %shift_right_arithmetic3A_1645 = arith.constant 4 : i32
        %shift_right_arithmetic3A_1646 = vector.broadcast %shift_right_arithmetic3A_1645 : i32 to vector<16xi32>
        %shift_right_arithmetic3A_1647 = arith.shrsi %gather3A_1644, %shift_right_arithmetic3A_1646 : vector<16xi32>
        %add3A_1648 = vector.broadcast %mul3A_1575 : i32 to vector<16xi32>
        %add3A_1649 = arith.addi %add3A_1648, %shift_right_arithmetic3A_1647 : vector<16xi32>
        %gather3A_1650 = tpu.vector_load_idx %arg6[%add3A_1649] : memref<32768xi32, #tpu.memory_space<vmem>>[vector<16xi32>], vector<16xi32>,
        %and3A_1651 = arith.constant 15 : i32
        %and3A_1652 = vector.broadcast %and3A_1651 : i32 to vector<16xi32>
        %and3A_1653 = arith.andi %gather3A_1644, %and3A_1652 : vector<16xi32>
        %shift_right_logical3A_1654 = arith.shrui %gather3A_1650, %and3A_1653 : vector<16xi32>
        %and3A_1655 = arith.constant 1 : i32
        %and3A_1656 = vector.broadcast %and3A_1655 : i32 to vector<16xi32>
        %and3A_1657 = arith.andi %shift_right_logical3A_1654, %and3A_1656 : vector<16xi32>
        %shift_left3A_1658 = arith.constant 1 : i32
        %shift_left3A_1659 = vector.broadcast %shift_left3A_1658 : i32 to vector<16xi32>
        %shift_left3A_1660 = arith.shli %or3A_1642, %shift_left3A_1659 : vector<16xi32>
        %or3A_1661 = arith.ori %shift_left3A_1660, %and3A_1657 : vector<16xi32>
        %add3A_1662 = arith.addi %sub3A_56, %or3A_1661 : vector<16xi32>
        %gather3A_1663 = tpu.vector_load_idx %arg7[%add3A_1662] : memref<32256xi32, #tpu.memory_space<vmem>>[vector<16xi32>], vector<16xi32>,
        %shift_right_arithmetic3A_1664 = arith.constant 4 : i32
        %shift_right_arithmetic3A_1665 = vector.broadcast %shift_right_arithmetic3A_1664 : i32 to vector<16xi32>
        %shift_right_arithmetic3A_1666 = arith.shrsi %gather3A_1663, %shift_right_arithmetic3A_1665 : vector<16xi32>
        %add3A_1667 = vector.broadcast %mul3A_1575 : i32 to vector<16xi32>
        %add3A_1668 = arith.addi %add3A_1667, %shift_right_arithmetic3A_1666 : vector<16xi32>
        %gather3A_1669 = tpu.vector_load_idx %arg6[%add3A_1668] : memref<32768xi32, #tpu.memory_space<vmem>>[vector<16xi32>], vector<16xi32>,
        %and3A_1670 = arith.constant 15 : i32
        %and3A_1671 = vector.broadcast %and3A_1670 : i32 to vector<16xi32>
        %and3A_1672 = arith.andi %gather3A_1663, %and3A_1671 : vector<16xi32>
        %shift_right_logical3A_1673 = arith.shrui %gather3A_1669, %and3A_1672 : vector<16xi32>
        %and3A_1674 = arith.constant 1 : i32
        %and3A_1675 = vector.broadcast %and3A_1674 : i32 to vector<16xi32>
        %and3A_1676 = arith.andi %shift_right_logical3A_1673, %and3A_1675 : vector<16xi32>
        %shift_left3A_1677 = arith.constant 1 : i32
        %shift_left3A_1678 = vector.broadcast %shift_left3A_1677 : i32 to vector<16xi32>
        %shift_left3A_1679 = arith.shli %or3A_1661, %shift_left3A_1678 : vector<16xi32>
        %or3A_1680 = arith.ori %shift_left3A_1679, %and3A_1676 : vector<16xi32>
        %add3A_1681 = arith.addi %mul3A_53, %or3A_1680 : vector<16xi32>
        %sub3A_1682 = arith.constant 64 : i32
        %sub3A_1683 = vector.broadcast %sub3A_1682 : i32 to vector<16xi32>
        %sub3A_1684 = arith.subi %add3A_1681, %sub3A_1683 : vector<16xi32>
        %gather3A_1685 = tpu.vector_load_idx %arg8[%sub3A_1684] : memref<32768xf32, #tpu.memory_space<vmem>>[vector<16xi32>], vector<16xf32>,
        %mul3A_1686 = arith.constant 32 : i32
        %mul3A_1687 = arith.muli %scan3A_22, %mul3A_1686 : i32
        %add3A_1688 = arith.constant 14 : i32
        %add3A_1689 = arith.addi %mul3A_1687, %add3A_1688 : i32
        %mul3A_1690 = arith.constant 128 : i32
        %mul3A_1691 = arith.muli %add3A_1689, %mul3A_1690 : i32
        %add3A_1692 = vector.broadcast %mul3A_1691 : i32 to vector<16xi32>
        %add3A_1693 = arith.addi %add3A_1692, %shift_right_arithmetic3A_61 : vector<16xi32>
        %gather3A_1694 = tpu.vector_load_idx %arg6[%add3A_1693] : memref<32768xi32, #tpu.memory_space<vmem>>[vector<16xi32>], vector<16xi32>,
        %shift_right_logical3A_1695 = arith.shrui %gather3A_1694, %and3A_64 : vector<16xi32>
        %and3A_1696 = arith.constant 1 : i32
        %and3A_1697 = vector.broadcast %and3A_1696 : i32 to vector<16xi32>
        %and3A_1698 = arith.andi %shift_right_logical3A_1695, %and3A_1697 : vector<16xi32>
        %add3A_1699 = arith.constant 2 : i32
        %add3A_1700 = vector.broadcast %add3A_1699 : i32 to vector<16xi32>
        %add3A_1701 = arith.addi %add3A_1700, %and3A_1698 : vector<16xi32>
        %add3A_1702 = arith.addi %sub3A_56, %add3A_1701 : vector<16xi32>
        %gather3A_1703 = tpu.vector_load_idx %arg7[%add3A_1702] : memref<32256xi32, #tpu.memory_space<vmem>>[vector<16xi32>], vector<16xi32>,
        %shift_right_arithmetic3A_1704 = arith.constant 4 : i32
        %shift_right_arithmetic3A_1705 = vector.broadcast %shift_right_arithmetic3A_1704 : i32 to vector<16xi32>
        %shift_right_arithmetic3A_1706 = arith.shrsi %gather3A_1703, %shift_right_arithmetic3A_1705 : vector<16xi32>
        %add3A_1707 = vector.broadcast %mul3A_1691 : i32 to vector<16xi32>
        %add3A_1708 = arith.addi %add3A_1707, %shift_right_arithmetic3A_1706 : vector<16xi32>
        %gather3A_1709 = tpu.vector_load_idx %arg6[%add3A_1708] : memref<32768xi32, #tpu.memory_space<vmem>>[vector<16xi32>], vector<16xi32>,
        %and3A_1710 = arith.constant 15 : i32
        %and3A_1711 = vector.broadcast %and3A_1710 : i32 to vector<16xi32>
        %and3A_1712 = arith.andi %gather3A_1703, %and3A_1711 : vector<16xi32>
        %shift_right_logical3A_1713 = arith.shrui %gather3A_1709, %and3A_1712 : vector<16xi32>
        %and3A_1714 = arith.constant 1 : i32
        %and3A_1715 = vector.broadcast %and3A_1714 : i32 to vector<16xi32>
        %and3A_1716 = arith.andi %shift_right_logical3A_1713, %and3A_1715 : vector<16xi32>
        %shift_left3A_1717 = arith.constant 1 : i32
        %shift_left3A_1718 = vector.broadcast %shift_left3A_1717 : i32 to vector<16xi32>
        %shift_left3A_1719 = arith.shli %add3A_1701, %shift_left3A_1718 : vector<16xi32>
        %or3A_1720 = arith.ori %shift_left3A_1719, %and3A_1716 : vector<16xi32>
        %add3A_1721 = arith.addi %sub3A_56, %or3A_1720 : vector<16xi32>
        %gather3A_1722 = tpu.vector_load_idx %arg7[%add3A_1721] : memref<32256xi32, #tpu.memory_space<vmem>>[vector<16xi32>], vector<16xi32>,
        %shift_right_arithmetic3A_1723 = arith.constant 4 : i32
        %shift_right_arithmetic3A_1724 = vector.broadcast %shift_right_arithmetic3A_1723 : i32 to vector<16xi32>
        %shift_right_arithmetic3A_1725 = arith.shrsi %gather3A_1722, %shift_right_arithmetic3A_1724 : vector<16xi32>
        %add3A_1726 = vector.broadcast %mul3A_1691 : i32 to vector<16xi32>
        %add3A_1727 = arith.addi %add3A_1726, %shift_right_arithmetic3A_1725 : vector<16xi32>
        %gather3A_1728 = tpu.vector_load_idx %arg6[%add3A_1727] : memref<32768xi32, #tpu.memory_space<vmem>>[vector<16xi32>], vector<16xi32>,
        %and3A_1729 = arith.constant 15 : i32
        %and3A_1730 = vector.broadcast %and3A_1729 : i32 to vector<16xi32>
        %and3A_1731 = arith.andi %gather3A_1722, %and3A_1730 : vector<16xi32>
        %shift_right_logical3A_1732 = arith.shrui %gather3A_1728, %and3A_1731 : vector<16xi32>
        %and3A_1733 = arith.constant 1 : i32
        %and3A_1734 = vector.broadcast %and3A_1733 : i32 to vector<16xi32>
        %and3A_1735 = arith.andi %shift_right_logical3A_1732, %and3A_1734 : vector<16xi32>
        %shift_left3A_1736 = arith.constant 1 : i32
        %shift_left3A_1737 = vector.broadcast %shift_left3A_1736 : i32 to vector<16xi32>
        %shift_left3A_1738 = arith.shli %or3A_1720, %shift_left3A_1737 : vector<16xi32>
        %or3A_1739 = arith.ori %shift_left3A_1738, %and3A_1735 : vector<16xi32>
        %add3A_1740 = arith.addi %sub3A_56, %or3A_1739 : vector<16xi32>
        %gather3A_1741 = tpu.vector_load_idx %arg7[%add3A_1740] : memref<32256xi32, #tpu.memory_space<vmem>>[vector<16xi32>], vector<16xi32>,
        %shift_right_arithmetic3A_1742 = arith.constant 4 : i32
        %shift_right_arithmetic3A_1743 = vector.broadcast %shift_right_arithmetic3A_1742 : i32 to vector<16xi32>
        %shift_right_arithmetic3A_1744 = arith.shrsi %gather3A_1741, %shift_right_arithmetic3A_1743 : vector<16xi32>
        %add3A_1745 = vector.broadcast %mul3A_1691 : i32 to vector<16xi32>
        %add3A_1746 = arith.addi %add3A_1745, %shift_right_arithmetic3A_1744 : vector<16xi32>
        %gather3A_1747 = tpu.vector_load_idx %arg6[%add3A_1746] : memref<32768xi32, #tpu.memory_space<vmem>>[vector<16xi32>], vector<16xi32>,
        %and3A_1748 = arith.constant 15 : i32
        %and3A_1749 = vector.broadcast %and3A_1748 : i32 to vector<16xi32>
        %and3A_1750 = arith.andi %gather3A_1741, %and3A_1749 : vector<16xi32>
        %shift_right_logical3A_1751 = arith.shrui %gather3A_1747, %and3A_1750 : vector<16xi32>
        %and3A_1752 = arith.constant 1 : i32
        %and3A_1753 = vector.broadcast %and3A_1752 : i32 to vector<16xi32>
        %and3A_1754 = arith.andi %shift_right_logical3A_1751, %and3A_1753 : vector<16xi32>
        %shift_left3A_1755 = arith.constant 1 : i32
        %shift_left3A_1756 = vector.broadcast %shift_left3A_1755 : i32 to vector<16xi32>
        %shift_left3A_1757 = arith.shli %or3A_1739, %shift_left3A_1756 : vector<16xi32>
        %or3A_1758 = arith.ori %shift_left3A_1757, %and3A_1754 : vector<16xi32>
        %add3A_1759 = arith.addi %sub3A_56, %or3A_1758 : vector<16xi32>
        %gather3A_1760 = tpu.vector_load_idx %arg7[%add3A_1759] : memref<32256xi32, #tpu.memory_space<vmem>>[vector<16xi32>], vector<16xi32>,
        %shift_right_arithmetic3A_1761 = arith.constant 4 : i32
        %shift_right_arithmetic3A_1762 = vector.broadcast %shift_right_arithmetic3A_1761 : i32 to vector<16xi32>
        %shift_right_arithmetic3A_1763 = arith.shrsi %gather3A_1760, %shift_right_arithmetic3A_1762 : vector<16xi32>
        %add3A_1764 = vector.broadcast %mul3A_1691 : i32 to vector<16xi32>
        %add3A_1765 = arith.addi %add3A_1764, %shift_right_arithmetic3A_1763 : vector<16xi32>
        %gather3A_1766 = tpu.vector_load_idx %arg6[%add3A_1765] : memref<32768xi32, #tpu.memory_space<vmem>>[vector<16xi32>], vector<16xi32>,
        %and3A_1767 = arith.constant 15 : i32
        %and3A_1768 = vector.broadcast %and3A_1767 : i32 to vector<16xi32>
        %and3A_1769 = arith.andi %gather3A_1760, %and3A_1768 : vector<16xi32>
        %shift_right_logical3A_1770 = arith.shrui %gather3A_1766, %and3A_1769 : vector<16xi32>
        %and3A_1771 = arith.constant 1 : i32
        %and3A_1772 = vector.broadcast %and3A_1771 : i32 to vector<16xi32>
        %and3A_1773 = arith.andi %shift_right_logical3A_1770, %and3A_1772 : vector<16xi32>
        %shift_left3A_1774 = arith.constant 1 : i32
        %shift_left3A_1775 = vector.broadcast %shift_left3A_1774 : i32 to vector<16xi32>
        %shift_left3A_1776 = arith.shli %or3A_1758, %shift_left3A_1775 : vector<16xi32>
        %or3A_1777 = arith.ori %shift_left3A_1776, %and3A_1773 : vector<16xi32>
        %add3A_1778 = arith.addi %sub3A_56, %or3A_1777 : vector<16xi32>
        %gather3A_1779 = tpu.vector_load_idx %arg7[%add3A_1778] : memref<32256xi32, #tpu.memory_space<vmem>>[vector<16xi32>], vector<16xi32>,
        %shift_right_arithmetic3A_1780 = arith.constant 4 : i32
        %shift_right_arithmetic3A_1781 = vector.broadcast %shift_right_arithmetic3A_1780 : i32 to vector<16xi32>
        %shift_right_arithmetic3A_1782 = arith.shrsi %gather3A_1779, %shift_right_arithmetic3A_1781 : vector<16xi32>
        %add3A_1783 = vector.broadcast %mul3A_1691 : i32 to vector<16xi32>
        %add3A_1784 = arith.addi %add3A_1783, %shift_right_arithmetic3A_1782 : vector<16xi32>
        %gather3A_1785 = tpu.vector_load_idx %arg6[%add3A_1784] : memref<32768xi32, #tpu.memory_space<vmem>>[vector<16xi32>], vector<16xi32>,
        %and3A_1786 = arith.constant 15 : i32
        %and3A_1787 = vector.broadcast %and3A_1786 : i32 to vector<16xi32>
        %and3A_1788 = arith.andi %gather3A_1779, %and3A_1787 : vector<16xi32>
        %shift_right_logical3A_1789 = arith.shrui %gather3A_1785, %and3A_1788 : vector<16xi32>
        %and3A_1790 = arith.constant 1 : i32
        %and3A_1791 = vector.broadcast %and3A_1790 : i32 to vector<16xi32>
        %and3A_1792 = arith.andi %shift_right_logical3A_1789, %and3A_1791 : vector<16xi32>
        %shift_left3A_1793 = arith.constant 1 : i32
        %shift_left3A_1794 = vector.broadcast %shift_left3A_1793 : i32 to vector<16xi32>
        %shift_left3A_1795 = arith.shli %or3A_1777, %shift_left3A_1794 : vector<16xi32>
        %or3A_1796 = arith.ori %shift_left3A_1795, %and3A_1792 : vector<16xi32>
        %add3A_1797 = arith.addi %mul3A_53, %or3A_1796 : vector<16xi32>
        %sub3A_1798 = arith.constant 64 : i32
        %sub3A_1799 = vector.broadcast %sub3A_1798 : i32 to vector<16xi32>
        %sub3A_1800 = arith.subi %add3A_1797, %sub3A_1799 : vector<16xi32>
        %gather3A_1801 = tpu.vector_load_idx %arg8[%sub3A_1800] : memref<32768xf32, #tpu.memory_space<vmem>>[vector<16xi32>], vector<16xf32>,
        %mul3A_1802 = arith.constant 32 : i32
        %mul3A_1803 = arith.muli %scan3A_22, %mul3A_1802 : i32
        %add3A_1804 = arith.constant 15 : i32
        %add3A_1805 = arith.addi %mul3A_1803, %add3A_1804 : i32
        %mul3A_1806 = arith.constant 128 : i32
        %mul3A_1807 = arith.muli %add3A_1805, %mul3A_1806 : i32
        %add3A_1808 = vector.broadcast %mul3A_1807 : i32 to vector<16xi32>
        %add3A_1809 = arith.addi %add3A_1808, %shift_right_arithmetic3A_61 : vector<16xi32>
        %gather3A_1810 = tpu.vector_load_idx %arg6[%add3A_1809] : memref<32768xi32, #tpu.memory_space<vmem>>[vector<16xi32>], vector<16xi32>,
        %shift_right_logical3A_1811 = arith.shrui %gather3A_1810, %and3A_64 : vector<16xi32>
        %and3A_1812 = arith.constant 1 : i32
        %and3A_1813 = vector.broadcast %and3A_1812 : i32 to vector<16xi32>
        %and3A_1814 = arith.andi %shift_right_logical3A_1811, %and3A_1813 : vector<16xi32>
        %add3A_1815 = arith.constant 2 : i32
        %add3A_1816 = vector.broadcast %add3A_1815 : i32 to vector<16xi32>
        %add3A_1817 = arith.addi %add3A_1816, %and3A_1814 : vector<16xi32>
        %add3A_1818 = arith.addi %sub3A_56, %add3A_1817 : vector<16xi32>
        %gather3A_1819 = tpu.vector_load_idx %arg7[%add3A_1818] : memref<32256xi32, #tpu.memory_space<vmem>>[vector<16xi32>], vector<16xi32>,
        %shift_right_arithmetic3A_1820 = arith.constant 4 : i32
        %shift_right_arithmetic3A_1821 = vector.broadcast %shift_right_arithmetic3A_1820 : i32 to vector<16xi32>
        %shift_right_arithmetic3A_1822 = arith.shrsi %gather3A_1819, %shift_right_arithmetic3A_1821 : vector<16xi32>
        %add3A_1823 = vector.broadcast %mul3A_1807 : i32 to vector<16xi32>
        %add3A_1824 = arith.addi %add3A_1823, %shift_right_arithmetic3A_1822 : vector<16xi32>
        %gather3A_1825 = tpu.vector_load_idx %arg6[%add3A_1824] : memref<32768xi32, #tpu.memory_space<vmem>>[vector<16xi32>], vector<16xi32>,
        %and3A_1826 = arith.constant 15 : i32
        %and3A_1827 = vector.broadcast %and3A_1826 : i32 to vector<16xi32>
        %and3A_1828 = arith.andi %gather3A_1819, %and3A_1827 : vector<16xi32>
        %shift_right_logical3A_1829 = arith.shrui %gather3A_1825, %and3A_1828 : vector<16xi32>
        %and3A_1830 = arith.constant 1 : i32
        %and3A_1831 = vector.broadcast %and3A_1830 : i32 to vector<16xi32>
        %and3A_1832 = arith.andi %shift_right_logical3A_1829, %and3A_1831 : vector<16xi32>
        %shift_left3A_1833 = arith.constant 1 : i32
        %shift_left3A_1834 = vector.broadcast %shift_left3A_1833 : i32 to vector<16xi32>
        %shift_left3A_1835 = arith.shli %add3A_1817, %shift_left3A_1834 : vector<16xi32>
        %or3A_1836 = arith.ori %shift_left3A_1835, %and3A_1832 : vector<16xi32>
        %add3A_1837 = arith.addi %sub3A_56, %or3A_1836 : vector<16xi32>
        %gather3A_1838 = tpu.vector_load_idx %arg7[%add3A_1837] : memref<32256xi32, #tpu.memory_space<vmem>>[vector<16xi32>], vector<16xi32>,
        %shift_right_arithmetic3A_1839 = arith.constant 4 : i32
        %shift_right_arithmetic3A_1840 = vector.broadcast %shift_right_arithmetic3A_1839 : i32 to vector<16xi32>
        %shift_right_arithmetic3A_1841 = arith.shrsi %gather3A_1838, %shift_right_arithmetic3A_1840 : vector<16xi32>
        %add3A_1842 = vector.broadcast %mul3A_1807 : i32 to vector<16xi32>
        %add3A_1843 = arith.addi %add3A_1842, %shift_right_arithmetic3A_1841 : vector<16xi32>
        %gather3A_1844 = tpu.vector_load_idx %arg6[%add3A_1843] : memref<32768xi32, #tpu.memory_space<vmem>>[vector<16xi32>], vector<16xi32>,
        %and3A_1845 = arith.constant 15 : i32
        %and3A_1846 = vector.broadcast %and3A_1845 : i32 to vector<16xi32>
        %and3A_1847 = arith.andi %gather3A_1838, %and3A_1846 : vector<16xi32>
        %shift_right_logical3A_1848 = arith.shrui %gather3A_1844, %and3A_1847 : vector<16xi32>
        %and3A_1849 = arith.constant 1 : i32
        %and3A_1850 = vector.broadcast %and3A_1849 : i32 to vector<16xi32>
        %and3A_1851 = arith.andi %shift_right_logical3A_1848, %and3A_1850 : vector<16xi32>
        %shift_left3A_1852 = arith.constant 1 : i32
        %shift_left3A_1853 = vector.broadcast %shift_left3A_1852 : i32 to vector<16xi32>
        %shift_left3A_1854 = arith.shli %or3A_1836, %shift_left3A_1853 : vector<16xi32>
        %or3A_1855 = arith.ori %shift_left3A_1854, %and3A_1851 : vector<16xi32>
        %add3A_1856 = arith.addi %sub3A_56, %or3A_1855 : vector<16xi32>
        %gather3A_1857 = tpu.vector_load_idx %arg7[%add3A_1856] : memref<32256xi32, #tpu.memory_space<vmem>>[vector<16xi32>], vector<16xi32>,
        %shift_right_arithmetic3A_1858 = arith.constant 4 : i32
        %shift_right_arithmetic3A_1859 = vector.broadcast %shift_right_arithmetic3A_1858 : i32 to vector<16xi32>
        %shift_right_arithmetic3A_1860 = arith.shrsi %gather3A_1857, %shift_right_arithmetic3A_1859 : vector<16xi32>
        %add3A_1861 = vector.broadcast %mul3A_1807 : i32 to vector<16xi32>
        %add3A_1862 = arith.addi %add3A_1861, %shift_right_arithmetic3A_1860 : vector<16xi32>
        %gather3A_1863 = tpu.vector_load_idx %arg6[%add3A_1862] : memref<32768xi32, #tpu.memory_space<vmem>>[vector<16xi32>], vector<16xi32>,
        %and3A_1864 = arith.constant 15 : i32
        %and3A_1865 = vector.broadcast %and3A_1864 : i32 to vector<16xi32>
        %and3A_1866 = arith.andi %gather3A_1857, %and3A_1865 : vector<16xi32>
        %shift_right_logical3A_1867 = arith.shrui %gather3A_1863, %and3A_1866 : vector<16xi32>
        %and3A_1868 = arith.constant 1 : i32
        %and3A_1869 = vector.broadcast %and3A_1868 : i32 to vector<16xi32>
        %and3A_1870 = arith.andi %shift_right_logical3A_1867, %and3A_1869 : vector<16xi32>
        %shift_left3A_1871 = arith.constant 1 : i32
        %shift_left3A_1872 = vector.broadcast %shift_left3A_1871 : i32 to vector<16xi32>
        %shift_left3A_1873 = arith.shli %or3A_1855, %shift_left3A_1872 : vector<16xi32>
        %or3A_1874 = arith.ori %shift_left3A_1873, %and3A_1870 : vector<16xi32>
        %add3A_1875 = arith.addi %sub3A_56, %or3A_1874 : vector<16xi32>
        %gather3A_1876 = tpu.vector_load_idx %arg7[%add3A_1875] : memref<32256xi32, #tpu.memory_space<vmem>>[vector<16xi32>], vector<16xi32>,
        %shift_right_arithmetic3A_1877 = arith.constant 4 : i32
        %shift_right_arithmetic3A_1878 = vector.broadcast %shift_right_arithmetic3A_1877 : i32 to vector<16xi32>
        %shift_right_arithmetic3A_1879 = arith.shrsi %gather3A_1876, %shift_right_arithmetic3A_1878 : vector<16xi32>
        %add3A_1880 = vector.broadcast %mul3A_1807 : i32 to vector<16xi32>
        %add3A_1881 = arith.addi %add3A_1880, %shift_right_arithmetic3A_1879 : vector<16xi32>
        %gather3A_1882 = tpu.vector_load_idx %arg6[%add3A_1881] : memref<32768xi32, #tpu.memory_space<vmem>>[vector<16xi32>], vector<16xi32>,
        %and3A_1883 = arith.constant 15 : i32
        %and3A_1884 = vector.broadcast %and3A_1883 : i32 to vector<16xi32>
        %and3A_1885 = arith.andi %gather3A_1876, %and3A_1884 : vector<16xi32>
        %shift_right_logical3A_1886 = arith.shrui %gather3A_1882, %and3A_1885 : vector<16xi32>
        %and3A_1887 = arith.constant 1 : i32
        %and3A_1888 = vector.broadcast %and3A_1887 : i32 to vector<16xi32>
        %and3A_1889 = arith.andi %shift_right_logical3A_1886, %and3A_1888 : vector<16xi32>
        %shift_left3A_1890 = arith.constant 1 : i32
        %shift_left3A_1891 = vector.broadcast %shift_left3A_1890 : i32 to vector<16xi32>
        %shift_left3A_1892 = arith.shli %or3A_1874, %shift_left3A_1891 : vector<16xi32>
        %or3A_1893 = arith.ori %shift_left3A_1892, %and3A_1889 : vector<16xi32>
        %add3A_1894 = arith.addi %sub3A_56, %or3A_1893 : vector<16xi32>
        %gather3A_1895 = tpu.vector_load_idx %arg7[%add3A_1894] : memref<32256xi32, #tpu.memory_space<vmem>>[vector<16xi32>], vector<16xi32>,
        %shift_right_arithmetic3A_1896 = arith.constant 4 : i32
        %shift_right_arithmetic3A_1897 = vector.broadcast %shift_right_arithmetic3A_1896 : i32 to vector<16xi32>
        %shift_right_arithmetic3A_1898 = arith.shrsi %gather3A_1895, %shift_right_arithmetic3A_1897 : vector<16xi32>
        %add3A_1899 = vector.broadcast %mul3A_1807 : i32 to vector<16xi32>
        %add3A_1900 = arith.addi %add3A_1899, %shift_right_arithmetic3A_1898 : vector<16xi32>
        %gather3A_1901 = tpu.vector_load_idx %arg6[%add3A_1900] : memref<32768xi32, #tpu.memory_space<vmem>>[vector<16xi32>], vector<16xi32>,
        %and3A_1902 = arith.constant 15 : i32
        %and3A_1903 = vector.broadcast %and3A_1902 : i32 to vector<16xi32>
        %and3A_1904 = arith.andi %gather3A_1895, %and3A_1903 : vector<16xi32>
        %shift_right_logical3A_1905 = arith.shrui %gather3A_1901, %and3A_1904 : vector<16xi32>
        %and3A_1906 = arith.constant 1 : i32
        %and3A_1907 = vector.broadcast %and3A_1906 : i32 to vector<16xi32>
        %and3A_1908 = arith.andi %shift_right_logical3A_1905, %and3A_1907 : vector<16xi32>
        %shift_left3A_1909 = arith.constant 1 : i32
        %shift_left3A_1910 = vector.broadcast %shift_left3A_1909 : i32 to vector<16xi32>
        %shift_left3A_1911 = arith.shli %or3A_1893, %shift_left3A_1910 : vector<16xi32>
        %or3A_1912 = arith.ori %shift_left3A_1911, %and3A_1908 : vector<16xi32>
        %add3A_1913 = arith.addi %mul3A_53, %or3A_1912 : vector<16xi32>
        %sub3A_1914 = arith.constant 64 : i32
        %sub3A_1915 = vector.broadcast %sub3A_1914 : i32 to vector<16xi32>
        %sub3A_1916 = arith.subi %add3A_1913, %sub3A_1915 : vector<16xi32>
        %gather3A_1917 = tpu.vector_load_idx %arg8[%sub3A_1916] : memref<32768xf32, #tpu.memory_space<vmem>>[vector<16xi32>], vector<16xf32>,
        %mul3A_1918 = arith.constant 32 : i32
        %mul3A_1919 = arith.muli %scan3A_22, %mul3A_1918 : i32
        %add3A_1920 = arith.constant 16 : i32
        %add3A_1921 = arith.addi %mul3A_1919, %add3A_1920 : i32
        %mul3A_1922 = arith.constant 128 : i32
        %mul3A_1923 = arith.muli %add3A_1921, %mul3A_1922 : i32
        %add3A_1924 = vector.broadcast %mul3A_1923 : i32 to vector<16xi32>
        %add3A_1925 = arith.addi %add3A_1924, %shift_right_arithmetic3A_61 : vector<16xi32>
        %gather3A_1926 = tpu.vector_load_idx %arg6[%add3A_1925] : memref<32768xi32, #tpu.memory_space<vmem>>[vector<16xi32>], vector<16xi32>,
        %shift_right_logical3A_1927 = arith.shrui %gather3A_1926, %and3A_64 : vector<16xi32>
        %and3A_1928 = arith.constant 1 : i32
        %and3A_1929 = vector.broadcast %and3A_1928 : i32 to vector<16xi32>
        %and3A_1930 = arith.andi %shift_right_logical3A_1927, %and3A_1929 : vector<16xi32>
        %add3A_1931 = arith.constant 2 : i32
        %add3A_1932 = vector.broadcast %add3A_1931 : i32 to vector<16xi32>
        %add3A_1933 = arith.addi %add3A_1932, %and3A_1930 : vector<16xi32>
        %add3A_1934 = arith.addi %sub3A_56, %add3A_1933 : vector<16xi32>
        %gather3A_1935 = tpu.vector_load_idx %arg7[%add3A_1934] : memref<32256xi32, #tpu.memory_space<vmem>>[vector<16xi32>], vector<16xi32>,
        %shift_right_arithmetic3A_1936 = arith.constant 4 : i32
        %shift_right_arithmetic3A_1937 = vector.broadcast %shift_right_arithmetic3A_1936 : i32 to vector<16xi32>
        %shift_right_arithmetic3A_1938 = arith.shrsi %gather3A_1935, %shift_right_arithmetic3A_1937 : vector<16xi32>
        %add3A_1939 = vector.broadcast %mul3A_1923 : i32 to vector<16xi32>
        %add3A_1940 = arith.addi %add3A_1939, %shift_right_arithmetic3A_1938 : vector<16xi32>
        %gather3A_1941 = tpu.vector_load_idx %arg6[%add3A_1940] : memref<32768xi32, #tpu.memory_space<vmem>>[vector<16xi32>], vector<16xi32>,
        %and3A_1942 = arith.constant 15 : i32
        %and3A_1943 = vector.broadcast %and3A_1942 : i32 to vector<16xi32>
        %and3A_1944 = arith.andi %gather3A_1935, %and3A_1943 : vector<16xi32>
        %shift_right_logical3A_1945 = arith.shrui %gather3A_1941, %and3A_1944 : vector<16xi32>
        %and3A_1946 = arith.constant 1 : i32
        %and3A_1947 = vector.broadcast %and3A_1946 : i32 to vector<16xi32>
        %and3A_1948 = arith.andi %shift_right_logical3A_1945, %and3A_1947 : vector<16xi32>
        %shift_left3A_1949 = arith.constant 1 : i32
        %shift_left3A_1950 = vector.broadcast %shift_left3A_1949 : i32 to vector<16xi32>
        %shift_left3A_1951 = arith.shli %add3A_1933, %shift_left3A_1950 : vector<16xi32>
        %or3A_1952 = arith.ori %shift_left3A_1951, %and3A_1948 : vector<16xi32>
        %add3A_1953 = arith.addi %sub3A_56, %or3A_1952 : vector<16xi32>
        %gather3A_1954 = tpu.vector_load_idx %arg7[%add3A_1953] : memref<32256xi32, #tpu.memory_space<vmem>>[vector<16xi32>], vector<16xi32>,
        %shift_right_arithmetic3A_1955 = arith.constant 4 : i32
        %shift_right_arithmetic3A_1956 = vector.broadcast %shift_right_arithmetic3A_1955 : i32 to vector<16xi32>
        %shift_right_arithmetic3A_1957 = arith.shrsi %gather3A_1954, %shift_right_arithmetic3A_1956 : vector<16xi32>
        %add3A_1958 = vector.broadcast %mul3A_1923 : i32 to vector<16xi32>
        %add3A_1959 = arith.addi %add3A_1958, %shift_right_arithmetic3A_1957 : vector<16xi32>
        %gather3A_1960 = tpu.vector_load_idx %arg6[%add3A_1959] : memref<32768xi32, #tpu.memory_space<vmem>>[vector<16xi32>], vector<16xi32>,
        %and3A_1961 = arith.constant 15 : i32
        %and3A_1962 = vector.broadcast %and3A_1961 : i32 to vector<16xi32>
        %and3A_1963 = arith.andi %gather3A_1954, %and3A_1962 : vector<16xi32>
        %shift_right_logical3A_1964 = arith.shrui %gather3A_1960, %and3A_1963 : vector<16xi32>
        %and3A_1965 = arith.constant 1 : i32
        %and3A_1966 = vector.broadcast %and3A_1965 : i32 to vector<16xi32>
        %and3A_1967 = arith.andi %shift_right_logical3A_1964, %and3A_1966 : vector<16xi32>
        %shift_left3A_1968 = arith.constant 1 : i32
        %shift_left3A_1969 = vector.broadcast %shift_left3A_1968 : i32 to vector<16xi32>
        %shift_left3A_1970 = arith.shli %or3A_1952, %shift_left3A_1969 : vector<16xi32>
        %or3A_1971 = arith.ori %shift_left3A_1970, %and3A_1967 : vector<16xi32>
        %add3A_1972 = arith.addi %sub3A_56, %or3A_1971 : vector<16xi32>
        %gather3A_1973 = tpu.vector_load_idx %arg7[%add3A_1972] : memref<32256xi32, #tpu.memory_space<vmem>>[vector<16xi32>], vector<16xi32>,
        %shift_right_arithmetic3A_1974 = arith.constant 4 : i32
        %shift_right_arithmetic3A_1975 = vector.broadcast %shift_right_arithmetic3A_1974 : i32 to vector<16xi32>
        %shift_right_arithmetic3A_1976 = arith.shrsi %gather3A_1973, %shift_right_arithmetic3A_1975 : vector<16xi32>
        %add3A_1977 = vector.broadcast %mul3A_1923 : i32 to vector<16xi32>
        %add3A_1978 = arith.addi %add3A_1977, %shift_right_arithmetic3A_1976 : vector<16xi32>
        %gather3A_1979 = tpu.vector_load_idx %arg6[%add3A_1978] : memref<32768xi32, #tpu.memory_space<vmem>>[vector<16xi32>], vector<16xi32>,
        %and3A_1980 = arith.constant 15 : i32
        %and3A_1981 = vector.broadcast %and3A_1980 : i32 to vector<16xi32>
        %and3A_1982 = arith.andi %gather3A_1973, %and3A_1981 : vector<16xi32>
        %shift_right_logical3A_1983 = arith.shrui %gather3A_1979, %and3A_1982 : vector<16xi32>
        %and3A_1984 = arith.constant 1 : i32
        %and3A_1985 = vector.broadcast %and3A_1984 : i32 to vector<16xi32>
        %and3A_1986 = arith.andi %shift_right_logical3A_1983, %and3A_1985 : vector<16xi32>
        %shift_left3A_1987 = arith.constant 1 : i32
        %shift_left3A_1988 = vector.broadcast %shift_left3A_1987 : i32 to vector<16xi32>
        %shift_left3A_1989 = arith.shli %or3A_1971, %shift_left3A_1988 : vector<16xi32>
        %or3A_1990 = arith.ori %shift_left3A_1989, %and3A_1986 : vector<16xi32>
        %add3A_1991 = arith.addi %sub3A_56, %or3A_1990 : vector<16xi32>
        %gather3A_1992 = tpu.vector_load_idx %arg7[%add3A_1991] : memref<32256xi32, #tpu.memory_space<vmem>>[vector<16xi32>], vector<16xi32>,
        %shift_right_arithmetic3A_1993 = arith.constant 4 : i32
        %shift_right_arithmetic3A_1994 = vector.broadcast %shift_right_arithmetic3A_1993 : i32 to vector<16xi32>
        %shift_right_arithmetic3A_1995 = arith.shrsi %gather3A_1992, %shift_right_arithmetic3A_1994 : vector<16xi32>
        %add3A_1996 = vector.broadcast %mul3A_1923 : i32 to vector<16xi32>
        %add3A_1997 = arith.addi %add3A_1996, %shift_right_arithmetic3A_1995 : vector<16xi32>
        %gather3A_1998 = tpu.vector_load_idx %arg6[%add3A_1997] : memref<32768xi32, #tpu.memory_space<vmem>>[vector<16xi32>], vector<16xi32>,
        %and3A_1999 = arith.constant 15 : i32
        %and3A_2000 = vector.broadcast %and3A_1999 : i32 to vector<16xi32>
        %and3A_2001 = arith.andi %gather3A_1992, %and3A_2000 : vector<16xi32>
        %shift_right_logical3A_2002 = arith.shrui %gather3A_1998, %and3A_2001 : vector<16xi32>
        %and3A_2003 = arith.constant 1 : i32
        %and3A_2004 = vector.broadcast %and3A_2003 : i32 to vector<16xi32>
        %and3A_2005 = arith.andi %shift_right_logical3A_2002, %and3A_2004 : vector<16xi32>
        %shift_left3A_2006 = arith.constant 1 : i32
        %shift_left3A_2007 = vector.broadcast %shift_left3A_2006 : i32 to vector<16xi32>
        %shift_left3A_2008 = arith.shli %or3A_1990, %shift_left3A_2007 : vector<16xi32>
        %or3A_2009 = arith.ori %shift_left3A_2008, %and3A_2005 : vector<16xi32>
        %add3A_2010 = arith.addi %sub3A_56, %or3A_2009 : vector<16xi32>
        %gather3A_2011 = tpu.vector_load_idx %arg7[%add3A_2010] : memref<32256xi32, #tpu.memory_space<vmem>>[vector<16xi32>], vector<16xi32>,
        %shift_right_arithmetic3A_2012 = arith.constant 4 : i32
        %shift_right_arithmetic3A_2013 = vector.broadcast %shift_right_arithmetic3A_2012 : i32 to vector<16xi32>
        %shift_right_arithmetic3A_2014 = arith.shrsi %gather3A_2011, %shift_right_arithmetic3A_2013 : vector<16xi32>
        %add3A_2015 = vector.broadcast %mul3A_1923 : i32 to vector<16xi32>
        %add3A_2016 = arith.addi %add3A_2015, %shift_right_arithmetic3A_2014 : vector<16xi32>
        %gather3A_2017 = tpu.vector_load_idx %arg6[%add3A_2016] : memref<32768xi32, #tpu.memory_space<vmem>>[vector<16xi32>], vector<16xi32>,
        %and3A_2018 = arith.constant 15 : i32
        %and3A_2019 = vector.broadcast %and3A_2018 : i32 to vector<16xi32>
        %and3A_2020 = arith.andi %gather3A_2011, %and3A_2019 : vector<16xi32>
        %shift_right_logical3A_2021 = arith.shrui %gather3A_2017, %and3A_2020 : vector<16xi32>
        %and3A_2022 = arith.constant 1 : i32
        %and3A_2023 = vector.broadcast %and3A_2022 : i32 to vector<16xi32>
        %and3A_2024 = arith.andi %shift_right_logical3A_2021, %and3A_2023 : vector<16xi32>
        %shift_left3A_2025 = arith.constant 1 : i32
        %shift_left3A_2026 = vector.broadcast %shift_left3A_2025 : i32 to vector<16xi32>
        %shift_left3A_2027 = arith.shli %or3A_2009, %shift_left3A_2026 : vector<16xi32>
        %or3A_2028 = arith.ori %shift_left3A_2027, %and3A_2024 : vector<16xi32>
        %add3A_2029 = arith.addi %mul3A_53, %or3A_2028 : vector<16xi32>
        %sub3A_2030 = arith.constant 64 : i32
        %sub3A_2031 = vector.broadcast %sub3A_2030 : i32 to vector<16xi32>
        %sub3A_2032 = arith.subi %add3A_2029, %sub3A_2031 : vector<16xi32>
        %gather3A_2033 = tpu.vector_load_idx %arg8[%sub3A_2032] : memref<32768xf32, #tpu.memory_space<vmem>>[vector<16xi32>], vector<16xf32>,
        %mul3A_2034 = arith.constant 32 : i32
        %mul3A_2035 = arith.muli %scan3A_22, %mul3A_2034 : i32
        %add3A_2036 = arith.constant 17 : i32
        %add3A_2037 = arith.addi %mul3A_2035, %add3A_2036 : i32
        %mul3A_2038 = arith.constant 128 : i32
        %mul3A_2039 = arith.muli %add3A_2037, %mul3A_2038 : i32
        %add3A_2040 = vector.broadcast %mul3A_2039 : i32 to vector<16xi32>
        %add3A_2041 = arith.addi %add3A_2040, %shift_right_arithmetic3A_61 : vector<16xi32>
        %gather3A_2042 = tpu.vector_load_idx %arg6[%add3A_2041] : memref<32768xi32, #tpu.memory_space<vmem>>[vector<16xi32>], vector<16xi32>,
        %shift_right_logical3A_2043 = arith.shrui %gather3A_2042, %and3A_64 : vector<16xi32>
        %and3A_2044 = arith.constant 1 : i32
        %and3A_2045 = vector.broadcast %and3A_2044 : i32 to vector<16xi32>
        %and3A_2046 = arith.andi %shift_right_logical3A_2043, %and3A_2045 : vector<16xi32>
        %add3A_2047 = arith.constant 2 : i32
        %add3A_2048 = vector.broadcast %add3A_2047 : i32 to vector<16xi32>
        %add3A_2049 = arith.addi %add3A_2048, %and3A_2046 : vector<16xi32>
        %add3A_2050 = arith.addi %sub3A_56, %add3A_2049 : vector<16xi32>
        %gather3A_2051 = tpu.vector_load_idx %arg7[%add3A_2050] : memref<32256xi32, #tpu.memory_space<vmem>>[vector<16xi32>], vector<16xi32>,
        %shift_right_arithmetic3A_2052 = arith.constant 4 : i32
        %shift_right_arithmetic3A_2053 = vector.broadcast %shift_right_arithmetic3A_2052 : i32 to vector<16xi32>
        %shift_right_arithmetic3A_2054 = arith.shrsi %gather3A_2051, %shift_right_arithmetic3A_2053 : vector<16xi32>
        %add3A_2055 = vector.broadcast %mul3A_2039 : i32 to vector<16xi32>
        %add3A_2056 = arith.addi %add3A_2055, %shift_right_arithmetic3A_2054 : vector<16xi32>
        %gather3A_2057 = tpu.vector_load_idx %arg6[%add3A_2056] : memref<32768xi32, #tpu.memory_space<vmem>>[vector<16xi32>], vector<16xi32>,
        %and3A_2058 = arith.constant 15 : i32
        %and3A_2059 = vector.broadcast %and3A_2058 : i32 to vector<16xi32>
        %and3A_2060 = arith.andi %gather3A_2051, %and3A_2059 : vector<16xi32>
        %shift_right_logical3A_2061 = arith.shrui %gather3A_2057, %and3A_2060 : vector<16xi32>
        %and3A_2062 = arith.constant 1 : i32
        %and3A_2063 = vector.broadcast %and3A_2062 : i32 to vector<16xi32>
        %and3A_2064 = arith.andi %shift_right_logical3A_2061, %and3A_2063 : vector<16xi32>
        %shift_left3A_2065 = arith.constant 1 : i32
        %shift_left3A_2066 = vector.broadcast %shift_left3A_2065 : i32 to vector<16xi32>
        %shift_left3A_2067 = arith.shli %add3A_2049, %shift_left3A_2066 : vector<16xi32>
        %or3A_2068 = arith.ori %shift_left3A_2067, %and3A_2064 : vector<16xi32>
        %add3A_2069 = arith.addi %sub3A_56, %or3A_2068 : vector<16xi32>
        %gather3A_2070 = tpu.vector_load_idx %arg7[%add3A_2069] : memref<32256xi32, #tpu.memory_space<vmem>>[vector<16xi32>], vector<16xi32>,
        %shift_right_arithmetic3A_2071 = arith.constant 4 : i32
        %shift_right_arithmetic3A_2072 = vector.broadcast %shift_right_arithmetic3A_2071 : i32 to vector<16xi32>
        %shift_right_arithmetic3A_2073 = arith.shrsi %gather3A_2070, %shift_right_arithmetic3A_2072 : vector<16xi32>
        %add3A_2074 = vector.broadcast %mul3A_2039 : i32 to vector<16xi32>
        %add3A_2075 = arith.addi %add3A_2074, %shift_right_arithmetic3A_2073 : vector<16xi32>
        %gather3A_2076 = tpu.vector_load_idx %arg6[%add3A_2075] : memref<32768xi32, #tpu.memory_space<vmem>>[vector<16xi32>], vector<16xi32>,
        %and3A_2077 = arith.constant 15 : i32
        %and3A_2078 = vector.broadcast %and3A_2077 : i32 to vector<16xi32>
        %and3A_2079 = arith.andi %gather3A_2070, %and3A_2078 : vector<16xi32>
        %shift_right_logical3A_2080 = arith.shrui %gather3A_2076, %and3A_2079 : vector<16xi32>
        %and3A_2081 = arith.constant 1 : i32
        %and3A_2082 = vector.broadcast %and3A_2081 : i32 to vector<16xi32>
        %and3A_2083 = arith.andi %shift_right_logical3A_2080, %and3A_2082 : vector<16xi32>
        %shift_left3A_2084 = arith.constant 1 : i32
        %shift_left3A_2085 = vector.broadcast %shift_left3A_2084 : i32 to vector<16xi32>
        %shift_left3A_2086 = arith.shli %or3A_2068, %shift_left3A_2085 : vector<16xi32>
        %or3A_2087 = arith.ori %shift_left3A_2086, %and3A_2083 : vector<16xi32>
        %add3A_2088 = arith.addi %sub3A_56, %or3A_2087 : vector<16xi32>
        %gather3A_2089 = tpu.vector_load_idx %arg7[%add3A_2088] : memref<32256xi32, #tpu.memory_space<vmem>>[vector<16xi32>], vector<16xi32>,
        %shift_right_arithmetic3A_2090 = arith.constant 4 : i32
        %shift_right_arithmetic3A_2091 = vector.broadcast %shift_right_arithmetic3A_2090 : i32 to vector<16xi32>
        %shift_right_arithmetic3A_2092 = arith.shrsi %gather3A_2089, %shift_right_arithmetic3A_2091 : vector<16xi32>
        %add3A_2093 = vector.broadcast %mul3A_2039 : i32 to vector<16xi32>
        %add3A_2094 = arith.addi %add3A_2093, %shift_right_arithmetic3A_2092 : vector<16xi32>
        %gather3A_2095 = tpu.vector_load_idx %arg6[%add3A_2094] : memref<32768xi32, #tpu.memory_space<vmem>>[vector<16xi32>], vector<16xi32>,
        %and3A_2096 = arith.constant 15 : i32
        %and3A_2097 = vector.broadcast %and3A_2096 : i32 to vector<16xi32>
        %and3A_2098 = arith.andi %gather3A_2089, %and3A_2097 : vector<16xi32>
        %shift_right_logical3A_2099 = arith.shrui %gather3A_2095, %and3A_2098 : vector<16xi32>
        %and3A_2100 = arith.constant 1 : i32
        %and3A_2101 = vector.broadcast %and3A_2100 : i32 to vector<16xi32>
        %and3A_2102 = arith.andi %shift_right_logical3A_2099, %and3A_2101 : vector<16xi32>
        %shift_left3A_2103 = arith.constant 1 : i32
        %shift_left3A_2104 = vector.broadcast %shift_left3A_2103 : i32 to vector<16xi32>
        %shift_left3A_2105 = arith.shli %or3A_2087, %shift_left3A_2104 : vector<16xi32>
        %or3A_2106 = arith.ori %shift_left3A_2105, %and3A_2102 : vector<16xi32>
        %add3A_2107 = arith.addi %sub3A_56, %or3A_2106 : vector<16xi32>
        %gather3A_2108 = tpu.vector_load_idx %arg7[%add3A_2107] : memref<32256xi32, #tpu.memory_space<vmem>>[vector<16xi32>], vector<16xi32>,
        %shift_right_arithmetic3A_2109 = arith.constant 4 : i32
        %shift_right_arithmetic3A_2110 = vector.broadcast %shift_right_arithmetic3A_2109 : i32 to vector<16xi32>
        %shift_right_arithmetic3A_2111 = arith.shrsi %gather3A_2108, %shift_right_arithmetic3A_2110 : vector<16xi32>
        %add3A_2112 = vector.broadcast %mul3A_2039 : i32 to vector<16xi32>
        %add3A_2113 = arith.addi %add3A_2112, %shift_right_arithmetic3A_2111 : vector<16xi32>
        %gather3A_2114 = tpu.vector_load_idx %arg6[%add3A_2113] : memref<32768xi32, #tpu.memory_space<vmem>>[vector<16xi32>], vector<16xi32>,
        %and3A_2115 = arith.constant 15 : i32
        %and3A_2116 = vector.broadcast %and3A_2115 : i32 to vector<16xi32>
        %and3A_2117 = arith.andi %gather3A_2108, %and3A_2116 : vector<16xi32>
        %shift_right_logical3A_2118 = arith.shrui %gather3A_2114, %and3A_2117 : vector<16xi32>
        %and3A_2119 = arith.constant 1 : i32
        %and3A_2120 = vector.broadcast %and3A_2119 : i32 to vector<16xi32>
        %and3A_2121 = arith.andi %shift_right_logical3A_2118, %and3A_2120 : vector<16xi32>
        %shift_left3A_2122 = arith.constant 1 : i32
        %shift_left3A_2123 = vector.broadcast %shift_left3A_2122 : i32 to vector<16xi32>
        %shift_left3A_2124 = arith.shli %or3A_2106, %shift_left3A_2123 : vector<16xi32>
        %or3A_2125 = arith.ori %shift_left3A_2124, %and3A_2121 : vector<16xi32>
        %add3A_2126 = arith.addi %sub3A_56, %or3A_2125 : vector<16xi32>
        %gather3A_2127 = tpu.vector_load_idx %arg7[%add3A_2126] : memref<32256xi32, #tpu.memory_space<vmem>>[vector<16xi32>], vector<16xi32>,
        %shift_right_arithmetic3A_2128 = arith.constant 4 : i32
        %shift_right_arithmetic3A_2129 = vector.broadcast %shift_right_arithmetic3A_2128 : i32 to vector<16xi32>
        %shift_right_arithmetic3A_2130 = arith.shrsi %gather3A_2127, %shift_right_arithmetic3A_2129 : vector<16xi32>
        %add3A_2131 = vector.broadcast %mul3A_2039 : i32 to vector<16xi32>
        %add3A_2132 = arith.addi %add3A_2131, %shift_right_arithmetic3A_2130 : vector<16xi32>
        %gather3A_2133 = tpu.vector_load_idx %arg6[%add3A_2132] : memref<32768xi32, #tpu.memory_space<vmem>>[vector<16xi32>], vector<16xi32>,
        %and3A_2134 = arith.constant 15 : i32
        %and3A_2135 = vector.broadcast %and3A_2134 : i32 to vector<16xi32>
        %and3A_2136 = arith.andi %gather3A_2127, %and3A_2135 : vector<16xi32>
        %shift_right_logical3A_2137 = arith.shrui %gather3A_2133, %and3A_2136 : vector<16xi32>
        %and3A_2138 = arith.constant 1 : i32
        %and3A_2139 = vector.broadcast %and3A_2138 : i32 to vector<16xi32>
        %and3A_2140 = arith.andi %shift_right_logical3A_2137, %and3A_2139 : vector<16xi32>
        %shift_left3A_2141 = arith.constant 1 : i32
        %shift_left3A_2142 = vector.broadcast %shift_left3A_2141 : i32 to vector<16xi32>
        %shift_left3A_2143 = arith.shli %or3A_2125, %shift_left3A_2142 : vector<16xi32>
        %or3A_2144 = arith.ori %shift_left3A_2143, %and3A_2140 : vector<16xi32>
        %add3A_2145 = arith.addi %mul3A_53, %or3A_2144 : vector<16xi32>
        %sub3A_2146 = arith.constant 64 : i32
        %sub3A_2147 = vector.broadcast %sub3A_2146 : i32 to vector<16xi32>
        %sub3A_2148 = arith.subi %add3A_2145, %sub3A_2147 : vector<16xi32>
        %gather3A_2149 = tpu.vector_load_idx %arg8[%sub3A_2148] : memref<32768xf32, #tpu.memory_space<vmem>>[vector<16xi32>], vector<16xf32>,
        %mul3A_2150 = arith.constant 32 : i32
        %mul3A_2151 = arith.muli %scan3A_22, %mul3A_2150 : i32
        %add3A_2152 = arith.constant 18 : i32
        %add3A_2153 = arith.addi %mul3A_2151, %add3A_2152 : i32
        %mul3A_2154 = arith.constant 128 : i32
        %mul3A_2155 = arith.muli %add3A_2153, %mul3A_2154 : i32
        %add3A_2156 = vector.broadcast %mul3A_2155 : i32 to vector<16xi32>
        %add3A_2157 = arith.addi %add3A_2156, %shift_right_arithmetic3A_61 : vector<16xi32>
        %gather3A_2158 = tpu.vector_load_idx %arg6[%add3A_2157] : memref<32768xi32, #tpu.memory_space<vmem>>[vector<16xi32>], vector<16xi32>,
        %shift_right_logical3A_2159 = arith.shrui %gather3A_2158, %and3A_64 : vector<16xi32>
        %and3A_2160 = arith.constant 1 : i32
        %and3A_2161 = vector.broadcast %and3A_2160 : i32 to vector<16xi32>
        %and3A_2162 = arith.andi %shift_right_logical3A_2159, %and3A_2161 : vector<16xi32>
        %add3A_2163 = arith.constant 2 : i32
        %add3A_2164 = vector.broadcast %add3A_2163 : i32 to vector<16xi32>
        %add3A_2165 = arith.addi %add3A_2164, %and3A_2162 : vector<16xi32>
        %add3A_2166 = arith.addi %sub3A_56, %add3A_2165 : vector<16xi32>
        %gather3A_2167 = tpu.vector_load_idx %arg7[%add3A_2166] : memref<32256xi32, #tpu.memory_space<vmem>>[vector<16xi32>], vector<16xi32>,
        %shift_right_arithmetic3A_2168 = arith.constant 4 : i32
        %shift_right_arithmetic3A_2169 = vector.broadcast %shift_right_arithmetic3A_2168 : i32 to vector<16xi32>
        %shift_right_arithmetic3A_2170 = arith.shrsi %gather3A_2167, %shift_right_arithmetic3A_2169 : vector<16xi32>
        %add3A_2171 = vector.broadcast %mul3A_2155 : i32 to vector<16xi32>
        %add3A_2172 = arith.addi %add3A_2171, %shift_right_arithmetic3A_2170 : vector<16xi32>
        %gather3A_2173 = tpu.vector_load_idx %arg6[%add3A_2172] : memref<32768xi32, #tpu.memory_space<vmem>>[vector<16xi32>], vector<16xi32>,
        %and3A_2174 = arith.constant 15 : i32
        %and3A_2175 = vector.broadcast %and3A_2174 : i32 to vector<16xi32>
        %and3A_2176 = arith.andi %gather3A_2167, %and3A_2175 : vector<16xi32>
        %shift_right_logical3A_2177 = arith.shrui %gather3A_2173, %and3A_2176 : vector<16xi32>
        %and3A_2178 = arith.constant 1 : i32
        %and3A_2179 = vector.broadcast %and3A_2178 : i32 to vector<16xi32>
        %and3A_2180 = arith.andi %shift_right_logical3A_2177, %and3A_2179 : vector<16xi32>
        %shift_left3A_2181 = arith.constant 1 : i32
        %shift_left3A_2182 = vector.broadcast %shift_left3A_2181 : i32 to vector<16xi32>
        %shift_left3A_2183 = arith.shli %add3A_2165, %shift_left3A_2182 : vector<16xi32>
        %or3A_2184 = arith.ori %shift_left3A_2183, %and3A_2180 : vector<16xi32>
        %add3A_2185 = arith.addi %sub3A_56, %or3A_2184 : vector<16xi32>
        %gather3A_2186 = tpu.vector_load_idx %arg7[%add3A_2185] : memref<32256xi32, #tpu.memory_space<vmem>>[vector<16xi32>], vector<16xi32>,
        %shift_right_arithmetic3A_2187 = arith.constant 4 : i32
        %shift_right_arithmetic3A_2188 = vector.broadcast %shift_right_arithmetic3A_2187 : i32 to vector<16xi32>
        %shift_right_arithmetic3A_2189 = arith.shrsi %gather3A_2186, %shift_right_arithmetic3A_2188 : vector<16xi32>
        %add3A_2190 = vector.broadcast %mul3A_2155 : i32 to vector<16xi32>
        %add3A_2191 = arith.addi %add3A_2190, %shift_right_arithmetic3A_2189 : vector<16xi32>
        %gather3A_2192 = tpu.vector_load_idx %arg6[%add3A_2191] : memref<32768xi32, #tpu.memory_space<vmem>>[vector<16xi32>], vector<16xi32>,
        %and3A_2193 = arith.constant 15 : i32
        %and3A_2194 = vector.broadcast %and3A_2193 : i32 to vector<16xi32>
        %and3A_2195 = arith.andi %gather3A_2186, %and3A_2194 : vector<16xi32>
        %shift_right_logical3A_2196 = arith.shrui %gather3A_2192, %and3A_2195 : vector<16xi32>
        %and3A_2197 = arith.constant 1 : i32
        %and3A_2198 = vector.broadcast %and3A_2197 : i32 to vector<16xi32>
        %and3A_2199 = arith.andi %shift_right_logical3A_2196, %and3A_2198 : vector<16xi32>
        %shift_left3A_2200 = arith.constant 1 : i32
        %shift_left3A_2201 = vector.broadcast %shift_left3A_2200 : i32 to vector<16xi32>
        %shift_left3A_2202 = arith.shli %or3A_2184, %shift_left3A_2201 : vector<16xi32>
        %or3A_2203 = arith.ori %shift_left3A_2202, %and3A_2199 : vector<16xi32>
        %add3A_2204 = arith.addi %sub3A_56, %or3A_2203 : vector<16xi32>
        %gather3A_2205 = tpu.vector_load_idx %arg7[%add3A_2204] : memref<32256xi32, #tpu.memory_space<vmem>>[vector<16xi32>], vector<16xi32>,
        %shift_right_arithmetic3A_2206 = arith.constant 4 : i32
        %shift_right_arithmetic3A_2207 = vector.broadcast %shift_right_arithmetic3A_2206 : i32 to vector<16xi32>
        %shift_right_arithmetic3A_2208 = arith.shrsi %gather3A_2205, %shift_right_arithmetic3A_2207 : vector<16xi32>
        %add3A_2209 = vector.broadcast %mul3A_2155 : i32 to vector<16xi32>
        %add3A_2210 = arith.addi %add3A_2209, %shift_right_arithmetic3A_2208 : vector<16xi32>
        %gather3A_2211 = tpu.vector_load_idx %arg6[%add3A_2210] : memref<32768xi32, #tpu.memory_space<vmem>>[vector<16xi32>], vector<16xi32>,
        %and3A_2212 = arith.constant 15 : i32
        %and3A_2213 = vector.broadcast %and3A_2212 : i32 to vector<16xi32>
        %and3A_2214 = arith.andi %gather3A_2205, %and3A_2213 : vector<16xi32>
        %shift_right_logical3A_2215 = arith.shrui %gather3A_2211, %and3A_2214 : vector<16xi32>
        %and3A_2216 = arith.constant 1 : i32
        %and3A_2217 = vector.broadcast %and3A_2216 : i32 to vector<16xi32>
        %and3A_2218 = arith.andi %shift_right_logical3A_2215, %and3A_2217 : vector<16xi32>
        %shift_left3A_2219 = arith.constant 1 : i32
        %shift_left3A_2220 = vector.broadcast %shift_left3A_2219 : i32 to vector<16xi32>
        %shift_left3A_2221 = arith.shli %or3A_2203, %shift_left3A_2220 : vector<16xi32>
        %or3A_2222 = arith.ori %shift_left3A_2221, %and3A_2218 : vector<16xi32>
        %add3A_2223 = arith.addi %sub3A_56, %or3A_2222 : vector<16xi32>
        %gather3A_2224 = tpu.vector_load_idx %arg7[%add3A_2223] : memref<32256xi32, #tpu.memory_space<vmem>>[vector<16xi32>], vector<16xi32>,
        %shift_right_arithmetic3A_2225 = arith.constant 4 : i32
        %shift_right_arithmetic3A_2226 = vector.broadcast %shift_right_arithmetic3A_2225 : i32 to vector<16xi32>
        %shift_right_arithmetic3A_2227 = arith.shrsi %gather3A_2224, %shift_right_arithmetic3A_2226 : vector<16xi32>
        %add3A_2228 = vector.broadcast %mul3A_2155 : i32 to vector<16xi32>
        %add3A_2229 = arith.addi %add3A_2228, %shift_right_arithmetic3A_2227 : vector<16xi32>
        %gather3A_2230 = tpu.vector_load_idx %arg6[%add3A_2229] : memref<32768xi32, #tpu.memory_space<vmem>>[vector<16xi32>], vector<16xi32>,
        %and3A_2231 = arith.constant 15 : i32
        %and3A_2232 = vector.broadcast %and3A_2231 : i32 to vector<16xi32>
        %and3A_2233 = arith.andi %gather3A_2224, %and3A_2232 : vector<16xi32>
        %shift_right_logical3A_2234 = arith.shrui %gather3A_2230, %and3A_2233 : vector<16xi32>
        %and3A_2235 = arith.constant 1 : i32
        %and3A_2236 = vector.broadcast %and3A_2235 : i32 to vector<16xi32>
        %and3A_2237 = arith.andi %shift_right_logical3A_2234, %and3A_2236 : vector<16xi32>
        %shift_left3A_2238 = arith.constant 1 : i32
        %shift_left3A_2239 = vector.broadcast %shift_left3A_2238 : i32 to vector<16xi32>
        %shift_left3A_2240 = arith.shli %or3A_2222, %shift_left3A_2239 : vector<16xi32>
        %or3A_2241 = arith.ori %shift_left3A_2240, %and3A_2237 : vector<16xi32>
        %add3A_2242 = arith.addi %sub3A_56, %or3A_2241 : vector<16xi32>
        %gather3A_2243 = tpu.vector_load_idx %arg7[%add3A_2242] : memref<32256xi32, #tpu.memory_space<vmem>>[vector<16xi32>], vector<16xi32>,
        %shift_right_arithmetic3A_2244 = arith.constant 4 : i32
        %shift_right_arithmetic3A_2245 = vector.broadcast %shift_right_arithmetic3A_2244 : i32 to vector<16xi32>
        %shift_right_arithmetic3A_2246 = arith.shrsi %gather3A_2243, %shift_right_arithmetic3A_2245 : vector<16xi32>
        %add3A_2247 = vector.broadcast %mul3A_2155 : i32 to vector<16xi32>
        %add3A_2248 = arith.addi %add3A_2247, %shift_right_arithmetic3A_2246 : vector<16xi32>
        %gather3A_2249 = tpu.vector_load_idx %arg6[%add3A_2248] : memref<32768xi32, #tpu.memory_space<vmem>>[vector<16xi32>], vector<16xi32>,
        %and3A_2250 = arith.constant 15 : i32
        %and3A_2251 = vector.broadcast %and3A_2250 : i32 to vector<16xi32>
        %and3A_2252 = arith.andi %gather3A_2243, %and3A_2251 : vector<16xi32>
        %shift_right_logical3A_2253 = arith.shrui %gather3A_2249, %and3A_2252 : vector<16xi32>
        %and3A_2254 = arith.constant 1 : i32
        %and3A_2255 = vector.broadcast %and3A_2254 : i32 to vector<16xi32>
        %and3A_2256 = arith.andi %shift_right_logical3A_2253, %and3A_2255 : vector<16xi32>
        %shift_left3A_2257 = arith.constant 1 : i32
        %shift_left3A_2258 = vector.broadcast %shift_left3A_2257 : i32 to vector<16xi32>
        %shift_left3A_2259 = arith.shli %or3A_2241, %shift_left3A_2258 : vector<16xi32>
        %or3A_2260 = arith.ori %shift_left3A_2259, %and3A_2256 : vector<16xi32>
        %add3A_2261 = arith.addi %mul3A_53, %or3A_2260 : vector<16xi32>
        %sub3A_2262 = arith.constant 64 : i32
        %sub3A_2263 = vector.broadcast %sub3A_2262 : i32 to vector<16xi32>
        %sub3A_2264 = arith.subi %add3A_2261, %sub3A_2263 : vector<16xi32>
        %gather3A_2265 = tpu.vector_load_idx %arg8[%sub3A_2264] : memref<32768xf32, #tpu.memory_space<vmem>>[vector<16xi32>], vector<16xf32>,
        %mul3A_2266 = arith.constant 32 : i32
        %mul3A_2267 = arith.muli %scan3A_22, %mul3A_2266 : i32
        %add3A_2268 = arith.constant 19 : i32
        %add3A_2269 = arith.addi %mul3A_2267, %add3A_2268 : i32
        %mul3A_2270 = arith.constant 128 : i32
        %mul3A_2271 = arith.muli %add3A_2269, %mul3A_2270 : i32
        %add3A_2272 = vector.broadcast %mul3A_2271 : i32 to vector<16xi32>
        %add3A_2273 = arith.addi %add3A_2272, %shift_right_arithmetic3A_61 : vector<16xi32>
        %gather3A_2274 = tpu.vector_load_idx %arg6[%add3A_2273] : memref<32768xi32, #tpu.memory_space<vmem>>[vector<16xi32>], vector<16xi32>,
        %shift_right_logical3A_2275 = arith.shrui %gather3A_2274, %and3A_64 : vector<16xi32>
        %and3A_2276 = arith.constant 1 : i32
        %and3A_2277 = vector.broadcast %and3A_2276 : i32 to vector<16xi32>
        %and3A_2278 = arith.andi %shift_right_logical3A_2275, %and3A_2277 : vector<16xi32>
        %add3A_2279 = arith.constant 2 : i32
        %add3A_2280 = vector.broadcast %add3A_2279 : i32 to vector<16xi32>
        %add3A_2281 = arith.addi %add3A_2280, %and3A_2278 : vector<16xi32>
        %add3A_2282 = arith.addi %sub3A_56, %add3A_2281 : vector<16xi32>
        %gather3A_2283 = tpu.vector_load_idx %arg7[%add3A_2282] : memref<32256xi32, #tpu.memory_space<vmem>>[vector<16xi32>], vector<16xi32>,
        %shift_right_arithmetic3A_2284 = arith.constant 4 : i32
        %shift_right_arithmetic3A_2285 = vector.broadcast %shift_right_arithmetic3A_2284 : i32 to vector<16xi32>
        %shift_right_arithmetic3A_2286 = arith.shrsi %gather3A_2283, %shift_right_arithmetic3A_2285 : vector<16xi32>
        %add3A_2287 = vector.broadcast %mul3A_2271 : i32 to vector<16xi32>
        %add3A_2288 = arith.addi %add3A_2287, %shift_right_arithmetic3A_2286 : vector<16xi32>
        %gather3A_2289 = tpu.vector_load_idx %arg6[%add3A_2288] : memref<32768xi32, #tpu.memory_space<vmem>>[vector<16xi32>], vector<16xi32>,
        %and3A_2290 = arith.constant 15 : i32
        %and3A_2291 = vector.broadcast %and3A_2290 : i32 to vector<16xi32>
        %and3A_2292 = arith.andi %gather3A_2283, %and3A_2291 : vector<16xi32>
        %shift_right_logical3A_2293 = arith.shrui %gather3A_2289, %and3A_2292 : vector<16xi32>
        %and3A_2294 = arith.constant 1 : i32
        %and3A_2295 = vector.broadcast %and3A_2294 : i32 to vector<16xi32>
        %and3A_2296 = arith.andi %shift_right_logical3A_2293, %and3A_2295 : vector<16xi32>
        %shift_left3A_2297 = arith.constant 1 : i32
        %shift_left3A_2298 = vector.broadcast %shift_left3A_2297 : i32 to vector<16xi32>
        %shift_left3A_2299 = arith.shli %add3A_2281, %shift_left3A_2298 : vector<16xi32>
        %or3A_2300 = arith.ori %shift_left3A_2299, %and3A_2296 : vector<16xi32>
        %add3A_2301 = arith.addi %sub3A_56, %or3A_2300 : vector<16xi32>
        %gather3A_2302 = tpu.vector_load_idx %arg7[%add3A_2301] : memref<32256xi32, #tpu.memory_space<vmem>>[vector<16xi32>], vector<16xi32>,
        %shift_right_arithmetic3A_2303 = arith.constant 4 : i32
        %shift_right_arithmetic3A_2304 = vector.broadcast %shift_right_arithmetic3A_2303 : i32 to vector<16xi32>
        %shift_right_arithmetic3A_2305 = arith.shrsi %gather3A_2302, %shift_right_arithmetic3A_2304 : vector<16xi32>
        %add3A_2306 = vector.broadcast %mul3A_2271 : i32 to vector<16xi32>
        %add3A_2307 = arith.addi %add3A_2306, %shift_right_arithmetic3A_2305 : vector<16xi32>
        %gather3A_2308 = tpu.vector_load_idx %arg6[%add3A_2307] : memref<32768xi32, #tpu.memory_space<vmem>>[vector<16xi32>], vector<16xi32>,
        %and3A_2309 = arith.constant 15 : i32
        %and3A_2310 = vector.broadcast %and3A_2309 : i32 to vector<16xi32>
        %and3A_2311 = arith.andi %gather3A_2302, %and3A_2310 : vector<16xi32>
        %shift_right_logical3A_2312 = arith.shrui %gather3A_2308, %and3A_2311 : vector<16xi32>
        %and3A_2313 = arith.constant 1 : i32
        %and3A_2314 = vector.broadcast %and3A_2313 : i32 to vector<16xi32>
        %and3A_2315 = arith.andi %shift_right_logical3A_2312, %and3A_2314 : vector<16xi32>
        %shift_left3A_2316 = arith.constant 1 : i32
        %shift_left3A_2317 = vector.broadcast %shift_left3A_2316 : i32 to vector<16xi32>
        %shift_left3A_2318 = arith.shli %or3A_2300, %shift_left3A_2317 : vector<16xi32>
        %or3A_2319 = arith.ori %shift_left3A_2318, %and3A_2315 : vector<16xi32>
        %add3A_2320 = arith.addi %sub3A_56, %or3A_2319 : vector<16xi32>
        %gather3A_2321 = tpu.vector_load_idx %arg7[%add3A_2320] : memref<32256xi32, #tpu.memory_space<vmem>>[vector<16xi32>], vector<16xi32>,
        %shift_right_arithmetic3A_2322 = arith.constant 4 : i32
        %shift_right_arithmetic3A_2323 = vector.broadcast %shift_right_arithmetic3A_2322 : i32 to vector<16xi32>
        %shift_right_arithmetic3A_2324 = arith.shrsi %gather3A_2321, %shift_right_arithmetic3A_2323 : vector<16xi32>
        %add3A_2325 = vector.broadcast %mul3A_2271 : i32 to vector<16xi32>
        %add3A_2326 = arith.addi %add3A_2325, %shift_right_arithmetic3A_2324 : vector<16xi32>
        %gather3A_2327 = tpu.vector_load_idx %arg6[%add3A_2326] : memref<32768xi32, #tpu.memory_space<vmem>>[vector<16xi32>], vector<16xi32>,
        %and3A_2328 = arith.constant 15 : i32
        %and3A_2329 = vector.broadcast %and3A_2328 : i32 to vector<16xi32>
        %and3A_2330 = arith.andi %gather3A_2321, %and3A_2329 : vector<16xi32>
        %shift_right_logical3A_2331 = arith.shrui %gather3A_2327, %and3A_2330 : vector<16xi32>
        %and3A_2332 = arith.constant 1 : i32
        %and3A_2333 = vector.broadcast %and3A_2332 : i32 to vector<16xi32>
        %and3A_2334 = arith.andi %shift_right_logical3A_2331, %and3A_2333 : vector<16xi32>
        %shift_left3A_2335 = arith.constant 1 : i32
        %shift_left3A_2336 = vector.broadcast %shift_left3A_2335 : i32 to vector<16xi32>
        %shift_left3A_2337 = arith.shli %or3A_2319, %shift_left3A_2336 : vector<16xi32>
        %or3A_2338 = arith.ori %shift_left3A_2337, %and3A_2334 : vector<16xi32>
        %add3A_2339 = arith.addi %sub3A_56, %or3A_2338 : vector<16xi32>
        %gather3A_2340 = tpu.vector_load_idx %arg7[%add3A_2339] : memref<32256xi32, #tpu.memory_space<vmem>>[vector<16xi32>], vector<16xi32>,
        %shift_right_arithmetic3A_2341 = arith.constant 4 : i32
        %shift_right_arithmetic3A_2342 = vector.broadcast %shift_right_arithmetic3A_2341 : i32 to vector<16xi32>
        %shift_right_arithmetic3A_2343 = arith.shrsi %gather3A_2340, %shift_right_arithmetic3A_2342 : vector<16xi32>
        %add3A_2344 = vector.broadcast %mul3A_2271 : i32 to vector<16xi32>
        %add3A_2345 = arith.addi %add3A_2344, %shift_right_arithmetic3A_2343 : vector<16xi32>
        %gather3A_2346 = tpu.vector_load_idx %arg6[%add3A_2345] : memref<32768xi32, #tpu.memory_space<vmem>>[vector<16xi32>], vector<16xi32>,
        %and3A_2347 = arith.constant 15 : i32
        %and3A_2348 = vector.broadcast %and3A_2347 : i32 to vector<16xi32>
        %and3A_2349 = arith.andi %gather3A_2340, %and3A_2348 : vector<16xi32>
        %shift_right_logical3A_2350 = arith.shrui %gather3A_2346, %and3A_2349 : vector<16xi32>
        %and3A_2351 = arith.constant 1 : i32
        %and3A_2352 = vector.broadcast %and3A_2351 : i32 to vector<16xi32>
        %and3A_2353 = arith.andi %shift_right_logical3A_2350, %and3A_2352 : vector<16xi32>
        %shift_left3A_2354 = arith.constant 1 : i32
        %shift_left3A_2355 = vector.broadcast %shift_left3A_2354 : i32 to vector<16xi32>
        %shift_left3A_2356 = arith.shli %or3A_2338, %shift_left3A_2355 : vector<16xi32>
        %or3A_2357 = arith.ori %shift_left3A_2356, %and3A_2353 : vector<16xi32>
        %add3A_2358 = arith.addi %sub3A_56, %or3A_2357 : vector<16xi32>
        %gather3A_2359 = tpu.vector_load_idx %arg7[%add3A_2358] : memref<32256xi32, #tpu.memory_space<vmem>>[vector<16xi32>], vector<16xi32>,
        %shift_right_arithmetic3A_2360 = arith.constant 4 : i32
        %shift_right_arithmetic3A_2361 = vector.broadcast %shift_right_arithmetic3A_2360 : i32 to vector<16xi32>
        %shift_right_arithmetic3A_2362 = arith.shrsi %gather3A_2359, %shift_right_arithmetic3A_2361 : vector<16xi32>
        %add3A_2363 = vector.broadcast %mul3A_2271 : i32 to vector<16xi32>
        %add3A_2364 = arith.addi %add3A_2363, %shift_right_arithmetic3A_2362 : vector<16xi32>
        %gather3A_2365 = tpu.vector_load_idx %arg6[%add3A_2364] : memref<32768xi32, #tpu.memory_space<vmem>>[vector<16xi32>], vector<16xi32>,
        %and3A_2366 = arith.constant 15 : i32
        %and3A_2367 = vector.broadcast %and3A_2366 : i32 to vector<16xi32>
        %and3A_2368 = arith.andi %gather3A_2359, %and3A_2367 : vector<16xi32>
        %shift_right_logical3A_2369 = arith.shrui %gather3A_2365, %and3A_2368 : vector<16xi32>
        %and3A_2370 = arith.constant 1 : i32
        %and3A_2371 = vector.broadcast %and3A_2370 : i32 to vector<16xi32>
        %and3A_2372 = arith.andi %shift_right_logical3A_2369, %and3A_2371 : vector<16xi32>
        %shift_left3A_2373 = arith.constant 1 : i32
        %shift_left3A_2374 = vector.broadcast %shift_left3A_2373 : i32 to vector<16xi32>
        %shift_left3A_2375 = arith.shli %or3A_2357, %shift_left3A_2374 : vector<16xi32>
        %or3A_2376 = arith.ori %shift_left3A_2375, %and3A_2372 : vector<16xi32>
        %add3A_2377 = arith.addi %mul3A_53, %or3A_2376 : vector<16xi32>
        %sub3A_2378 = arith.constant 64 : i32
        %sub3A_2379 = vector.broadcast %sub3A_2378 : i32 to vector<16xi32>
        %sub3A_2380 = arith.subi %add3A_2377, %sub3A_2379 : vector<16xi32>
        %gather3A_2381 = tpu.vector_load_idx %arg8[%sub3A_2380] : memref<32768xf32, #tpu.memory_space<vmem>>[vector<16xi32>], vector<16xf32>,
        %mul3A_2382 = arith.constant 32 : i32
        %mul3A_2383 = arith.muli %scan3A_22, %mul3A_2382 : i32
        %add3A_2384 = arith.constant 20 : i32
        %add3A_2385 = arith.addi %mul3A_2383, %add3A_2384 : i32
        %mul3A_2386 = arith.constant 128 : i32
        %mul3A_2387 = arith.muli %add3A_2385, %mul3A_2386 : i32
        %add3A_2388 = vector.broadcast %mul3A_2387 : i32 to vector<16xi32>
        %add3A_2389 = arith.addi %add3A_2388, %shift_right_arithmetic3A_61 : vector<16xi32>
        %gather3A_2390 = tpu.vector_load_idx %arg6[%add3A_2389] : memref<32768xi32, #tpu.memory_space<vmem>>[vector<16xi32>], vector<16xi32>,
        %shift_right_logical3A_2391 = arith.shrui %gather3A_2390, %and3A_64 : vector<16xi32>
        %and3A_2392 = arith.constant 1 : i32
        %and3A_2393 = vector.broadcast %and3A_2392 : i32 to vector<16xi32>
        %and3A_2394 = arith.andi %shift_right_logical3A_2391, %and3A_2393 : vector<16xi32>
        %add3A_2395 = arith.constant 2 : i32
        %add3A_2396 = vector.broadcast %add3A_2395 : i32 to vector<16xi32>
        %add3A_2397 = arith.addi %add3A_2396, %and3A_2394 : vector<16xi32>
        %add3A_2398 = arith.addi %sub3A_56, %add3A_2397 : vector<16xi32>
        %gather3A_2399 = tpu.vector_load_idx %arg7[%add3A_2398] : memref<32256xi32, #tpu.memory_space<vmem>>[vector<16xi32>], vector<16xi32>,
        %shift_right_arithmetic3A_2400 = arith.constant 4 : i32
        %shift_right_arithmetic3A_2401 = vector.broadcast %shift_right_arithmetic3A_2400 : i32 to vector<16xi32>
        %shift_right_arithmetic3A_2402 = arith.shrsi %gather3A_2399, %shift_right_arithmetic3A_2401 : vector<16xi32>
        %add3A_2403 = vector.broadcast %mul3A_2387 : i32 to vector<16xi32>
        %add3A_2404 = arith.addi %add3A_2403, %shift_right_arithmetic3A_2402 : vector<16xi32>
        %gather3A_2405 = tpu.vector_load_idx %arg6[%add3A_2404] : memref<32768xi32, #tpu.memory_space<vmem>>[vector<16xi32>], vector<16xi32>,
        %and3A_2406 = arith.constant 15 : i32
        %and3A_2407 = vector.broadcast %and3A_2406 : i32 to vector<16xi32>
        %and3A_2408 = arith.andi %gather3A_2399, %and3A_2407 : vector<16xi32>
        %shift_right_logical3A_2409 = arith.shrui %gather3A_2405, %and3A_2408 : vector<16xi32>
        %and3A_2410 = arith.constant 1 : i32
        %and3A_2411 = vector.broadcast %and3A_2410 : i32 to vector<16xi32>
        %and3A_2412 = arith.andi %shift_right_logical3A_2409, %and3A_2411 : vector<16xi32>
        %shift_left3A_2413 = arith.constant 1 : i32
        %shift_left3A_2414 = vector.broadcast %shift_left3A_2413 : i32 to vector<16xi32>
        %shift_left3A_2415 = arith.shli %add3A_2397, %shift_left3A_2414 : vector<16xi32>
        %or3A_2416 = arith.ori %shift_left3A_2415, %and3A_2412 : vector<16xi32>
        %add3A_2417 = arith.addi %sub3A_56, %or3A_2416 : vector<16xi32>
        %gather3A_2418 = tpu.vector_load_idx %arg7[%add3A_2417] : memref<32256xi32, #tpu.memory_space<vmem>>[vector<16xi32>], vector<16xi32>,
        %shift_right_arithmetic3A_2419 = arith.constant 4 : i32
        %shift_right_arithmetic3A_2420 = vector.broadcast %shift_right_arithmetic3A_2419 : i32 to vector<16xi32>
        %shift_right_arithmetic3A_2421 = arith.shrsi %gather3A_2418, %shift_right_arithmetic3A_2420 : vector<16xi32>
        %add3A_2422 = vector.broadcast %mul3A_2387 : i32 to vector<16xi32>
        %add3A_2423 = arith.addi %add3A_2422, %shift_right_arithmetic3A_2421 : vector<16xi32>
        %gather3A_2424 = tpu.vector_load_idx %arg6[%add3A_2423] : memref<32768xi32, #tpu.memory_space<vmem>>[vector<16xi32>], vector<16xi32>,
        %and3A_2425 = arith.constant 15 : i32
        %and3A_2426 = vector.broadcast %and3A_2425 : i32 to vector<16xi32>
        %and3A_2427 = arith.andi %gather3A_2418, %and3A_2426 : vector<16xi32>
        %shift_right_logical3A_2428 = arith.shrui %gather3A_2424, %and3A_2427 : vector<16xi32>
        %and3A_2429 = arith.constant 1 : i32
        %and3A_2430 = vector.broadcast %and3A_2429 : i32 to vector<16xi32>
        %and3A_2431 = arith.andi %shift_right_logical3A_2428, %and3A_2430 : vector<16xi32>
        %shift_left3A_2432 = arith.constant 1 : i32
        %shift_left3A_2433 = vector.broadcast %shift_left3A_2432 : i32 to vector<16xi32>
        %shift_left3A_2434 = arith.shli %or3A_2416, %shift_left3A_2433 : vector<16xi32>
        %or3A_2435 = arith.ori %shift_left3A_2434, %and3A_2431 : vector<16xi32>
        %add3A_2436 = arith.addi %sub3A_56, %or3A_2435 : vector<16xi32>
        %gather3A_2437 = tpu.vector_load_idx %arg7[%add3A_2436] : memref<32256xi32, #tpu.memory_space<vmem>>[vector<16xi32>], vector<16xi32>,
        %shift_right_arithmetic3A_2438 = arith.constant 4 : i32
        %shift_right_arithmetic3A_2439 = vector.broadcast %shift_right_arithmetic3A_2438 : i32 to vector<16xi32>
        %shift_right_arithmetic3A_2440 = arith.shrsi %gather3A_2437, %shift_right_arithmetic3A_2439 : vector<16xi32>
        %add3A_2441 = vector.broadcast %mul3A_2387 : i32 to vector<16xi32>
        %add3A_2442 = arith.addi %add3A_2441, %shift_right_arithmetic3A_2440 : vector<16xi32>
        %gather3A_2443 = tpu.vector_load_idx %arg6[%add3A_2442] : memref<32768xi32, #tpu.memory_space<vmem>>[vector<16xi32>], vector<16xi32>,
        %and3A_2444 = arith.constant 15 : i32
        %and3A_2445 = vector.broadcast %and3A_2444 : i32 to vector<16xi32>
        %and3A_2446 = arith.andi %gather3A_2437, %and3A_2445 : vector<16xi32>
        %shift_right_logical3A_2447 = arith.shrui %gather3A_2443, %and3A_2446 : vector<16xi32>
        %and3A_2448 = arith.constant 1 : i32
        %and3A_2449 = vector.broadcast %and3A_2448 : i32 to vector<16xi32>
        %and3A_2450 = arith.andi %shift_right_logical3A_2447, %and3A_2449 : vector<16xi32>
        %shift_left3A_2451 = arith.constant 1 : i32
        %shift_left3A_2452 = vector.broadcast %shift_left3A_2451 : i32 to vector<16xi32>
        %shift_left3A_2453 = arith.shli %or3A_2435, %shift_left3A_2452 : vector<16xi32>
        %or3A_2454 = arith.ori %shift_left3A_2453, %and3A_2450 : vector<16xi32>
        %add3A_2455 = arith.addi %sub3A_56, %or3A_2454 : vector<16xi32>
        %gather3A_2456 = tpu.vector_load_idx %arg7[%add3A_2455] : memref<32256xi32, #tpu.memory_space<vmem>>[vector<16xi32>], vector<16xi32>,
        %shift_right_arithmetic3A_2457 = arith.constant 4 : i32
        %shift_right_arithmetic3A_2458 = vector.broadcast %shift_right_arithmetic3A_2457 : i32 to vector<16xi32>
        %shift_right_arithmetic3A_2459 = arith.shrsi %gather3A_2456, %shift_right_arithmetic3A_2458 : vector<16xi32>
        %add3A_2460 = vector.broadcast %mul3A_2387 : i32 to vector<16xi32>
        %add3A_2461 = arith.addi %add3A_2460, %shift_right_arithmetic3A_2459 : vector<16xi32>
        %gather3A_2462 = tpu.vector_load_idx %arg6[%add3A_2461] : memref<32768xi32, #tpu.memory_space<vmem>>[vector<16xi32>], vector<16xi32>,
        %and3A_2463 = arith.constant 15 : i32
        %and3A_2464 = vector.broadcast %and3A_2463 : i32 to vector<16xi32>
        %and3A_2465 = arith.andi %gather3A_2456, %and3A_2464 : vector<16xi32>
        %shift_right_logical3A_2466 = arith.shrui %gather3A_2462, %and3A_2465 : vector<16xi32>
        %and3A_2467 = arith.constant 1 : i32
        %and3A_2468 = vector.broadcast %and3A_2467 : i32 to vector<16xi32>
        %and3A_2469 = arith.andi %shift_right_logical3A_2466, %and3A_2468 : vector<16xi32>
        %shift_left3A_2470 = arith.constant 1 : i32
        %shift_left3A_2471 = vector.broadcast %shift_left3A_2470 : i32 to vector<16xi32>
        %shift_left3A_2472 = arith.shli %or3A_2454, %shift_left3A_2471 : vector<16xi32>
        %or3A_2473 = arith.ori %shift_left3A_2472, %and3A_2469 : vector<16xi32>
        %add3A_2474 = arith.addi %sub3A_56, %or3A_2473 : vector<16xi32>
        %gather3A_2475 = tpu.vector_load_idx %arg7[%add3A_2474] : memref<32256xi32, #tpu.memory_space<vmem>>[vector<16xi32>], vector<16xi32>,
        %shift_right_arithmetic3A_2476 = arith.constant 4 : i32
        %shift_right_arithmetic3A_2477 = vector.broadcast %shift_right_arithmetic3A_2476 : i32 to vector<16xi32>
        %shift_right_arithmetic3A_2478 = arith.shrsi %gather3A_2475, %shift_right_arithmetic3A_2477 : vector<16xi32>
        %add3A_2479 = vector.broadcast %mul3A_2387 : i32 to vector<16xi32>
        %add3A_2480 = arith.addi %add3A_2479, %shift_right_arithmetic3A_2478 : vector<16xi32>
        %gather3A_2481 = tpu.vector_load_idx %arg6[%add3A_2480] : memref<32768xi32, #tpu.memory_space<vmem>>[vector<16xi32>], vector<16xi32>,
        %and3A_2482 = arith.constant 15 : i32
        %and3A_2483 = vector.broadcast %and3A_2482 : i32 to vector<16xi32>
        %and3A_2484 = arith.andi %gather3A_2475, %and3A_2483 : vector<16xi32>
        %shift_right_logical3A_2485 = arith.shrui %gather3A_2481, %and3A_2484 : vector<16xi32>
        %and3A_2486 = arith.constant 1 : i32
        %and3A_2487 = vector.broadcast %and3A_2486 : i32 to vector<16xi32>
        %and3A_2488 = arith.andi %shift_right_logical3A_2485, %and3A_2487 : vector<16xi32>
        %shift_left3A_2489 = arith.constant 1 : i32
        %shift_left3A_2490 = vector.broadcast %shift_left3A_2489 : i32 to vector<16xi32>
        %shift_left3A_2491 = arith.shli %or3A_2473, %shift_left3A_2490 : vector<16xi32>
        %or3A_2492 = arith.ori %shift_left3A_2491, %and3A_2488 : vector<16xi32>
        %add3A_2493 = arith.addi %mul3A_53, %or3A_2492 : vector<16xi32>
        %sub3A_2494 = arith.constant 64 : i32
        %sub3A_2495 = vector.broadcast %sub3A_2494 : i32 to vector<16xi32>
        %sub3A_2496 = arith.subi %add3A_2493, %sub3A_2495 : vector<16xi32>
        %gather3A_2497 = tpu.vector_load_idx %arg8[%sub3A_2496] : memref<32768xf32, #tpu.memory_space<vmem>>[vector<16xi32>], vector<16xf32>,
        %mul3A_2498 = arith.constant 32 : i32
        %mul3A_2499 = arith.muli %scan3A_22, %mul3A_2498 : i32
        %add3A_2500 = arith.constant 21 : i32
        %add3A_2501 = arith.addi %mul3A_2499, %add3A_2500 : i32
        %mul3A_2502 = arith.constant 128 : i32
        %mul3A_2503 = arith.muli %add3A_2501, %mul3A_2502 : i32
        %add3A_2504 = vector.broadcast %mul3A_2503 : i32 to vector<16xi32>
        %add3A_2505 = arith.addi %add3A_2504, %shift_right_arithmetic3A_61 : vector<16xi32>
        %gather3A_2506 = tpu.vector_load_idx %arg6[%add3A_2505] : memref<32768xi32, #tpu.memory_space<vmem>>[vector<16xi32>], vector<16xi32>,
        %shift_right_logical3A_2507 = arith.shrui %gather3A_2506, %and3A_64 : vector<16xi32>
        %and3A_2508 = arith.constant 1 : i32
        %and3A_2509 = vector.broadcast %and3A_2508 : i32 to vector<16xi32>
        %and3A_2510 = arith.andi %shift_right_logical3A_2507, %and3A_2509 : vector<16xi32>
        %add3A_2511 = arith.constant 2 : i32
        %add3A_2512 = vector.broadcast %add3A_2511 : i32 to vector<16xi32>
        %add3A_2513 = arith.addi %add3A_2512, %and3A_2510 : vector<16xi32>
        %add3A_2514 = arith.addi %sub3A_56, %add3A_2513 : vector<16xi32>
        %gather3A_2515 = tpu.vector_load_idx %arg7[%add3A_2514] : memref<32256xi32, #tpu.memory_space<vmem>>[vector<16xi32>], vector<16xi32>,
        %shift_right_arithmetic3A_2516 = arith.constant 4 : i32
        %shift_right_arithmetic3A_2517 = vector.broadcast %shift_right_arithmetic3A_2516 : i32 to vector<16xi32>
        %shift_right_arithmetic3A_2518 = arith.shrsi %gather3A_2515, %shift_right_arithmetic3A_2517 : vector<16xi32>
        %add3A_2519 = vector.broadcast %mul3A_2503 : i32 to vector<16xi32>
        %add3A_2520 = arith.addi %add3A_2519, %shift_right_arithmetic3A_2518 : vector<16xi32>
        %gather3A_2521 = tpu.vector_load_idx %arg6[%add3A_2520] : memref<32768xi32, #tpu.memory_space<vmem>>[vector<16xi32>], vector<16xi32>,
        %and3A_2522 = arith.constant 15 : i32
        %and3A_2523 = vector.broadcast %and3A_2522 : i32 to vector<16xi32>
        %and3A_2524 = arith.andi %gather3A_2515, %and3A_2523 : vector<16xi32>
        %shift_right_logical3A_2525 = arith.shrui %gather3A_2521, %and3A_2524 : vector<16xi32>
        %and3A_2526 = arith.constant 1 : i32
        %and3A_2527 = vector.broadcast %and3A_2526 : i32 to vector<16xi32>
        %and3A_2528 = arith.andi %shift_right_logical3A_2525, %and3A_2527 : vector<16xi32>
        %shift_left3A_2529 = arith.constant 1 : i32
        %shift_left3A_2530 = vector.broadcast %shift_left3A_2529 : i32 to vector<16xi32>
        %shift_left3A_2531 = arith.shli %add3A_2513, %shift_left3A_2530 : vector<16xi32>
        %or3A_2532 = arith.ori %shift_left3A_2531, %and3A_2528 : vector<16xi32>
        %add3A_2533 = arith.addi %sub3A_56, %or3A_2532 : vector<16xi32>
        %gather3A_2534 = tpu.vector_load_idx %arg7[%add3A_2533] : memref<32256xi32, #tpu.memory_space<vmem>>[vector<16xi32>], vector<16xi32>,
        %shift_right_arithmetic3A_2535 = arith.constant 4 : i32
        %shift_right_arithmetic3A_2536 = vector.broadcast %shift_right_arithmetic3A_2535 : i32 to vector<16xi32>
        %shift_right_arithmetic3A_2537 = arith.shrsi %gather3A_2534, %shift_right_arithmetic3A_2536 : vector<16xi32>
        %add3A_2538 = vector.broadcast %mul3A_2503 : i32 to vector<16xi32>
        %add3A_2539 = arith.addi %add3A_2538, %shift_right_arithmetic3A_2537 : vector<16xi32>
        %gather3A_2540 = tpu.vector_load_idx %arg6[%add3A_2539] : memref<32768xi32, #tpu.memory_space<vmem>>[vector<16xi32>], vector<16xi32>,
        %and3A_2541 = arith.constant 15 : i32
        %and3A_2542 = vector.broadcast %and3A_2541 : i32 to vector<16xi32>
        %and3A_2543 = arith.andi %gather3A_2534, %and3A_2542 : vector<16xi32>
        %shift_right_logical3A_2544 = arith.shrui %gather3A_2540, %and3A_2543 : vector<16xi32>
        %and3A_2545 = arith.constant 1 : i32
        %and3A_2546 = vector.broadcast %and3A_2545 : i32 to vector<16xi32>
        %and3A_2547 = arith.andi %shift_right_logical3A_2544, %and3A_2546 : vector<16xi32>
        %shift_left3A_2548 = arith.constant 1 : i32
        %shift_left3A_2549 = vector.broadcast %shift_left3A_2548 : i32 to vector<16xi32>
        %shift_left3A_2550 = arith.shli %or3A_2532, %shift_left3A_2549 : vector<16xi32>
        %or3A_2551 = arith.ori %shift_left3A_2550, %and3A_2547 : vector<16xi32>
        %add3A_2552 = arith.addi %sub3A_56, %or3A_2551 : vector<16xi32>
        %gather3A_2553 = tpu.vector_load_idx %arg7[%add3A_2552] : memref<32256xi32, #tpu.memory_space<vmem>>[vector<16xi32>], vector<16xi32>,
        %shift_right_arithmetic3A_2554 = arith.constant 4 : i32
        %shift_right_arithmetic3A_2555 = vector.broadcast %shift_right_arithmetic3A_2554 : i32 to vector<16xi32>
        %shift_right_arithmetic3A_2556 = arith.shrsi %gather3A_2553, %shift_right_arithmetic3A_2555 : vector<16xi32>
        %add3A_2557 = vector.broadcast %mul3A_2503 : i32 to vector<16xi32>
        %add3A_2558 = arith.addi %add3A_2557, %shift_right_arithmetic3A_2556 : vector<16xi32>
        %gather3A_2559 = tpu.vector_load_idx %arg6[%add3A_2558] : memref<32768xi32, #tpu.memory_space<vmem>>[vector<16xi32>], vector<16xi32>,
        %and3A_2560 = arith.constant 15 : i32
        %and3A_2561 = vector.broadcast %and3A_2560 : i32 to vector<16xi32>
        %and3A_2562 = arith.andi %gather3A_2553, %and3A_2561 : vector<16xi32>
        %shift_right_logical3A_2563 = arith.shrui %gather3A_2559, %and3A_2562 : vector<16xi32>
        %and3A_2564 = arith.constant 1 : i32
        %and3A_2565 = vector.broadcast %and3A_2564 : i32 to vector<16xi32>
        %and3A_2566 = arith.andi %shift_right_logical3A_2563, %and3A_2565 : vector<16xi32>
        %shift_left3A_2567 = arith.constant 1 : i32
        %shift_left3A_2568 = vector.broadcast %shift_left3A_2567 : i32 to vector<16xi32>
        %shift_left3A_2569 = arith.shli %or3A_2551, %shift_left3A_2568 : vector<16xi32>
        %or3A_2570 = arith.ori %shift_left3A_2569, %and3A_2566 : vector<16xi32>
        %add3A_2571 = arith.addi %sub3A_56, %or3A_2570 : vector<16xi32>
        %gather3A_2572 = tpu.vector_load_idx %arg7[%add3A_2571] : memref<32256xi32, #tpu.memory_space<vmem>>[vector<16xi32>], vector<16xi32>,
        %shift_right_arithmetic3A_2573 = arith.constant 4 : i32
        %shift_right_arithmetic3A_2574 = vector.broadcast %shift_right_arithmetic3A_2573 : i32 to vector<16xi32>
        %shift_right_arithmetic3A_2575 = arith.shrsi %gather3A_2572, %shift_right_arithmetic3A_2574 : vector<16xi32>
        %add3A_2576 = vector.broadcast %mul3A_2503 : i32 to vector<16xi32>
        %add3A_2577 = arith.addi %add3A_2576, %shift_right_arithmetic3A_2575 : vector<16xi32>
        %gather3A_2578 = tpu.vector_load_idx %arg6[%add3A_2577] : memref<32768xi32, #tpu.memory_space<vmem>>[vector<16xi32>], vector<16xi32>,
        %and3A_2579 = arith.constant 15 : i32
        %and3A_2580 = vector.broadcast %and3A_2579 : i32 to vector<16xi32>
        %and3A_2581 = arith.andi %gather3A_2572, %and3A_2580 : vector<16xi32>
        %shift_right_logical3A_2582 = arith.shrui %gather3A_2578, %and3A_2581 : vector<16xi32>
        %and3A_2583 = arith.constant 1 : i32
        %and3A_2584 = vector.broadcast %and3A_2583 : i32 to vector<16xi32>
        %and3A_2585 = arith.andi %shift_right_logical3A_2582, %and3A_2584 : vector<16xi32>
        %shift_left3A_2586 = arith.constant 1 : i32
        %shift_left3A_2587 = vector.broadcast %shift_left3A_2586 : i32 to vector<16xi32>
        %shift_left3A_2588 = arith.shli %or3A_2570, %shift_left3A_2587 : vector<16xi32>
        %or3A_2589 = arith.ori %shift_left3A_2588, %and3A_2585 : vector<16xi32>
        %add3A_2590 = arith.addi %sub3A_56, %or3A_2589 : vector<16xi32>
        %gather3A_2591 = tpu.vector_load_idx %arg7[%add3A_2590] : memref<32256xi32, #tpu.memory_space<vmem>>[vector<16xi32>], vector<16xi32>,
        %shift_right_arithmetic3A_2592 = arith.constant 4 : i32
        %shift_right_arithmetic3A_2593 = vector.broadcast %shift_right_arithmetic3A_2592 : i32 to vector<16xi32>
        %shift_right_arithmetic3A_2594 = arith.shrsi %gather3A_2591, %shift_right_arithmetic3A_2593 : vector<16xi32>
        %add3A_2595 = vector.broadcast %mul3A_2503 : i32 to vector<16xi32>
        %add3A_2596 = arith.addi %add3A_2595, %shift_right_arithmetic3A_2594 : vector<16xi32>
        %gather3A_2597 = tpu.vector_load_idx %arg6[%add3A_2596] : memref<32768xi32, #tpu.memory_space<vmem>>[vector<16xi32>], vector<16xi32>,
        %and3A_2598 = arith.constant 15 : i32
        %and3A_2599 = vector.broadcast %and3A_2598 : i32 to vector<16xi32>
        %and3A_2600 = arith.andi %gather3A_2591, %and3A_2599 : vector<16xi32>
        %shift_right_logical3A_2601 = arith.shrui %gather3A_2597, %and3A_2600 : vector<16xi32>
        %and3A_2602 = arith.constant 1 : i32
        %and3A_2603 = vector.broadcast %and3A_2602 : i32 to vector<16xi32>
        %and3A_2604 = arith.andi %shift_right_logical3A_2601, %and3A_2603 : vector<16xi32>
        %shift_left3A_2605 = arith.constant 1 : i32
        %shift_left3A_2606 = vector.broadcast %shift_left3A_2605 : i32 to vector<16xi32>
        %shift_left3A_2607 = arith.shli %or3A_2589, %shift_left3A_2606 : vector<16xi32>
        %or3A_2608 = arith.ori %shift_left3A_2607, %and3A_2604 : vector<16xi32>
        %add3A_2609 = arith.addi %mul3A_53, %or3A_2608 : vector<16xi32>
        %sub3A_2610 = arith.constant 64 : i32
        %sub3A_2611 = vector.broadcast %sub3A_2610 : i32 to vector<16xi32>
        %sub3A_2612 = arith.subi %add3A_2609, %sub3A_2611 : vector<16xi32>
        %gather3A_2613 = tpu.vector_load_idx %arg8[%sub3A_2612] : memref<32768xf32, #tpu.memory_space<vmem>>[vector<16xi32>], vector<16xf32>,
        %mul3A_2614 = arith.constant 32 : i32
        %mul3A_2615 = arith.muli %scan3A_22, %mul3A_2614 : i32
        %add3A_2616 = arith.constant 22 : i32
        %add3A_2617 = arith.addi %mul3A_2615, %add3A_2616 : i32
        %mul3A_2618 = arith.constant 128 : i32
        %mul3A_2619 = arith.muli %add3A_2617, %mul3A_2618 : i32
        %add3A_2620 = vector.broadcast %mul3A_2619 : i32 to vector<16xi32>
        %add3A_2621 = arith.addi %add3A_2620, %shift_right_arithmetic3A_61 : vector<16xi32>
        %gather3A_2622 = tpu.vector_load_idx %arg6[%add3A_2621] : memref<32768xi32, #tpu.memory_space<vmem>>[vector<16xi32>], vector<16xi32>,
        %shift_right_logical3A_2623 = arith.shrui %gather3A_2622, %and3A_64 : vector<16xi32>
        %and3A_2624 = arith.constant 1 : i32
        %and3A_2625 = vector.broadcast %and3A_2624 : i32 to vector<16xi32>
        %and3A_2626 = arith.andi %shift_right_logical3A_2623, %and3A_2625 : vector<16xi32>
        %add3A_2627 = arith.constant 2 : i32
        %add3A_2628 = vector.broadcast %add3A_2627 : i32 to vector<16xi32>
        %add3A_2629 = arith.addi %add3A_2628, %and3A_2626 : vector<16xi32>
        %add3A_2630 = arith.addi %sub3A_56, %add3A_2629 : vector<16xi32>
        %gather3A_2631 = tpu.vector_load_idx %arg7[%add3A_2630] : memref<32256xi32, #tpu.memory_space<vmem>>[vector<16xi32>], vector<16xi32>,
        %shift_right_arithmetic3A_2632 = arith.constant 4 : i32
        %shift_right_arithmetic3A_2633 = vector.broadcast %shift_right_arithmetic3A_2632 : i32 to vector<16xi32>
        %shift_right_arithmetic3A_2634 = arith.shrsi %gather3A_2631, %shift_right_arithmetic3A_2633 : vector<16xi32>
        %add3A_2635 = vector.broadcast %mul3A_2619 : i32 to vector<16xi32>
        %add3A_2636 = arith.addi %add3A_2635, %shift_right_arithmetic3A_2634 : vector<16xi32>
        %gather3A_2637 = tpu.vector_load_idx %arg6[%add3A_2636] : memref<32768xi32, #tpu.memory_space<vmem>>[vector<16xi32>], vector<16xi32>,
        %and3A_2638 = arith.constant 15 : i32
        %and3A_2639 = vector.broadcast %and3A_2638 : i32 to vector<16xi32>
        %and3A_2640 = arith.andi %gather3A_2631, %and3A_2639 : vector<16xi32>
        %shift_right_logical3A_2641 = arith.shrui %gather3A_2637, %and3A_2640 : vector<16xi32>
        %and3A_2642 = arith.constant 1 : i32
        %and3A_2643 = vector.broadcast %and3A_2642 : i32 to vector<16xi32>
        %and3A_2644 = arith.andi %shift_right_logical3A_2641, %and3A_2643 : vector<16xi32>
        %shift_left3A_2645 = arith.constant 1 : i32
        %shift_left3A_2646 = vector.broadcast %shift_left3A_2645 : i32 to vector<16xi32>
        %shift_left3A_2647 = arith.shli %add3A_2629, %shift_left3A_2646 : vector<16xi32>
        %or3A_2648 = arith.ori %shift_left3A_2647, %and3A_2644 : vector<16xi32>
        %add3A_2649 = arith.addi %sub3A_56, %or3A_2648 : vector<16xi32>
        %gather3A_2650 = tpu.vector_load_idx %arg7[%add3A_2649] : memref<32256xi32, #tpu.memory_space<vmem>>[vector<16xi32>], vector<16xi32>,
        %shift_right_arithmetic3A_2651 = arith.constant 4 : i32
        %shift_right_arithmetic3A_2652 = vector.broadcast %shift_right_arithmetic3A_2651 : i32 to vector<16xi32>
        %shift_right_arithmetic3A_2653 = arith.shrsi %gather3A_2650, %shift_right_arithmetic3A_2652 : vector<16xi32>
        %add3A_2654 = vector.broadcast %mul3A_2619 : i32 to vector<16xi32>
        %add3A_2655 = arith.addi %add3A_2654, %shift_right_arithmetic3A_2653 : vector<16xi32>
        %gather3A_2656 = tpu.vector_load_idx %arg6[%add3A_2655] : memref<32768xi32, #tpu.memory_space<vmem>>[vector<16xi32>], vector<16xi32>,
        %and3A_2657 = arith.constant 15 : i32
        %and3A_2658 = vector.broadcast %and3A_2657 : i32 to vector<16xi32>
        %and3A_2659 = arith.andi %gather3A_2650, %and3A_2658 : vector<16xi32>
        %shift_right_logical3A_2660 = arith.shrui %gather3A_2656, %and3A_2659 : vector<16xi32>
        %and3A_2661 = arith.constant 1 : i32
        %and3A_2662 = vector.broadcast %and3A_2661 : i32 to vector<16xi32>
        %and3A_2663 = arith.andi %shift_right_logical3A_2660, %and3A_2662 : vector<16xi32>
        %shift_left3A_2664 = arith.constant 1 : i32
        %shift_left3A_2665 = vector.broadcast %shift_left3A_2664 : i32 to vector<16xi32>
        %shift_left3A_2666 = arith.shli %or3A_2648, %shift_left3A_2665 : vector<16xi32>
        %or3A_2667 = arith.ori %shift_left3A_2666, %and3A_2663 : vector<16xi32>
        %add3A_2668 = arith.addi %sub3A_56, %or3A_2667 : vector<16xi32>
        %gather3A_2669 = tpu.vector_load_idx %arg7[%add3A_2668] : memref<32256xi32, #tpu.memory_space<vmem>>[vector<16xi32>], vector<16xi32>,
        %shift_right_arithmetic3A_2670 = arith.constant 4 : i32
        %shift_right_arithmetic3A_2671 = vector.broadcast %shift_right_arithmetic3A_2670 : i32 to vector<16xi32>
        %shift_right_arithmetic3A_2672 = arith.shrsi %gather3A_2669, %shift_right_arithmetic3A_2671 : vector<16xi32>
        %add3A_2673 = vector.broadcast %mul3A_2619 : i32 to vector<16xi32>
        %add3A_2674 = arith.addi %add3A_2673, %shift_right_arithmetic3A_2672 : vector<16xi32>
        %gather3A_2675 = tpu.vector_load_idx %arg6[%add3A_2674] : memref<32768xi32, #tpu.memory_space<vmem>>[vector<16xi32>], vector<16xi32>,
        %and3A_2676 = arith.constant 15 : i32
        %and3A_2677 = vector.broadcast %and3A_2676 : i32 to vector<16xi32>
        %and3A_2678 = arith.andi %gather3A_2669, %and3A_2677 : vector<16xi32>
        %shift_right_logical3A_2679 = arith.shrui %gather3A_2675, %and3A_2678 : vector<16xi32>
        %and3A_2680 = arith.constant 1 : i32
        %and3A_2681 = vector.broadcast %and3A_2680 : i32 to vector<16xi32>
        %and3A_2682 = arith.andi %shift_right_logical3A_2679, %and3A_2681 : vector<16xi32>
        %shift_left3A_2683 = arith.constant 1 : i32
        %shift_left3A_2684 = vector.broadcast %shift_left3A_2683 : i32 to vector<16xi32>
        %shift_left3A_2685 = arith.shli %or3A_2667, %shift_left3A_2684 : vector<16xi32>
        %or3A_2686 = arith.ori %shift_left3A_2685, %and3A_2682 : vector<16xi32>
        %add3A_2687 = arith.addi %sub3A_56, %or3A_2686 : vector<16xi32>
        %gather3A_2688 = tpu.vector_load_idx %arg7[%add3A_2687] : memref<32256xi32, #tpu.memory_space<vmem>>[vector<16xi32>], vector<16xi32>,
        %shift_right_arithmetic3A_2689 = arith.constant 4 : i32
        %shift_right_arithmetic3A_2690 = vector.broadcast %shift_right_arithmetic3A_2689 : i32 to vector<16xi32>
        %shift_right_arithmetic3A_2691 = arith.shrsi %gather3A_2688, %shift_right_arithmetic3A_2690 : vector<16xi32>
        %add3A_2692 = vector.broadcast %mul3A_2619 : i32 to vector<16xi32>
        %add3A_2693 = arith.addi %add3A_2692, %shift_right_arithmetic3A_2691 : vector<16xi32>
        %gather3A_2694 = tpu.vector_load_idx %arg6[%add3A_2693] : memref<32768xi32, #tpu.memory_space<vmem>>[vector<16xi32>], vector<16xi32>,
        %and3A_2695 = arith.constant 15 : i32
        %and3A_2696 = vector.broadcast %and3A_2695 : i32 to vector<16xi32>
        %and3A_2697 = arith.andi %gather3A_2688, %and3A_2696 : vector<16xi32>
        %shift_right_logical3A_2698 = arith.shrui %gather3A_2694, %and3A_2697 : vector<16xi32>
        %and3A_2699 = arith.constant 1 : i32
        %and3A_2700 = vector.broadcast %and3A_2699 : i32 to vector<16xi32>
        %and3A_2701 = arith.andi %shift_right_logical3A_2698, %and3A_2700 : vector<16xi32>
        %shift_left3A_2702 = arith.constant 1 : i32
        %shift_left3A_2703 = vector.broadcast %shift_left3A_2702 : i32 to vector<16xi32>
        %shift_left3A_2704 = arith.shli %or3A_2686, %shift_left3A_2703 : vector<16xi32>
        %or3A_2705 = arith.ori %shift_left3A_2704, %and3A_2701 : vector<16xi32>
        %add3A_2706 = arith.addi %sub3A_56, %or3A_2705 : vector<16xi32>
        %gather3A_2707 = tpu.vector_load_idx %arg7[%add3A_2706] : memref<32256xi32, #tpu.memory_space<vmem>>[vector<16xi32>], vector<16xi32>,
        %shift_right_arithmetic3A_2708 = arith.constant 4 : i32
        %shift_right_arithmetic3A_2709 = vector.broadcast %shift_right_arithmetic3A_2708 : i32 to vector<16xi32>
        %shift_right_arithmetic3A_2710 = arith.shrsi %gather3A_2707, %shift_right_arithmetic3A_2709 : vector<16xi32>
        %add3A_2711 = vector.broadcast %mul3A_2619 : i32 to vector<16xi32>
        %add3A_2712 = arith.addi %add3A_2711, %shift_right_arithmetic3A_2710 : vector<16xi32>
        %gather3A_2713 = tpu.vector_load_idx %arg6[%add3A_2712] : memref<32768xi32, #tpu.memory_space<vmem>>[vector<16xi32>], vector<16xi32>,
        %and3A_2714 = arith.constant 15 : i32
        %and3A_2715 = vector.broadcast %and3A_2714 : i32 to vector<16xi32>
        %and3A_2716 = arith.andi %gather3A_2707, %and3A_2715 : vector<16xi32>
        %shift_right_logical3A_2717 = arith.shrui %gather3A_2713, %and3A_2716 : vector<16xi32>
        %and3A_2718 = arith.constant 1 : i32
        %and3A_2719 = vector.broadcast %and3A_2718 : i32 to vector<16xi32>
        %and3A_2720 = arith.andi %shift_right_logical3A_2717, %and3A_2719 : vector<16xi32>
        %shift_left3A_2721 = arith.constant 1 : i32
        %shift_left3A_2722 = vector.broadcast %shift_left3A_2721 : i32 to vector<16xi32>
        %shift_left3A_2723 = arith.shli %or3A_2705, %shift_left3A_2722 : vector<16xi32>
        %or3A_2724 = arith.ori %shift_left3A_2723, %and3A_2720 : vector<16xi32>
        %add3A_2725 = arith.addi %mul3A_53, %or3A_2724 : vector<16xi32>
        %sub3A_2726 = arith.constant 64 : i32
        %sub3A_2727 = vector.broadcast %sub3A_2726 : i32 to vector<16xi32>
        %sub3A_2728 = arith.subi %add3A_2725, %sub3A_2727 : vector<16xi32>
        %gather3A_2729 = tpu.vector_load_idx %arg8[%sub3A_2728] : memref<32768xf32, #tpu.memory_space<vmem>>[vector<16xi32>], vector<16xf32>,
        %mul3A_2730 = arith.constant 32 : i32
        %mul3A_2731 = arith.muli %scan3A_22, %mul3A_2730 : i32
        %add3A_2732 = arith.constant 23 : i32
        %add3A_2733 = arith.addi %mul3A_2731, %add3A_2732 : i32
        %mul3A_2734 = arith.constant 128 : i32
        %mul3A_2735 = arith.muli %add3A_2733, %mul3A_2734 : i32
        %add3A_2736 = vector.broadcast %mul3A_2735 : i32 to vector<16xi32>
        %add3A_2737 = arith.addi %add3A_2736, %shift_right_arithmetic3A_61 : vector<16xi32>
        %gather3A_2738 = tpu.vector_load_idx %arg6[%add3A_2737] : memref<32768xi32, #tpu.memory_space<vmem>>[vector<16xi32>], vector<16xi32>,
        %shift_right_logical3A_2739 = arith.shrui %gather3A_2738, %and3A_64 : vector<16xi32>
        %and3A_2740 = arith.constant 1 : i32
        %and3A_2741 = vector.broadcast %and3A_2740 : i32 to vector<16xi32>
        %and3A_2742 = arith.andi %shift_right_logical3A_2739, %and3A_2741 : vector<16xi32>
        %add3A_2743 = arith.constant 2 : i32
        %add3A_2744 = vector.broadcast %add3A_2743 : i32 to vector<16xi32>
        %add3A_2745 = arith.addi %add3A_2744, %and3A_2742 : vector<16xi32>
        %add3A_2746 = arith.addi %sub3A_56, %add3A_2745 : vector<16xi32>
        %gather3A_2747 = tpu.vector_load_idx %arg7[%add3A_2746] : memref<32256xi32, #tpu.memory_space<vmem>>[vector<16xi32>], vector<16xi32>,
        %shift_right_arithmetic3A_2748 = arith.constant 4 : i32
        %shift_right_arithmetic3A_2749 = vector.broadcast %shift_right_arithmetic3A_2748 : i32 to vector<16xi32>
        %shift_right_arithmetic3A_2750 = arith.shrsi %gather3A_2747, %shift_right_arithmetic3A_2749 : vector<16xi32>
        %add3A_2751 = vector.broadcast %mul3A_2735 : i32 to vector<16xi32>
        %add3A_2752 = arith.addi %add3A_2751, %shift_right_arithmetic3A_2750 : vector<16xi32>
        %gather3A_2753 = tpu.vector_load_idx %arg6[%add3A_2752] : memref<32768xi32, #tpu.memory_space<vmem>>[vector<16xi32>], vector<16xi32>,
        %and3A_2754 = arith.constant 15 : i32
        %and3A_2755 = vector.broadcast %and3A_2754 : i32 to vector<16xi32>
        %and3A_2756 = arith.andi %gather3A_2747, %and3A_2755 : vector<16xi32>
        %shift_right_logical3A_2757 = arith.shrui %gather3A_2753, %and3A_2756 : vector<16xi32>
        %and3A_2758 = arith.constant 1 : i32
        %and3A_2759 = vector.broadcast %and3A_2758 : i32 to vector<16xi32>
        %and3A_2760 = arith.andi %shift_right_logical3A_2757, %and3A_2759 : vector<16xi32>
        %shift_left3A_2761 = arith.constant 1 : i32
        %shift_left3A_2762 = vector.broadcast %shift_left3A_2761 : i32 to vector<16xi32>
        %shift_left3A_2763 = arith.shli %add3A_2745, %shift_left3A_2762 : vector<16xi32>
        %or3A_2764 = arith.ori %shift_left3A_2763, %and3A_2760 : vector<16xi32>
        %add3A_2765 = arith.addi %sub3A_56, %or3A_2764 : vector<16xi32>
        %gather3A_2766 = tpu.vector_load_idx %arg7[%add3A_2765] : memref<32256xi32, #tpu.memory_space<vmem>>[vector<16xi32>], vector<16xi32>,
        %shift_right_arithmetic3A_2767 = arith.constant 4 : i32
        %shift_right_arithmetic3A_2768 = vector.broadcast %shift_right_arithmetic3A_2767 : i32 to vector<16xi32>
        %shift_right_arithmetic3A_2769 = arith.shrsi %gather3A_2766, %shift_right_arithmetic3A_2768 : vector<16xi32>
        %add3A_2770 = vector.broadcast %mul3A_2735 : i32 to vector<16xi32>
        %add3A_2771 = arith.addi %add3A_2770, %shift_right_arithmetic3A_2769 : vector<16xi32>
        %gather3A_2772 = tpu.vector_load_idx %arg6[%add3A_2771] : memref<32768xi32, #tpu.memory_space<vmem>>[vector<16xi32>], vector<16xi32>,
        %and3A_2773 = arith.constant 15 : i32
        %and3A_2774 = vector.broadcast %and3A_2773 : i32 to vector<16xi32>
        %and3A_2775 = arith.andi %gather3A_2766, %and3A_2774 : vector<16xi32>
        %shift_right_logical3A_2776 = arith.shrui %gather3A_2772, %and3A_2775 : vector<16xi32>
        %and3A_2777 = arith.constant 1 : i32
        %and3A_2778 = vector.broadcast %and3A_2777 : i32 to vector<16xi32>
        %and3A_2779 = arith.andi %shift_right_logical3A_2776, %and3A_2778 : vector<16xi32>
        %shift_left3A_2780 = arith.constant 1 : i32
        %shift_left3A_2781 = vector.broadcast %shift_left3A_2780 : i32 to vector<16xi32>
        %shift_left3A_2782 = arith.shli %or3A_2764, %shift_left3A_2781 : vector<16xi32>
        %or3A_2783 = arith.ori %shift_left3A_2782, %and3A_2779 : vector<16xi32>
        %add3A_2784 = arith.addi %sub3A_56, %or3A_2783 : vector<16xi32>
        %gather3A_2785 = tpu.vector_load_idx %arg7[%add3A_2784] : memref<32256xi32, #tpu.memory_space<vmem>>[vector<16xi32>], vector<16xi32>,
        %shift_right_arithmetic3A_2786 = arith.constant 4 : i32
        %shift_right_arithmetic3A_2787 = vector.broadcast %shift_right_arithmetic3A_2786 : i32 to vector<16xi32>
        %shift_right_arithmetic3A_2788 = arith.shrsi %gather3A_2785, %shift_right_arithmetic3A_2787 : vector<16xi32>
        %add3A_2789 = vector.broadcast %mul3A_2735 : i32 to vector<16xi32>
        %add3A_2790 = arith.addi %add3A_2789, %shift_right_arithmetic3A_2788 : vector<16xi32>
        %gather3A_2791 = tpu.vector_load_idx %arg6[%add3A_2790] : memref<32768xi32, #tpu.memory_space<vmem>>[vector<16xi32>], vector<16xi32>,
        %and3A_2792 = arith.constant 15 : i32
        %and3A_2793 = vector.broadcast %and3A_2792 : i32 to vector<16xi32>
        %and3A_2794 = arith.andi %gather3A_2785, %and3A_2793 : vector<16xi32>
        %shift_right_logical3A_2795 = arith.shrui %gather3A_2791, %and3A_2794 : vector<16xi32>
        %and3A_2796 = arith.constant 1 : i32
        %and3A_2797 = vector.broadcast %and3A_2796 : i32 to vector<16xi32>
        %and3A_2798 = arith.andi %shift_right_logical3A_2795, %and3A_2797 : vector<16xi32>
        %shift_left3A_2799 = arith.constant 1 : i32
        %shift_left3A_2800 = vector.broadcast %shift_left3A_2799 : i32 to vector<16xi32>
        %shift_left3A_2801 = arith.shli %or3A_2783, %shift_left3A_2800 : vector<16xi32>
        %or3A_2802 = arith.ori %shift_left3A_2801, %and3A_2798 : vector<16xi32>
        %add3A_2803 = arith.addi %sub3A_56, %or3A_2802 : vector<16xi32>
        %gather3A_2804 = tpu.vector_load_idx %arg7[%add3A_2803] : memref<32256xi32, #tpu.memory_space<vmem>>[vector<16xi32>], vector<16xi32>,
        %shift_right_arithmetic3A_2805 = arith.constant 4 : i32
        %shift_right_arithmetic3A_2806 = vector.broadcast %shift_right_arithmetic3A_2805 : i32 to vector<16xi32>
        %shift_right_arithmetic3A_2807 = arith.shrsi %gather3A_2804, %shift_right_arithmetic3A_2806 : vector<16xi32>
        %add3A_2808 = vector.broadcast %mul3A_2735 : i32 to vector<16xi32>
        %add3A_2809 = arith.addi %add3A_2808, %shift_right_arithmetic3A_2807 : vector<16xi32>
        %gather3A_2810 = tpu.vector_load_idx %arg6[%add3A_2809] : memref<32768xi32, #tpu.memory_space<vmem>>[vector<16xi32>], vector<16xi32>,
        %and3A_2811 = arith.constant 15 : i32
        %and3A_2812 = vector.broadcast %and3A_2811 : i32 to vector<16xi32>
        %and3A_2813 = arith.andi %gather3A_2804, %and3A_2812 : vector<16xi32>
        %shift_right_logical3A_2814 = arith.shrui %gather3A_2810, %and3A_2813 : vector<16xi32>
        %and3A_2815 = arith.constant 1 : i32
        %and3A_2816 = vector.broadcast %and3A_2815 : i32 to vector<16xi32>
        %and3A_2817 = arith.andi %shift_right_logical3A_2814, %and3A_2816 : vector<16xi32>
        %shift_left3A_2818 = arith.constant 1 : i32
        %shift_left3A_2819 = vector.broadcast %shift_left3A_2818 : i32 to vector<16xi32>
        %shift_left3A_2820 = arith.shli %or3A_2802, %shift_left3A_2819 : vector<16xi32>
        %or3A_2821 = arith.ori %shift_left3A_2820, %and3A_2817 : vector<16xi32>
        %add3A_2822 = arith.addi %sub3A_56, %or3A_2821 : vector<16xi32>
        %gather3A_2823 = tpu.vector_load_idx %arg7[%add3A_2822] : memref<32256xi32, #tpu.memory_space<vmem>>[vector<16xi32>], vector<16xi32>,
        %shift_right_arithmetic3A_2824 = arith.constant 4 : i32
        %shift_right_arithmetic3A_2825 = vector.broadcast %shift_right_arithmetic3A_2824 : i32 to vector<16xi32>
        %shift_right_arithmetic3A_2826 = arith.shrsi %gather3A_2823, %shift_right_arithmetic3A_2825 : vector<16xi32>
        %add3A_2827 = vector.broadcast %mul3A_2735 : i32 to vector<16xi32>
        %add3A_2828 = arith.addi %add3A_2827, %shift_right_arithmetic3A_2826 : vector<16xi32>
        %gather3A_2829 = tpu.vector_load_idx %arg6[%add3A_2828] : memref<32768xi32, #tpu.memory_space<vmem>>[vector<16xi32>], vector<16xi32>,
        %and3A_2830 = arith.constant 15 : i32
        %and3A_2831 = vector.broadcast %and3A_2830 : i32 to vector<16xi32>
        %and3A_2832 = arith.andi %gather3A_2823, %and3A_2831 : vector<16xi32>
        %shift_right_logical3A_2833 = arith.shrui %gather3A_2829, %and3A_2832 : vector<16xi32>
        %and3A_2834 = arith.constant 1 : i32
        %and3A_2835 = vector.broadcast %and3A_2834 : i32 to vector<16xi32>
        %and3A_2836 = arith.andi %shift_right_logical3A_2833, %and3A_2835 : vector<16xi32>
        %shift_left3A_2837 = arith.constant 1 : i32
        %shift_left3A_2838 = vector.broadcast %shift_left3A_2837 : i32 to vector<16xi32>
        %shift_left3A_2839 = arith.shli %or3A_2821, %shift_left3A_2838 : vector<16xi32>
        %or3A_2840 = arith.ori %shift_left3A_2839, %and3A_2836 : vector<16xi32>
        %add3A_2841 = arith.addi %mul3A_53, %or3A_2840 : vector<16xi32>
        %sub3A_2842 = arith.constant 64 : i32
        %sub3A_2843 = vector.broadcast %sub3A_2842 : i32 to vector<16xi32>
        %sub3A_2844 = arith.subi %add3A_2841, %sub3A_2843 : vector<16xi32>
        %gather3A_2845 = tpu.vector_load_idx %arg8[%sub3A_2844] : memref<32768xf32, #tpu.memory_space<vmem>>[vector<16xi32>], vector<16xf32>,
        %mul3A_2846 = arith.constant 32 : i32
        %mul3A_2847 = arith.muli %scan3A_22, %mul3A_2846 : i32
        %add3A_2848 = arith.constant 24 : i32
        %add3A_2849 = arith.addi %mul3A_2847, %add3A_2848 : i32
        %mul3A_2850 = arith.constant 128 : i32
        %mul3A_2851 = arith.muli %add3A_2849, %mul3A_2850 : i32
        %add3A_2852 = vector.broadcast %mul3A_2851 : i32 to vector<16xi32>
        %add3A_2853 = arith.addi %add3A_2852, %shift_right_arithmetic3A_61 : vector<16xi32>
        %gather3A_2854 = tpu.vector_load_idx %arg6[%add3A_2853] : memref<32768xi32, #tpu.memory_space<vmem>>[vector<16xi32>], vector<16xi32>,
        %shift_right_logical3A_2855 = arith.shrui %gather3A_2854, %and3A_64 : vector<16xi32>
        %and3A_2856 = arith.constant 1 : i32
        %and3A_2857 = vector.broadcast %and3A_2856 : i32 to vector<16xi32>
        %and3A_2858 = arith.andi %shift_right_logical3A_2855, %and3A_2857 : vector<16xi32>
        %add3A_2859 = arith.constant 2 : i32
        %add3A_2860 = vector.broadcast %add3A_2859 : i32 to vector<16xi32>
        %add3A_2861 = arith.addi %add3A_2860, %and3A_2858 : vector<16xi32>
        %add3A_2862 = arith.addi %sub3A_56, %add3A_2861 : vector<16xi32>
        %gather3A_2863 = tpu.vector_load_idx %arg7[%add3A_2862] : memref<32256xi32, #tpu.memory_space<vmem>>[vector<16xi32>], vector<16xi32>,
        %shift_right_arithmetic3A_2864 = arith.constant 4 : i32
        %shift_right_arithmetic3A_2865 = vector.broadcast %shift_right_arithmetic3A_2864 : i32 to vector<16xi32>
        %shift_right_arithmetic3A_2866 = arith.shrsi %gather3A_2863, %shift_right_arithmetic3A_2865 : vector<16xi32>
        %add3A_2867 = vector.broadcast %mul3A_2851 : i32 to vector<16xi32>
        %add3A_2868 = arith.addi %add3A_2867, %shift_right_arithmetic3A_2866 : vector<16xi32>
        %gather3A_2869 = tpu.vector_load_idx %arg6[%add3A_2868] : memref<32768xi32, #tpu.memory_space<vmem>>[vector<16xi32>], vector<16xi32>,
        %and3A_2870 = arith.constant 15 : i32
        %and3A_2871 = vector.broadcast %and3A_2870 : i32 to vector<16xi32>
        %and3A_2872 = arith.andi %gather3A_2863, %and3A_2871 : vector<16xi32>
        %shift_right_logical3A_2873 = arith.shrui %gather3A_2869, %and3A_2872 : vector<16xi32>
        %and3A_2874 = arith.constant 1 : i32
        %and3A_2875 = vector.broadcast %and3A_2874 : i32 to vector<16xi32>
        %and3A_2876 = arith.andi %shift_right_logical3A_2873, %and3A_2875 : vector<16xi32>
        %shift_left3A_2877 = arith.constant 1 : i32
        %shift_left3A_2878 = vector.broadcast %shift_left3A_2877 : i32 to vector<16xi32>
        %shift_left3A_2879 = arith.shli %add3A_2861, %shift_left3A_2878 : vector<16xi32>
        %or3A_2880 = arith.ori %shift_left3A_2879, %and3A_2876 : vector<16xi32>
        %add3A_2881 = arith.addi %sub3A_56, %or3A_2880 : vector<16xi32>
        %gather3A_2882 = tpu.vector_load_idx %arg7[%add3A_2881] : memref<32256xi32, #tpu.memory_space<vmem>>[vector<16xi32>], vector<16xi32>,
        %shift_right_arithmetic3A_2883 = arith.constant 4 : i32
        %shift_right_arithmetic3A_2884 = vector.broadcast %shift_right_arithmetic3A_2883 : i32 to vector<16xi32>
        %shift_right_arithmetic3A_2885 = arith.shrsi %gather3A_2882, %shift_right_arithmetic3A_2884 : vector<16xi32>
        %add3A_2886 = vector.broadcast %mul3A_2851 : i32 to vector<16xi32>
        %add3A_2887 = arith.addi %add3A_2886, %shift_right_arithmetic3A_2885 : vector<16xi32>
        %gather3A_2888 = tpu.vector_load_idx %arg6[%add3A_2887] : memref<32768xi32, #tpu.memory_space<vmem>>[vector<16xi32>], vector<16xi32>,
        %and3A_2889 = arith.constant 15 : i32
        %and3A_2890 = vector.broadcast %and3A_2889 : i32 to vector<16xi32>
        %and3A_2891 = arith.andi %gather3A_2882, %and3A_2890 : vector<16xi32>
        %shift_right_logical3A_2892 = arith.shrui %gather3A_2888, %and3A_2891 : vector<16xi32>
        %and3A_2893 = arith.constant 1 : i32
        %and3A_2894 = vector.broadcast %and3A_2893 : i32 to vector<16xi32>
        %and3A_2895 = arith.andi %shift_right_logical3A_2892, %and3A_2894 : vector<16xi32>
        %shift_left3A_2896 = arith.constant 1 : i32
        %shift_left3A_2897 = vector.broadcast %shift_left3A_2896 : i32 to vector<16xi32>
        %shift_left3A_2898 = arith.shli %or3A_2880, %shift_left3A_2897 : vector<16xi32>
        %or3A_2899 = arith.ori %shift_left3A_2898, %and3A_2895 : vector<16xi32>
        %add3A_2900 = arith.addi %sub3A_56, %or3A_2899 : vector<16xi32>
        %gather3A_2901 = tpu.vector_load_idx %arg7[%add3A_2900] : memref<32256xi32, #tpu.memory_space<vmem>>[vector<16xi32>], vector<16xi32>,
        %shift_right_arithmetic3A_2902 = arith.constant 4 : i32
        %shift_right_arithmetic3A_2903 = vector.broadcast %shift_right_arithmetic3A_2902 : i32 to vector<16xi32>
        %shift_right_arithmetic3A_2904 = arith.shrsi %gather3A_2901, %shift_right_arithmetic3A_2903 : vector<16xi32>
        %add3A_2905 = vector.broadcast %mul3A_2851 : i32 to vector<16xi32>
        %add3A_2906 = arith.addi %add3A_2905, %shift_right_arithmetic3A_2904 : vector<16xi32>
        %gather3A_2907 = tpu.vector_load_idx %arg6[%add3A_2906] : memref<32768xi32, #tpu.memory_space<vmem>>[vector<16xi32>], vector<16xi32>,
        %and3A_2908 = arith.constant 15 : i32
        %and3A_2909 = vector.broadcast %and3A_2908 : i32 to vector<16xi32>
        %and3A_2910 = arith.andi %gather3A_2901, %and3A_2909 : vector<16xi32>
        %shift_right_logical3A_2911 = arith.shrui %gather3A_2907, %and3A_2910 : vector<16xi32>
        %and3A_2912 = arith.constant 1 : i32
        %and3A_2913 = vector.broadcast %and3A_2912 : i32 to vector<16xi32>
        %and3A_2914 = arith.andi %shift_right_logical3A_2911, %and3A_2913 : vector<16xi32>
        %shift_left3A_2915 = arith.constant 1 : i32
        %shift_left3A_2916 = vector.broadcast %shift_left3A_2915 : i32 to vector<16xi32>
        %shift_left3A_2917 = arith.shli %or3A_2899, %shift_left3A_2916 : vector<16xi32>
        %or3A_2918 = arith.ori %shift_left3A_2917, %and3A_2914 : vector<16xi32>
        %add3A_2919 = arith.addi %sub3A_56, %or3A_2918 : vector<16xi32>
        %gather3A_2920 = tpu.vector_load_idx %arg7[%add3A_2919] : memref<32256xi32, #tpu.memory_space<vmem>>[vector<16xi32>], vector<16xi32>,
        %shift_right_arithmetic3A_2921 = arith.constant 4 : i32
        %shift_right_arithmetic3A_2922 = vector.broadcast %shift_right_arithmetic3A_2921 : i32 to vector<16xi32>
        %shift_right_arithmetic3A_2923 = arith.shrsi %gather3A_2920, %shift_right_arithmetic3A_2922 : vector<16xi32>
        %add3A_2924 = vector.broadcast %mul3A_2851 : i32 to vector<16xi32>
        %add3A_2925 = arith.addi %add3A_2924, %shift_right_arithmetic3A_2923 : vector<16xi32>
        %gather3A_2926 = tpu.vector_load_idx %arg6[%add3A_2925] : memref<32768xi32, #tpu.memory_space<vmem>>[vector<16xi32>], vector<16xi32>,
        %and3A_2927 = arith.constant 15 : i32
        %and3A_2928 = vector.broadcast %and3A_2927 : i32 to vector<16xi32>
        %and3A_2929 = arith.andi %gather3A_2920, %and3A_2928 : vector<16xi32>
        %shift_right_logical3A_2930 = arith.shrui %gather3A_2926, %and3A_2929 : vector<16xi32>
        %and3A_2931 = arith.constant 1 : i32
        %and3A_2932 = vector.broadcast %and3A_2931 : i32 to vector<16xi32>
        %and3A_2933 = arith.andi %shift_right_logical3A_2930, %and3A_2932 : vector<16xi32>
        %shift_left3A_2934 = arith.constant 1 : i32
        %shift_left3A_2935 = vector.broadcast %shift_left3A_2934 : i32 to vector<16xi32>
        %shift_left3A_2936 = arith.shli %or3A_2918, %shift_left3A_2935 : vector<16xi32>
        %or3A_2937 = arith.ori %shift_left3A_2936, %and3A_2933 : vector<16xi32>
        %add3A_2938 = arith.addi %sub3A_56, %or3A_2937 : vector<16xi32>
        %gather3A_2939 = tpu.vector_load_idx %arg7[%add3A_2938] : memref<32256xi32, #tpu.memory_space<vmem>>[vector<16xi32>], vector<16xi32>,
        %shift_right_arithmetic3A_2940 = arith.constant 4 : i32
        %shift_right_arithmetic3A_2941 = vector.broadcast %shift_right_arithmetic3A_2940 : i32 to vector<16xi32>
        %shift_right_arithmetic3A_2942 = arith.shrsi %gather3A_2939, %shift_right_arithmetic3A_2941 : vector<16xi32>
        %add3A_2943 = vector.broadcast %mul3A_2851 : i32 to vector<16xi32>
        %add3A_2944 = arith.addi %add3A_2943, %shift_right_arithmetic3A_2942 : vector<16xi32>
        %gather3A_2945 = tpu.vector_load_idx %arg6[%add3A_2944] : memref<32768xi32, #tpu.memory_space<vmem>>[vector<16xi32>], vector<16xi32>,
        %and3A_2946 = arith.constant 15 : i32
        %and3A_2947 = vector.broadcast %and3A_2946 : i32 to vector<16xi32>
        %and3A_2948 = arith.andi %gather3A_2939, %and3A_2947 : vector<16xi32>
        %shift_right_logical3A_2949 = arith.shrui %gather3A_2945, %and3A_2948 : vector<16xi32>
        %and3A_2950 = arith.constant 1 : i32
        %and3A_2951 = vector.broadcast %and3A_2950 : i32 to vector<16xi32>
        %and3A_2952 = arith.andi %shift_right_logical3A_2949, %and3A_2951 : vector<16xi32>
        %shift_left3A_2953 = arith.constant 1 : i32
        %shift_left3A_2954 = vector.broadcast %shift_left3A_2953 : i32 to vector<16xi32>
        %shift_left3A_2955 = arith.shli %or3A_2937, %shift_left3A_2954 : vector<16xi32>
        %or3A_2956 = arith.ori %shift_left3A_2955, %and3A_2952 : vector<16xi32>
        %add3A_2957 = arith.addi %mul3A_53, %or3A_2956 : vector<16xi32>
        %sub3A_2958 = arith.constant 64 : i32
        %sub3A_2959 = vector.broadcast %sub3A_2958 : i32 to vector<16xi32>
        %sub3A_2960 = arith.subi %add3A_2957, %sub3A_2959 : vector<16xi32>
        %gather3A_2961 = tpu.vector_load_idx %arg8[%sub3A_2960] : memref<32768xf32, #tpu.memory_space<vmem>>[vector<16xi32>], vector<16xf32>,
        %mul3A_2962 = arith.constant 32 : i32
        %mul3A_2963 = arith.muli %scan3A_22, %mul3A_2962 : i32
        %add3A_2964 = arith.constant 25 : i32
        %add3A_2965 = arith.addi %mul3A_2963, %add3A_2964 : i32
        %mul3A_2966 = arith.constant 128 : i32
        %mul3A_2967 = arith.muli %add3A_2965, %mul3A_2966 : i32
        %add3A_2968 = vector.broadcast %mul3A_2967 : i32 to vector<16xi32>
        %add3A_2969 = arith.addi %add3A_2968, %shift_right_arithmetic3A_61 : vector<16xi32>
        %gather3A_2970 = tpu.vector_load_idx %arg6[%add3A_2969] : memref<32768xi32, #tpu.memory_space<vmem>>[vector<16xi32>], vector<16xi32>,
        %shift_right_logical3A_2971 = arith.shrui %gather3A_2970, %and3A_64 : vector<16xi32>
        %and3A_2972 = arith.constant 1 : i32
        %and3A_2973 = vector.broadcast %and3A_2972 : i32 to vector<16xi32>
        %and3A_2974 = arith.andi %shift_right_logical3A_2971, %and3A_2973 : vector<16xi32>
        %add3A_2975 = arith.constant 2 : i32
        %add3A_2976 = vector.broadcast %add3A_2975 : i32 to vector<16xi32>
        %add3A_2977 = arith.addi %add3A_2976, %and3A_2974 : vector<16xi32>
        %add3A_2978 = arith.addi %sub3A_56, %add3A_2977 : vector<16xi32>
        %gather3A_2979 = tpu.vector_load_idx %arg7[%add3A_2978] : memref<32256xi32, #tpu.memory_space<vmem>>[vector<16xi32>], vector<16xi32>,
        %shift_right_arithmetic3A_2980 = arith.constant 4 : i32
        %shift_right_arithmetic3A_2981 = vector.broadcast %shift_right_arithmetic3A_2980 : i32 to vector<16xi32>
        %shift_right_arithmetic3A_2982 = arith.shrsi %gather3A_2979, %shift_right_arithmetic3A_2981 : vector<16xi32>
        %add3A_2983 = vector.broadcast %mul3A_2967 : i32 to vector<16xi32>
        %add3A_2984 = arith.addi %add3A_2983, %shift_right_arithmetic3A_2982 : vector<16xi32>
        %gather3A_2985 = tpu.vector_load_idx %arg6[%add3A_2984] : memref<32768xi32, #tpu.memory_space<vmem>>[vector<16xi32>], vector<16xi32>,
        %and3A_2986 = arith.constant 15 : i32
        %and3A_2987 = vector.broadcast %and3A_2986 : i32 to vector<16xi32>
        %and3A_2988 = arith.andi %gather3A_2979, %and3A_2987 : vector<16xi32>
        %shift_right_logical3A_2989 = arith.shrui %gather3A_2985, %and3A_2988 : vector<16xi32>
        %and3A_2990 = arith.constant 1 : i32
        %and3A_2991 = vector.broadcast %and3A_2990 : i32 to vector<16xi32>
        %and3A_2992 = arith.andi %shift_right_logical3A_2989, %and3A_2991 : vector<16xi32>
        %shift_left3A_2993 = arith.constant 1 : i32
        %shift_left3A_2994 = vector.broadcast %shift_left3A_2993 : i32 to vector<16xi32>
        %shift_left3A_2995 = arith.shli %add3A_2977, %shift_left3A_2994 : vector<16xi32>
        %or3A_2996 = arith.ori %shift_left3A_2995, %and3A_2992 : vector<16xi32>
        %add3A_2997 = arith.addi %sub3A_56, %or3A_2996 : vector<16xi32>
        %gather3A_2998 = tpu.vector_load_idx %arg7[%add3A_2997] : memref<32256xi32, #tpu.memory_space<vmem>>[vector<16xi32>], vector<16xi32>,
        %shift_right_arithmetic3A_2999 = arith.constant 4 : i32
        %shift_right_arithmetic3A_3000 = vector.broadcast %shift_right_arithmetic3A_2999 : i32 to vector<16xi32>
        %shift_right_arithmetic3A_3001 = arith.shrsi %gather3A_2998, %shift_right_arithmetic3A_3000 : vector<16xi32>
        %add3A_3002 = vector.broadcast %mul3A_2967 : i32 to vector<16xi32>
        %add3A_3003 = arith.addi %add3A_3002, %shift_right_arithmetic3A_3001 : vector<16xi32>
        %gather3A_3004 = tpu.vector_load_idx %arg6[%add3A_3003] : memref<32768xi32, #tpu.memory_space<vmem>>[vector<16xi32>], vector<16xi32>,
        %and3A_3005 = arith.constant 15 : i32
        %and3A_3006 = vector.broadcast %and3A_3005 : i32 to vector<16xi32>
        %and3A_3007 = arith.andi %gather3A_2998, %and3A_3006 : vector<16xi32>
        %shift_right_logical3A_3008 = arith.shrui %gather3A_3004, %and3A_3007 : vector<16xi32>
        %and3A_3009 = arith.constant 1 : i32
        %and3A_3010 = vector.broadcast %and3A_3009 : i32 to vector<16xi32>
        %and3A_3011 = arith.andi %shift_right_logical3A_3008, %and3A_3010 : vector<16xi32>
        %shift_left3A_3012 = arith.constant 1 : i32
        %shift_left3A_3013 = vector.broadcast %shift_left3A_3012 : i32 to vector<16xi32>
        %shift_left3A_3014 = arith.shli %or3A_2996, %shift_left3A_3013 : vector<16xi32>
        %or3A_3015 = arith.ori %shift_left3A_3014, %and3A_3011 : vector<16xi32>
        %add3A_3016 = arith.addi %sub3A_56, %or3A_3015 : vector<16xi32>
        %gather3A_3017 = tpu.vector_load_idx %arg7[%add3A_3016] : memref<32256xi32, #tpu.memory_space<vmem>>[vector<16xi32>], vector<16xi32>,
        %shift_right_arithmetic3A_3018 = arith.constant 4 : i32
        %shift_right_arithmetic3A_3019 = vector.broadcast %shift_right_arithmetic3A_3018 : i32 to vector<16xi32>
        %shift_right_arithmetic3A_3020 = arith.shrsi %gather3A_3017, %shift_right_arithmetic3A_3019 : vector<16xi32>
        %add3A_3021 = vector.broadcast %mul3A_2967 : i32 to vector<16xi32>
        %add3A_3022 = arith.addi %add3A_3021, %shift_right_arithmetic3A_3020 : vector<16xi32>
        %gather3A_3023 = tpu.vector_load_idx %arg6[%add3A_3022] : memref<32768xi32, #tpu.memory_space<vmem>>[vector<16xi32>], vector<16xi32>,
        %and3A_3024 = arith.constant 15 : i32
        %and3A_3025 = vector.broadcast %and3A_3024 : i32 to vector<16xi32>
        %and3A_3026 = arith.andi %gather3A_3017, %and3A_3025 : vector<16xi32>
        %shift_right_logical3A_3027 = arith.shrui %gather3A_3023, %and3A_3026 : vector<16xi32>
        %and3A_3028 = arith.constant 1 : i32
        %and3A_3029 = vector.broadcast %and3A_3028 : i32 to vector<16xi32>
        %and3A_3030 = arith.andi %shift_right_logical3A_3027, %and3A_3029 : vector<16xi32>
        %shift_left3A_3031 = arith.constant 1 : i32
        %shift_left3A_3032 = vector.broadcast %shift_left3A_3031 : i32 to vector<16xi32>
        %shift_left3A_3033 = arith.shli %or3A_3015, %shift_left3A_3032 : vector<16xi32>
        %or3A_3034 = arith.ori %shift_left3A_3033, %and3A_3030 : vector<16xi32>
        %add3A_3035 = arith.addi %sub3A_56, %or3A_3034 : vector<16xi32>
        %gather3A_3036 = tpu.vector_load_idx %arg7[%add3A_3035] : memref<32256xi32, #tpu.memory_space<vmem>>[vector<16xi32>], vector<16xi32>,
        %shift_right_arithmetic3A_3037 = arith.constant 4 : i32
        %shift_right_arithmetic3A_3038 = vector.broadcast %shift_right_arithmetic3A_3037 : i32 to vector<16xi32>
        %shift_right_arithmetic3A_3039 = arith.shrsi %gather3A_3036, %shift_right_arithmetic3A_3038 : vector<16xi32>
        %add3A_3040 = vector.broadcast %mul3A_2967 : i32 to vector<16xi32>
        %add3A_3041 = arith.addi %add3A_3040, %shift_right_arithmetic3A_3039 : vector<16xi32>
        %gather3A_3042 = tpu.vector_load_idx %arg6[%add3A_3041] : memref<32768xi32, #tpu.memory_space<vmem>>[vector<16xi32>], vector<16xi32>,
        %and3A_3043 = arith.constant 15 : i32
        %and3A_3044 = vector.broadcast %and3A_3043 : i32 to vector<16xi32>
        %and3A_3045 = arith.andi %gather3A_3036, %and3A_3044 : vector<16xi32>
        %shift_right_logical3A_3046 = arith.shrui %gather3A_3042, %and3A_3045 : vector<16xi32>
        %and3A_3047 = arith.constant 1 : i32
        %and3A_3048 = vector.broadcast %and3A_3047 : i32 to vector<16xi32>
        %and3A_3049 = arith.andi %shift_right_logical3A_3046, %and3A_3048 : vector<16xi32>
        %shift_left3A_3050 = arith.constant 1 : i32
        %shift_left3A_3051 = vector.broadcast %shift_left3A_3050 : i32 to vector<16xi32>
        %shift_left3A_3052 = arith.shli %or3A_3034, %shift_left3A_3051 : vector<16xi32>
        %or3A_3053 = arith.ori %shift_left3A_3052, %and3A_3049 : vector<16xi32>
        %add3A_3054 = arith.addi %sub3A_56, %or3A_3053 : vector<16xi32>
        %gather3A_3055 = tpu.vector_load_idx %arg7[%add3A_3054] : memref<32256xi32, #tpu.memory_space<vmem>>[vector<16xi32>], vector<16xi32>,
        %shift_right_arithmetic3A_3056 = arith.constant 4 : i32
        %shift_right_arithmetic3A_3057 = vector.broadcast %shift_right_arithmetic3A_3056 : i32 to vector<16xi32>
        %shift_right_arithmetic3A_3058 = arith.shrsi %gather3A_3055, %shift_right_arithmetic3A_3057 : vector<16xi32>
        %add3A_3059 = vector.broadcast %mul3A_2967 : i32 to vector<16xi32>
        %add3A_3060 = arith.addi %add3A_3059, %shift_right_arithmetic3A_3058 : vector<16xi32>
        %gather3A_3061 = tpu.vector_load_idx %arg6[%add3A_3060] : memref<32768xi32, #tpu.memory_space<vmem>>[vector<16xi32>], vector<16xi32>,
        %and3A_3062 = arith.constant 15 : i32
        %and3A_3063 = vector.broadcast %and3A_3062 : i32 to vector<16xi32>
        %and3A_3064 = arith.andi %gather3A_3055, %and3A_3063 : vector<16xi32>
        %shift_right_logical3A_3065 = arith.shrui %gather3A_3061, %and3A_3064 : vector<16xi32>
        %and3A_3066 = arith.constant 1 : i32
        %and3A_3067 = vector.broadcast %and3A_3066 : i32 to vector<16xi32>
        %and3A_3068 = arith.andi %shift_right_logical3A_3065, %and3A_3067 : vector<16xi32>
        %shift_left3A_3069 = arith.constant 1 : i32
        %shift_left3A_3070 = vector.broadcast %shift_left3A_3069 : i32 to vector<16xi32>
        %shift_left3A_3071 = arith.shli %or3A_3053, %shift_left3A_3070 : vector<16xi32>
        %or3A_3072 = arith.ori %shift_left3A_3071, %and3A_3068 : vector<16xi32>
        %add3A_3073 = arith.addi %mul3A_53, %or3A_3072 : vector<16xi32>
        %sub3A_3074 = arith.constant 64 : i32
        %sub3A_3075 = vector.broadcast %sub3A_3074 : i32 to vector<16xi32>
        %sub3A_3076 = arith.subi %add3A_3073, %sub3A_3075 : vector<16xi32>
        %gather3A_3077 = tpu.vector_load_idx %arg8[%sub3A_3076] : memref<32768xf32, #tpu.memory_space<vmem>>[vector<16xi32>], vector<16xf32>,
        %mul3A_3078 = arith.constant 32 : i32
        %mul3A_3079 = arith.muli %scan3A_22, %mul3A_3078 : i32
        %add3A_3080 = arith.constant 26 : i32
        %add3A_3081 = arith.addi %mul3A_3079, %add3A_3080 : i32
        %mul3A_3082 = arith.constant 128 : i32
        %mul3A_3083 = arith.muli %add3A_3081, %mul3A_3082 : i32
        %add3A_3084 = vector.broadcast %mul3A_3083 : i32 to vector<16xi32>
        %add3A_3085 = arith.addi %add3A_3084, %shift_right_arithmetic3A_61 : vector<16xi32>
        %gather3A_3086 = tpu.vector_load_idx %arg6[%add3A_3085] : memref<32768xi32, #tpu.memory_space<vmem>>[vector<16xi32>], vector<16xi32>,
        %shift_right_logical3A_3087 = arith.shrui %gather3A_3086, %and3A_64 : vector<16xi32>
        %and3A_3088 = arith.constant 1 : i32
        %and3A_3089 = vector.broadcast %and3A_3088 : i32 to vector<16xi32>
        %and3A_3090 = arith.andi %shift_right_logical3A_3087, %and3A_3089 : vector<16xi32>
        %add3A_3091 = arith.constant 2 : i32
        %add3A_3092 = vector.broadcast %add3A_3091 : i32 to vector<16xi32>
        %add3A_3093 = arith.addi %add3A_3092, %and3A_3090 : vector<16xi32>
        %add3A_3094 = arith.addi %sub3A_56, %add3A_3093 : vector<16xi32>
        %gather3A_3095 = tpu.vector_load_idx %arg7[%add3A_3094] : memref<32256xi32, #tpu.memory_space<vmem>>[vector<16xi32>], vector<16xi32>,
        %shift_right_arithmetic3A_3096 = arith.constant 4 : i32
        %shift_right_arithmetic3A_3097 = vector.broadcast %shift_right_arithmetic3A_3096 : i32 to vector<16xi32>
        %shift_right_arithmetic3A_3098 = arith.shrsi %gather3A_3095, %shift_right_arithmetic3A_3097 : vector<16xi32>
        %add3A_3099 = vector.broadcast %mul3A_3083 : i32 to vector<16xi32>
        %add3A_3100 = arith.addi %add3A_3099, %shift_right_arithmetic3A_3098 : vector<16xi32>
        %gather3A_3101 = tpu.vector_load_idx %arg6[%add3A_3100] : memref<32768xi32, #tpu.memory_space<vmem>>[vector<16xi32>], vector<16xi32>,
        %and3A_3102 = arith.constant 15 : i32
        %and3A_3103 = vector.broadcast %and3A_3102 : i32 to vector<16xi32>
        %and3A_3104 = arith.andi %gather3A_3095, %and3A_3103 : vector<16xi32>
        %shift_right_logical3A_3105 = arith.shrui %gather3A_3101, %and3A_3104 : vector<16xi32>
        %and3A_3106 = arith.constant 1 : i32
        %and3A_3107 = vector.broadcast %and3A_3106 : i32 to vector<16xi32>
        %and3A_3108 = arith.andi %shift_right_logical3A_3105, %and3A_3107 : vector<16xi32>
        %shift_left3A_3109 = arith.constant 1 : i32
        %shift_left3A_3110 = vector.broadcast %shift_left3A_3109 : i32 to vector<16xi32>
        %shift_left3A_3111 = arith.shli %add3A_3093, %shift_left3A_3110 : vector<16xi32>
        %or3A_3112 = arith.ori %shift_left3A_3111, %and3A_3108 : vector<16xi32>
        %add3A_3113 = arith.addi %sub3A_56, %or3A_3112 : vector<16xi32>
        %gather3A_3114 = tpu.vector_load_idx %arg7[%add3A_3113] : memref<32256xi32, #tpu.memory_space<vmem>>[vector<16xi32>], vector<16xi32>,
        %shift_right_arithmetic3A_3115 = arith.constant 4 : i32
        %shift_right_arithmetic3A_3116 = vector.broadcast %shift_right_arithmetic3A_3115 : i32 to vector<16xi32>
        %shift_right_arithmetic3A_3117 = arith.shrsi %gather3A_3114, %shift_right_arithmetic3A_3116 : vector<16xi32>
        %add3A_3118 = vector.broadcast %mul3A_3083 : i32 to vector<16xi32>
        %add3A_3119 = arith.addi %add3A_3118, %shift_right_arithmetic3A_3117 : vector<16xi32>
        %gather3A_3120 = tpu.vector_load_idx %arg6[%add3A_3119] : memref<32768xi32, #tpu.memory_space<vmem>>[vector<16xi32>], vector<16xi32>,
        %and3A_3121 = arith.constant 15 : i32
        %and3A_3122 = vector.broadcast %and3A_3121 : i32 to vector<16xi32>
        %and3A_3123 = arith.andi %gather3A_3114, %and3A_3122 : vector<16xi32>
        %shift_right_logical3A_3124 = arith.shrui %gather3A_3120, %and3A_3123 : vector<16xi32>
        %and3A_3125 = arith.constant 1 : i32
        %and3A_3126 = vector.broadcast %and3A_3125 : i32 to vector<16xi32>
        %and3A_3127 = arith.andi %shift_right_logical3A_3124, %and3A_3126 : vector<16xi32>
        %shift_left3A_3128 = arith.constant 1 : i32
        %shift_left3A_3129 = vector.broadcast %shift_left3A_3128 : i32 to vector<16xi32>
        %shift_left3A_3130 = arith.shli %or3A_3112, %shift_left3A_3129 : vector<16xi32>
        %or3A_3131 = arith.ori %shift_left3A_3130, %and3A_3127 : vector<16xi32>
        %add3A_3132 = arith.addi %sub3A_56, %or3A_3131 : vector<16xi32>
        %gather3A_3133 = tpu.vector_load_idx %arg7[%add3A_3132] : memref<32256xi32, #tpu.memory_space<vmem>>[vector<16xi32>], vector<16xi32>,
        %shift_right_arithmetic3A_3134 = arith.constant 4 : i32
        %shift_right_arithmetic3A_3135 = vector.broadcast %shift_right_arithmetic3A_3134 : i32 to vector<16xi32>
        %shift_right_arithmetic3A_3136 = arith.shrsi %gather3A_3133, %shift_right_arithmetic3A_3135 : vector<16xi32>
        %add3A_3137 = vector.broadcast %mul3A_3083 : i32 to vector<16xi32>
        %add3A_3138 = arith.addi %add3A_3137, %shift_right_arithmetic3A_3136 : vector<16xi32>
        %gather3A_3139 = tpu.vector_load_idx %arg6[%add3A_3138] : memref<32768xi32, #tpu.memory_space<vmem>>[vector<16xi32>], vector<16xi32>,
        %and3A_3140 = arith.constant 15 : i32
        %and3A_3141 = vector.broadcast %and3A_3140 : i32 to vector<16xi32>
        %and3A_3142 = arith.andi %gather3A_3133, %and3A_3141 : vector<16xi32>
        %shift_right_logical3A_3143 = arith.shrui %gather3A_3139, %and3A_3142 : vector<16xi32>
        %and3A_3144 = arith.constant 1 : i32
        %and3A_3145 = vector.broadcast %and3A_3144 : i32 to vector<16xi32>
        %and3A_3146 = arith.andi %shift_right_logical3A_3143, %and3A_3145 : vector<16xi32>
        %shift_left3A_3147 = arith.constant 1 : i32
        %shift_left3A_3148 = vector.broadcast %shift_left3A_3147 : i32 to vector<16xi32>
        %shift_left3A_3149 = arith.shli %or3A_3131, %shift_left3A_3148 : vector<16xi32>
        %or3A_3150 = arith.ori %shift_left3A_3149, %and3A_3146 : vector<16xi32>
        %add3A_3151 = arith.addi %sub3A_56, %or3A_3150 : vector<16xi32>
        %gather3A_3152 = tpu.vector_load_idx %arg7[%add3A_3151] : memref<32256xi32, #tpu.memory_space<vmem>>[vector<16xi32>], vector<16xi32>,
        %shift_right_arithmetic3A_3153 = arith.constant 4 : i32
        %shift_right_arithmetic3A_3154 = vector.broadcast %shift_right_arithmetic3A_3153 : i32 to vector<16xi32>
        %shift_right_arithmetic3A_3155 = arith.shrsi %gather3A_3152, %shift_right_arithmetic3A_3154 : vector<16xi32>
        %add3A_3156 = vector.broadcast %mul3A_3083 : i32 to vector<16xi32>
        %add3A_3157 = arith.addi %add3A_3156, %shift_right_arithmetic3A_3155 : vector<16xi32>
        %gather3A_3158 = tpu.vector_load_idx %arg6[%add3A_3157] : memref<32768xi32, #tpu.memory_space<vmem>>[vector<16xi32>], vector<16xi32>,
        %and3A_3159 = arith.constant 15 : i32
        %and3A_3160 = vector.broadcast %and3A_3159 : i32 to vector<16xi32>
        %and3A_3161 = arith.andi %gather3A_3152, %and3A_3160 : vector<16xi32>
        %shift_right_logical3A_3162 = arith.shrui %gather3A_3158, %and3A_3161 : vector<16xi32>
        %and3A_3163 = arith.constant 1 : i32
        %and3A_3164 = vector.broadcast %and3A_3163 : i32 to vector<16xi32>
        %and3A_3165 = arith.andi %shift_right_logical3A_3162, %and3A_3164 : vector<16xi32>
        %shift_left3A_3166 = arith.constant 1 : i32
        %shift_left3A_3167 = vector.broadcast %shift_left3A_3166 : i32 to vector<16xi32>
        %shift_left3A_3168 = arith.shli %or3A_3150, %shift_left3A_3167 : vector<16xi32>
        %or3A_3169 = arith.ori %shift_left3A_3168, %and3A_3165 : vector<16xi32>
        %add3A_3170 = arith.addi %sub3A_56, %or3A_3169 : vector<16xi32>
        %gather3A_3171 = tpu.vector_load_idx %arg7[%add3A_3170] : memref<32256xi32, #tpu.memory_space<vmem>>[vector<16xi32>], vector<16xi32>,
        %shift_right_arithmetic3A_3172 = arith.constant 4 : i32
        %shift_right_arithmetic3A_3173 = vector.broadcast %shift_right_arithmetic3A_3172 : i32 to vector<16xi32>
        %shift_right_arithmetic3A_3174 = arith.shrsi %gather3A_3171, %shift_right_arithmetic3A_3173 : vector<16xi32>
        %add3A_3175 = vector.broadcast %mul3A_3083 : i32 to vector<16xi32>
        %add3A_3176 = arith.addi %add3A_3175, %shift_right_arithmetic3A_3174 : vector<16xi32>
        %gather3A_3177 = tpu.vector_load_idx %arg6[%add3A_3176] : memref<32768xi32, #tpu.memory_space<vmem>>[vector<16xi32>], vector<16xi32>,
        %and3A_3178 = arith.constant 15 : i32
        %and3A_3179 = vector.broadcast %and3A_3178 : i32 to vector<16xi32>
        %and3A_3180 = arith.andi %gather3A_3171, %and3A_3179 : vector<16xi32>
        %shift_right_logical3A_3181 = arith.shrui %gather3A_3177, %and3A_3180 : vector<16xi32>
        %and3A_3182 = arith.constant 1 : i32
        %and3A_3183 = vector.broadcast %and3A_3182 : i32 to vector<16xi32>
        %and3A_3184 = arith.andi %shift_right_logical3A_3181, %and3A_3183 : vector<16xi32>
        %shift_left3A_3185 = arith.constant 1 : i32
        %shift_left3A_3186 = vector.broadcast %shift_left3A_3185 : i32 to vector<16xi32>
        %shift_left3A_3187 = arith.shli %or3A_3169, %shift_left3A_3186 : vector<16xi32>
        %or3A_3188 = arith.ori %shift_left3A_3187, %and3A_3184 : vector<16xi32>
        %add3A_3189 = arith.addi %mul3A_53, %or3A_3188 : vector<16xi32>
        %sub3A_3190 = arith.constant 64 : i32
        %sub3A_3191 = vector.broadcast %sub3A_3190 : i32 to vector<16xi32>
        %sub3A_3192 = arith.subi %add3A_3189, %sub3A_3191 : vector<16xi32>
        %gather3A_3193 = tpu.vector_load_idx %arg8[%sub3A_3192] : memref<32768xf32, #tpu.memory_space<vmem>>[vector<16xi32>], vector<16xf32>,
        %mul3A_3194 = arith.constant 32 : i32
        %mul3A_3195 = arith.muli %scan3A_22, %mul3A_3194 : i32
        %add3A_3196 = arith.constant 27 : i32
        %add3A_3197 = arith.addi %mul3A_3195, %add3A_3196 : i32
        %mul3A_3198 = arith.constant 128 : i32
        %mul3A_3199 = arith.muli %add3A_3197, %mul3A_3198 : i32
        %add3A_3200 = vector.broadcast %mul3A_3199 : i32 to vector<16xi32>
        %add3A_3201 = arith.addi %add3A_3200, %shift_right_arithmetic3A_61 : vector<16xi32>
        %gather3A_3202 = tpu.vector_load_idx %arg6[%add3A_3201] : memref<32768xi32, #tpu.memory_space<vmem>>[vector<16xi32>], vector<16xi32>,
        %shift_right_logical3A_3203 = arith.shrui %gather3A_3202, %and3A_64 : vector<16xi32>
        %and3A_3204 = arith.constant 1 : i32
        %and3A_3205 = vector.broadcast %and3A_3204 : i32 to vector<16xi32>
        %and3A_3206 = arith.andi %shift_right_logical3A_3203, %and3A_3205 : vector<16xi32>
        %add3A_3207 = arith.constant 2 : i32
        %add3A_3208 = vector.broadcast %add3A_3207 : i32 to vector<16xi32>
        %add3A_3209 = arith.addi %add3A_3208, %and3A_3206 : vector<16xi32>
        %add3A_3210 = arith.addi %sub3A_56, %add3A_3209 : vector<16xi32>
        %gather3A_3211 = tpu.vector_load_idx %arg7[%add3A_3210] : memref<32256xi32, #tpu.memory_space<vmem>>[vector<16xi32>], vector<16xi32>,
        %shift_right_arithmetic3A_3212 = arith.constant 4 : i32
        %shift_right_arithmetic3A_3213 = vector.broadcast %shift_right_arithmetic3A_3212 : i32 to vector<16xi32>
        %shift_right_arithmetic3A_3214 = arith.shrsi %gather3A_3211, %shift_right_arithmetic3A_3213 : vector<16xi32>
        %add3A_3215 = vector.broadcast %mul3A_3199 : i32 to vector<16xi32>
        %add3A_3216 = arith.addi %add3A_3215, %shift_right_arithmetic3A_3214 : vector<16xi32>
        %gather3A_3217 = tpu.vector_load_idx %arg6[%add3A_3216] : memref<32768xi32, #tpu.memory_space<vmem>>[vector<16xi32>], vector<16xi32>,
        %and3A_3218 = arith.constant 15 : i32
        %and3A_3219 = vector.broadcast %and3A_3218 : i32 to vector<16xi32>
        %and3A_3220 = arith.andi %gather3A_3211, %and3A_3219 : vector<16xi32>
        %shift_right_logical3A_3221 = arith.shrui %gather3A_3217, %and3A_3220 : vector<16xi32>
        %and3A_3222 = arith.constant 1 : i32
        %and3A_3223 = vector.broadcast %and3A_3222 : i32 to vector<16xi32>
        %and3A_3224 = arith.andi %shift_right_logical3A_3221, %and3A_3223 : vector<16xi32>
        %shift_left3A_3225 = arith.constant 1 : i32
        %shift_left3A_3226 = vector.broadcast %shift_left3A_3225 : i32 to vector<16xi32>
        %shift_left3A_3227 = arith.shli %add3A_3209, %shift_left3A_3226 : vector<16xi32>
        %or3A_3228 = arith.ori %shift_left3A_3227, %and3A_3224 : vector<16xi32>
        %add3A_3229 = arith.addi %sub3A_56, %or3A_3228 : vector<16xi32>
        %gather3A_3230 = tpu.vector_load_idx %arg7[%add3A_3229] : memref<32256xi32, #tpu.memory_space<vmem>>[vector<16xi32>], vector<16xi32>,
        %shift_right_arithmetic3A_3231 = arith.constant 4 : i32
        %shift_right_arithmetic3A_3232 = vector.broadcast %shift_right_arithmetic3A_3231 : i32 to vector<16xi32>
        %shift_right_arithmetic3A_3233 = arith.shrsi %gather3A_3230, %shift_right_arithmetic3A_3232 : vector<16xi32>
        %add3A_3234 = vector.broadcast %mul3A_3199 : i32 to vector<16xi32>
        %add3A_3235 = arith.addi %add3A_3234, %shift_right_arithmetic3A_3233 : vector<16xi32>
        %gather3A_3236 = tpu.vector_load_idx %arg6[%add3A_3235] : memref<32768xi32, #tpu.memory_space<vmem>>[vector<16xi32>], vector<16xi32>,
        %and3A_3237 = arith.constant 15 : i32
        %and3A_3238 = vector.broadcast %and3A_3237 : i32 to vector<16xi32>
        %and3A_3239 = arith.andi %gather3A_3230, %and3A_3238 : vector<16xi32>
        %shift_right_logical3A_3240 = arith.shrui %gather3A_3236, %and3A_3239 : vector<16xi32>
        %and3A_3241 = arith.constant 1 : i32
        %and3A_3242 = vector.broadcast %and3A_3241 : i32 to vector<16xi32>
        %and3A_3243 = arith.andi %shift_right_logical3A_3240, %and3A_3242 : vector<16xi32>
        %shift_left3A_3244 = arith.constant 1 : i32
        %shift_left3A_3245 = vector.broadcast %shift_left3A_3244 : i32 to vector<16xi32>
        %shift_left3A_3246 = arith.shli %or3A_3228, %shift_left3A_3245 : vector<16xi32>
        %or3A_3247 = arith.ori %shift_left3A_3246, %and3A_3243 : vector<16xi32>
        %add3A_3248 = arith.addi %sub3A_56, %or3A_3247 : vector<16xi32>
        %gather3A_3249 = tpu.vector_load_idx %arg7[%add3A_3248] : memref<32256xi32, #tpu.memory_space<vmem>>[vector<16xi32>], vector<16xi32>,
        %shift_right_arithmetic3A_3250 = arith.constant 4 : i32
        %shift_right_arithmetic3A_3251 = vector.broadcast %shift_right_arithmetic3A_3250 : i32 to vector<16xi32>
        %shift_right_arithmetic3A_3252 = arith.shrsi %gather3A_3249, %shift_right_arithmetic3A_3251 : vector<16xi32>
        %add3A_3253 = vector.broadcast %mul3A_3199 : i32 to vector<16xi32>
        %add3A_3254 = arith.addi %add3A_3253, %shift_right_arithmetic3A_3252 : vector<16xi32>
        %gather3A_3255 = tpu.vector_load_idx %arg6[%add3A_3254] : memref<32768xi32, #tpu.memory_space<vmem>>[vector<16xi32>], vector<16xi32>,
        %and3A_3256 = arith.constant 15 : i32
        %and3A_3257 = vector.broadcast %and3A_3256 : i32 to vector<16xi32>
        %and3A_3258 = arith.andi %gather3A_3249, %and3A_3257 : vector<16xi32>
        %shift_right_logical3A_3259 = arith.shrui %gather3A_3255, %and3A_3258 : vector<16xi32>
        %and3A_3260 = arith.constant 1 : i32
        %and3A_3261 = vector.broadcast %and3A_3260 : i32 to vector<16xi32>
        %and3A_3262 = arith.andi %shift_right_logical3A_3259, %and3A_3261 : vector<16xi32>
        %shift_left3A_3263 = arith.constant 1 : i32
        %shift_left3A_3264 = vector.broadcast %shift_left3A_3263 : i32 to vector<16xi32>
        %shift_left3A_3265 = arith.shli %or3A_3247, %shift_left3A_3264 : vector<16xi32>
        %or3A_3266 = arith.ori %shift_left3A_3265, %and3A_3262 : vector<16xi32>
        %add3A_3267 = arith.addi %sub3A_56, %or3A_3266 : vector<16xi32>
        %gather3A_3268 = tpu.vector_load_idx %arg7[%add3A_3267] : memref<32256xi32, #tpu.memory_space<vmem>>[vector<16xi32>], vector<16xi32>,
        %shift_right_arithmetic3A_3269 = arith.constant 4 : i32
        %shift_right_arithmetic3A_3270 = vector.broadcast %shift_right_arithmetic3A_3269 : i32 to vector<16xi32>
        %shift_right_arithmetic3A_3271 = arith.shrsi %gather3A_3268, %shift_right_arithmetic3A_3270 : vector<16xi32>
        %add3A_3272 = vector.broadcast %mul3A_3199 : i32 to vector<16xi32>
        %add3A_3273 = arith.addi %add3A_3272, %shift_right_arithmetic3A_3271 : vector<16xi32>
        %gather3A_3274 = tpu.vector_load_idx %arg6[%add3A_3273] : memref<32768xi32, #tpu.memory_space<vmem>>[vector<16xi32>], vector<16xi32>,
        %and3A_3275 = arith.constant 15 : i32
        %and3A_3276 = vector.broadcast %and3A_3275 : i32 to vector<16xi32>
        %and3A_3277 = arith.andi %gather3A_3268, %and3A_3276 : vector<16xi32>
        %shift_right_logical3A_3278 = arith.shrui %gather3A_3274, %and3A_3277 : vector<16xi32>
        %and3A_3279 = arith.constant 1 : i32
        %and3A_3280 = vector.broadcast %and3A_3279 : i32 to vector<16xi32>
        %and3A_3281 = arith.andi %shift_right_logical3A_3278, %and3A_3280 : vector<16xi32>
        %shift_left3A_3282 = arith.constant 1 : i32
        %shift_left3A_3283 = vector.broadcast %shift_left3A_3282 : i32 to vector<16xi32>
        %shift_left3A_3284 = arith.shli %or3A_3266, %shift_left3A_3283 : vector<16xi32>
        %or3A_3285 = arith.ori %shift_left3A_3284, %and3A_3281 : vector<16xi32>
        %add3A_3286 = arith.addi %sub3A_56, %or3A_3285 : vector<16xi32>
        %gather3A_3287 = tpu.vector_load_idx %arg7[%add3A_3286] : memref<32256xi32, #tpu.memory_space<vmem>>[vector<16xi32>], vector<16xi32>,
        %shift_right_arithmetic3A_3288 = arith.constant 4 : i32
        %shift_right_arithmetic3A_3289 = vector.broadcast %shift_right_arithmetic3A_3288 : i32 to vector<16xi32>
        %shift_right_arithmetic3A_3290 = arith.shrsi %gather3A_3287, %shift_right_arithmetic3A_3289 : vector<16xi32>
        %add3A_3291 = vector.broadcast %mul3A_3199 : i32 to vector<16xi32>
        %add3A_3292 = arith.addi %add3A_3291, %shift_right_arithmetic3A_3290 : vector<16xi32>
        %gather3A_3293 = tpu.vector_load_idx %arg6[%add3A_3292] : memref<32768xi32, #tpu.memory_space<vmem>>[vector<16xi32>], vector<16xi32>,
        %and3A_3294 = arith.constant 15 : i32
        %and3A_3295 = vector.broadcast %and3A_3294 : i32 to vector<16xi32>
        %and3A_3296 = arith.andi %gather3A_3287, %and3A_3295 : vector<16xi32>
        %shift_right_logical3A_3297 = arith.shrui %gather3A_3293, %and3A_3296 : vector<16xi32>
        %and3A_3298 = arith.constant 1 : i32
        %and3A_3299 = vector.broadcast %and3A_3298 : i32 to vector<16xi32>
        %and3A_3300 = arith.andi %shift_right_logical3A_3297, %and3A_3299 : vector<16xi32>
        %shift_left3A_3301 = arith.constant 1 : i32
        %shift_left3A_3302 = vector.broadcast %shift_left3A_3301 : i32 to vector<16xi32>
        %shift_left3A_3303 = arith.shli %or3A_3285, %shift_left3A_3302 : vector<16xi32>
        %or3A_3304 = arith.ori %shift_left3A_3303, %and3A_3300 : vector<16xi32>
        %add3A_3305 = arith.addi %mul3A_53, %or3A_3304 : vector<16xi32>
        %sub3A_3306 = arith.constant 64 : i32
        %sub3A_3307 = vector.broadcast %sub3A_3306 : i32 to vector<16xi32>
        %sub3A_3308 = arith.subi %add3A_3305, %sub3A_3307 : vector<16xi32>
        %gather3A_3309 = tpu.vector_load_idx %arg8[%sub3A_3308] : memref<32768xf32, #tpu.memory_space<vmem>>[vector<16xi32>], vector<16xf32>,
        %mul3A_3310 = arith.constant 32 : i32
        %mul3A_3311 = arith.muli %scan3A_22, %mul3A_3310 : i32
        %add3A_3312 = arith.constant 28 : i32
        %add3A_3313 = arith.addi %mul3A_3311, %add3A_3312 : i32
        %mul3A_3314 = arith.constant 128 : i32
        %mul3A_3315 = arith.muli %add3A_3313, %mul3A_3314 : i32
        %add3A_3316 = vector.broadcast %mul3A_3315 : i32 to vector<16xi32>
        %add3A_3317 = arith.addi %add3A_3316, %shift_right_arithmetic3A_61 : vector<16xi32>
        %gather3A_3318 = tpu.vector_load_idx %arg6[%add3A_3317] : memref<32768xi32, #tpu.memory_space<vmem>>[vector<16xi32>], vector<16xi32>,
        %shift_right_logical3A_3319 = arith.shrui %gather3A_3318, %and3A_64 : vector<16xi32>
        %and3A_3320 = arith.constant 1 : i32
        %and3A_3321 = vector.broadcast %and3A_3320 : i32 to vector<16xi32>
        %and3A_3322 = arith.andi %shift_right_logical3A_3319, %and3A_3321 : vector<16xi32>
        %add3A_3323 = arith.constant 2 : i32
        %add3A_3324 = vector.broadcast %add3A_3323 : i32 to vector<16xi32>
        %add3A_3325 = arith.addi %add3A_3324, %and3A_3322 : vector<16xi32>
        %add3A_3326 = arith.addi %sub3A_56, %add3A_3325 : vector<16xi32>
        %gather3A_3327 = tpu.vector_load_idx %arg7[%add3A_3326] : memref<32256xi32, #tpu.memory_space<vmem>>[vector<16xi32>], vector<16xi32>,
        %shift_right_arithmetic3A_3328 = arith.constant 4 : i32
        %shift_right_arithmetic3A_3329 = vector.broadcast %shift_right_arithmetic3A_3328 : i32 to vector<16xi32>
        %shift_right_arithmetic3A_3330 = arith.shrsi %gather3A_3327, %shift_right_arithmetic3A_3329 : vector<16xi32>
        %add3A_3331 = vector.broadcast %mul3A_3315 : i32 to vector<16xi32>
        %add3A_3332 = arith.addi %add3A_3331, %shift_right_arithmetic3A_3330 : vector<16xi32>
        %gather3A_3333 = tpu.vector_load_idx %arg6[%add3A_3332] : memref<32768xi32, #tpu.memory_space<vmem>>[vector<16xi32>], vector<16xi32>,
        %and3A_3334 = arith.constant 15 : i32
        %and3A_3335 = vector.broadcast %and3A_3334 : i32 to vector<16xi32>
        %and3A_3336 = arith.andi %gather3A_3327, %and3A_3335 : vector<16xi32>
        %shift_right_logical3A_3337 = arith.shrui %gather3A_3333, %and3A_3336 : vector<16xi32>
        %and3A_3338 = arith.constant 1 : i32
        %and3A_3339 = vector.broadcast %and3A_3338 : i32 to vector<16xi32>
        %and3A_3340 = arith.andi %shift_right_logical3A_3337, %and3A_3339 : vector<16xi32>
        %shift_left3A_3341 = arith.constant 1 : i32
        %shift_left3A_3342 = vector.broadcast %shift_left3A_3341 : i32 to vector<16xi32>
        %shift_left3A_3343 = arith.shli %add3A_3325, %shift_left3A_3342 : vector<16xi32>
        %or3A_3344 = arith.ori %shift_left3A_3343, %and3A_3340 : vector<16xi32>
        %add3A_3345 = arith.addi %sub3A_56, %or3A_3344 : vector<16xi32>
        %gather3A_3346 = tpu.vector_load_idx %arg7[%add3A_3345] : memref<32256xi32, #tpu.memory_space<vmem>>[vector<16xi32>], vector<16xi32>,
        %shift_right_arithmetic3A_3347 = arith.constant 4 : i32
        %shift_right_arithmetic3A_3348 = vector.broadcast %shift_right_arithmetic3A_3347 : i32 to vector<16xi32>
        %shift_right_arithmetic3A_3349 = arith.shrsi %gather3A_3346, %shift_right_arithmetic3A_3348 : vector<16xi32>
        %add3A_3350 = vector.broadcast %mul3A_3315 : i32 to vector<16xi32>
        %add3A_3351 = arith.addi %add3A_3350, %shift_right_arithmetic3A_3349 : vector<16xi32>
        %gather3A_3352 = tpu.vector_load_idx %arg6[%add3A_3351] : memref<32768xi32, #tpu.memory_space<vmem>>[vector<16xi32>], vector<16xi32>,
        %and3A_3353 = arith.constant 15 : i32
        %and3A_3354 = vector.broadcast %and3A_3353 : i32 to vector<16xi32>
        %and3A_3355 = arith.andi %gather3A_3346, %and3A_3354 : vector<16xi32>
        %shift_right_logical3A_3356 = arith.shrui %gather3A_3352, %and3A_3355 : vector<16xi32>
        %and3A_3357 = arith.constant 1 : i32
        %and3A_3358 = vector.broadcast %and3A_3357 : i32 to vector<16xi32>
        %and3A_3359 = arith.andi %shift_right_logical3A_3356, %and3A_3358 : vector<16xi32>
        %shift_left3A_3360 = arith.constant 1 : i32
        %shift_left3A_3361 = vector.broadcast %shift_left3A_3360 : i32 to vector<16xi32>
        %shift_left3A_3362 = arith.shli %or3A_3344, %shift_left3A_3361 : vector<16xi32>
        %or3A_3363 = arith.ori %shift_left3A_3362, %and3A_3359 : vector<16xi32>
        %add3A_3364 = arith.addi %sub3A_56, %or3A_3363 : vector<16xi32>
        %gather3A_3365 = tpu.vector_load_idx %arg7[%add3A_3364] : memref<32256xi32, #tpu.memory_space<vmem>>[vector<16xi32>], vector<16xi32>,
        %shift_right_arithmetic3A_3366 = arith.constant 4 : i32
        %shift_right_arithmetic3A_3367 = vector.broadcast %shift_right_arithmetic3A_3366 : i32 to vector<16xi32>
        %shift_right_arithmetic3A_3368 = arith.shrsi %gather3A_3365, %shift_right_arithmetic3A_3367 : vector<16xi32>
        %add3A_3369 = vector.broadcast %mul3A_3315 : i32 to vector<16xi32>
        %add3A_3370 = arith.addi %add3A_3369, %shift_right_arithmetic3A_3368 : vector<16xi32>
        %gather3A_3371 = tpu.vector_load_idx %arg6[%add3A_3370] : memref<32768xi32, #tpu.memory_space<vmem>>[vector<16xi32>], vector<16xi32>,
        %and3A_3372 = arith.constant 15 : i32
        %and3A_3373 = vector.broadcast %and3A_3372 : i32 to vector<16xi32>
        %and3A_3374 = arith.andi %gather3A_3365, %and3A_3373 : vector<16xi32>
        %shift_right_logical3A_3375 = arith.shrui %gather3A_3371, %and3A_3374 : vector<16xi32>
        %and3A_3376 = arith.constant 1 : i32
        %and3A_3377 = vector.broadcast %and3A_3376 : i32 to vector<16xi32>
        %and3A_3378 = arith.andi %shift_right_logical3A_3375, %and3A_3377 : vector<16xi32>
        %shift_left3A_3379 = arith.constant 1 : i32
        %shift_left3A_3380 = vector.broadcast %shift_left3A_3379 : i32 to vector<16xi32>
        %shift_left3A_3381 = arith.shli %or3A_3363, %shift_left3A_3380 : vector<16xi32>
        %or3A_3382 = arith.ori %shift_left3A_3381, %and3A_3378 : vector<16xi32>
        %add3A_3383 = arith.addi %sub3A_56, %or3A_3382 : vector<16xi32>
        %gather3A_3384 = tpu.vector_load_idx %arg7[%add3A_3383] : memref<32256xi32, #tpu.memory_space<vmem>>[vector<16xi32>], vector<16xi32>,
        %shift_right_arithmetic3A_3385 = arith.constant 4 : i32
        %shift_right_arithmetic3A_3386 = vector.broadcast %shift_right_arithmetic3A_3385 : i32 to vector<16xi32>
        %shift_right_arithmetic3A_3387 = arith.shrsi %gather3A_3384, %shift_right_arithmetic3A_3386 : vector<16xi32>
        %add3A_3388 = vector.broadcast %mul3A_3315 : i32 to vector<16xi32>
        %add3A_3389 = arith.addi %add3A_3388, %shift_right_arithmetic3A_3387 : vector<16xi32>
        %gather3A_3390 = tpu.vector_load_idx %arg6[%add3A_3389] : memref<32768xi32, #tpu.memory_space<vmem>>[vector<16xi32>], vector<16xi32>,
        %and3A_3391 = arith.constant 15 : i32
        %and3A_3392 = vector.broadcast %and3A_3391 : i32 to vector<16xi32>
        %and3A_3393 = arith.andi %gather3A_3384, %and3A_3392 : vector<16xi32>
        %shift_right_logical3A_3394 = arith.shrui %gather3A_3390, %and3A_3393 : vector<16xi32>
        %and3A_3395 = arith.constant 1 : i32
        %and3A_3396 = vector.broadcast %and3A_3395 : i32 to vector<16xi32>
        %and3A_3397 = arith.andi %shift_right_logical3A_3394, %and3A_3396 : vector<16xi32>
        %shift_left3A_3398 = arith.constant 1 : i32
        %shift_left3A_3399 = vector.broadcast %shift_left3A_3398 : i32 to vector<16xi32>
        %shift_left3A_3400 = arith.shli %or3A_3382, %shift_left3A_3399 : vector<16xi32>
        %or3A_3401 = arith.ori %shift_left3A_3400, %and3A_3397 : vector<16xi32>
        %add3A_3402 = arith.addi %sub3A_56, %or3A_3401 : vector<16xi32>
        %gather3A_3403 = tpu.vector_load_idx %arg7[%add3A_3402] : memref<32256xi32, #tpu.memory_space<vmem>>[vector<16xi32>], vector<16xi32>,
        %shift_right_arithmetic3A_3404 = arith.constant 4 : i32
        %shift_right_arithmetic3A_3405 = vector.broadcast %shift_right_arithmetic3A_3404 : i32 to vector<16xi32>
        %shift_right_arithmetic3A_3406 = arith.shrsi %gather3A_3403, %shift_right_arithmetic3A_3405 : vector<16xi32>
        %add3A_3407 = vector.broadcast %mul3A_3315 : i32 to vector<16xi32>
        %add3A_3408 = arith.addi %add3A_3407, %shift_right_arithmetic3A_3406 : vector<16xi32>
        %gather3A_3409 = tpu.vector_load_idx %arg6[%add3A_3408] : memref<32768xi32, #tpu.memory_space<vmem>>[vector<16xi32>], vector<16xi32>,
        %and3A_3410 = arith.constant 15 : i32
        %and3A_3411 = vector.broadcast %and3A_3410 : i32 to vector<16xi32>
        %and3A_3412 = arith.andi %gather3A_3403, %and3A_3411 : vector<16xi32>
        %shift_right_logical3A_3413 = arith.shrui %gather3A_3409, %and3A_3412 : vector<16xi32>
        %and3A_3414 = arith.constant 1 : i32
        %and3A_3415 = vector.broadcast %and3A_3414 : i32 to vector<16xi32>
        %and3A_3416 = arith.andi %shift_right_logical3A_3413, %and3A_3415 : vector<16xi32>
        %shift_left3A_3417 = arith.constant 1 : i32
        %shift_left3A_3418 = vector.broadcast %shift_left3A_3417 : i32 to vector<16xi32>
        %shift_left3A_3419 = arith.shli %or3A_3401, %shift_left3A_3418 : vector<16xi32>
        %or3A_3420 = arith.ori %shift_left3A_3419, %and3A_3416 : vector<16xi32>
        %add3A_3421 = arith.addi %mul3A_53, %or3A_3420 : vector<16xi32>
        %sub3A_3422 = arith.constant 64 : i32
        %sub3A_3423 = vector.broadcast %sub3A_3422 : i32 to vector<16xi32>
        %sub3A_3424 = arith.subi %add3A_3421, %sub3A_3423 : vector<16xi32>
        %gather3A_3425 = tpu.vector_load_idx %arg8[%sub3A_3424] : memref<32768xf32, #tpu.memory_space<vmem>>[vector<16xi32>], vector<16xf32>,
        %mul3A_3426 = arith.constant 32 : i32
        %mul3A_3427 = arith.muli %scan3A_22, %mul3A_3426 : i32
        %add3A_3428 = arith.constant 29 : i32
        %add3A_3429 = arith.addi %mul3A_3427, %add3A_3428 : i32
        %mul3A_3430 = arith.constant 128 : i32
        %mul3A_3431 = arith.muli %add3A_3429, %mul3A_3430 : i32
        %add3A_3432 = vector.broadcast %mul3A_3431 : i32 to vector<16xi32>
        %add3A_3433 = arith.addi %add3A_3432, %shift_right_arithmetic3A_61 : vector<16xi32>
        %gather3A_3434 = tpu.vector_load_idx %arg6[%add3A_3433] : memref<32768xi32, #tpu.memory_space<vmem>>[vector<16xi32>], vector<16xi32>,
        %shift_right_logical3A_3435 = arith.shrui %gather3A_3434, %and3A_64 : vector<16xi32>
        %and3A_3436 = arith.constant 1 : i32
        %and3A_3437 = vector.broadcast %and3A_3436 : i32 to vector<16xi32>
        %and3A_3438 = arith.andi %shift_right_logical3A_3435, %and3A_3437 : vector<16xi32>
        %add3A_3439 = arith.constant 2 : i32
        %add3A_3440 = vector.broadcast %add3A_3439 : i32 to vector<16xi32>
        %add3A_3441 = arith.addi %add3A_3440, %and3A_3438 : vector<16xi32>
        %add3A_3442 = arith.addi %sub3A_56, %add3A_3441 : vector<16xi32>
        %gather3A_3443 = tpu.vector_load_idx %arg7[%add3A_3442] : memref<32256xi32, #tpu.memory_space<vmem>>[vector<16xi32>], vector<16xi32>,
        %shift_right_arithmetic3A_3444 = arith.constant 4 : i32
        %shift_right_arithmetic3A_3445 = vector.broadcast %shift_right_arithmetic3A_3444 : i32 to vector<16xi32>
        %shift_right_arithmetic3A_3446 = arith.shrsi %gather3A_3443, %shift_right_arithmetic3A_3445 : vector<16xi32>
        %add3A_3447 = vector.broadcast %mul3A_3431 : i32 to vector<16xi32>
        %add3A_3448 = arith.addi %add3A_3447, %shift_right_arithmetic3A_3446 : vector<16xi32>
        %gather3A_3449 = tpu.vector_load_idx %arg6[%add3A_3448] : memref<32768xi32, #tpu.memory_space<vmem>>[vector<16xi32>], vector<16xi32>,
        %and3A_3450 = arith.constant 15 : i32
        %and3A_3451 = vector.broadcast %and3A_3450 : i32 to vector<16xi32>
        %and3A_3452 = arith.andi %gather3A_3443, %and3A_3451 : vector<16xi32>
        %shift_right_logical3A_3453 = arith.shrui %gather3A_3449, %and3A_3452 : vector<16xi32>
        %and3A_3454 = arith.constant 1 : i32
        %and3A_3455 = vector.broadcast %and3A_3454 : i32 to vector<16xi32>
        %and3A_3456 = arith.andi %shift_right_logical3A_3453, %and3A_3455 : vector<16xi32>
        %shift_left3A_3457 = arith.constant 1 : i32
        %shift_left3A_3458 = vector.broadcast %shift_left3A_3457 : i32 to vector<16xi32>
        %shift_left3A_3459 = arith.shli %add3A_3441, %shift_left3A_3458 : vector<16xi32>
        %or3A_3460 = arith.ori %shift_left3A_3459, %and3A_3456 : vector<16xi32>
        %add3A_3461 = arith.addi %sub3A_56, %or3A_3460 : vector<16xi32>
        %gather3A_3462 = tpu.vector_load_idx %arg7[%add3A_3461] : memref<32256xi32, #tpu.memory_space<vmem>>[vector<16xi32>], vector<16xi32>,
        %shift_right_arithmetic3A_3463 = arith.constant 4 : i32
        %shift_right_arithmetic3A_3464 = vector.broadcast %shift_right_arithmetic3A_3463 : i32 to vector<16xi32>
        %shift_right_arithmetic3A_3465 = arith.shrsi %gather3A_3462, %shift_right_arithmetic3A_3464 : vector<16xi32>
        %add3A_3466 = vector.broadcast %mul3A_3431 : i32 to vector<16xi32>
        %add3A_3467 = arith.addi %add3A_3466, %shift_right_arithmetic3A_3465 : vector<16xi32>
        %gather3A_3468 = tpu.vector_load_idx %arg6[%add3A_3467] : memref<32768xi32, #tpu.memory_space<vmem>>[vector<16xi32>], vector<16xi32>,
        %and3A_3469 = arith.constant 15 : i32
        %and3A_3470 = vector.broadcast %and3A_3469 : i32 to vector<16xi32>
        %and3A_3471 = arith.andi %gather3A_3462, %and3A_3470 : vector<16xi32>
        %shift_right_logical3A_3472 = arith.shrui %gather3A_3468, %and3A_3471 : vector<16xi32>
        %and3A_3473 = arith.constant 1 : i32
        %and3A_3474 = vector.broadcast %and3A_3473 : i32 to vector<16xi32>
        %and3A_3475 = arith.andi %shift_right_logical3A_3472, %and3A_3474 : vector<16xi32>
        %shift_left3A_3476 = arith.constant 1 : i32
        %shift_left3A_3477 = vector.broadcast %shift_left3A_3476 : i32 to vector<16xi32>
        %shift_left3A_3478 = arith.shli %or3A_3460, %shift_left3A_3477 : vector<16xi32>
        %or3A_3479 = arith.ori %shift_left3A_3478, %and3A_3475 : vector<16xi32>
        %add3A_3480 = arith.addi %sub3A_56, %or3A_3479 : vector<16xi32>
        %gather3A_3481 = tpu.vector_load_idx %arg7[%add3A_3480] : memref<32256xi32, #tpu.memory_space<vmem>>[vector<16xi32>], vector<16xi32>,
        %shift_right_arithmetic3A_3482 = arith.constant 4 : i32
        %shift_right_arithmetic3A_3483 = vector.broadcast %shift_right_arithmetic3A_3482 : i32 to vector<16xi32>
        %shift_right_arithmetic3A_3484 = arith.shrsi %gather3A_3481, %shift_right_arithmetic3A_3483 : vector<16xi32>
        %add3A_3485 = vector.broadcast %mul3A_3431 : i32 to vector<16xi32>
        %add3A_3486 = arith.addi %add3A_3485, %shift_right_arithmetic3A_3484 : vector<16xi32>
        %gather3A_3487 = tpu.vector_load_idx %arg6[%add3A_3486] : memref<32768xi32, #tpu.memory_space<vmem>>[vector<16xi32>], vector<16xi32>,
        %and3A_3488 = arith.constant 15 : i32
        %and3A_3489 = vector.broadcast %and3A_3488 : i32 to vector<16xi32>
        %and3A_3490 = arith.andi %gather3A_3481, %and3A_3489 : vector<16xi32>
        %shift_right_logical3A_3491 = arith.shrui %gather3A_3487, %and3A_3490 : vector<16xi32>
        %and3A_3492 = arith.constant 1 : i32
        %and3A_3493 = vector.broadcast %and3A_3492 : i32 to vector<16xi32>
        %and3A_3494 = arith.andi %shift_right_logical3A_3491, %and3A_3493 : vector<16xi32>
        %shift_left3A_3495 = arith.constant 1 : i32
        %shift_left3A_3496 = vector.broadcast %shift_left3A_3495 : i32 to vector<16xi32>
        %shift_left3A_3497 = arith.shli %or3A_3479, %shift_left3A_3496 : vector<16xi32>
        %or3A_3498 = arith.ori %shift_left3A_3497, %and3A_3494 : vector<16xi32>
        %add3A_3499 = arith.addi %sub3A_56, %or3A_3498 : vector<16xi32>
        %gather3A_3500 = tpu.vector_load_idx %arg7[%add3A_3499] : memref<32256xi32, #tpu.memory_space<vmem>>[vector<16xi32>], vector<16xi32>,
        %shift_right_arithmetic3A_3501 = arith.constant 4 : i32
        %shift_right_arithmetic3A_3502 = vector.broadcast %shift_right_arithmetic3A_3501 : i32 to vector<16xi32>
        %shift_right_arithmetic3A_3503 = arith.shrsi %gather3A_3500, %shift_right_arithmetic3A_3502 : vector<16xi32>
        %add3A_3504 = vector.broadcast %mul3A_3431 : i32 to vector<16xi32>
        %add3A_3505 = arith.addi %add3A_3504, %shift_right_arithmetic3A_3503 : vector<16xi32>
        %gather3A_3506 = tpu.vector_load_idx %arg6[%add3A_3505] : memref<32768xi32, #tpu.memory_space<vmem>>[vector<16xi32>], vector<16xi32>,
        %and3A_3507 = arith.constant 15 : i32
        %and3A_3508 = vector.broadcast %and3A_3507 : i32 to vector<16xi32>
        %and3A_3509 = arith.andi %gather3A_3500, %and3A_3508 : vector<16xi32>
        %shift_right_logical3A_3510 = arith.shrui %gather3A_3506, %and3A_3509 : vector<16xi32>
        %and3A_3511 = arith.constant 1 : i32
        %and3A_3512 = vector.broadcast %and3A_3511 : i32 to vector<16xi32>
        %and3A_3513 = arith.andi %shift_right_logical3A_3510, %and3A_3512 : vector<16xi32>
        %shift_left3A_3514 = arith.constant 1 : i32
        %shift_left3A_3515 = vector.broadcast %shift_left3A_3514 : i32 to vector<16xi32>
        %shift_left3A_3516 = arith.shli %or3A_3498, %shift_left3A_3515 : vector<16xi32>
        %or3A_3517 = arith.ori %shift_left3A_3516, %and3A_3513 : vector<16xi32>
        %add3A_3518 = arith.addi %sub3A_56, %or3A_3517 : vector<16xi32>
        %gather3A_3519 = tpu.vector_load_idx %arg7[%add3A_3518] : memref<32256xi32, #tpu.memory_space<vmem>>[vector<16xi32>], vector<16xi32>,
        %shift_right_arithmetic3A_3520 = arith.constant 4 : i32
        %shift_right_arithmetic3A_3521 = vector.broadcast %shift_right_arithmetic3A_3520 : i32 to vector<16xi32>
        %shift_right_arithmetic3A_3522 = arith.shrsi %gather3A_3519, %shift_right_arithmetic3A_3521 : vector<16xi32>
        %add3A_3523 = vector.broadcast %mul3A_3431 : i32 to vector<16xi32>
        %add3A_3524 = arith.addi %add3A_3523, %shift_right_arithmetic3A_3522 : vector<16xi32>
        %gather3A_3525 = tpu.vector_load_idx %arg6[%add3A_3524] : memref<32768xi32, #tpu.memory_space<vmem>>[vector<16xi32>], vector<16xi32>,
        %and3A_3526 = arith.constant 15 : i32
        %and3A_3527 = vector.broadcast %and3A_3526 : i32 to vector<16xi32>
        %and3A_3528 = arith.andi %gather3A_3519, %and3A_3527 : vector<16xi32>
        %shift_right_logical3A_3529 = arith.shrui %gather3A_3525, %and3A_3528 : vector<16xi32>
        %and3A_3530 = arith.constant 1 : i32
        %and3A_3531 = vector.broadcast %and3A_3530 : i32 to vector<16xi32>
        %and3A_3532 = arith.andi %shift_right_logical3A_3529, %and3A_3531 : vector<16xi32>
        %shift_left3A_3533 = arith.constant 1 : i32
        %shift_left3A_3534 = vector.broadcast %shift_left3A_3533 : i32 to vector<16xi32>
        %shift_left3A_3535 = arith.shli %or3A_3517, %shift_left3A_3534 : vector<16xi32>
        %or3A_3536 = arith.ori %shift_left3A_3535, %and3A_3532 : vector<16xi32>
        %add3A_3537 = arith.addi %mul3A_53, %or3A_3536 : vector<16xi32>
        %sub3A_3538 = arith.constant 64 : i32
        %sub3A_3539 = vector.broadcast %sub3A_3538 : i32 to vector<16xi32>
        %sub3A_3540 = arith.subi %add3A_3537, %sub3A_3539 : vector<16xi32>
        %gather3A_3541 = tpu.vector_load_idx %arg8[%sub3A_3540] : memref<32768xf32, #tpu.memory_space<vmem>>[vector<16xi32>], vector<16xf32>,
        %mul3A_3542 = arith.constant 32 : i32
        %mul3A_3543 = arith.muli %scan3A_22, %mul3A_3542 : i32
        %add3A_3544 = arith.constant 30 : i32
        %add3A_3545 = arith.addi %mul3A_3543, %add3A_3544 : i32
        %mul3A_3546 = arith.constant 128 : i32
        %mul3A_3547 = arith.muli %add3A_3545, %mul3A_3546 : i32
        %add3A_3548 = vector.broadcast %mul3A_3547 : i32 to vector<16xi32>
        %add3A_3549 = arith.addi %add3A_3548, %shift_right_arithmetic3A_61 : vector<16xi32>
        %gather3A_3550 = tpu.vector_load_idx %arg6[%add3A_3549] : memref<32768xi32, #tpu.memory_space<vmem>>[vector<16xi32>], vector<16xi32>,
        %shift_right_logical3A_3551 = arith.shrui %gather3A_3550, %and3A_64 : vector<16xi32>
        %and3A_3552 = arith.constant 1 : i32
        %and3A_3553 = vector.broadcast %and3A_3552 : i32 to vector<16xi32>
        %and3A_3554 = arith.andi %shift_right_logical3A_3551, %and3A_3553 : vector<16xi32>
        %add3A_3555 = arith.constant 2 : i32
        %add3A_3556 = vector.broadcast %add3A_3555 : i32 to vector<16xi32>
        %add3A_3557 = arith.addi %add3A_3556, %and3A_3554 : vector<16xi32>
        %add3A_3558 = arith.addi %sub3A_56, %add3A_3557 : vector<16xi32>
        %gather3A_3559 = tpu.vector_load_idx %arg7[%add3A_3558] : memref<32256xi32, #tpu.memory_space<vmem>>[vector<16xi32>], vector<16xi32>,
        %shift_right_arithmetic3A_3560 = arith.constant 4 : i32
        %shift_right_arithmetic3A_3561 = vector.broadcast %shift_right_arithmetic3A_3560 : i32 to vector<16xi32>
        %shift_right_arithmetic3A_3562 = arith.shrsi %gather3A_3559, %shift_right_arithmetic3A_3561 : vector<16xi32>
        %add3A_3563 = vector.broadcast %mul3A_3547 : i32 to vector<16xi32>
        %add3A_3564 = arith.addi %add3A_3563, %shift_right_arithmetic3A_3562 : vector<16xi32>
        %gather3A_3565 = tpu.vector_load_idx %arg6[%add3A_3564] : memref<32768xi32, #tpu.memory_space<vmem>>[vector<16xi32>], vector<16xi32>,
        %and3A_3566 = arith.constant 15 : i32
        %and3A_3567 = vector.broadcast %and3A_3566 : i32 to vector<16xi32>
        %and3A_3568 = arith.andi %gather3A_3559, %and3A_3567 : vector<16xi32>
        %shift_right_logical3A_3569 = arith.shrui %gather3A_3565, %and3A_3568 : vector<16xi32>
        %and3A_3570 = arith.constant 1 : i32
        %and3A_3571 = vector.broadcast %and3A_3570 : i32 to vector<16xi32>
        %and3A_3572 = arith.andi %shift_right_logical3A_3569, %and3A_3571 : vector<16xi32>
        %shift_left3A_3573 = arith.constant 1 : i32
        %shift_left3A_3574 = vector.broadcast %shift_left3A_3573 : i32 to vector<16xi32>
        %shift_left3A_3575 = arith.shli %add3A_3557, %shift_left3A_3574 : vector<16xi32>
        %or3A_3576 = arith.ori %shift_left3A_3575, %and3A_3572 : vector<16xi32>
        %add3A_3577 = arith.addi %sub3A_56, %or3A_3576 : vector<16xi32>
        %gather3A_3578 = tpu.vector_load_idx %arg7[%add3A_3577] : memref<32256xi32, #tpu.memory_space<vmem>>[vector<16xi32>], vector<16xi32>,
        %shift_right_arithmetic3A_3579 = arith.constant 4 : i32
        %shift_right_arithmetic3A_3580 = vector.broadcast %shift_right_arithmetic3A_3579 : i32 to vector<16xi32>
        %shift_right_arithmetic3A_3581 = arith.shrsi %gather3A_3578, %shift_right_arithmetic3A_3580 : vector<16xi32>
        %add3A_3582 = vector.broadcast %mul3A_3547 : i32 to vector<16xi32>
        %add3A_3583 = arith.addi %add3A_3582, %shift_right_arithmetic3A_3581 : vector<16xi32>
        %gather3A_3584 = tpu.vector_load_idx %arg6[%add3A_3583] : memref<32768xi32, #tpu.memory_space<vmem>>[vector<16xi32>], vector<16xi32>,
        %and3A_3585 = arith.constant 15 : i32
        %and3A_3586 = vector.broadcast %and3A_3585 : i32 to vector<16xi32>
        %and3A_3587 = arith.andi %gather3A_3578, %and3A_3586 : vector<16xi32>
        %shift_right_logical3A_3588 = arith.shrui %gather3A_3584, %and3A_3587 : vector<16xi32>
        %and3A_3589 = arith.constant 1 : i32
        %and3A_3590 = vector.broadcast %and3A_3589 : i32 to vector<16xi32>
        %and3A_3591 = arith.andi %shift_right_logical3A_3588, %and3A_3590 : vector<16xi32>
        %shift_left3A_3592 = arith.constant 1 : i32
        %shift_left3A_3593 = vector.broadcast %shift_left3A_3592 : i32 to vector<16xi32>
        %shift_left3A_3594 = arith.shli %or3A_3576, %shift_left3A_3593 : vector<16xi32>
        %or3A_3595 = arith.ori %shift_left3A_3594, %and3A_3591 : vector<16xi32>
        %add3A_3596 = arith.addi %sub3A_56, %or3A_3595 : vector<16xi32>
        %gather3A_3597 = tpu.vector_load_idx %arg7[%add3A_3596] : memref<32256xi32, #tpu.memory_space<vmem>>[vector<16xi32>], vector<16xi32>,
        %shift_right_arithmetic3A_3598 = arith.constant 4 : i32
        %shift_right_arithmetic3A_3599 = vector.broadcast %shift_right_arithmetic3A_3598 : i32 to vector<16xi32>
        %shift_right_arithmetic3A_3600 = arith.shrsi %gather3A_3597, %shift_right_arithmetic3A_3599 : vector<16xi32>
        %add3A_3601 = vector.broadcast %mul3A_3547 : i32 to vector<16xi32>
        %add3A_3602 = arith.addi %add3A_3601, %shift_right_arithmetic3A_3600 : vector<16xi32>
        %gather3A_3603 = tpu.vector_load_idx %arg6[%add3A_3602] : memref<32768xi32, #tpu.memory_space<vmem>>[vector<16xi32>], vector<16xi32>,
        %and3A_3604 = arith.constant 15 : i32
        %and3A_3605 = vector.broadcast %and3A_3604 : i32 to vector<16xi32>
        %and3A_3606 = arith.andi %gather3A_3597, %and3A_3605 : vector<16xi32>
        %shift_right_logical3A_3607 = arith.shrui %gather3A_3603, %and3A_3606 : vector<16xi32>
        %and3A_3608 = arith.constant 1 : i32
        %and3A_3609 = vector.broadcast %and3A_3608 : i32 to vector<16xi32>
        %and3A_3610 = arith.andi %shift_right_logical3A_3607, %and3A_3609 : vector<16xi32>
        %shift_left3A_3611 = arith.constant 1 : i32
        %shift_left3A_3612 = vector.broadcast %shift_left3A_3611 : i32 to vector<16xi32>
        %shift_left3A_3613 = arith.shli %or3A_3595, %shift_left3A_3612 : vector<16xi32>
        %or3A_3614 = arith.ori %shift_left3A_3613, %and3A_3610 : vector<16xi32>
        %add3A_3615 = arith.addi %sub3A_56, %or3A_3614 : vector<16xi32>
        %gather3A_3616 = tpu.vector_load_idx %arg7[%add3A_3615] : memref<32256xi32, #tpu.memory_space<vmem>>[vector<16xi32>], vector<16xi32>,
        %shift_right_arithmetic3A_3617 = arith.constant 4 : i32
        %shift_right_arithmetic3A_3618 = vector.broadcast %shift_right_arithmetic3A_3617 : i32 to vector<16xi32>
        %shift_right_arithmetic3A_3619 = arith.shrsi %gather3A_3616, %shift_right_arithmetic3A_3618 : vector<16xi32>
        %add3A_3620 = vector.broadcast %mul3A_3547 : i32 to vector<16xi32>
        %add3A_3621 = arith.addi %add3A_3620, %shift_right_arithmetic3A_3619 : vector<16xi32>
        %gather3A_3622 = tpu.vector_load_idx %arg6[%add3A_3621] : memref<32768xi32, #tpu.memory_space<vmem>>[vector<16xi32>], vector<16xi32>,
        %and3A_3623 = arith.constant 15 : i32
        %and3A_3624 = vector.broadcast %and3A_3623 : i32 to vector<16xi32>
        %and3A_3625 = arith.andi %gather3A_3616, %and3A_3624 : vector<16xi32>
        %shift_right_logical3A_3626 = arith.shrui %gather3A_3622, %and3A_3625 : vector<16xi32>
        %and3A_3627 = arith.constant 1 : i32
        %and3A_3628 = vector.broadcast %and3A_3627 : i32 to vector<16xi32>
        %and3A_3629 = arith.andi %shift_right_logical3A_3626, %and3A_3628 : vector<16xi32>
        %shift_left3A_3630 = arith.constant 1 : i32
        %shift_left3A_3631 = vector.broadcast %shift_left3A_3630 : i32 to vector<16xi32>
        %shift_left3A_3632 = arith.shli %or3A_3614, %shift_left3A_3631 : vector<16xi32>
        %or3A_3633 = arith.ori %shift_left3A_3632, %and3A_3629 : vector<16xi32>
        %add3A_3634 = arith.addi %sub3A_56, %or3A_3633 : vector<16xi32>
        %gather3A_3635 = tpu.vector_load_idx %arg7[%add3A_3634] : memref<32256xi32, #tpu.memory_space<vmem>>[vector<16xi32>], vector<16xi32>,
        %shift_right_arithmetic3A_3636 = arith.constant 4 : i32
        %shift_right_arithmetic3A_3637 = vector.broadcast %shift_right_arithmetic3A_3636 : i32 to vector<16xi32>
        %shift_right_arithmetic3A_3638 = arith.shrsi %gather3A_3635, %shift_right_arithmetic3A_3637 : vector<16xi32>
        %add3A_3639 = vector.broadcast %mul3A_3547 : i32 to vector<16xi32>
        %add3A_3640 = arith.addi %add3A_3639, %shift_right_arithmetic3A_3638 : vector<16xi32>
        %gather3A_3641 = tpu.vector_load_idx %arg6[%add3A_3640] : memref<32768xi32, #tpu.memory_space<vmem>>[vector<16xi32>], vector<16xi32>,
        %and3A_3642 = arith.constant 15 : i32
        %and3A_3643 = vector.broadcast %and3A_3642 : i32 to vector<16xi32>
        %and3A_3644 = arith.andi %gather3A_3635, %and3A_3643 : vector<16xi32>
        %shift_right_logical3A_3645 = arith.shrui %gather3A_3641, %and3A_3644 : vector<16xi32>
        %and3A_3646 = arith.constant 1 : i32
        %and3A_3647 = vector.broadcast %and3A_3646 : i32 to vector<16xi32>
        %and3A_3648 = arith.andi %shift_right_logical3A_3645, %and3A_3647 : vector<16xi32>
        %shift_left3A_3649 = arith.constant 1 : i32
        %shift_left3A_3650 = vector.broadcast %shift_left3A_3649 : i32 to vector<16xi32>
        %shift_left3A_3651 = arith.shli %or3A_3633, %shift_left3A_3650 : vector<16xi32>
        %or3A_3652 = arith.ori %shift_left3A_3651, %and3A_3648 : vector<16xi32>
        %add3A_3653 = arith.addi %mul3A_53, %or3A_3652 : vector<16xi32>
        %sub3A_3654 = arith.constant 64 : i32
        %sub3A_3655 = vector.broadcast %sub3A_3654 : i32 to vector<16xi32>
        %sub3A_3656 = arith.subi %add3A_3653, %sub3A_3655 : vector<16xi32>
        %gather3A_3657 = tpu.vector_load_idx %arg8[%sub3A_3656] : memref<32768xf32, #tpu.memory_space<vmem>>[vector<16xi32>], vector<16xf32>,
        %mul3A_3658 = arith.constant 32 : i32
        %mul3A_3659 = arith.muli %scan3A_22, %mul3A_3658 : i32
        %add3A_3660 = arith.constant 31 : i32
        %add3A_3661 = arith.addi %mul3A_3659, %add3A_3660 : i32
        %mul3A_3662 = arith.constant 128 : i32
        %mul3A_3663 = arith.muli %add3A_3661, %mul3A_3662 : i32
        %add3A_3664 = vector.broadcast %mul3A_3663 : i32 to vector<16xi32>
        %add3A_3665 = arith.addi %add3A_3664, %shift_right_arithmetic3A_61 : vector<16xi32>
        %gather3A_3666 = tpu.vector_load_idx %arg6[%add3A_3665] : memref<32768xi32, #tpu.memory_space<vmem>>[vector<16xi32>], vector<16xi32>,
        %shift_right_logical3A_3667 = arith.shrui %gather3A_3666, %and3A_64 : vector<16xi32>
        %and3A_3668 = arith.constant 1 : i32
        %and3A_3669 = vector.broadcast %and3A_3668 : i32 to vector<16xi32>
        %and3A_3670 = arith.andi %shift_right_logical3A_3667, %and3A_3669 : vector<16xi32>
        %add3A_3671 = arith.constant 2 : i32
        %add3A_3672 = vector.broadcast %add3A_3671 : i32 to vector<16xi32>
        %add3A_3673 = arith.addi %add3A_3672, %and3A_3670 : vector<16xi32>
        %add3A_3674 = arith.addi %sub3A_56, %add3A_3673 : vector<16xi32>
        %gather3A_3675 = tpu.vector_load_idx %arg7[%add3A_3674] : memref<32256xi32, #tpu.memory_space<vmem>>[vector<16xi32>], vector<16xi32>,
        %shift_right_arithmetic3A_3676 = arith.constant 4 : i32
        %shift_right_arithmetic3A_3677 = vector.broadcast %shift_right_arithmetic3A_3676 : i32 to vector<16xi32>
        %shift_right_arithmetic3A_3678 = arith.shrsi %gather3A_3675, %shift_right_arithmetic3A_3677 : vector<16xi32>
        %add3A_3679 = vector.broadcast %mul3A_3663 : i32 to vector<16xi32>
        %add3A_3680 = arith.addi %add3A_3679, %shift_right_arithmetic3A_3678 : vector<16xi32>
        %gather3A_3681 = tpu.vector_load_idx %arg6[%add3A_3680] : memref<32768xi32, #tpu.memory_space<vmem>>[vector<16xi32>], vector<16xi32>,
        %and3A_3682 = arith.constant 15 : i32
        %and3A_3683 = vector.broadcast %and3A_3682 : i32 to vector<16xi32>
        %and3A_3684 = arith.andi %gather3A_3675, %and3A_3683 : vector<16xi32>
        %shift_right_logical3A_3685 = arith.shrui %gather3A_3681, %and3A_3684 : vector<16xi32>
        %and3A_3686 = arith.constant 1 : i32
        %and3A_3687 = vector.broadcast %and3A_3686 : i32 to vector<16xi32>
        %and3A_3688 = arith.andi %shift_right_logical3A_3685, %and3A_3687 : vector<16xi32>
        %shift_left3A_3689 = arith.constant 1 : i32
        %shift_left3A_3690 = vector.broadcast %shift_left3A_3689 : i32 to vector<16xi32>
        %shift_left3A_3691 = arith.shli %add3A_3673, %shift_left3A_3690 : vector<16xi32>
        %or3A_3692 = arith.ori %shift_left3A_3691, %and3A_3688 : vector<16xi32>
        %add3A_3693 = arith.addi %sub3A_56, %or3A_3692 : vector<16xi32>
        %gather3A_3694 = tpu.vector_load_idx %arg7[%add3A_3693] : memref<32256xi32, #tpu.memory_space<vmem>>[vector<16xi32>], vector<16xi32>,
        %shift_right_arithmetic3A_3695 = arith.constant 4 : i32
        %shift_right_arithmetic3A_3696 = vector.broadcast %shift_right_arithmetic3A_3695 : i32 to vector<16xi32>
        %shift_right_arithmetic3A_3697 = arith.shrsi %gather3A_3694, %shift_right_arithmetic3A_3696 : vector<16xi32>
        %add3A_3698 = vector.broadcast %mul3A_3663 : i32 to vector<16xi32>
        %add3A_3699 = arith.addi %add3A_3698, %shift_right_arithmetic3A_3697 : vector<16xi32>
        %gather3A_3700 = tpu.vector_load_idx %arg6[%add3A_3699] : memref<32768xi32, #tpu.memory_space<vmem>>[vector<16xi32>], vector<16xi32>,
        %and3A_3701 = arith.constant 15 : i32
        %and3A_3702 = vector.broadcast %and3A_3701 : i32 to vector<16xi32>
        %and3A_3703 = arith.andi %gather3A_3694, %and3A_3702 : vector<16xi32>
        %shift_right_logical3A_3704 = arith.shrui %gather3A_3700, %and3A_3703 : vector<16xi32>
        %and3A_3705 = arith.constant 1 : i32
        %and3A_3706 = vector.broadcast %and3A_3705 : i32 to vector<16xi32>
        %and3A_3707 = arith.andi %shift_right_logical3A_3704, %and3A_3706 : vector<16xi32>
        %shift_left3A_3708 = arith.constant 1 : i32
        %shift_left3A_3709 = vector.broadcast %shift_left3A_3708 : i32 to vector<16xi32>
        %shift_left3A_3710 = arith.shli %or3A_3692, %shift_left3A_3709 : vector<16xi32>
        %or3A_3711 = arith.ori %shift_left3A_3710, %and3A_3707 : vector<16xi32>
        %add3A_3712 = arith.addi %sub3A_56, %or3A_3711 : vector<16xi32>
        %gather3A_3713 = tpu.vector_load_idx %arg7[%add3A_3712] : memref<32256xi32, #tpu.memory_space<vmem>>[vector<16xi32>], vector<16xi32>,
        %shift_right_arithmetic3A_3714 = arith.constant 4 : i32
        %shift_right_arithmetic3A_3715 = vector.broadcast %shift_right_arithmetic3A_3714 : i32 to vector<16xi32>
        %shift_right_arithmetic3A_3716 = arith.shrsi %gather3A_3713, %shift_right_arithmetic3A_3715 : vector<16xi32>
        %add3A_3717 = vector.broadcast %mul3A_3663 : i32 to vector<16xi32>
        %add3A_3718 = arith.addi %add3A_3717, %shift_right_arithmetic3A_3716 : vector<16xi32>
        %gather3A_3719 = tpu.vector_load_idx %arg6[%add3A_3718] : memref<32768xi32, #tpu.memory_space<vmem>>[vector<16xi32>], vector<16xi32>,
        %and3A_3720 = arith.constant 15 : i32
        %and3A_3721 = vector.broadcast %and3A_3720 : i32 to vector<16xi32>
        %and3A_3722 = arith.andi %gather3A_3713, %and3A_3721 : vector<16xi32>
        %shift_right_logical3A_3723 = arith.shrui %gather3A_3719, %and3A_3722 : vector<16xi32>
        %and3A_3724 = arith.constant 1 : i32
        %and3A_3725 = vector.broadcast %and3A_3724 : i32 to vector<16xi32>
        %and3A_3726 = arith.andi %shift_right_logical3A_3723, %and3A_3725 : vector<16xi32>
        %shift_left3A_3727 = arith.constant 1 : i32
        %shift_left3A_3728 = vector.broadcast %shift_left3A_3727 : i32 to vector<16xi32>
        %shift_left3A_3729 = arith.shli %or3A_3711, %shift_left3A_3728 : vector<16xi32>
        %or3A_3730 = arith.ori %shift_left3A_3729, %and3A_3726 : vector<16xi32>
        %add3A_3731 = arith.addi %sub3A_56, %or3A_3730 : vector<16xi32>
        %gather3A_3732 = tpu.vector_load_idx %arg7[%add3A_3731] : memref<32256xi32, #tpu.memory_space<vmem>>[vector<16xi32>], vector<16xi32>,
        %shift_right_arithmetic3A_3733 = arith.constant 4 : i32
        %shift_right_arithmetic3A_3734 = vector.broadcast %shift_right_arithmetic3A_3733 : i32 to vector<16xi32>
        %shift_right_arithmetic3A_3735 = arith.shrsi %gather3A_3732, %shift_right_arithmetic3A_3734 : vector<16xi32>
        %add3A_3736 = vector.broadcast %mul3A_3663 : i32 to vector<16xi32>
        %add3A_3737 = arith.addi %add3A_3736, %shift_right_arithmetic3A_3735 : vector<16xi32>
        %gather3A_3738 = tpu.vector_load_idx %arg6[%add3A_3737] : memref<32768xi32, #tpu.memory_space<vmem>>[vector<16xi32>], vector<16xi32>,
        %and3A_3739 = arith.constant 15 : i32
        %and3A_3740 = vector.broadcast %and3A_3739 : i32 to vector<16xi32>
        %and3A_3741 = arith.andi %gather3A_3732, %and3A_3740 : vector<16xi32>
        %shift_right_logical3A_3742 = arith.shrui %gather3A_3738, %and3A_3741 : vector<16xi32>
        %and3A_3743 = arith.constant 1 : i32
        %and3A_3744 = vector.broadcast %and3A_3743 : i32 to vector<16xi32>
        %and3A_3745 = arith.andi %shift_right_logical3A_3742, %and3A_3744 : vector<16xi32>
        %shift_left3A_3746 = arith.constant 1 : i32
        %shift_left3A_3747 = vector.broadcast %shift_left3A_3746 : i32 to vector<16xi32>
        %shift_left3A_3748 = arith.shli %or3A_3730, %shift_left3A_3747 : vector<16xi32>
        %or3A_3749 = arith.ori %shift_left3A_3748, %and3A_3745 : vector<16xi32>
        %add3A_3750 = arith.addi %sub3A_56, %or3A_3749 : vector<16xi32>
        %gather3A_3751 = tpu.vector_load_idx %arg7[%add3A_3750] : memref<32256xi32, #tpu.memory_space<vmem>>[vector<16xi32>], vector<16xi32>,
        %shift_right_arithmetic3A_3752 = arith.constant 4 : i32
        %shift_right_arithmetic3A_3753 = vector.broadcast %shift_right_arithmetic3A_3752 : i32 to vector<16xi32>
        %shift_right_arithmetic3A_3754 = arith.shrsi %gather3A_3751, %shift_right_arithmetic3A_3753 : vector<16xi32>
        %add3A_3755 = vector.broadcast %mul3A_3663 : i32 to vector<16xi32>
        %add3A_3756 = arith.addi %add3A_3755, %shift_right_arithmetic3A_3754 : vector<16xi32>
        %gather3A_3757 = tpu.vector_load_idx %arg6[%add3A_3756] : memref<32768xi32, #tpu.memory_space<vmem>>[vector<16xi32>], vector<16xi32>,
        %and3A_3758 = arith.constant 15 : i32
        %and3A_3759 = vector.broadcast %and3A_3758 : i32 to vector<16xi32>
        %and3A_3760 = arith.andi %gather3A_3751, %and3A_3759 : vector<16xi32>
        %shift_right_logical3A_3761 = arith.shrui %gather3A_3757, %and3A_3760 : vector<16xi32>
        %and3A_3762 = arith.constant 1 : i32
        %and3A_3763 = vector.broadcast %and3A_3762 : i32 to vector<16xi32>
        %and3A_3764 = arith.andi %shift_right_logical3A_3761, %and3A_3763 : vector<16xi32>
        %shift_left3A_3765 = arith.constant 1 : i32
        %shift_left3A_3766 = vector.broadcast %shift_left3A_3765 : i32 to vector<16xi32>
        %shift_left3A_3767 = arith.shli %or3A_3749, %shift_left3A_3766 : vector<16xi32>
        %or3A_3768 = arith.ori %shift_left3A_3767, %and3A_3764 : vector<16xi32>
        %add3A_3769 = arith.addi %mul3A_53, %or3A_3768 : vector<16xi32>
        %sub3A_3770 = arith.constant 64 : i32
        %sub3A_3771 = vector.broadcast %sub3A_3770 : i32 to vector<16xi32>
        %sub3A_3772 = arith.subi %add3A_3769, %sub3A_3771 : vector<16xi32>
        %gather3A_3773 = tpu.vector_load_idx %arg8[%sub3A_3772] : memref<32768xf32, #tpu.memory_space<vmem>>[vector<16xi32>], vector<16xf32>,
        %mul3A_3774 = arith.constant 16 : i32
        %mul3A_3775 = arith.muli %scan3A_46, %mul3A_3774 : i32
        %swap3A = arith.constant 0 : i32
        %swap3A_3776 = arith.index_cast %and3A_23 : i32 to index
        %swap3A_3777 = arith.index_cast %swap3A : i32 to index
        %swap3A_3778 = arith.index_cast %mul3A_3775 : i32 to index
        %swap3A_3779 = tpu.vector_load %arg9[%swap3A_3776, %swap3A_3777, %swap3A_3778] {strides = array<i32>} : memref<2x32x512xf32, #tpu.memory_space<vmem>>, vector<16xf32>,
        tpu.vector_store %arg9[%swap3A_3776, %swap3A_3777, %swap3A_3778], %gather3A_177 {strides = array<i32>} : memref<2x32x512xf32, #tpu.memory_space<vmem>>, vector<16xf32>,
        %mul3A_3780 = arith.constant 16 : i32
        %mul3A_3781 = arith.muli %scan3A_46, %mul3A_3780 : i32
        %swap3A_3782 = arith.constant 1 : i32
        %swap3A_3783 = arith.index_cast %and3A_23 : i32 to index
        %swap3A_3784 = arith.index_cast %swap3A_3782 : i32 to index
        %swap3A_3785 = arith.index_cast %mul3A_3781 : i32 to index
        %swap3A_3786 = tpu.vector_load %arg9[%swap3A_3783, %swap3A_3784, %swap3A_3785] {strides = array<i32>} : memref<2x32x512xf32, #tpu.memory_space<vmem>>, vector<16xf32>,
        tpu.vector_store %arg9[%swap3A_3783, %swap3A_3784, %swap3A_3785], %gather3A_293 {strides = array<i32>} : memref<2x32x512xf32, #tpu.memory_space<vmem>>, vector<16xf32>,
        %mul3A_3787 = arith.constant 16 : i32
        %mul3A_3788 = arith.muli %scan3A_46, %mul3A_3787 : i32
        %swap3A_3789 = arith.constant 2 : i32
        %swap3A_3790 = arith.index_cast %and3A_23 : i32 to index
        %swap3A_3791 = arith.index_cast %swap3A_3789 : i32 to index
        %swap3A_3792 = arith.index_cast %mul3A_3788 : i32 to index
        %swap3A_3793 = tpu.vector_load %arg9[%swap3A_3790, %swap3A_3791, %swap3A_3792] {strides = array<i32>} : memref<2x32x512xf32, #tpu.memory_space<vmem>>, vector<16xf32>,
        tpu.vector_store %arg9[%swap3A_3790, %swap3A_3791, %swap3A_3792], %gather3A_409 {strides = array<i32>} : memref<2x32x512xf32, #tpu.memory_space<vmem>>, vector<16xf32>,
        %mul3A_3794 = arith.constant 16 : i32
        %mul3A_3795 = arith.muli %scan3A_46, %mul3A_3794 : i32
        %swap3A_3796 = arith.constant 3 : i32
        %swap3A_3797 = arith.index_cast %and3A_23 : i32 to index
        %swap3A_3798 = arith.index_cast %swap3A_3796 : i32 to index
        %swap3A_3799 = arith.index_cast %mul3A_3795 : i32 to index
        %swap3A_3800 = tpu.vector_load %arg9[%swap3A_3797, %swap3A_3798, %swap3A_3799] {strides = array<i32>} : memref<2x32x512xf32, #tpu.memory_space<vmem>>, vector<16xf32>,
        tpu.vector_store %arg9[%swap3A_3797, %swap3A_3798, %swap3A_3799], %gather3A_525 {strides = array<i32>} : memref<2x32x512xf32, #tpu.memory_space<vmem>>, vector<16xf32>,
        %mul3A_3801 = arith.constant 16 : i32
        %mul3A_3802 = arith.muli %scan3A_46, %mul3A_3801 : i32
        %swap3A_3803 = arith.constant 4 : i32
        %swap3A_3804 = arith.index_cast %and3A_23 : i32 to index
        %swap3A_3805 = arith.index_cast %swap3A_3803 : i32 to index
        %swap3A_3806 = arith.index_cast %mul3A_3802 : i32 to index
        %swap3A_3807 = tpu.vector_load %arg9[%swap3A_3804, %swap3A_3805, %swap3A_3806] {strides = array<i32>} : memref<2x32x512xf32, #tpu.memory_space<vmem>>, vector<16xf32>,
        tpu.vector_store %arg9[%swap3A_3804, %swap3A_3805, %swap3A_3806], %gather3A_641 {strides = array<i32>} : memref<2x32x512xf32, #tpu.memory_space<vmem>>, vector<16xf32>,
        %mul3A_3808 = arith.constant 16 : i32
        %mul3A_3809 = arith.muli %scan3A_46, %mul3A_3808 : i32
        %swap3A_3810 = arith.constant 5 : i32
        %swap3A_3811 = arith.index_cast %and3A_23 : i32 to index
        %swap3A_3812 = arith.index_cast %swap3A_3810 : i32 to index
        %swap3A_3813 = arith.index_cast %mul3A_3809 : i32 to index
        %swap3A_3814 = tpu.vector_load %arg9[%swap3A_3811, %swap3A_3812, %swap3A_3813] {strides = array<i32>} : memref<2x32x512xf32, #tpu.memory_space<vmem>>, vector<16xf32>,
        tpu.vector_store %arg9[%swap3A_3811, %swap3A_3812, %swap3A_3813], %gather3A_757 {strides = array<i32>} : memref<2x32x512xf32, #tpu.memory_space<vmem>>, vector<16xf32>,
        %mul3A_3815 = arith.constant 16 : i32
        %mul3A_3816 = arith.muli %scan3A_46, %mul3A_3815 : i32
        %swap3A_3817 = arith.constant 6 : i32
        %swap3A_3818 = arith.index_cast %and3A_23 : i32 to index
        %swap3A_3819 = arith.index_cast %swap3A_3817 : i32 to index
        %swap3A_3820 = arith.index_cast %mul3A_3816 : i32 to index
        %swap3A_3821 = tpu.vector_load %arg9[%swap3A_3818, %swap3A_3819, %swap3A_3820] {strides = array<i32>} : memref<2x32x512xf32, #tpu.memory_space<vmem>>, vector<16xf32>,
        tpu.vector_store %arg9[%swap3A_3818, %swap3A_3819, %swap3A_3820], %gather3A_873 {strides = array<i32>} : memref<2x32x512xf32, #tpu.memory_space<vmem>>, vector<16xf32>,
        %mul3A_3822 = arith.constant 16 : i32
        %mul3A_3823 = arith.muli %scan3A_46, %mul3A_3822 : i32
        %swap3A_3824 = arith.constant 7 : i32
        %swap3A_3825 = arith.index_cast %and3A_23 : i32 to index
        %swap3A_3826 = arith.index_cast %swap3A_3824 : i32 to index
        %swap3A_3827 = arith.index_cast %mul3A_3823 : i32 to index
        %swap3A_3828 = tpu.vector_load %arg9[%swap3A_3825, %swap3A_3826, %swap3A_3827] {strides = array<i32>} : memref<2x32x512xf32, #tpu.memory_space<vmem>>, vector<16xf32>,
        tpu.vector_store %arg9[%swap3A_3825, %swap3A_3826, %swap3A_3827], %gather3A_989 {strides = array<i32>} : memref<2x32x512xf32, #tpu.memory_space<vmem>>, vector<16xf32>,
        %mul3A_3829 = arith.constant 16 : i32
        %mul3A_3830 = arith.muli %scan3A_46, %mul3A_3829 : i32
        %swap3A_3831 = arith.constant 8 : i32
        %swap3A_3832 = arith.index_cast %and3A_23 : i32 to index
        %swap3A_3833 = arith.index_cast %swap3A_3831 : i32 to index
        %swap3A_3834 = arith.index_cast %mul3A_3830 : i32 to index
        %swap3A_3835 = tpu.vector_load %arg9[%swap3A_3832, %swap3A_3833, %swap3A_3834] {strides = array<i32>} : memref<2x32x512xf32, #tpu.memory_space<vmem>>, vector<16xf32>,
        tpu.vector_store %arg9[%swap3A_3832, %swap3A_3833, %swap3A_3834], %gather3A_1105 {strides = array<i32>} : memref<2x32x512xf32, #tpu.memory_space<vmem>>, vector<16xf32>,
        %mul3A_3836 = arith.constant 16 : i32
        %mul3A_3837 = arith.muli %scan3A_46, %mul3A_3836 : i32
        %swap3A_3838 = arith.constant 9 : i32
        %swap3A_3839 = arith.index_cast %and3A_23 : i32 to index
        %swap3A_3840 = arith.index_cast %swap3A_3838 : i32 to index
        %swap3A_3841 = arith.index_cast %mul3A_3837 : i32 to index
        %swap3A_3842 = tpu.vector_load %arg9[%swap3A_3839, %swap3A_3840, %swap3A_3841] {strides = array<i32>} : memref<2x32x512xf32, #tpu.memory_space<vmem>>, vector<16xf32>,
        tpu.vector_store %arg9[%swap3A_3839, %swap3A_3840, %swap3A_3841], %gather3A_1221 {strides = array<i32>} : memref<2x32x512xf32, #tpu.memory_space<vmem>>, vector<16xf32>,
        %mul3A_3843 = arith.constant 16 : i32
        %mul3A_3844 = arith.muli %scan3A_46, %mul3A_3843 : i32
        %swap3A_3845 = arith.constant 10 : i32
        %swap3A_3846 = arith.index_cast %and3A_23 : i32 to index
        %swap3A_3847 = arith.index_cast %swap3A_3845 : i32 to index
        %swap3A_3848 = arith.index_cast %mul3A_3844 : i32 to index
        %swap3A_3849 = tpu.vector_load %arg9[%swap3A_3846, %swap3A_3847, %swap3A_3848] {strides = array<i32>} : memref<2x32x512xf32, #tpu.memory_space<vmem>>, vector<16xf32>,
        tpu.vector_store %arg9[%swap3A_3846, %swap3A_3847, %swap3A_3848], %gather3A_1337 {strides = array<i32>} : memref<2x32x512xf32, #tpu.memory_space<vmem>>, vector<16xf32>,
        %mul3A_3850 = arith.constant 16 : i32
        %mul3A_3851 = arith.muli %scan3A_46, %mul3A_3850 : i32
        %swap3A_3852 = arith.constant 11 : i32
        %swap3A_3853 = arith.index_cast %and3A_23 : i32 to index
        %swap3A_3854 = arith.index_cast %swap3A_3852 : i32 to index
        %swap3A_3855 = arith.index_cast %mul3A_3851 : i32 to index
        %swap3A_3856 = tpu.vector_load %arg9[%swap3A_3853, %swap3A_3854, %swap3A_3855] {strides = array<i32>} : memref<2x32x512xf32, #tpu.memory_space<vmem>>, vector<16xf32>,
        tpu.vector_store %arg9[%swap3A_3853, %swap3A_3854, %swap3A_3855], %gather3A_1453 {strides = array<i32>} : memref<2x32x512xf32, #tpu.memory_space<vmem>>, vector<16xf32>,
        %mul3A_3857 = arith.constant 16 : i32
        %mul3A_3858 = arith.muli %scan3A_46, %mul3A_3857 : i32
        %swap3A_3859 = arith.constant 12 : i32
        %swap3A_3860 = arith.index_cast %and3A_23 : i32 to index
        %swap3A_3861 = arith.index_cast %swap3A_3859 : i32 to index
        %swap3A_3862 = arith.index_cast %mul3A_3858 : i32 to index
        %swap3A_3863 = tpu.vector_load %arg9[%swap3A_3860, %swap3A_3861, %swap3A_3862] {strides = array<i32>} : memref<2x32x512xf32, #tpu.memory_space<vmem>>, vector<16xf32>,
        tpu.vector_store %arg9[%swap3A_3860, %swap3A_3861, %swap3A_3862], %gather3A_1569 {strides = array<i32>} : memref<2x32x512xf32, #tpu.memory_space<vmem>>, vector<16xf32>,
        %mul3A_3864 = arith.constant 16 : i32
        %mul3A_3865 = arith.muli %scan3A_46, %mul3A_3864 : i32
        %swap3A_3866 = arith.constant 13 : i32
        %swap3A_3867 = arith.index_cast %and3A_23 : i32 to index
        %swap3A_3868 = arith.index_cast %swap3A_3866 : i32 to index
        %swap3A_3869 = arith.index_cast %mul3A_3865 : i32 to index
        %swap3A_3870 = tpu.vector_load %arg9[%swap3A_3867, %swap3A_3868, %swap3A_3869] {strides = array<i32>} : memref<2x32x512xf32, #tpu.memory_space<vmem>>, vector<16xf32>,
        tpu.vector_store %arg9[%swap3A_3867, %swap3A_3868, %swap3A_3869], %gather3A_1685 {strides = array<i32>} : memref<2x32x512xf32, #tpu.memory_space<vmem>>, vector<16xf32>,
        %mul3A_3871 = arith.constant 16 : i32
        %mul3A_3872 = arith.muli %scan3A_46, %mul3A_3871 : i32
        %swap3A_3873 = arith.constant 14 : i32
        %swap3A_3874 = arith.index_cast %and3A_23 : i32 to index
        %swap3A_3875 = arith.index_cast %swap3A_3873 : i32 to index
        %swap3A_3876 = arith.index_cast %mul3A_3872 : i32 to index
        %swap3A_3877 = tpu.vector_load %arg9[%swap3A_3874, %swap3A_3875, %swap3A_3876] {strides = array<i32>} : memref<2x32x512xf32, #tpu.memory_space<vmem>>, vector<16xf32>,
        tpu.vector_store %arg9[%swap3A_3874, %swap3A_3875, %swap3A_3876], %gather3A_1801 {strides = array<i32>} : memref<2x32x512xf32, #tpu.memory_space<vmem>>, vector<16xf32>,
        %mul3A_3878 = arith.constant 16 : i32
        %mul3A_3879 = arith.muli %scan3A_46, %mul3A_3878 : i32
        %swap3A_3880 = arith.constant 15 : i32
        %swap3A_3881 = arith.index_cast %and3A_23 : i32 to index
        %swap3A_3882 = arith.index_cast %swap3A_3880 : i32 to index
        %swap3A_3883 = arith.index_cast %mul3A_3879 : i32 to index
        %swap3A_3884 = tpu.vector_load %arg9[%swap3A_3881, %swap3A_3882, %swap3A_3883] {strides = array<i32>} : memref<2x32x512xf32, #tpu.memory_space<vmem>>, vector<16xf32>,
        tpu.vector_store %arg9[%swap3A_3881, %swap3A_3882, %swap3A_3883], %gather3A_1917 {strides = array<i32>} : memref<2x32x512xf32, #tpu.memory_space<vmem>>, vector<16xf32>,
        %mul3A_3885 = arith.constant 16 : i32
        %mul3A_3886 = arith.muli %scan3A_46, %mul3A_3885 : i32
        %swap3A_3887 = arith.constant 16 : i32
        %swap3A_3888 = arith.index_cast %and3A_23 : i32 to index
        %swap3A_3889 = arith.index_cast %swap3A_3887 : i32 to index
        %swap3A_3890 = arith.index_cast %mul3A_3886 : i32 to index
        %swap3A_3891 = tpu.vector_load %arg9[%swap3A_3888, %swap3A_3889, %swap3A_3890] {strides = array<i32>} : memref<2x32x512xf32, #tpu.memory_space<vmem>>, vector<16xf32>,
        tpu.vector_store %arg9[%swap3A_3888, %swap3A_3889, %swap3A_3890], %gather3A_2033 {strides = array<i32>} : memref<2x32x512xf32, #tpu.memory_space<vmem>>, vector<16xf32>,
        %mul3A_3892 = arith.constant 16 : i32
        %mul3A_3893 = arith.muli %scan3A_46, %mul3A_3892 : i32
        %swap3A_3894 = arith.constant 17 : i32
        %swap3A_3895 = arith.index_cast %and3A_23 : i32 to index
        %swap3A_3896 = arith.index_cast %swap3A_3894 : i32 to index
        %swap3A_3897 = arith.index_cast %mul3A_3893 : i32 to index
        %swap3A_3898 = tpu.vector_load %arg9[%swap3A_3895, %swap3A_3896, %swap3A_3897] {strides = array<i32>} : memref<2x32x512xf32, #tpu.memory_space<vmem>>, vector<16xf32>,
        tpu.vector_store %arg9[%swap3A_3895, %swap3A_3896, %swap3A_3897], %gather3A_2149 {strides = array<i32>} : memref<2x32x512xf32, #tpu.memory_space<vmem>>, vector<16xf32>,
        %mul3A_3899 = arith.constant 16 : i32
        %mul3A_3900 = arith.muli %scan3A_46, %mul3A_3899 : i32
        %swap3A_3901 = arith.constant 18 : i32
        %swap3A_3902 = arith.index_cast %and3A_23 : i32 to index
        %swap3A_3903 = arith.index_cast %swap3A_3901 : i32 to index
        %swap3A_3904 = arith.index_cast %mul3A_3900 : i32 to index
        %swap3A_3905 = tpu.vector_load %arg9[%swap3A_3902, %swap3A_3903, %swap3A_3904] {strides = array<i32>} : memref<2x32x512xf32, #tpu.memory_space<vmem>>, vector<16xf32>,
        tpu.vector_store %arg9[%swap3A_3902, %swap3A_3903, %swap3A_3904], %gather3A_2265 {strides = array<i32>} : memref<2x32x512xf32, #tpu.memory_space<vmem>>, vector<16xf32>,
        %mul3A_3906 = arith.constant 16 : i32
        %mul3A_3907 = arith.muli %scan3A_46, %mul3A_3906 : i32
        %swap3A_3908 = arith.constant 19 : i32
        %swap3A_3909 = arith.index_cast %and3A_23 : i32 to index
        %swap3A_3910 = arith.index_cast %swap3A_3908 : i32 to index
        %swap3A_3911 = arith.index_cast %mul3A_3907 : i32 to index
        %swap3A_3912 = tpu.vector_load %arg9[%swap3A_3909, %swap3A_3910, %swap3A_3911] {strides = array<i32>} : memref<2x32x512xf32, #tpu.memory_space<vmem>>, vector<16xf32>,
        tpu.vector_store %arg9[%swap3A_3909, %swap3A_3910, %swap3A_3911], %gather3A_2381 {strides = array<i32>} : memref<2x32x512xf32, #tpu.memory_space<vmem>>, vector<16xf32>,
        %mul3A_3913 = arith.constant 16 : i32
        %mul3A_3914 = arith.muli %scan3A_46, %mul3A_3913 : i32
        %swap3A_3915 = arith.constant 20 : i32
        %swap3A_3916 = arith.index_cast %and3A_23 : i32 to index
        %swap3A_3917 = arith.index_cast %swap3A_3915 : i32 to index
        %swap3A_3918 = arith.index_cast %mul3A_3914 : i32 to index
        %swap3A_3919 = tpu.vector_load %arg9[%swap3A_3916, %swap3A_3917, %swap3A_3918] {strides = array<i32>} : memref<2x32x512xf32, #tpu.memory_space<vmem>>, vector<16xf32>,
        tpu.vector_store %arg9[%swap3A_3916, %swap3A_3917, %swap3A_3918], %gather3A_2497 {strides = array<i32>} : memref<2x32x512xf32, #tpu.memory_space<vmem>>, vector<16xf32>,
        %mul3A_3920 = arith.constant 16 : i32
        %mul3A_3921 = arith.muli %scan3A_46, %mul3A_3920 : i32
        %swap3A_3922 = arith.constant 21 : i32
        %swap3A_3923 = arith.index_cast %and3A_23 : i32 to index
        %swap3A_3924 = arith.index_cast %swap3A_3922 : i32 to index
        %swap3A_3925 = arith.index_cast %mul3A_3921 : i32 to index
        %swap3A_3926 = tpu.vector_load %arg9[%swap3A_3923, %swap3A_3924, %swap3A_3925] {strides = array<i32>} : memref<2x32x512xf32, #tpu.memory_space<vmem>>, vector<16xf32>,
        tpu.vector_store %arg9[%swap3A_3923, %swap3A_3924, %swap3A_3925], %gather3A_2613 {strides = array<i32>} : memref<2x32x512xf32, #tpu.memory_space<vmem>>, vector<16xf32>,
        %mul3A_3927 = arith.constant 16 : i32
        %mul3A_3928 = arith.muli %scan3A_46, %mul3A_3927 : i32
        %swap3A_3929 = arith.constant 22 : i32
        %swap3A_3930 = arith.index_cast %and3A_23 : i32 to index
        %swap3A_3931 = arith.index_cast %swap3A_3929 : i32 to index
        %swap3A_3932 = arith.index_cast %mul3A_3928 : i32 to index
        %swap3A_3933 = tpu.vector_load %arg9[%swap3A_3930, %swap3A_3931, %swap3A_3932] {strides = array<i32>} : memref<2x32x512xf32, #tpu.memory_space<vmem>>, vector<16xf32>,
        tpu.vector_store %arg9[%swap3A_3930, %swap3A_3931, %swap3A_3932], %gather3A_2729 {strides = array<i32>} : memref<2x32x512xf32, #tpu.memory_space<vmem>>, vector<16xf32>,
        %mul3A_3934 = arith.constant 16 : i32
        %mul3A_3935 = arith.muli %scan3A_46, %mul3A_3934 : i32
        %swap3A_3936 = arith.constant 23 : i32
        %swap3A_3937 = arith.index_cast %and3A_23 : i32 to index
        %swap3A_3938 = arith.index_cast %swap3A_3936 : i32 to index
        %swap3A_3939 = arith.index_cast %mul3A_3935 : i32 to index
        %swap3A_3940 = tpu.vector_load %arg9[%swap3A_3937, %swap3A_3938, %swap3A_3939] {strides = array<i32>} : memref<2x32x512xf32, #tpu.memory_space<vmem>>, vector<16xf32>,
        tpu.vector_store %arg9[%swap3A_3937, %swap3A_3938, %swap3A_3939], %gather3A_2845 {strides = array<i32>} : memref<2x32x512xf32, #tpu.memory_space<vmem>>, vector<16xf32>,
        %mul3A_3941 = arith.constant 16 : i32
        %mul3A_3942 = arith.muli %scan3A_46, %mul3A_3941 : i32
        %swap3A_3943 = arith.constant 24 : i32
        %swap3A_3944 = arith.index_cast %and3A_23 : i32 to index
        %swap3A_3945 = arith.index_cast %swap3A_3943 : i32 to index
        %swap3A_3946 = arith.index_cast %mul3A_3942 : i32 to index
        %swap3A_3947 = tpu.vector_load %arg9[%swap3A_3944, %swap3A_3945, %swap3A_3946] {strides = array<i32>} : memref<2x32x512xf32, #tpu.memory_space<vmem>>, vector<16xf32>,
        tpu.vector_store %arg9[%swap3A_3944, %swap3A_3945, %swap3A_3946], %gather3A_2961 {strides = array<i32>} : memref<2x32x512xf32, #tpu.memory_space<vmem>>, vector<16xf32>,
        %mul3A_3948 = arith.constant 16 : i32
        %mul3A_3949 = arith.muli %scan3A_46, %mul3A_3948 : i32
        %swap3A_3950 = arith.constant 25 : i32
        %swap3A_3951 = arith.index_cast %and3A_23 : i32 to index
        %swap3A_3952 = arith.index_cast %swap3A_3950 : i32 to index
        %swap3A_3953 = arith.index_cast %mul3A_3949 : i32 to index
        %swap3A_3954 = tpu.vector_load %arg9[%swap3A_3951, %swap3A_3952, %swap3A_3953] {strides = array<i32>} : memref<2x32x512xf32, #tpu.memory_space<vmem>>, vector<16xf32>,
        tpu.vector_store %arg9[%swap3A_3951, %swap3A_3952, %swap3A_3953], %gather3A_3077 {strides = array<i32>} : memref<2x32x512xf32, #tpu.memory_space<vmem>>, vector<16xf32>,
        %mul3A_3955 = arith.constant 16 : i32
        %mul3A_3956 = arith.muli %scan3A_46, %mul3A_3955 : i32
        %swap3A_3957 = arith.constant 26 : i32
        %swap3A_3958 = arith.index_cast %and3A_23 : i32 to index
        %swap3A_3959 = arith.index_cast %swap3A_3957 : i32 to index
        %swap3A_3960 = arith.index_cast %mul3A_3956 : i32 to index
        %swap3A_3961 = tpu.vector_load %arg9[%swap3A_3958, %swap3A_3959, %swap3A_3960] {strides = array<i32>} : memref<2x32x512xf32, #tpu.memory_space<vmem>>, vector<16xf32>,
        tpu.vector_store %arg9[%swap3A_3958, %swap3A_3959, %swap3A_3960], %gather3A_3193 {strides = array<i32>} : memref<2x32x512xf32, #tpu.memory_space<vmem>>, vector<16xf32>,
        %mul3A_3962 = arith.constant 16 : i32
        %mul3A_3963 = arith.muli %scan3A_46, %mul3A_3962 : i32
        %swap3A_3964 = arith.constant 27 : i32
        %swap3A_3965 = arith.index_cast %and3A_23 : i32 to index
        %swap3A_3966 = arith.index_cast %swap3A_3964 : i32 to index
        %swap3A_3967 = arith.index_cast %mul3A_3963 : i32 to index
        %swap3A_3968 = tpu.vector_load %arg9[%swap3A_3965, %swap3A_3966, %swap3A_3967] {strides = array<i32>} : memref<2x32x512xf32, #tpu.memory_space<vmem>>, vector<16xf32>,
        tpu.vector_store %arg9[%swap3A_3965, %swap3A_3966, %swap3A_3967], %gather3A_3309 {strides = array<i32>} : memref<2x32x512xf32, #tpu.memory_space<vmem>>, vector<16xf32>,
        %mul3A_3969 = arith.constant 16 : i32
        %mul3A_3970 = arith.muli %scan3A_46, %mul3A_3969 : i32
        %swap3A_3971 = arith.constant 28 : i32
        %swap3A_3972 = arith.index_cast %and3A_23 : i32 to index
        %swap3A_3973 = arith.index_cast %swap3A_3971 : i32 to index
        %swap3A_3974 = arith.index_cast %mul3A_3970 : i32 to index
        %swap3A_3975 = tpu.vector_load %arg9[%swap3A_3972, %swap3A_3973, %swap3A_3974] {strides = array<i32>} : memref<2x32x512xf32, #tpu.memory_space<vmem>>, vector<16xf32>,
        tpu.vector_store %arg9[%swap3A_3972, %swap3A_3973, %swap3A_3974], %gather3A_3425 {strides = array<i32>} : memref<2x32x512xf32, #tpu.memory_space<vmem>>, vector<16xf32>,
        %mul3A_3976 = arith.constant 16 : i32
        %mul3A_3977 = arith.muli %scan3A_46, %mul3A_3976 : i32
        %swap3A_3978 = arith.constant 29 : i32
        %swap3A_3979 = arith.index_cast %and3A_23 : i32 to index
        %swap3A_3980 = arith.index_cast %swap3A_3978 : i32 to index
        %swap3A_3981 = arith.index_cast %mul3A_3977 : i32 to index
        %swap3A_3982 = tpu.vector_load %arg9[%swap3A_3979, %swap3A_3980, %swap3A_3981] {strides = array<i32>} : memref<2x32x512xf32, #tpu.memory_space<vmem>>, vector<16xf32>,
        tpu.vector_store %arg9[%swap3A_3979, %swap3A_3980, %swap3A_3981], %gather3A_3541 {strides = array<i32>} : memref<2x32x512xf32, #tpu.memory_space<vmem>>, vector<16xf32>,
        %mul3A_3983 = arith.constant 16 : i32
        %mul3A_3984 = arith.muli %scan3A_46, %mul3A_3983 : i32
        %swap3A_3985 = arith.constant 30 : i32
        %swap3A_3986 = arith.index_cast %and3A_23 : i32 to index
        %swap3A_3987 = arith.index_cast %swap3A_3985 : i32 to index
        %swap3A_3988 = arith.index_cast %mul3A_3984 : i32 to index
        %swap3A_3989 = tpu.vector_load %arg9[%swap3A_3986, %swap3A_3987, %swap3A_3988] {strides = array<i32>} : memref<2x32x512xf32, #tpu.memory_space<vmem>>, vector<16xf32>,
        tpu.vector_store %arg9[%swap3A_3986, %swap3A_3987, %swap3A_3988], %gather3A_3657 {strides = array<i32>} : memref<2x32x512xf32, #tpu.memory_space<vmem>>, vector<16xf32>,
        %mul3A_3990 = arith.constant 16 : i32
        %mul3A_3991 = arith.muli %scan3A_46, %mul3A_3990 : i32
        %swap3A_3992 = arith.constant 31 : i32
        %swap3A_3993 = arith.index_cast %and3A_23 : i32 to index
        %swap3A_3994 = arith.index_cast %swap3A_3992 : i32 to index
        %swap3A_3995 = arith.index_cast %mul3A_3991 : i32 to index
        %swap3A_3996 = tpu.vector_load %arg9[%swap3A_3993, %swap3A_3994, %swap3A_3995] {strides = array<i32>} : memref<2x32x512xf32, #tpu.memory_space<vmem>>, vector<16xf32>,
        tpu.vector_store %arg9[%swap3A_3993, %swap3A_3994, %swap3A_3995], %gather3A_3773 {strides = array<i32>} : memref<2x32x512xf32, #tpu.memory_space<vmem>>, vector<16xf32>,
      }
      %scan3A_29 = arith.constant 32 : i32
      %ge3A = arith.constant 1 : i32
      %ge3A_30 = arith.cmpi sge, %scan3A_22, %ge3A : i32
      %convert_element_type3A = arith.extui %ge3A_30 : i1 to i32
      %cond3A = arith.constant 0 : i32
      %cond3A_31 = arith.cmpi ne, %convert_element_type3A, %cond3A : i32
      scf.if %cond3A_31 {
        %dma_wait3A_46 = arith.constant 0 : i32
        %dma_wait3A_47 = arith.constant 0 : i32
        %dma_wait3A_48 = arith.constant 0 : i32
        %dma_wait3A_49 = tpu.memref_slice %arg9[%dma_wait3A_46, %dma_wait3A_47, %dma_wait3A_48] : memref<2x32x512xf32, #tpu.memory_space<vmem>> -> memref<1x32x512xf32, #tpu.memory_space<vmem>>
        %dma_wait3A_50 = tpu.memref_squeeze %dma_wait3A_49 : memref<1x32x512xf32, #tpu.memory_space<vmem>> -> memref<32x512xf32, #tpu.memory_space<vmem>>
        %dma_wait3A_51 = arith.constant 0 : i32
        %dma_wait3A_52 = tpu.memref_slice %arg5[%mul3A_2, %dma_wait3A_51] : memref<8192x512xf32, #tpu.memory_space<hbm>> -> memref<32x512xf32, #tpu.memory_space<hbm>>
        %dma_wait3A_53 = arith.constant 0 : i32
        %dma_wait3A_54 = tpu.memref_slice %arg5[%mul3A_2, %dma_wait3A_53] : memref<8192x512xf32, #tpu.memory_space<hbm>> -> memref<32x512xf32, #tpu.memory_space<hbm>>
        %dma_wait3A_55 = arith.constant 0 : i32
        %dma_wait3A_56 = arith.constant 0 : i32
        %dma_wait3A_57 = tpu.memref_slice %arg9[%dma_wait3A_46, %dma_wait3A_55, %dma_wait3A_56] : memref<2x32x512xf32, #tpu.memory_space<vmem>> -> memref<1x32x512xf32, #tpu.memory_space<vmem>>
        %dma_wait3A_58 = tpu.memref_squeeze %dma_wait3A_57 : memref<1x32x512xf32, #tpu.memory_space<vmem>> -> memref<32x512xf32, #tpu.memory_space<vmem>>
        tpu.wait_dma2 semaphore(%arg10 : memref<!tpu.dma_semaphore, #tpu.memory_space<semaphore_mem>>) src(%dma_wait3A_58 : memref<32x512xf32, #tpu.memory_space<vmem>>) dst(%dma_wait3A_54 : memref<32x512xf32, #tpu.memory_space<hbm>>)
      } else {
      }
      %mul3A_32 = arith.constant 32 : i32
      %mul3A_33 = arith.muli %scan3A_22, %mul3A_32 : i32
      %add3A_34 = arith.addi %mul3A_2, %mul3A_33 : i32
      %dma_start3A = arith.constant 0 : i32
      %dma_start3A_35 = arith.constant 0 : i32
      %dma_start3A_36 = tpu.memref_slice %arg9[%and3A_23, %dma_start3A, %dma_start3A_35] : memref<2x32x512xf32, #tpu.memory_space<vmem>> -> memref<1x32x512xf32, #tpu.memory_space<vmem>>
      %dma_start3A_37 = tpu.memref_squeeze %dma_start3A_36 : memref<1x32x512xf32, #tpu.memory_space<vmem>> -> memref<32x512xf32, #tpu.memory_space<vmem>>
      %dma_start3A_38 = arith.constant 0 : i32
      %dma_start3A_39 = tpu.memref_slice %arg5[%add3A_34, %dma_start3A_38] : memref<8192x512xf32, #tpu.memory_space<hbm>> -> memref<32x512xf32, #tpu.memory_space<hbm>>
      %dma_start3A_40 = arith.constant 0 : i32
      %dma_start3A_41 = tpu.memref_slice %arg5[%add3A_34, %dma_start3A_40] : memref<8192x512xf32, #tpu.memory_space<hbm>> -> memref<32x512xf32, #tpu.memory_space<hbm>>
      %dma_start3A_42 = arith.constant 0 : i32
      %dma_start3A_43 = arith.constant 0 : i32
      %dma_start3A_44 = tpu.memref_slice %arg9[%and3A_23, %dma_start3A_42, %dma_start3A_43] : memref<2x32x512xf32, #tpu.memory_space<vmem>> -> memref<1x32x512xf32, #tpu.memory_space<vmem>>
      %dma_start3A_45 = tpu.memref_squeeze %dma_start3A_44 : memref<1x32x512xf32, #tpu.memory_space<vmem>> -> memref<32x512xf32, #tpu.memory_space<vmem>>
      tpu.enqueue_dma source(%dma_start3A_45 : memref<32x512xf32, #tpu.memory_space<vmem>>) target(%dma_start3A_41 : memref<32x512xf32, #tpu.memory_space<hbm>>) target_semaphore(%arg10 : memref<!tpu.dma_semaphore, #tpu.memory_space<semaphore_mem>>)
    }
    %scan3A_9 = arith.constant 8 : i32
    %dma_wait3A = arith.constant 0 : i32
    %dma_wait3A_10 = arith.constant 0 : i32
    %dma_wait3A_11 = arith.constant 0 : i32
    %dma_wait3A_12 = tpu.memref_slice %arg9[%dma_wait3A, %dma_wait3A_10, %dma_wait3A_11] : memref<2x32x512xf32, #tpu.memory_space<vmem>> -> memref<1x32x512xf32, #tpu.memory_space<vmem>>
    %dma_wait3A_13 = tpu.memref_squeeze %dma_wait3A_12 : memref<1x32x512xf32, #tpu.memory_space<vmem>> -> memref<32x512xf32, #tpu.memory_space<vmem>>
    %dma_wait3A_14 = arith.constant 0 : i32
    %dma_wait3A_15 = tpu.memref_slice %arg5[%mul3A_2, %dma_wait3A_14] : memref<8192x512xf32, #tpu.memory_space<hbm>> -> memref<32x512xf32, #tpu.memory_space<hbm>>
    %dma_wait3A_16 = arith.constant 0 : i32
    %dma_wait3A_17 = tpu.memref_slice %arg5[%mul3A_2, %dma_wait3A_16] : memref<8192x512xf32, #tpu.memory_space<hbm>> -> memref<32x512xf32, #tpu.memory_space<hbm>>
    %dma_wait3A_18 = arith.constant 0 : i32
    %dma_wait3A_19 = arith.constant 0 : i32
    %dma_wait3A_20 = tpu.memref_slice %arg9[%dma_wait3A, %dma_wait3A_18, %dma_wait3A_19] : memref<2x32x512xf32, #tpu.memory_space<vmem>> -> memref<1x32x512xf32, #tpu.memory_space<vmem>>
    %dma_wait3A_21 = tpu.memref_squeeze %dma_wait3A_20 : memref<1x32x512xf32, #tpu.memory_space<vmem>> -> memref<32x512xf32, #tpu.memory_space<vmem>>
    tpu.wait_dma2 semaphore(%arg10 : memref<!tpu.dma_semaphore, #tpu.memory_space<semaphore_mem>>) src(%dma_wait3A_21 : memref<32x512xf32, #tpu.memory_space<vmem>>) dst(%dma_wait3A_17 : memref<32x512xf32, #tpu.memory_space<hbm>>)
    return
  }
}

module attributes {stable_mosaic.version = 14 : i64} {
  func.func @_pack_body(%arg0: i32, %arg1: memref<512x1024xf32, #tpu.memory_space<vmem>>, %arg2: memref<1024x128xf32, #tpu.memory_space<vmem>>, %arg3: memref<512x128xi32, #tpu.memory_space<vmem>>) attributes {dimension_semantics = [#tpu.dimension_semantics<arbitrary>], iteration_bounds = array<i64: 16>, scalar_prefetch = 0 : i64, scratch_operands = 0 : i64, tpu.core_type = #tpu.core_type<tc>, window_params = [{transform_indices = @transform_0, window_bounds = array<i64: 512, 1024>}, {pipeline_mode = #tpu.pipeline_mode<synchronous>, transform_indices = @transform_1, window_bounds = array<i64: 1024, 128>}, {transform_indices = @transform_2, window_bounds = array<i64: 512, 128>}]} {
    %get3A = arith.constant 0 : index
    %get3A_0 = arith.constant 0 : index
    %get3A_1 = vector.load %arg1[%get3A, %get3A_0] : memref<512x1024xf32, #tpu.memory_space<vmem>>, vector<512x1024xf32>
    %get3A_2 = arith.constant 0 : index
    %get3A_3 = arith.constant 0 : index
    %get3A_4 = vector.load %arg2[%get3A_2, %get3A_3] : memref<1024x128xf32, #tpu.memory_space<vmem>>, vector<1024x128xf32>
    %dot_general3A = arith.constant dense<0.000000e+00> : vector<512x128xf32>
    %dot_general3A_5 = tpu.matmul %get3A_1, %get3A_4, %dot_general3A {dimension_numbers = #tpu.dot_dimension_numbers<[1], [0], [0], [1], [0, 0, 1, 1], [], []>, transpose_lhs_hint = false} : vector<512x1024xf32>, vector<1024x128xf32>, vector<512x128xf32> -> vector<512x128xf32>
    %convert_element_type3A = arith.fptosi %dot_general3A_5 : vector<512x128xf32> to vector<512x128xi32>
    %swap3A = arith.constant 0 : index
    %swap3A_6 = arith.constant 0 : index
    %swap3A_7 = vector.load %arg3[%swap3A, %swap3A_6] : memref<512x128xi32, #tpu.memory_space<vmem>>, vector<512x128xi32>
    tpu.vector_store %arg3[%swap3A, %swap3A_6], %convert_element_type3A {strides = array<i32>} : memref<512x128xi32, #tpu.memory_space<vmem>>, vector<512x128xi32>,
    return
  }
  func.func @transform_0(%arg0: i32) -> (i32, i32) {
    %c0_i32 = arith.constant 0 : i32
    %c0_i32_0 = arith.constant 0 : i32
    return %arg0, %c0_i32 : i32, i32
  }
  func.func @transform_1(%arg0: i32) -> (i32, i32) {
    %c0_i32 = arith.constant 0 : i32
    %c0_i32_0 = arith.constant 0 : i32
    %c0_i32_1 = arith.constant 0 : i32
    return %c0_i32, %c0_i32_0 : i32, i32
  }
  func.func @transform_2(%arg0: i32) -> (i32, i32) {
    %c0_i32 = arith.constant 0 : i32
    %c0_i32_0 = arith.constant 0 : i32
    return %arg0, %c0_i32 : i32, i32
  }
}

</mosaic_0001>

<sc_bundles>
// kernel: kernel.4.cloned.1.call-start
scs
__scs_entry_jumppad:
0x0: {  	(pc) =	sbr.rel $0x88, $3  }
0x1: {  	(tag) =	ssettag $0x0;
	lr =	simm.s32 $0x1  }
0x2: {  	[smem:$0x3F9E] =	sst lr;
	_ =	strace $0xD0000000  }
0x3: {  	_ = 	snop  }
0x4: {  	_ = 	snop  }
0x5: {  	_ = 	snop  }
0x6: {  	_ = 	snop  }
0x7: {  	_ = 	snop  }
__scs_overlays_trampoline_lowered:
0x8: {  	[smem:$0x3FAD] =	sst s0  }
0x9: {  	[smem:$0x3FAE] =	sst s1  }
0xa: {  	[smem:$0x3FAF] =	sst s2  }
0xb: {  	[smem:$0x3FB0] =	sst s3  }
0xc: {  	[smem:$0x3FB1] =	sst s4  }
0xd: {  	[smem:$0x3FB2] =	sst s5  }
0xe: {  	[smem:$0x3FB3] =	sst s6  }
0xf: {  	[smem:$0x3FB4] =	sst s7  }
0x10: {  	[smem:$0x3FB5] =	sst s8  }
0x11: {  	[smem:$0x3FB6] =	sst s9;
	s0 =	simm.s32 @!p0 $0x0  }
0x12: {  	s1 =	sld [smem:$0x3F9C];
	s0 =	simm.s32 @p0 $0x1  }
0x13: {  	[smem:$0x3FB7] =	sst s0;
	s0 =	simm.s32 @!p1 $0x0  }
0x14: {  	s2 =	sld [smem:$0x3F9B];
	s0 =	simm.s32 @p1 $0x1  }
0x15: {  	[smem:$0x3FB8] =	sst s0;
	s0 =	simm.s32 @!p2 $0x0  }
0x16: {  	s3 =	sld [smem:$0x3FDB];
	s0 =	simm.s32 @p2 $0x1  }
0x17: {  	s4 =	simm.s32 $0x1BF5;
	[smem:$0x3FBA] =	sst s0  }
0x18: {  	s0 =	sld [smem:$0x3F9D];
	_ =	swait.ge [sflag:s4], $0x0  }
0x19: {  	s7 =	sld [smem:$0x3F9E]  }
0x1a: {  	s8 =	sadd.s32 $0xFFFFE003, lr  }
0x1b: {  	s9 =	sadd.s32 $0xFFFFFEF7, lr;
	s5 =	simm.s32 $0xFFFFFFFF;
	p2 =	slt.u32 s8, $0xFFFFF086  }
0x1c: {  	p1 =	slt.u32 s9, $0xF7A;
	s5 =	simm.s32 @!p2 $0x0  }
0x1d: {  	s5 =	simm.s32 @p1 $0x1;
	p0 =	seq.s32 s7, s2  }
0x1e: {  	s7 =	smul.u32 @!p0 $0xF7A, s2;
	p2 =	seq.s32 @!p0 s5, $0x0  }
0x1f: {  	s9 =	smul.u32 $0xF7A, s1;
	s8 =	simm.s32 @!p0 $0x1BF5;
	p2 =	por !p2, p0  }
0x20: {  	[sflag:s8] =	ssyncset.s32 @!p0 $0xFFFFF086;
	s6 =	sadd.s32 @!p0 s3, s7;
	s7 =	simm.s32 @!p0 $0x108  }
0x21: {  	s3 =	sadd.s32 s3, s9;
	s6 =	sadd.s32 @!p0 $0x88, s6;
	s7 =	simm.s32 @p2 $0x1082  }
0x22: {  	[simem:s7], [sflag:s8] =	dma.local @!p0 [hbm:s6], $0xF7A  }
0x23: {  	s9 =	sor.u32 $0xD0000000, s2;
	s6 =	simm.s32 $0x108;
	_ =	swait.ge @!p0 [sflag:s8], $0x0  }
0x24: {  	s3 =	sadd.s32 $0x88, s3;
	s6 =	simm.s32 @!p1 $0x1082;
	[sflag:s4] =	ssyncset.s32 $0xFFFFF086  }
0x25: {  	[simem:s6], [sflag:s4] =	dma.local [hbm:s3], $0xF7A  }
0x26: {  	[smem:$0x3F9E] =	sst s1;
	(tag) =	ssettag s2;
	_ =	strace s9  }
0x27: {  	s1 =	sld [smem:$0x3FAE]  }
0x28: {  	s2 =	sld [smem:$0x3FAF]  }
0x29: {  	s4 =	sld [smem:$0x3FB1]  }
0x2a: {  	p0 =	seq.s32 s5, $0x0;
	s5 =	sld [smem:$0x3FB2]  }
0x2b: {  	s6 =	sld [smem:$0x3FB3]  }
0x2c: {  	s7 =	sld [smem:$0x3FB4]  }
0x2d: {  	s3 =	simm.s32 $0x108;
	s8 =	sld [smem:$0x3FB5]  }
0x2e: {  	s3 =	simm.s32 @!p0 $0x1082;
	s9 =	sld [smem:$0x3FB6]  }
0x2f: {  	lr =	sadd.s32 s0, s3;
	s0 =	sld [smem:$0x3FAD]  }
0x30: {  	s3 =	sld [smem:$0x3FB0]  }
0x31: {  	[smem:$0x3FB9] =	sst s10  }
0x32: {  	s10 =	sld [smem:$0x3FB7];
	_ =	sdelay $0x3  }
0x33: {  	p0 =	seq.s32 s10, $0x1;
	s10 =	sld [smem:$0x3FB9];
	_ =	sdelay $0x3  }
0x34: {  	[smem:$0x3FB9] =	sst s10  }
0x35: {  	s10 =	sld [smem:$0x3FB8];
	_ =	sdelay $0x3  }
0x36: {  	p1 =	seq.s32 s10, $0x1;
	s10 =	sld [smem:$0x3FB9];
	_ =	sdelay $0x3  }
0x37: {  	[smem:$0x3FB9] =	sst s10  }
0x38: {  	s10 =	sld [smem:$0x3FBA]  }
0x39: {  	_ = 	snop;
	(pc) =	sbr.ind lr, $3  }
0x3a: {  	_ = 	snop  }
0x3b: {  	_ = 	snop  }
0x3c: {  	p2 =	seq.s32 s10, $0x1;
	s10 =	sld [smem:$0x3FB9]  }
0x3d: {  	_ =	shalt  }
0x3e: {  	_ =	shalt  }
0x3f: {  	_ =	shalt  }
0x40: {  	_ =	shalt  }
0x41: {  	_ =	shalt  }
0x42: {  	_ =	shalt  }
0x43: {  	_ =	shalt  }
0x44: {  	_ =	shalt  }
0x45: {  	_ =	shalt  }
0x46: {  	_ =	shalt  }
0x47: {  	_ =	shalt  }
0x48: {  	_ =	shalt  }
0x49: {  	_ =	shalt  }
0x4a: {  	_ =	shalt  }
0x4b: {  	_ =	shalt  }
0x4c: {  	_ =	shalt  }
0x4d: {  	_ =	shalt  }
0x4e: {  	_ =	shalt  }
0x4f: {  	_ =	shalt  }
0x50: {  	_ =	shalt  }
0x51: {  	_ =	shalt  }
0x52: {  	_ =	shalt  }
0x53: {  	_ =	shalt  }
0x54: {  	_ =	shalt  }
0x55: {  	_ =	shalt  }
0x56: {  	_ =	shalt  }
0x57: {  	_ =	shalt  }
0x58: {  	_ =	shalt  }
0x59: {  	_ =	shalt  }
0x5a: {  	_ =	shalt  }
0x5b: {  	_ =	shalt  }
0x5c: {  	_ =	shalt  }
0x5d: {  	_ =	shalt  }
0x5e: {  	_ =	shalt  }
0x5f: {  	_ =	shalt  }
0x60: {  	_ =	shalt  }
0x61: {  	_ =	shalt  }
0x62: {  	_ =	shalt  }
0x63: {  	_ =	shalt  }
0x64: {  	_ =	shalt  }
0x65: {  	_ =	shalt  }
0x66: {  	_ =	shalt  }
0x67: {  	_ =	shalt  }
0x68: {  	_ =	shalt  }
0x69: {  	_ =	shalt  }
0x6a: {  	_ =	shalt  }
0x6b: {  	_ =	shalt  }
0x6c: {  	_ =	shalt  }
0x6d: {  	_ =	shalt  }
0x6e: {  	_ =	shalt  }
0x6f: {  	_ =	shalt  }
0x70: {  	_ =	shalt  }
0x71: {  	_ =	shalt  }
0x72: {  	_ =	shalt  }
0x73: {  	_ =	shalt  }
0x74: {  	_ =	shalt  }
0x75: {  	_ =	shalt  }
0x76: {  	_ =	shalt  }
0x77: {  	_ =	shalt  }
0x78: {  	_ =	shalt  }
0x79: {  	_ =	shalt  }
0x7a: {  	_ =	shalt  }
0x7b: {  	_ =	shalt  }
0x7c: {  	_ =	shalt  }
0x7d: {  	_ =	shalt  }
0x7e: {  	_ =	shalt  }
0x7f: {  	_ =	shalt  }
0x80: {  	_ =	shalt  }
0x81: {  	_ =	shalt  }
0x82: {  	_ =	shalt  }
0x83: {  	_ =	shalt  }
0x84: {  	_ =	shalt  }
0x85: {  	_ =	shalt  }
0x86: {  	_ =	shalt  }
0x87: {  	_ =	shalt  }
.Lfunc_end0:
.L_simem_size_0:
called_computation_lowered:
.L_overlay_start_0:
0x88: {  	s2 =	sld [smem:$0x3FD9]  }
0x89: {  	s3 =	sld [smem:$0x3FFE];
	_ =	sdelay $0x1  }
0x8a: {  	s1 =	srdreg.scid  }
0x8b: {  	s0 =	sand.u32 $0x1, s1  }
0x8c: {  	s17 =	sshll.u32 s0, $0xA;
	s2 =	sadd.s32 s3, s2  }
0x8d: {  	s2 =	sadd.s32 s2, s17  }
0x8e: {  	[smem:$0x3FC5] =	sst s2  }
0x8f: {  	_ = 	snop  }
0x90: {  	s2 =	sld [smem:$0x3FD0];
	(tm) =	ssettm $0x1  }
0x91: {  	s18 =	sld [smem:$0x3FFB];
	_ =	sdelay $0x3  }
0x92: {  	_ =	strace s18  }
0x93: {  	s3 =	sld [smem:$0x3FFC];
	_ =	sdelay $0x3  }
0x94: {  	_ =	strace s3  }
0x95: {  	s3 =	sld [smem:$0x3FFD];
	_ =	sdelay $0x3  }
0x96: {  	_ =	strace s3  }
0x97: {  	_ =	strace $0x8FFFFFFF  }
0x98: {  	s19 =	sld [smem:$0x3FDB];
	_ =	sdelay $0x1  }
0x99: {  	s4 =	simm.s32 $_scs_section_size  }
0x9a: {  	s5 =	simm.s32 $_size__tile_overlayer_lowered;
	s6 =	simm.s32 $_tile_overlayer_lowered  }
0x9b: {  	s22 =	simm.s32 $0x1BFF;
	s21 =	sshll.u32 s6, $0x1;
	s3 =	sadd.s32 s4, s19  }
0x9c: {  	s7 =	simm.s32 $0x0;
	s20 =	sshll.u32 s5, $0x1;
	s5 =	sadd.s32 s21, s3  }
0x9d: {  	[timem:s7], [sflag:s22] =	dma.local [hbm:s5], s20  }
0x9e: {  	_ =	swait.ge [sflag:s22], s20  }
0x9f: {  	s4 =	ssub.s32 $0x0, s20;
	[sflag:s22] =	ssyncset.done $0x0  }
0xa0: {  	[sflag:s22] =	ssyncadd.s32 s4;
	_ =	sdelay $0x1  }
0xa1: {  	s23 =	simm.s32 $0x1B8B  }
0xa2: {  	_ =	swait.ge [sflag:s23], $0x1  }
0xa3: {  	[sflag:s23] =	ssyncset.done $0x0  }
0xa4: {  	s25 =	simm.s32 $0x1B8E;
	s24 =	sld [smem:$0x3FFE];
	[sflag:s23] =	ssyncadd.s32 $0xFFFFFFFF  }
0xa5: {  	s26 =	simm.s32 $execute0_lowered;
	[smem:$0x3FD2] =	sst s25  }
0xa6: {  	s5 =	sshll.u32 s26, $0x1;
	_ =	strace $0x80000046;
	[dreg:$0x1] =	wrdreg $0xFFFFFFFF  }
0xa7: {  	s28 =	simm.s32 $_size_execute0_lowered;
	s3 =	sadd.s32 s3, s5;
	[dreg:$0x0] =	wrdreg $0x0  }
0xa8: {  	s5 =	sshll.u32 s28, $0x1;
	[dreg:$0x2] =	wrdreg s3  }
0xa9: {  	[dreg:$0x3] =	wrdreg s5  }
0xaa: {  	[dreg:$0x4] =	wrdreg $0xC0  }
0xab: {  	_ =	task [dreg:s7], $0x5FFFF  }
0xac: {  	[dreg:$0x1] =	wrdreg $0xFFFFFFFF  }
0xad: {  	[dreg:$0x0] =	wrdreg $0x60  }
0xae: {  	[dreg:$0x2] =	wrdreg s24  }
0xaf: {  	[dreg:$0x3] =	wrdreg s2  }
0xb0: {  	[dreg:$0x4] =	wrdreg $0x9  }
0xb1: {  	_ =	task.clear_ibuf [dreg:s7], $0x5FFFF;
	_ =	strace $0x90000046  }
0xb2: {  	s29 =	simm.s32 $0x9;
	_ =	strace $0x80000048  }
0xb3: {  	_ =	swait.ge [sflag:s29], $0x1  }
0xb4: {  	[sflag:s29] =	ssyncadd.s32 $0xFFFFFFFF  }
0xb5: {  	_ =	strace $0x90000048  }
0xb6: {  	_ =	sfence  }
0xb7: {  	s30 =	sld [smem:$0x0];
	_ =	sdelay $0x2  }
0xb8: {  	s31 =	sshll.u32 s1, $0xD;
	s1 =	sshrl.u32 s1, $0x2  }
0xb9: {  	s3 =	sand.u32 $0x4000, s31;
	s1 =	sadd.s32 s1, s30  }
0xba: {  	s0 =	sor.u32 s3, s0;
	s1 =	sshll.u32 s1, $0x11  }
0xbb: {  	s0 =	sor.u32 s1, s0  }
0xbc: {  	s0 =	sadd.s32 $0x8F2B, s0  }
0xbd: {  	[sflag:s0] =	ssyncadd.remote.s32 $0x1  }
0xbe: {  	_ =	sfence.sel $0xFFFF  }
0xbf: {  	[dreg:$0x0] =	wrdreg $0xFFFFFFFF;
	(pc) =	sbr.abs _section_cstart, $3  }
0xc0: {  	[dreg:$0x1] =	wrdreg $0xFFFFFFFF  }
0xc1: {  	_ =	task.clear_ibuf [dreg:s7], $0x2FFFF;
	_ =	strace $0x9FFFFFFF  }
0xc2: {  	(tm) =	ssettm $0x7FFFFFFF  }
0xc3: {  	_ =	shalt  }
tec
execute0_lowered:
.L_overlay_start_1:
0x0: {  	(tag) =	ssettag $0x1  }
0x1: {  	s4 =	rddreg [dreg:$0x0]  }
0x2: {  	s6 =	rddreg [dreg:$0x1]  }
0x3: {  	s0 =	rddreg [dreg:$0x2]  }
0x4: {  	s3 =	srdreg.scid;
	s1 =	stileid.u32;
	s2 =	simm.s32 $0x0  }
0x5: {  	s10 =	simm.s32 $0xFE00;
	s11 =	simm.s32 $0x1;
	s12 =	simm.s32 $0x0  }
0x6: {  	s5 =	sand.u32 $0x1, s3;
	s31 =	sshll.u32 s1, $0x1;
	[smem:$0x7FF] =	sst s2  }
0x7: {  	s7 =	sor.u32 s5, s31;
	_ =	strace $0x80000047;
	s5 =	ssub.s32 $0x2, s5  }
0x8: {  	s3 =	sshll.u32 s7, $0xC;
	s9 =	sshrl.u32 s5, $0x1;
	s7 =	sshll.u32 s7, $0xE  }
0x9: {  	s8 =	sadd.s32 s3, s4;
	s3 =	sadd.s32 $0x1600, s4;
	s4 =	sadd.s32 $0x600, s4  }
0xa: {  	s9 =	ssub.s32 s5, s9;
	s6 =	sadd.s32 s6, s7;
	s5 =	sadd.s32 $0x2600, s8  }
0xb: {  	v0 =	vlaneseq.u32;
	s7 =	smax.u32 s9, $0x1;
	s8 =	simm.s32 $0x8000;
	s9 =	simm.s32 $0x2  }
.LBB2_1:
0xc: {  	[tilespmem:s8], [sflag:$0x2] =	stream.linear.gather [hbm4b:s3+s2], $0x7E00, $0x38;
	[tilespmem:$0x1FE00] =	vst v63  }
0xd: {  	_ =	swait.ge [sflag:s9], $0x7E00  }
0xe: {  	[sflag:s9] =	ssyncset.done $0x0  }
0xf: {  	[sflag:s9] =	ssyncadd.s32 $0xFFFF8200  }
0x10: {  	[tilespmem:s10], [sflag:$0x2] =	stream.linear.gather [hbm4b:s4+s2], $0x8000, $0x38;
	[tilespmem:$0x1FE00] =	vst v63  }
0x11: {  	_ =	swait.ge [sflag:s9], $0x8000  }
0x12: {  	[sflag:s9] =	ssyncset.done $0x0  }
0x13: {  	[sflag:s9] =	ssyncadd.s32 $0xFFFF8000  }
0x14: {  	[tilespmem:s2], [sflag:$0x2] =	stream.linear.gather [hbm4b:s5+s2], $0x8000, $0x38;
	[tilespmem:$0x1FE00] =	vst v63  }
0x15: {  	_ =	swait.ge [sflag:s9], $0x8000  }
0x16: {  	[sflag:s9] =	ssyncset.done $0x0  }
0x17: {  	s13 =	simm.s32 $0x0;
	[sflag:s9] =	ssyncadd.s32 $0xFFFF8000  }
.LBB2_2:
0x18: {  	s14 =	sshll.u32 s13, $0xC  }
0x19: {  	s15 =	sor.u32 $0x80, s14  }
0x1a: {  	s16 =	sor.u32 $0x100, s14;
	v1 =	vmov s15  }
0x1b: {  	s17 =	sor.u32 $0x180, s14;
	[tilespmem:$0x1FEE0] =	vst v1;
	v1 =	vmov s16  }
0x1c: {  	s30 =	sor.u32 $0x200, s14;
	[tilespmem:$0x1FEF0] =	vst v1;
	v1 =	vmov s17  }
0x1d: {  	s31 =	sor.u32 $0x280, s14;
	[tilespmem:$0x1FF00] =	vst v1;
	v1 =	vmov s30  }
0x1e: {  	s18 =	sor.u32 $0x300, s14;
	[tilespmem:$0x1FF10] =	vst v1;
	v1 =	vmov s31  }
0x1f: {  	s19 =	sor.u32 $0x380, s14;
	[tilespmem:$0x1FF20] =	vst v1;
	v1 =	vmov s18  }
0x20: {  	s20 =	sor.u32 $0x400, s14;
	[tilespmem:$0x1FF30] =	vst v1;
	v1 =	vmov s19  }
0x21: {  	s21 =	sor.u32 $0x480, s14;
	[tilespmem:$0x1FF40] =	vst v1;
	v1 =	vmov s20  }
0x22: {  	s22 =	sor.u32 $0x500, s14;
	[tilespmem:$0x1FF50] =	vst v1;
	v1 =	vmov s21  }
0x23: {  	s23 =	sor.u32 $0x580, s14;
	[tilespmem:$0x1FF60] =	vst v1;
	v1 =	vmov s22  }
0x24: {  	s24 =	sor.u32 $0x600, s14;
	[tilespmem:$0x1FF70] =	vst v1;
	v1 =	vmov s23  }
0x25: {  	s25 =	sor.u32 $0x680, s14;
	s26 =	sor.u32 $0x700, s14;
	s28 =	sor.u32 $0x780, s14;
	[tilespmem:$0x1FF80] =	vst v1;
	v1 =	vmov s24  }
0x26: {  	s29 =	sor.u32 $0x800, s14;
	v28 =	vmov s14;
	s16 =	sor.u32 $0x980, s14;
	s17 =	sor.u32 $0xA00, s14;
	[tilespmem:$0x1FF90] =	vst v1;
	v1 =	vmov s25  }
0x27: {  	v19 =	vmov s16;
	s30 =	sor.u32 $0x880, s14;
	v20 =	vmov s17;
	s19 =	sor.u32 $0xA80, s14;
	s20 =	sor.u32 $0xB00, s14;
	[tilespmem:$0x1FFA0] =	vst v1;
	v1 =	vmov s26  }
0x28: {  	s31 =	sor.u32 $0x900, s14;
	v21 =	vmov s19;
	s21 =	sor.u32 $0xB80, s14;
	v22 =	vmov s20;
	s22 =	sor.u32 $0xC00, s14;
	[tilespmem:$0x1FFB0] =	vst v1;
	v1 =	vmov s28  }
0x29: {  	v23 =	vmov s21;
	s23 =	sor.u32 $0xC80, s14;
	v24 =	vmov s22;
	s24 =	sor.u32 $0xD00, s14;
	s25 =	sor.u32 $0xD80, s14;
	[tilespmem:$0x1FFC0] =	vst v1;
	v1 =	vmov s29  }
0x2a: {  	v25 =	vmov s23;
	v26 =	vmov s24;
	s26 =	sor.u32 $0xE00, s14;
	s28 =	sor.u32 $0xE80, s14;
	s29 =	sshll.u32 s13, $0xE;
	[tilespmem:$0x1FFD0] =	vst v1;
	v1 =	vmov s30  }
0x2b: {  	v27 =	vmov s25;
	v29 =	vmov s26;
	s30 =	sor.u32 $0xF00, s14;
	s14 =	sor.u32 $0xF80, s14;
	[tilespmem:$0x1FFE0] =	vst v1;
	v1 =	vmov s31;
	s31 =	sand.u32 $0x4000, s29  }
0x2c: {  	s15 =	simm.s32 $0x0;
	s16 =	simm.s32 $0x0;
	v30 =	vmov s28;
	v31 =	vmov s30;
	v32 =	vmov s14;
	[tilespmem:$0x1FFF0] =	vst v1;
	s14 =	sadd.s32 $0x17E00, s31  }
.LBB2_3:
0x2d: {  	v34 =	vor.u32 s16, v0  }
0x2e: {  	v33 =	vmul.u32 $0x3F, v34;
	_ =	sdelay $0x5  }
0x2f: {  	v35 =	vld.idx.msk [tilespmem:v33+s8+$0x0], $0xffff;
	_ =	sdelay $0x4  }
0x30: {  	v36 =	vshra.s32 v35, $0x4  }
0x31: {  	v37 =	vadd.s32 v28, v36;
	_ =	sdelay $0x4  }
0x32: {  	v37 =	vld.idx.msk [tilespmem:v37+s2+$0x0], $0xffff;
	_ =	sdelay $0x3  }
0x33: {  	v35 =	vand.u32 $0xF, v35  }
0x34: {  	v37 =	vshrl.u32 v37, v35  }
0x35: {  	v37 =	vand.u32 $0x1, v37  }
0x36: {  	v33 =	vadd.s32 $0xFFFFFFFF, v33;
	v37 =	vor.u32 $0x2, v37  }
0x37: {  	v38 =	vadd.s32 v33, v37;
	_ =	sdelay $0x4  }
0x38: {  	v38 =	vld.idx.msk [tilespmem:v38+s8+$0x0], $0xffff;
	_ =	sdelay $0x2  }
0x39: {  	v0 =	vld [tilespmem:$0x1FEE0];
	_ =	sdelay $0x1  }
0x3a: {  	v39 =	vshra.s32 v38, $0x4  }
0x3b: {  	v39 =	vadd.s32 v28, v39;
	_ =	sdelay $0x1  }
0x3c: {  	v40 =	vadd.s32 v0, v36;
	_ =	sdelay $0x2  }
0x3d: {  	v39 =	vld.idx.msk [tilespmem:v39+s2+$0x0], $0xffff;
	_ =	sdelay $0x1  }
0x3e: {  	v40 =	vld.idx.msk [tilespmem:v40+s2+$0x0], $0xffff;
	_ =	sdelay $0x1  }
0x3f: {  	v38 =	vand.u32 $0xF, v38  }
0x40: {  	v38 =	vshrl.u32 v39, v38  }
0x41: {  	v37 =	vshll.u32 v37, $0x1;
	v38 =	vand.u32 $0x1, v38  }
0x42: {  	v50 =	vshrl.u32 v40, v35;
	v37 =	vor.u32 v38, v37  }
0x43: {  	v39 =	vand.u32 $0x1, v50;
	v38 =	vadd.s32 v33, v37  }
0x44: {  	v39 =	vor.u32 $0x2, v39  }
0x45: {  	v51 =	vadd.s32 v33, v39;
	_ =	sdelay $0x2  }
0x46: {  	v38 =	vld.idx.msk [tilespmem:v38+s8+$0x0], $0xffff  }
0x47: {  	v2 =	vld [tilespmem:$0x1FEF0]  }
0x48: {  	v40 =	vld.idx.msk [tilespmem:v51+s8+$0x0], $0xffff;
	_ =	sdelay $0x2  }
0x49: {  	v41 =	vshra.s32 v38, $0x4  }
0x4a: {  	v41 =	vadd.s32 v28, v41  }
0x4b: {  	v43 =	vadd.s32 v2, v36;
	v42 =	vshra.s32 v40, $0x4  }
0x4c: {  	v42 =	vadd.s32 v0, v42  }
0x4d: {  	v3 =	vld [tilespmem:$0x1FF00]  }
0x4e: {  	v4 =	vld [tilespmem:$0x1FF10]  }
0x4f: {  	v41 =	vld.idx.msk [tilespmem:v41+s2+$0x0], $0xffff  }
0x50: {  	v43 =	vld.idx.msk [tilespmem:v43+s2+$0x0], $0xffff  }
0x51: {  	v42 =	vld.idx.msk [tilespmem:v42+s2+$0x0], $0xffff;
	_ =	sdelay $0x1  }
0x52: {  	v38 =	vand.u32 $0xF, v38  }
0x53: {  	v58 =	vadd.s32 v3, v36;
	v44 =	vadd.s32 v4, v36;
	v38 =	vshrl.u32 v41, v38  }
0x54: {  	v37 =	vshll.u32 v37, $0x1;
	v52 =	vand.u32 $0xF, v40;
	v38 =	vand.u32 $0x1, v38  }
0x55: {  	v54 =	vshrl.u32 v43, v35;
	v37 =	vor.u32 v38, v37;
	v38 =	vshrl.u32 v42, v52  }
0x56: {  	v55 =	vand.u32 $0x1, v54;
	v39 =	vshll.u32 v39, $0x1;
	v38 =	vand.u32 $0x1, v38  }
0x57: {  	v53 =	vadd.s32 v33, v37;
	v38 =	vor.u32 v38, v39;
	v39 =	vor.u32 $0x2, v55  }
0x58: {  	v44 =	vld.idx.msk [tilespmem:v44+s2+$0x0], $0xffff;
	v57 =	vadd.s32 v33, v39  }
0x59: {  	v43 =	vld.idx.msk [tilespmem:v58+s2+$0x0], $0xffff  }
0x5a: {  	v56 =	vadd.s32 v33, v38;
	_ =	sdelay $0x1  }
0x5b: {  	v40 =	vld.idx.msk [tilespmem:v53+s8+$0x0], $0xffff  }
0x5c: {  	v44 =	vshrl.u32 v44, v35;
	v42 =	vld.idx.msk [tilespmem:v57+s8+$0x0], $0xffff  }
0x5d: {  	v44 =	vand.u32 $0x1, v44;
	v43 =	vshrl.u32 v43, v35  }
0x5e: {  	v44 =	vor.u32 $0x2, v44;
	v43 =	vand.u32 $0x1, v43;
	v41 =	vld.idx.msk [tilespmem:v56+s8+$0x0], $0xffff  }
0x5f: {  	v49 =	vadd.s32 v33, v44;
	v43 =	vor.u32 $0x2, v43  }
0x60: {  	v48 =	vadd.s32 v33, v43;
	v45 =	vshra.s32 v40, $0x4  }
0x61: {  	v45 =	vadd.s32 v28, v45;
	v47 =	vshra.s32 v42, $0x4  }
0x62: {  	v47 =	vadd.s32 v2, v47  }
0x63: {  	v5 =	vld [tilespmem:$0x1FF20];
	v46 =	vshra.s32 v41, $0x4  }
0x64: {  	v63 =	vld.idx.msk [tilespmem:v49+s8+$0x0], $0xffff;
	v46 =	vadd.s32 v0, v46  }
0x65: {  	v61 =	vld.idx.msk [tilespmem:v48+s8+$0x0], $0xffff  }
0x66: {  	v45 =	vld.idx.msk [tilespmem:v45+s2+$0x0], $0xffff  }
0x67: {  	v47 =	vld.idx.msk [tilespmem:v47+s2+$0x0], $0xffff;
	_ =	sdelay $0x1  }
0x68: {  	v59 =	vadd.s32 v5, v36;
	v49 =	vshra.s32 v63, $0x4;
	v46 =	vld.idx.msk [tilespmem:v46+s2+$0x0], $0xffff  }
0x69: {  	v10 =	vshra.s32 v61, $0x4;
	v37 =	vshll.u32 v37, $0x1;
	v40 =	vand.u32 $0xF, v40  }
0x6a: {  	v39 =	vshll.u32 v39, $0x1;
	v42 =	vand.u32 $0xF, v42;
	v40 =	vshrl.u32 v45, v40  }
0x6b: {  	v60 =	vand.u32 $0xF, v41;
	v40 =	vand.u32 $0x1, v40;
	v42 =	vshrl.u32 v47, v42  }
0x6c: {  	v37 =	vor.u32 v40, v37;
	v47 =	vadd.s32 v3, v10;
	v6 =	vand.u32 $0x1, v42  }
0x6d: {  	v8 =	vld.idx.msk [tilespmem:v59+s2+$0x0], $0xffff;
	v40 =	vshrl.u32 v46, v60;
	v62 =	vadd.s32 v33, v37;
	v39 =	vor.u32 v6, v39  }
0x6e: {  	v38 =	vshll.u32 v38, $0x1;
	v40 =	vand.u32 $0x1, v40;
	v9 =	vadd.s32 v33, v39  }
0x6f: {  	v49 =	vadd.s32 v4, v49;
	v38 =	vor.u32 v40, v38  }
0x70: {  	v6 =	vld [tilespmem:$0x1FF30];
	v7 =	vadd.s32 v33, v38  }
0x71: {  	v47 =	vld.idx.msk [tilespmem:v47+s2+$0x0], $0xffff  }
0x72: {  	v40 =	vshrl.u32 v8, v35;
	v48 =	vld.idx.msk [tilespmem:v62+s8+$0x0], $0xffff  }
0x73: {  	v40 =	vand.u32 $0x1, v40;
	v45 =	vld.idx.msk [tilespmem:v9+s8+$0x0], $0xffff  }
0x74: {  	v49 =	vld.idx.msk [tilespmem:v49+s2+$0x0], $0xffff;
	v40 =	vor.u32 $0x2, v40  }
0x75: {  	v50 =	vadd.s32 v33, v40;
	v42 =	vld.idx.msk [tilespmem:v7+s8+$0x0], $0xffff  }
0x76: {  	v43 =	vshll.u32 v43, $0x1;
	v41 =	vand.u32 $0xF, v61;
	v52 =	vadd.s32 v6, v36;
	v7 =	vld [tilespmem:$0x1FF40]  }
0x77: {  	v46 =	vand.u32 $0xF, v63;
	v41 =	vshrl.u32 v47, v41;
	v51 =	vshra.s32 v48, $0x4  }
0x78: {  	v41 =	vand.u32 $0x1, v41;
	v51 =	vadd.s32 v28, v51;
	v54 =	vshra.s32 v45, $0x4  }
0x79: {  	v46 =	vshrl.u32 v49, v46;
	v41 =	vor.u32 v41, v43;
	v54 =	vadd.s32 v2, v54  }
0x7a: {  	v44 =	vshll.u32 v44, $0x1;
	v12 =	vand.u32 $0x1, v46;
	v11 =	vld.idx.msk [tilespmem:v50+s8+$0x0], $0xffff;
	v15 =	vadd.s32 v33, v41  }
0x7b: {  	v13 =	vld.idx.msk [tilespmem:v52+s2+$0x0], $0xffff;
	v43 =	vor.u32 v12, v44;
	v58 =	vadd.s32 v7, v36  }
0x7c: {  	v44 =	vadd.s32 v33, v43  }
0x7d: {  	v14 =	vld.idx.msk [tilespmem:v51+s2+$0x0], $0xffff  }
0x7e: {  	v53 =	vshra.s32 v42, $0x4;
	v57 =	vld.idx.msk [tilespmem:v54+s2+$0x0], $0xffff  }
0x7f: {  	v53 =	vadd.s32 v0, v53;
	v59 =	vshra.s32 v11, $0x4;
	v49 =	vld.idx.msk [tilespmem:v15+s8+$0x0], $0xffff  }
0x80: {  	v46 =	vshrl.u32 v13, v35;
	v61 =	vld.idx.msk [tilespmem:v58+s2+$0x0], $0xffff;
	v54 =	vadd.s32 v5, v59  }
0x81: {  	v37 =	vshll.u32 v37, $0x1;
	v46 =	vand.u32 $0x1, v46;
	v44 =	vld.idx.msk [tilespmem:v44+s8+$0x0], $0xffff  }
0x82: {  	v39 =	vshll.u32 v39, $0x1;
	v45 =	vand.u32 $0xF, v45;
	v46 =	vor.u32 $0x2, v46  }
0x83: {  	v48 =	vand.u32 $0xF, v48;
	v60 =	vadd.s32 v33, v46;
	v45 =	vshrl.u32 v57, v45  }
0x84: {  	v38 =	vshll.u32 v38, $0x1;
	v53 =	vld.idx.msk [tilespmem:v53+s2+$0x0], $0xffff;
	v48 =	vshrl.u32 v14, v48;
	v45 =	vand.u32 $0x1, v45  }
0x85: {  	v8 =	vshra.s32 v49, $0x4;
	v51 =	vshrl.u32 v61, v35;
	v62 =	vld.idx.msk [tilespmem:v54+s2+$0x0], $0xffff;
	v39 =	vor.u32 v45, v39  }
0x86: {  	v10 =	vshra.s32 v44, $0x4;
	v51 =	vand.u32 $0x1, v51;
	v63 =	vadd.s32 v33, v39  }
0x87: {  	v9 =	vadd.s32 v3, v8;
	v54 =	vadd.s32 v4, v10;
	v8 =	vld [tilespmem:$0x1FF50];
	v45 =	vor.u32 $0x2, v51  }
0x88: {  	v42 =	vand.u32 $0xF, v42;
	v48 =	vand.u32 $0x1, v48;
	v50 =	vld.idx.msk [tilespmem:v60+s8+$0x0], $0xffff;
	v51 =	vadd.s32 v33, v45  }
0x89: {  	v47 =	vand.u32 $0xF, v11;
	v37 =	vor.u32 v48, v37;
	v42 =	vshrl.u32 v53, v42  }
0x8a: {  	v48 =	vadd.s32 v33, v37;
	v42 =	vand.u32 $0x1, v42;
	v11 =	vshrl.u32 v62, v47  }
0x8b: {  	v40 =	vshll.u32 v40, $0x1;
	v38 =	vor.u32 v42, v38;
	v42 =	vand.u32 $0x1, v11;
	v12 =	vld.idx.msk [tilespmem:v63+s8+$0x0], $0xffff  }
0x8c: {  	v14 =	vld.idx.msk [tilespmem:v54+s2+$0x0], $0xffff;
	v57 =	vadd.s32 v8, v36;
	v40 =	vor.u32 v42, v40  }
0x8d: {  	v55 =	vshra.s32 v50, $0x4;
	v15 =	vadd.s32 v33, v40;
	v51 =	vld.idx.msk [tilespmem:v51+s8+$0x0], $0xffff  }
0x8e: {  	v53 =	vld.idx.msk [tilespmem:v9+s2+$0x0], $0xffff;
	v55 =	vadd.s32 v6, v55  }
0x8f: {  	v48 =	vld.idx.msk [tilespmem:v48+s8+$0x0], $0xffff  }
0x90: {  	v58 =	vshra.s32 v12, $0x4  }
0x91: {  	v41 =	vshll.u32 v41, $0x1;
	v44 =	vand.u32 $0xF, v44;
	v62 =	vld.idx.msk [tilespmem:v57+s2+$0x0], $0xffff;
	v58 =	vadd.s32 v2, v58  }
0x92: {  	v49 =	vand.u32 $0xF, v49;
	v42 =	vshrl.u32 v14, v44;
	v44 =	vld.idx.msk [tilespmem:v15+s8+$0x0], $0xffff;
	v9 =	vshra.s32 v51, $0x4  }
0x93: {  	v43 =	vshll.u32 v43, $0x1;
	v49 =	vshrl.u32 v53, v49;
	v60 =	vld.idx.msk [tilespmem:v55+s2+$0x0], $0xffff;
	v55 =	vadd.s32 v7, v9  }
0x94: {  	v13 =	vadd.s32 v33, v38;
	v56 =	vshra.s32 v48, $0x4;
	v49 =	vand.u32 $0x1, v49  }
0x95: {  	v42 =	vand.u32 $0x1, v42;
	v56 =	vadd.s32 v28, v56;
	v41 =	vor.u32 v49, v41;
	v9 =	vld [tilespmem:$0x1FF60]  }
0x96: {  	v42 =	vor.u32 v42, v43;
	v61 =	vadd.s32 v33, v41;
	v10 =	vld.idx.msk [tilespmem:v58+s2+$0x0], $0xffff  }
0x97: {  	v46 =	vshll.u32 v46, $0x1;
	v63 =	vadd.s32 v33, v42;
	v59 =	vshra.s32 v44, $0x4  }
0x98: {  	v39 =	vshll.u32 v39, $0x1;
	v43 =	vshrl.u32 v62, v35;
	v59 =	vadd.s32 v5, v59;
	v54 =	vld.idx.msk [tilespmem:v55+s2+$0x0], $0xffff  }
0x99: {  	v50 =	vand.u32 $0xF, v50;
	v52 =	vld.idx.msk [tilespmem:v13+s8+$0x0], $0xffff;
	v47 =	vand.u32 $0xF, v12;
	v43 =	vand.u32 $0x1, v43  }
0x9a: {  	v51 =	vand.u32 $0xF, v51;
	v56 =	vld.idx.msk [tilespmem:v56+s2+$0x0], $0xffff;
	v49 =	vshrl.u32 v60, v50;
	v43 =	vor.u32 $0x2, v43  }
0x9b: {  	v50 =	vld.idx.msk [tilespmem:v61+s8+$0x0], $0xffff;
	v49 =	vand.u32 $0x1, v49;
	v14 =	vadd.s32 v9, v36;
	v47 =	vshrl.u32 v10, v47  }
0x9c: {  	v53 =	vld.idx.msk [tilespmem:v63+s8+$0x0], $0xffff;
	v12 =	vadd.s32 v33, v43;
	v46 =	vor.u32 v49, v46;
	v47 =	vand.u32 $0x1, v47  }
0x9d: {  	v49 =	vadd.s32 v33, v46;
	v13 =	vld.idx.msk [tilespmem:v59+s2+$0x0], $0xffff;
	v51 =	vshrl.u32 v54, v51;
	v39 =	vor.u32 v47, v39  }
0x9e: {  	v45 =	vshll.u32 v45, $0x1;
	v51 =	vand.u32 $0x1, v51;
	v15 =	vadd.s32 v33, v39  }
0x9f: {  	v48 =	vand.u32 $0xF, v48;
	v45 =	vor.u32 v51, v45  }
0xa0: {  	v11 =	vshra.s32 v52, $0x4;
	v48 =	vshrl.u32 v56, v48;
	v10 =	vld.idx.msk [tilespmem:v14+s2+$0x0], $0xffff;
	v56 =	vadd.s32 v33, v45  }
0xa1: {  	v44 =	vand.u32 $0xF, v44;
	v58 =	vadd.s32 v0, v11;
	v60 =	vshra.s32 v50, $0x4;
	v54 =	vld.idx.msk [tilespmem:v12+s8+$0x0], $0xffff  }
0xa2: {  	v61 =	vshra.s32 v53, $0x4;
	v60 =	vadd.s32 v3, v60;
	v49 =	vld.idx.msk [tilespmem:v49+s8+$0x0], $0xffff;
	v44 =	vshrl.u32 v13, v44  }
0xa3: {  	v40 =	vshll.u32 v40, $0x1;
	v62 =	vadd.s32 v4, v61;
	v44 =	vand.u32 $0x1, v44;
	v51 =	vld.idx.msk [tilespmem:v15+s8+$0x0], $0xffff  }
0xa4: {  	v38 =	vshll.u32 v38, $0x1;
	v40 =	vor.u32 v44, v40  }
0xa5: {  	v41 =	vshll.u32 v41, $0x1;
	v47 =	vshrl.u32 v10, v35;
	v13 =	vadd.s32 v33, v40;
	v56 =	vld.idx.msk [tilespmem:v56+s8+$0x0], $0xffff  }
0xa6: {  	v42 =	vshll.u32 v42, $0x1;
	v58 =	vld.idx.msk [tilespmem:v58+s2+$0x0], $0xffff;
	v63 =	vshra.s32 v54, $0x4;
	v47 =	vand.u32 $0x1, v47  }
0xa7: {  	v43 =	vshll.u32 v43, $0x1;
	v11 =	vld.idx.msk [tilespmem:v60+s2+$0x0], $0xffff;
	v59 =	vadd.s32 v8, v63;
	v47 =	vor.u32 $0x2, v47  }
0xa8: {  	v55 =	vld.idx.msk [tilespmem:v62+s2+$0x0], $0xffff;
	v14 =	vshra.s32 v49, $0x4;
	v57 =	vadd.s32 v33, v47;
	v10 =	vshra.s32 v51, $0x4  }
0xa9: {  	v46 =	vshll.u32 v46, $0x1;
	v15 =	vadd.s32 v6, v14;
	v60 =	vadd.s32 v2, v10;
	v10 =	vld [tilespmem:$0x1FF70]  }
0xaa: {  	v50 =	vand.u32 $0xF, v50;
	v12 =	vand.u32 $0xF, v52;
	v52 =	vld.idx.msk [tilespmem:v13+s8+$0x0], $0xffff;
	v13 =	vshra.s32 v56, $0x4  }
0xab: {  	v53 =	vand.u32 $0xF, v53;
	v39 =	vshll.u32 v39, $0x1;
	v14 =	vadd.s32 v7, v13  }
0xac: {  	v45 =	vshll.u32 v45, $0x1;
	v44 =	vshrl.u32 v58, v12;
	v50 =	vshrl.u32 v11, v50;
	v12 =	vld.idx.msk [tilespmem:v59+s2+$0x0], $0xffff  }
0xad: {  	v54 =	vand.u32 $0xF, v54;
	v44 =	vand.u32 $0x1, v44;
	v50 =	vand.u32 $0x1, v50;
	v57 =	vld.idx.msk [tilespmem:v57+s8+$0x0], $0xffff  }
0xae: {  	v11 =	vshrl.u32 v55, v53;
	v41 =	vor.u32 v50, v41;
	v58 =	vld.idx.msk [tilespmem:v15+s2+$0x0], $0xffff;
	v61 =	vadd.s32 v10, v36  }
0xaf: {  	v38 =	vor.u32 v44, v38;
	v44 =	vand.u32 $0x1, v11;
	v59 =	vadd.s32 v33, v41;
	v55 =	vld.idx.msk [tilespmem:v60+s2+$0x0], $0xffff  }
0xb0: {  	v49 =	vand.u32 $0xF, v49;
	v42 =	vor.u32 v44, v42;
	v15 =	vshra.s32 v52, $0x4;
	v44 =	vld.idx.msk [tilespmem:v14+s2+$0x0], $0xffff  }
0xb1: {  	v53 =	vadd.s32 v33, v42;
	v50 =	vshrl.u32 v12, v54;
	v60 =	vadd.s32 v5, v15  }
0xb2: {  	v13 =	vand.u32 $0xF, v51;
	v11 =	vand.u32 $0x1, v50;
	v14 =	vshra.s32 v57, $0x4  }
0xb3: {  	v49 =	vshrl.u32 v58, v49;
	v43 =	vor.u32 v11, v43;
	v15 =	vadd.s32 v9, v14;
	v58 =	vld.idx.msk [tilespmem:v61+s2+$0x0], $0xffff  }
0xb4: {  	v51 =	vld.idx.msk [tilespmem:v59+s8+$0x0], $0xffff;
	v11 =	vand.u32 $0xF, v56;
	v49 =	vand.u32 $0x1, v49;
	v59 =	vadd.s32 v33, v43  }
0xb5: {  	v46 =	vor.u32 v49, v46;
	v49 =	vshrl.u32 v55, v13;
	v44 =	vshrl.u32 v44, v11  }
0xb6: {  	v12 =	vadd.s32 v33, v46;
	v60 =	vld.idx.msk [tilespmem:v60+s2+$0x0], $0xffff;
	v49 =	vand.u32 $0x1, v49;
	v44 =	vand.u32 $0x1, v44  }
0xb7: {  	v50 =	vadd.s32 v33, v38;
	v39 =	vor.u32 v49, v39;
	v49 =	vld.idx.msk [tilespmem:v53+s8+$0x0], $0xffff;
	v44 =	vor.u32 v44, v45  }
0xb8: {  	v34 =	vshll.u32 v34, $0x6;
	v14 =	vld.idx.msk [tilespmem:v15+s2+$0x0], $0xffff;
	v15 =	vadd.s32 v33, v44;
	v58 =	vshrl.u32 v58, v35  }
0xb9: {  	v34 =	vadd.s32 $0xFFFFFFC0, v34;
	v13 =	vshra.s32 v51, $0x4;
	v59 =	vld.idx.msk [tilespmem:v59+s8+$0x0], $0xffff;
	v58 =	vand.u32 $0x1, v58  }
0xba: {  	v48 =	vand.u32 $0x1, v48;
	v61 =	vadd.s32 v3, v13;
	v56 =	vor.u32 $0x2, v58  }
0xbb: {  	v37 =	vshll.u32 v37, $0x1;
	v48 =	vor.u32 v48, v34;
	v54 =	vld.idx.msk [tilespmem:v12+s8+$0x0], $0xffff;
	v12 =	vadd.s32 v33, v56  }
0xbc: {  	v40 =	vshll.u32 v40, $0x1;
	v52 =	vand.u32 $0xF, v52;
	v50 =	vld.idx.msk [tilespmem:v50+s8+$0x0], $0xffff;
	v11 =	vshra.s32 v49, $0x4  }
0xbd: {  	v47 =	vshll.u32 v47, $0x1;
	v52 =	vshrl.u32 v60, v52;
	v60 =	vadd.s32 v4, v11;
	v55 =	vld.idx.msk [tilespmem:v15+s8+$0x0], $0xffff  }
0xbe: {  	v57 =	vand.u32 $0xF, v57;
	v62 =	vshra.s32 v59, $0x4;
	v52 =	vand.u32 $0x1, v52  }
0xbf: {  	v61 =	vld.idx.msk [tilespmem:v61+s2+$0x0], $0xffff;
	v62 =	vadd.s32 v8, v62;
	v45 =	vshrl.u32 v14, v57;
	v52 =	vor.u32 v52, v40  }
0xc0: {  	v63 =	vshra.s32 v54, $0x4;
	v45 =	vand.u32 $0x1, v45;
	v40 =	vadd.s32 v33, v52;
	v53 =	vld.idx.msk [tilespmem:v12+s8+$0x0], $0xffff  }
0xc1: {  	v1 =	vadd.s32 v37, v48;
	v45 =	vor.u32 v45, v47;
	v12 =	vadd.s32 v6, v63  }
0xc2: {  	v13 =	vshra.s32 v50, $0x4;
	v48 =	vld.idx.msk [tilespmem:v60+s2+$0x0], $0xffff;
	v60 =	vadd.s32 v33, v45;
	v11 =	vshra.s32 v55, $0x4  }
0xc3: {  	v47 =	vadd.s32 v0, v13;
	v13 =	vadd.s32 v7, v11;
	v11 =	vld [tilespmem:$0x1FF80]  }
0xc4: {  	v51 =	vand.u32 $0xF, v51;
	v58 =	vadd.s32 v33, v39;
	v37 =	vld.idx.msk [tilespmem:v62+s2+$0x0], $0xffff  }
0xc5: {  	[tilespmem:$0x1FEB0] =	vst v1;
	v41 =	vshll.u32 v41, $0x1;
	v15 =	vshrl.u32 v61, v51;
	v1 =	vld.idx.msk [tilespmem:v40+s8+$0x0], $0xffff;
	v14 =	vshra.s32 v53, $0x4  }
0xc6: {  	v40 =	vand.u32 $0x1, v15;
	v57 =	vld.idx.msk [tilespmem:v12+s2+$0x0], $0xffff;
	v12 =	vand.u32 $0xF, v49;
	v63 =	vadd.s32 v10, v14  }
0xc7: {  	v40 =	vor.u32 v40, v41;
	v41 =	vshrl.u32 v48, v12;
	v48 =	vld.idx.msk [tilespmem:v60+s8+$0x0], $0xffff  }
0xc8: {  	v42 =	vshll.u32 v42, $0x1;
	v43 =	vshll.u32 v43, $0x1;
	v14 =	vadd.s32 v11, v36  }
0xc9: {  	v46 =	vshll.u32 v46, $0x1;
	v44 =	vshll.u32 v44, $0x1;
	v59 =	vand.u32 $0xF, v59;
	v58 =	vld.idx.msk [tilespmem:v58+s8+$0x0], $0xffff  }
0xca: {  	v54 =	vand.u32 $0xF, v54;
	v56 =	vshll.u32 v56, $0x1;
	v15 =	vshra.s32 v1, $0x4;
	v49 =	vld.idx.msk [tilespmem:v13+s2+$0x0], $0xffff  }
0xcb: {  	v55 =	vand.u32 $0xF, v55;
	v62 =	vadd.s32 v5, v15;
	v54 =	vshrl.u32 v57, v54;
	v63 =	vld.idx.msk [tilespmem:v63+s2+$0x0], $0xffff  }
0xcc: {  	v51 =	vshrl.u32 v37, v59;
	v54 =	vand.u32 $0x1, v54;
	v37 =	vshra.s32 v48, $0x4  }
0xcd: {  	v51 =	vand.u32 $0x1, v51;
	v59 =	vld.idx.msk [tilespmem:v14+s2+$0x0], $0xffff;
	v46 =	vor.u32 v54, v46;
	v12 =	vadd.s32 v9, v37  }
0xce: {  	v61 =	vadd.s32 v33, v40;
	v43 =	vor.u32 v51, v43;
	v14 =	vadd.s32 v33, v46  }
0xcf: {  	v0 =	vshra.s32 v58, $0x4;
	v53 =	vand.u32 $0xF, v53;
	v51 =	vadd.s32 v33, v43  }
0xd0: {  	v41 =	vand.u32 $0x1, v41;
	v13 =	vld.idx.msk [tilespmem:v62+s2+$0x0], $0xffff;
	v15 =	vshrl.u32 v49, v55;
	v53 =	vshrl.u32 v63, v53  }
0xd1: {  	v41 =	vor.u32 v41, v42;
	v42 =	vand.u32 $0x1, v15;
	v53 =	vand.u32 $0x1, v53  }
0xd2: {  	v62 =	vshrl.u32 v59, v35;
	v53 =	vor.u32 v53, v56;
	v56 =	vor.u32 v42, v44;
	v44 =	vld.idx.msk [tilespmem:v12+s2+$0x0], $0xffff  }
0xd3: {  	v0 =	vadd.s32 v2, v0;
	v63 =	vand.u32 $0x1, v62;
	v54 =	vld.idx.msk [tilespmem:v14+s8+$0x0], $0xffff  }
0xd4: {  	v1 =	vand.u32 $0xF, v1;
	v51 =	vld.idx.msk [tilespmem:v51+s8+$0x0], $0xffff;
	v57 =	vor.u32 $0x2, v63;
	v37 =	vadd.s32 v33, v53  }
0xd5: {  	v1 =	vshrl.u32 v13, v1;
	v13 =	vadd.s32 v33, v57  }
0xd6: {  	v47 =	vld.idx.msk [tilespmem:v47+s2+$0x0], $0xffff;
	v45 =	vshll.u32 v45, $0x1;
	v48 =	vand.u32 $0xF, v48;
	v14 =	vadd.s32 v33, v41  }
0xd7: {  	v60 =	vld.idx.msk [tilespmem:v61+s8+$0x0], $0xffff;
	v1 =	vand.u32 $0x1, v1;
	v12 =	vshll.u32 v52, $0x1;
	v55 =	vadd.s32 v33, v56  }
0xd8: {  	v0 =	vld.idx.msk [tilespmem:v0+s2+$0x0], $0xffff;
	v42 =	vor.u32 v1, v12;
	v44 =	vshrl.u32 v44, v48;
	v12 =	vshra.s32 v54, $0x4  }
0xd9: {  	v1 =	vld.idx.msk [tilespmem:v37+s8+$0x0], $0xffff;
	v37 =	vshra.s32 v51, $0x4;
	v44 =	vand.u32 $0x1, v44;
	v48 =	vadd.s32 v6, v12  }
0xda: {  	v50 =	vand.u32 $0xF, v50;
	v59 =	vadd.s32 v8, v37;
	v61 =	vor.u32 v44, v45;
	v45 =	vld.idx.msk [tilespmem:v13+s8+$0x0], $0xffff  }
0xdb: {  	v47 =	vshrl.u32 v47, v50;
	v50 =	vld.idx.msk [tilespmem:v14+s8+$0x0], $0xffff;
	v44 =	vadd.s32 v33, v61  }
0xdc: {  	v15 =	vadd.s32 v33, v42;
	v55 =	vld.idx.msk [tilespmem:v55+s8+$0x0], $0xffff  }
0xdd: {  	v38 =	vshll.u32 v38, $0x1;
	v58 =	vand.u32 $0xF, v58;
	v47 =	vand.u32 $0x1, v47;
	v12 =	vld [tilespmem:$0x1FF90]  }
0xde: {  	v47 =	vor.u32 v47, v34;
	v0 =	vshrl.u32 v0, v58;
	v13 =	vshra.s32 v1, $0x4;
	v48 =	vld.idx.msk [tilespmem:v48+s2+$0x0], $0xffff  }
0xdf: {  	v37 =	vadd.s32 v38, v47;
	v52 =	vadd.s32 v10, v13;
	v59 =	vld.idx.msk [tilespmem:v59+s2+$0x0], $0xffff;
	v38 =	vshra.s32 v45, $0x4  }
0xe0: {  	v43 =	vshll.u32 v43, $0x1;
	v0 =	vand.u32 $0x1, v0;
	v63 =	vld.idx.msk [tilespmem:v44+s8+$0x0], $0xffff;
	v44 =	vadd.s32 v11, v38  }
0xe1: {  	v46 =	vshll.u32 v46, $0x1;
	v0 =	vor.u32 v0, v34;
	v14 =	vshll.u32 v39, $0x1;
	v49 =	vld.idx.msk [tilespmem:v15+s8+$0x0], $0xffff  }
0xe2: {  	v54 =	vand.u32 $0xF, v54;
	v0 =	vadd.s32 v14, v0;
	v15 =	vshra.s32 v60, $0x4;
	v13 =	vld [tilespmem:$0x1FFA0]  }
0xe3: {  	v51 =	vand.u32 $0xF, v51;
	v47 =	vadd.s32 v3, v15;
	v39 =	vshra.s32 v50, $0x4  }
0xe4: {  	[tilespmem:$0x1FEC0] =	vst v0;
	v0 =	vshra.s32 v55, $0x4;
	v2 =	vadd.s32 v12, v36;
	v48 =	vshrl.u32 v48, v54;
	v52 =	vld.idx.msk [tilespmem:v52+s2+$0x0], $0xffff  }
0xe5: {  	v0 =	vadd.s32 v7, v0;
	v51 =	vshrl.u32 v59, v51;
	v14 =	vand.u32 $0x1, v48;
	v3 =	vld.idx.msk [tilespmem:v44+s2+$0x0], $0xffff  }
0xe6: {  	v62 =	vadd.s32 v4, v39;
	v51 =	vand.u32 $0x1, v51;
	v44 =	vor.u32 v14, v46;
	v14 =	vld [tilespmem:$0x1FFB0]  }
0xe7: {  	v39 =	vshra.s32 v63, $0x4;
	v43 =	vor.u32 v51, v43;
	v51 =	vadd.s32 v13, v36  }
0xe8: {  	v1 =	vand.u32 $0xF, v1;
	v48 =	vadd.s32 v9, v39  }
0xe9: {  	v2 =	vld.idx.msk [tilespmem:v2+s2+$0x0], $0xffff;
	v54 =	vadd.s32 v33, v43;
	v1 =	vshrl.u32 v52, v1  }
0xea: {  	v15 =	vshll.u32 v53, $0x1;
	v38 =	vshra.s32 v49, $0x4;
	v0 =	vld.idx.msk [tilespmem:v0+s2+$0x0], $0xffff;
	v1 =	vand.u32 $0x1, v1  }
0xeb: {  	v58 =	vadd.s32 v5, v38;
	v38 =	vadd.s32 v14, v36;
	v1 =	vor.u32 v1, v15  }
0xec: {  	v4 =	vshll.u32 v57, $0x1;
	v45 =	vand.u32 $0xF, v45;
	v51 =	vld.idx.msk [tilespmem:v51+s2+$0x0], $0xffff;
	v59 =	vadd.s32 v33, v1  }
0xed: {  	v5 =	vshll.u32 v56, $0x1;
	v39 =	vand.u32 $0xF, v55;
	v3 =	vshrl.u32 v3, v45;
	v48 =	vld.idx.msk [tilespmem:v48+s2+$0x0], $0xffff  }
0xee: {  	v55 =	vadd.s32 v33, v44;
	v2 =	vshrl.u32 v2, v35;
	v3 =	vand.u32 $0x1, v3;
	v52 =	vld.idx.msk [tilespmem:v54+s8+$0x0], $0xffff  }
0xef: {  	v0 =	vshrl.u32 v0, v39;
	v2 =	vand.u32 $0x1, v2;
	v3 =	vor.u32 v3, v4  }
0xf0: {  	v0 =	vand.u32 $0x1, v0;
	v2 =	vor.u32 $0x2, v2;
	v54 =	vadd.s32 v33, v3;
	v46 =	vld.idx.msk [tilespmem:v38+s2+$0x0], $0xffff  }
0xf1: {  	v45 =	vor.u32 v0, v5;
	v53 =	vadd.s32 v33, v2;
	v15 =	vand.u32 $0xF, v63;
	v0 =	vld.idx.msk [tilespmem:v59+s8+$0x0], $0xffff  }
0xf2: {  	v47 =	vld.idx.msk [tilespmem:v47+s2+$0x0], $0xffff;
	v56 =	vadd.s32 v33, v45;
	v4 =	vshll.u32 v61, $0x1;
	v51 =	vshrl.u32 v51, v35  }
0xf3: {  	v57 =	vld.idx.msk [tilespmem:v58+s2+$0x0], $0xffff;
	v48 =	vshrl.u32 v48, v15;
	v51 =	vand.u32 $0x1, v51;
	v39 =	vshra.s32 v52, $0x4  }
0xf4: {  	v38 =	vld.idx.msk [tilespmem:v62+s2+$0x0], $0xffff;
	v48 =	vand.u32 $0x1, v48;
	v51 =	vor.u32 $0x2, v51;
	v62 =	vadd.s32 v8, v39  }
0xf5: {  	v48 =	vor.u32 v48, v4;
	v54 =	vld.idx.msk [tilespmem:v54+s8+$0x0], $0xffff;
	v5 =	vadd.s32 v33, v51;
	v46 =	vshrl.u32 v46, v35  }
0xf6: {  	v53 =	vld.idx.msk [tilespmem:v53+s8+$0x0], $0xffff;
	v58 =	vadd.s32 v33, v48;
	v46 =	vand.u32 $0x1, v46;
	v15 =	vshra.s32 v0, $0x4  }
0xf7: {  	v60 =	vand.u32 $0xF, v60;
	v55 =	vld.idx.msk [tilespmem:v55+s8+$0x0], $0xffff;
	v46 =	vor.u32 $0x2, v46;
	v63 =	vadd.s32 v10, v15  }
0xf8: {  	v40 =	vshll.u32 v40, $0x1;
	v47 =	vshrl.u32 v47, v60;
	v56 =	vld.idx.msk [tilespmem:v56+s8+$0x0], $0xffff;
	v60 =	vadd.s32 v33, v46  }
0xf9: {  	v41 =	vshll.u32 v41, $0x1;
	v50 =	vand.u32 $0xF, v50;
	v49 =	vand.u32 $0xF, v49;
	v61 =	vld.idx.msk [tilespmem:v62+s2+$0x0], $0xffff  }
0xfa: {  	v47 =	vand.u32 $0x1, v47;
	v50 =	vshrl.u32 v38, v50;
	v38 =	vshra.s32 v54, $0x4;
	v59 =	vld.idx.msk [tilespmem:v5+s8+$0x0], $0xffff  }
0xfb: {  	v47 =	vor.u32 v47, v34;
	v39 =	vshra.s32 v53, $0x4;
	v58 =	vld.idx.msk [tilespmem:v58+s8+$0x0], $0xffff;
	v62 =	vadd.s32 v11, v38  }
0xfc: {  	v1 =	vshll.u32 v1, $0x1;
	v50 =	vand.u32 $0x1, v50;
	v15 =	vadd.s32 v12, v39;
	v63 =	vld.idx.msk [tilespmem:v63+s2+$0x0], $0xffff  }
0xfd: {  	v52 =	vand.u32 $0xF, v52;
	v50 =	vor.u32 v50, v34;
	v39 =	vadd.s32 v40, v47;
	v47 =	vld.idx.msk [tilespmem:v60+s8+$0x0], $0xffff  }
0xfe: {  	v4 =	vshra.s32 v56, $0x4;
	v40 =	vadd.s32 v41, v50;
	v50 =	vshrl.u32 v57, v49  }
0xff: {  	v0 =	vand.u32 $0xF, v0;
	v57 =	vshra.s32 v55, $0x4;
	v41 =	vand.u32 $0x1, v50  }
0x100: {  	v49 =	vadd.s32 v6, v57;
	v57 =	vadd.s32 v7, v4;
	v60 =	vshra.s32 v59, $0x4;
	v62 =	vld.idx.msk [tilespmem:v62+s2+$0x0], $0xffff  }
0x101: {  	v5 =	vld.idx.msk [tilespmem:v15+s2+$0x0], $0xffff;
	v6 =	vshra.s32 v58, $0x4;
	v50 =	vadd.s32 v13, v60;
	v0 =	vshrl.u32 v63, v0  }
0x102: {  	v60 =	vadd.s32 v9, v6;
	v7 =	vshra.s32 v47, $0x4;
	v0 =	vand.u32 $0x1, v0  }
0x103: {  	v52 =	vshrl.u32 v61, v52;
	v61 =	vadd.s32 v14, v7;
	v0 =	vor.u32 v0, v1  }
0x104: {  	v1 =	vand.u32 $0xF, v54;
	v15 =	vadd.s32 v33, v0  }
0x105: {  	v43 =	vshll.u32 v43, $0x1;
	v53 =	vand.u32 $0xF, v53;
	v1 =	vshrl.u32 v62, v1  }
0x106: {  	v3 =	vshll.u32 v3, $0x1;
	v5 =	vshrl.u32 v5, v53;
	v50 =	vld.idx.msk [tilespmem:v50+s2+$0x0], $0xffff;
	v1 =	vand.u32 $0x1, v1  }
0x107: {  	v2 =	vshll.u32 v2, $0x1;
	v60 =	vld.idx.msk [tilespmem:v60+s2+$0x0], $0xffff;
	v1 =	vor.u32 v1, v3;
	v3 =	vand.u32 $0x1, v5  }
0x108: {  	v51 =	vshll.u32 v51, $0x1;
	v38 =	vadd.s32 v33, v1;
	v2 =	vor.u32 v3, v2;
	v62 =	vld.idx.msk [tilespmem:v61+s2+$0x0], $0xffff  }
0x109: {  	v48 =	vshll.u32 v48, $0x1;
	v52 =	vand.u32 $0x1, v52;
	v63 =	vadd.s32 v33, v2;
	v54 =	vld.idx.msk [tilespmem:v15+s8+$0x0], $0xffff  }
0x10a: {  	v46 =	vshll.u32 v46, $0x1;
	v52 =	vor.u32 v52, v43;
	v3 =	vand.u32 $0xF, v59;
	v15 =	vld [tilespmem:$0x1FFC0]  }
0x10b: {  	v6 =	vand.u32 $0xF, v58;
	v58 =	vadd.s32 v33, v52;
	v3 =	vshrl.u32 v50, v3  }
0x10c: {  	v49 =	vld.idx.msk [tilespmem:v49+s2+$0x0], $0xffff;
	v47 =	vand.u32 $0xF, v47;
	v50 =	vshrl.u32 v60, v6;
	v3 =	vand.u32 $0x1, v3  }
0x10d: {  	v50 =	vand.u32 $0x1, v50;
	v3 =	vor.u32 v3, v51;
	v5 =	vld.idx.msk [tilespmem:v38+s8+$0x0], $0xffff;
	v47 =	vshrl.u32 v62, v47  }
0x10e: {  	v48 =	vor.u32 v50, v48;
	v51 =	vadd.s32 v33, v3;
	v50 =	vld.idx.msk [tilespmem:v63+s8+$0x0], $0xffff;
	v7 =	vand.u32 $0x1, v47  }
0x10f: {  	v16 =	vld [tilespmem:$0x1FFD0];
	v53 =	vadd.s32 v15, v36;
	v46 =	vor.u32 v7, v46  }
0x110: {  	v42 =	vshll.u32 v42, $0x1;
	v41 =	vor.u32 v41, v34;
	v47 =	vld.idx.msk [tilespmem:v57+s2+$0x0], $0xffff;
	v60 =	vadd.s32 v33, v46  }
0x111: {  	v61 =	vadd.s32 v42, v41;
	v57 =	vadd.s32 v33, v48;
	v38 =	vshra.s32 v54, $0x4  }
0x112: {  	v58 =	vld.idx.msk [tilespmem:v58+s8+$0x0], $0xffff;
	v62 =	vand.u32 $0xF, v55;
	v63 =	vadd.s32 v10, v38;
	v4 =	vshra.s32 v5, $0x4  }
0x113: {  	v41 =	vshrl.u32 v49, v62;
	v51 =	vld.idx.msk [tilespmem:v51+s8+$0x0], $0xffff;
	v49 =	vadd.s32 v11, v4;
	v7 =	vshra.s32 v50, $0x4  }
0x114: {  	v56 =	vand.u32 $0xF, v56;
	v53 =	vld.idx.msk [tilespmem:v53+s2+$0x0], $0xffff;
	v38 =	vadd.s32 v12, v7  }
0x115: {  	v6 =	vadd.s32 v16, v36;
	v47 =	vshrl.u32 v47, v56;
	v59 =	vld.idx.msk [tilespmem:v60+s8+$0x0], $0xffff  }
0x116: {  	v44 =	vshll.u32 v44, $0x1;
	v41 =	vand.u32 $0x1, v41;
	v56 =	vld.idx.msk [tilespmem:v57+s8+$0x0], $0xffff;
	v47 =	vand.u32 $0x1, v47  }
0x117: {  	[tilespmem:$0x1FED0] =	vst v61;
	v41 =	vor.u32 v41, v34;
	v4 =	vshra.s32 v58, $0x4;
	v61 =	vor.u32 v47, v34;
	v47 =	vld.idx.msk [tilespmem:v63+s2+$0x0], $0xffff  }
0x118: {  	v43 =	vadd.s32 v44, v41;
	v55 =	vadd.s32 v8, v4;
	v49 =	vld.idx.msk [tilespmem:v49+s2+$0x0], $0xffff  }
0x119: {  	v60 =	vshll.u32 v45, $0x1;
	v62 =	vshra.s32 v51, $0x4;
	v63 =	vshrl.u32 v53, v35;
	v57 =	vld.idx.msk [tilespmem:v38+s2+$0x0], $0xffff  }
0x11a: {  	v41 =	vadd.s32 v13, v62;
	v53 =	vld.idx.msk [tilespmem:v6+s2+$0x0], $0xffff;
	v45 =	vand.u32 $0x1, v63;
	v8 =	vshra.s32 v59, $0x4  }
0x11b: {  	v42 =	vadd.s32 v60, v61;
	v60 =	vor.u32 $0x2, v45;
	v8 =	vadd.s32 v14, v8  }
0x11c: {  	v17 =	vld [tilespmem:$0x1FFE0];
	v0 =	vshll.u32 v0, $0x1;
	v2 =	vshll.u32 v2, $0x1;
	v38 =	vadd.s32 v33, v60  }
0x11d: {  	v5 =	vand.u32 $0xF, v5;
	v50 =	vand.u32 $0xF, v50;
	v7 =	vshra.s32 v56, $0x4  }
0x11e: {  	v18 =	vld [tilespmem:$0x1FFF0];
	v6 =	vand.u32 $0xF, v54;
	v54 =	vadd.s32 v9, v7;
	v9 =	vshrl.u32 v57, v50  }
0x11f: {  	v41 =	vld.idx.msk [tilespmem:v41+s2+$0x0], $0xffff;
	v5 =	vshrl.u32 v49, v5;
	v53 =	vshrl.u32 v53, v35;
	v49 =	vand.u32 $0x1, v9  }
0x120: {  	v1 =	vshll.u32 v1, $0x1;
	v53 =	vand.u32 $0x1, v53;
	v2 =	vor.u32 v49, v2;
	v49 =	vld.idx.msk [tilespmem:v8+s2+$0x0], $0xffff  }
0x121: {  	v3 =	vshll.u32 v3, $0x1;
	v61 =	vadd.s32 v17, v36;
	v50 =	vor.u32 $0x2, v53;
	v53 =	vld.idx.msk [tilespmem:v38+s8+$0x0], $0xffff  }
0x122: {  	v58 =	vand.u32 $0xF, v58;
	v45 =	vshrl.u32 v47, v6;
	v57 =	vadd.s32 v33, v50  }
0x123: {  	v4 =	vadd.s32 v18, v36;
	v63 =	vld.idx.msk [tilespmem:v55+s2+$0x0], $0xffff;
	v45 =	vand.u32 $0x1, v45;
	v5 =	vand.u32 $0x1, v5  }
0x124: {  	v47 =	vor.u32 v45, v0;
	v1 =	vor.u32 v5, v1;
	v62 =	vadd.s32 v33, v2  }
0x125: {  	v9 =	vand.u32 $0xF, v59;
	v0 =	vadd.s32 v33, v1;
	v38 =	vand.u32 $0xF, v51  }
0x126: {  	v8 =	vshrl.u32 v41, v38;
	v44 =	vshrl.u32 v49, v9;
	v49 =	vld.idx.msk [tilespmem:v61+s2+$0x0], $0xffff;
	v38 =	vshra.s32 v53, $0x4  }
0x127: {  	v56 =	vand.u32 $0xF, v56;
	v60 =	vshll.u32 v60, $0x1;
	v55 =	vld.idx.msk [tilespmem:v57+s8+$0x0], $0xffff;
	v41 =	vadd.s32 v15, v38  }
0x128: {  	v63 =	vshrl.u32 v63, v58;
	v58 =	vshll.u32 v48, $0x1;
	v51 =	vld.idx.msk [tilespmem:v54+s2+$0x0], $0xffff;
	v5 =	vand.u32 $0x1, v8  }
0x129: {  	v7 =	vand.u32 $0x1, v63;
	v54 =	vadd.s32 v33, v47;
	v3 =	vor.u32 v5, v3;
	v57 =	vld.idx.msk [tilespmem:v62+s8+$0x0], $0xffff  }
0x12a: {  	v59 =	vadd.s32 v33, v3;
	v5 =	vand.u32 $0x1, v44;
	v62 =	vshll.u32 v46, $0x1  }
0x12b: {  	v45 =	vor.u32 v7, v34;
	v0 =	vld.idx.msk [tilespmem:v0+s8+$0x0], $0xffff;
	v5 =	vor.u32 v5, v62;
	v49 =	vshrl.u32 v49, v35  }
0x12c: {  	v9 =	vadd.s32 v33, v5;
	v38 =	vshra.s32 v55, $0x4;
	v49 =	vand.u32 $0x1, v49;
	v41 =	vld.idx.msk [tilespmem:v41+s2+$0x0], $0xffff  }
0x12d: {  	v8 =	vshll.u32 v52, $0x1;
	v61 =	vld.idx.msk [tilespmem:v4+s2+$0x0], $0xffff;
	v6 =	vadd.s32 v16, v38;
	v49 =	vor.u32 $0x2, v49  }
0x12e: {  	v44 =	vadd.s32 v8, v45;
	v54 =	vld.idx.msk [tilespmem:v54+s8+$0x0], $0xffff;
	v7 =	vshra.s32 v57, $0x4;
	v8 =	vadd.s32 v33, v49  }
0x12f: {  	v1 =	vshll.u32 v1, $0x1;
	v51 =	vshrl.u32 v51, v56;
	v59 =	vld.idx.msk [tilespmem:v59+s8+$0x0], $0xffff;
	v56 =	vadd.s32 v12, v7  }
0x130: {  	v50 =	vshll.u32 v50, $0x1;
	v53 =	vand.u32 $0xF, v53;
	v38 =	vadd.s32 v19, v36  }
0x131: {  	v2 =	vshll.u32 v2, $0x1;
	v52 =	vld.idx.msk [tilespmem:v9+s8+$0x0], $0xffff;
	v9 =	vshra.s32 v0, $0x4;
	v41 =	vshrl.u32 v41, v53  }
0x132: {  	v3 =	vshll.u32 v3, $0x1;
	v62 =	vadd.s32 v11, v9;
	v46 =	vld.idx.msk [tilespmem:v6+s2+$0x0], $0xffff;
	v41 =	vand.u32 $0x1, v41  }
0x133: {  	v51 =	vand.u32 $0x1, v51;
	v61 =	vshrl.u32 v61, v35;
	v6 =	vld.idx.msk [tilespmem:v8+s8+$0x0], $0xffff;
	v41 =	vor.u32 v41, v60  }
0x134: {  	v4 =	vshra.s32 v54, $0x4;
	v45 =	vshra.s32 v59, $0x4;
	v56 =	vld.idx.msk [tilespmem:v56+s2+$0x0], $0xffff;
	v60 =	vadd.s32 v33, v41  }
0x135: {  	v57 =	vand.u32 $0xF, v57;
	v55 =	vand.u32 $0xF, v55;
	v53 =	vadd.s32 v13, v45;
	v63 =	vld.idx.msk [tilespmem:v38+s2+$0x0], $0xffff  }
0x136: {  	v4 =	vadd.s32 v10, v4;
	v9 =	vand.u32 $0x1, v61;
	v8 =	vshra.s32 v52, $0x4  }
0x137: {  	v62 =	vld.idx.msk [tilespmem:v62+s2+$0x0], $0xffff;
	v48 =	vadd.s32 v14, v8;
	v46 =	vshrl.u32 v46, v55;
	v55 =	vor.u32 $0x2, v9  }
0x138: {  	v46 =	vand.u32 $0x1, v46;
	v38 =	vadd.s32 v33, v55;
	v7 =	vshra.s32 v6, $0x4  }
0x139: {  	v56 =	vshrl.u32 v56, v57;
	v50 =	vor.u32 v46, v50;
	v61 =	vadd.s32 v17, v7;
	v57 =	vld.idx.msk [tilespmem:v60+s8+$0x0], $0xffff  }
0x13a: {  	v53 =	vld.idx.msk [tilespmem:v53+s2+$0x0], $0xffff;
	v63 =	vshrl.u32 v63, v35;
	v56 =	vand.u32 $0x1, v56;
	v60 =	vadd.s32 v33, v50  }
0x13b: {  	v0 =	vand.u32 $0xF, v0;
	v8 =	vand.u32 $0x1, v63;
	v2 =	vor.u32 v56, v2  }
0x13c: {  	v0 =	vshrl.u32 v62, v0;
	v63 =	vld.idx.msk [tilespmem:v48+s2+$0x0], $0xffff;
	v56 =	vor.u32 $0x2, v8;
	v62 =	vadd.s32 v33, v2  }
0x13d: {  	v51 =	vor.u32 v51, v34;
	v9 =	vand.u32 $0xF, v59;
	v46 =	vadd.s32 v33, v56;
	v59 =	vld.idx.msk [tilespmem:v38+s8+$0x0], $0xffff  }
0x13e: {  	v5 =	vshll.u32 v5, $0x1;
	v7 =	vadd.s32 v20, v36;
	v61 =	vld.idx.msk [tilespmem:v61+s2+$0x0], $0xffff;
	v38 =	vshra.s32 v57, $0x4  }
0x13f: {  	v0 =	vand.u32 $0x1, v0;
	v48 =	vshrl.u32 v53, v9;
	v60 =	vld.idx.msk [tilespmem:v60+s8+$0x0], $0xffff;
	v53 =	vadd.s32 v15, v38  }
0x140: {  	v54 =	vand.u32 $0xF, v54;
	v4 =	vld.idx.msk [tilespmem:v4+s2+$0x0], $0xffff;
	v45 =	vand.u32 $0x1, v48;
	v48 =	vor.u32 v0, v1  }
0x141: {  	v1 =	vand.u32 $0xF, v52;
	v0 =	vor.u32 v45, v3;
	v3 =	vadd.s32 v33, v48;
	v8 =	vld.idx.msk [tilespmem:v62+s8+$0x0], $0xffff  }
0x142: {  	v1 =	vshrl.u32 v63, v1;
	v62 =	vadd.s32 v33, v0;
	v63 =	vld.idx.msk [tilespmem:v46+s8+$0x0], $0xffff;
	v9 =	vshra.s32 v59, $0x4  }
0x143: {  	v7 =	vld.idx.msk [tilespmem:v7+s2+$0x0], $0xffff;
	v1 =	vand.u32 $0x1, v1;
	v38 =	vand.u32 $0xF, v6;
	v6 =	vadd.s32 v18, v9  }
0x144: {  	v1 =	vor.u32 v1, v5;
	v5 =	vshrl.u32 v61, v38;
	v9 =	vshra.s32 v60, $0x4;
	v53 =	vld.idx.msk [tilespmem:v53+s2+$0x0], $0xffff  }
0x145: {  	v49 =	vshll.u32 v49, $0x1;
	v38 =	vand.u32 $0x1, v5;
	v61 =	vadd.s32 v16, v9  }
0x146: {  	v41 =	vshll.u32 v41, $0x1;
	v46 =	vadd.s32 v33, v1;
	v52 =	vld.idx.msk [tilespmem:v3+s8+$0x0], $0xffff;
	v3 =	vor.u32 v38, v49  }
0x147: {  	v45 =	vadd.s32 v58, v51;
	v49 =	vld.idx.msk [tilespmem:v62+s8+$0x0], $0xffff;
	v62 =	vshra.s32 v63, $0x4;
	v38 =	vadd.s32 v33, v3  }
0x148: {  	v57 =	vand.u32 $0xF, v57;
	v7 =	vshrl.u32 v7, v35;
	v58 =	vadd.s32 v19, v62;
	v6 =	vld.idx.msk [tilespmem:v6+s2+$0x0], $0xffff  }
0x149: {  	v4 =	vshrl.u32 v4, v54;
	v7 =	vand.u32 $0x1, v7;
	v53 =	vshrl.u32 v53, v57  }
0x14a: {  	v55 =	vshll.u32 v55, $0x1;
	v7 =	vor.u32 $0x2, v7;
	v57 =	vld.idx.msk [tilespmem:v61+s2+$0x0], $0xffff;
	v53 =	vand.u32 $0x1, v53  }
0x14b: {  	v9 =	vshra.s32 v8, $0x4;
	v46 =	vld.idx.msk [tilespmem:v46+s8+$0x0], $0xffff;
	v41 =	vor.u32 v53, v41;
	v53 =	vadd.s32 v33, v7  }
0x14c: {  	v50 =	vshll.u32 v50, $0x1;
	v59 =	vand.u32 $0xF, v59;
	v9 =	vadd.s32 v12, v9;
	v51 =	vld.idx.msk [tilespmem:v38+s8+$0x0], $0xffff  }
0x14d: {  	v5 =	vshra.s32 v49, $0x4;
	v58 =	vld.idx.msk [tilespmem:v58+s2+$0x0], $0xffff;
	v62 =	vadd.s32 v33, v41;
	v6 =	vshrl.u32 v6, v59  }
0x14e: {  	v61 =	vadd.s32 v13, v5;
	v38 =	vand.u32 $0xF, v60;
	v6 =	vand.u32 $0x1, v6  }
0x14f: {  	v56 =	vshll.u32 v56, $0x1;
	v57 =	vshrl.u32 v57, v38;
	v6 =	vor.u32 v6, v55  }
0x150: {  	v60 =	vshra.s32 v46, $0x4;
	v38 =	vand.u32 $0x1, v57;
	v57 =	vadd.s32 v33, v6;
	v53 =	vld.idx.msk [tilespmem:v53+s8+$0x0], $0xffff  }
0x151: {  	v9 =	vld.idx.msk [tilespmem:v9+s2+$0x0], $0xffff;
	v5 =	vand.u32 $0xF, v63;
	v59 =	vadd.s32 v14, v60;
	v55 =	vor.u32 v38, v50  }
0x152: {  	v38 =	vshra.s32 v51, $0x4;
	v50 =	vshrl.u32 v58, v5;
	v60 =	vld.idx.msk [tilespmem:v62+s8+$0x0], $0xffff;
	v62 =	vadd.s32 v33, v55  }
0x153: {  	v2 =	vshll.u32 v2, $0x1;
	v58 =	vld.idx.msk [tilespmem:v61+s2+$0x0], $0xffff;
	v61 =	vadd.s32 v17, v38;
	v50 =	vand.u32 $0x1, v50  }
0x154: {  	v0 =	vshll.u32 v0, $0x1;
	v1 =	vshll.u32 v1, $0x1;
	v54 =	vor.u32 v50, v56  }
0x155: {  	v8 =	vand.u32 $0xF, v8;
	v56 =	vld.idx.msk [tilespmem:v57+s8+$0x0], $0xffff;
	v57 =	vadd.s32 v33, v54;
	v5 =	vshra.s32 v53, $0x4  }
0x156: {  	v3 =	vshll.u32 v3, $0x1;
	v8 =	vshrl.u32 v9, v8;
	v9 =	vld.idx.msk [tilespmem:v59+s2+$0x0], $0xffff;
	v5 =	vadd.s32 v20, v5  }
0x157: {  	v49 =	vand.u32 $0xF, v49;
	v8 =	vand.u32 $0x1, v8;
	v38 =	vshra.s32 v60, $0x4;
	v62 =	vld.idx.msk [tilespmem:v62+s8+$0x0], $0xffff  }
0x158: {  	v49 =	vshrl.u32 v58, v49;
	v58 =	vld.idx.msk [tilespmem:v61+s2+$0x0], $0xffff;
	v59 =	vadd.s32 v15, v38;
	v38 =	vadd.s32 v21, v36  }
0x159: {  	v10 =	vshra.s32 v52, $0x4;
	v50 =	vor.u32 v8, v2;
	v2 =	vand.u32 $0x1, v49  }
0x15a: {  	v52 =	vand.u32 $0xF, v52;
	v49 =	vor.u32 v2, v0;
	v0 =	vshra.s32 v56, $0x4;
	v2 =	vld.idx.msk [tilespmem:v57+s8+$0x0], $0xffff  }
0x15b: {  	v10 =	vadd.s32 v11, v10;
	v46 =	vand.u32 $0xF, v46;
	v0 =	vadd.s32 v18, v0;
	v63 =	vld.idx.msk [tilespmem:v5+s2+$0x0], $0xffff  }
0x15c: {  	v7 =	vshll.u32 v7, $0x1;
	v41 =	vshll.u32 v41, $0x1;
	v51 =	vand.u32 $0xF, v51  }
0x15d: {  	v6 =	vshll.u32 v6, $0x1;
	v5 =	vshra.s32 v62, $0x4;
	v51 =	vshrl.u32 v58, v51;
	v58 =	vld.idx.msk [tilespmem:v38+s2+$0x0], $0xffff  }
0x15e: {  	v55 =	vshll.u32 v55, $0x1;
	v9 =	vshrl.u32 v9, v46;
	v46 =	vld.idx.msk [tilespmem:v59+s2+$0x0], $0xffff;
	v59 =	vadd.s32 v16, v5  }
0x15f: {  	v53 =	vand.u32 $0xF, v53;
	v51 =	vand.u32 $0x1, v51;
	v38 =	vshra.s32 v2, $0x4  }
0x160: {  	v3 =	vor.u32 v51, v3;
	v0 =	vld.idx.msk [tilespmem:v0+s2+$0x0], $0xffff;
	v11 =	vadd.s32 v19, v38;
	v53 =	vshrl.u32 v63, v53  }
0x161: {  	v8 =	vadd.s32 v33, v50;
	v38 =	vadd.s32 v33, v3;
	v53 =	vand.u32 $0x1, v53  }
0x162: {  	v60 =	vand.u32 $0xF, v60;
	v5 =	vshrl.u32 v58, v35;
	v7 =	vor.u32 v53, v7  }
0x163: {  	v46 =	vshrl.u32 v46, v60;
	v59 =	vld.idx.msk [tilespmem:v59+s2+$0x0], $0xffff;
	v53 =	vand.u32 $0x1, v5;
	v58 =	vadd.s32 v33, v7  }
0x164: {  	v56 =	vand.u32 $0xF, v56;
	v46 =	vand.u32 $0x1, v46;
	v53 =	vor.u32 $0x2, v53  }
0x165: {  	v41 =	vor.u32 v46, v41;
	v0 =	vshrl.u32 v0, v56;
	v46 =	vld.idx.msk [tilespmem:v11+s2+$0x0], $0xffff;
	v56 =	vadd.s32 v33, v53  }
0x166: {  	v54 =	vshll.u32 v54, $0x1;
	v9 =	vand.u32 $0x1, v9;
	v57 =	vadd.s32 v33, v49;
	v60 =	vld.idx.msk [tilespmem:v38+s8+$0x0], $0xffff  }
0x167: {  	v10 =	vld.idx.msk [tilespmem:v10+s2+$0x0], $0xffff;
	v2 =	vand.u32 $0xF, v2;
	v11 =	vand.u32 $0xF, v62;
	v0 =	vand.u32 $0x1, v0  }
0x168: {  	v38 =	vadd.s32 v33, v41;
	v51 =	vshrl.u32 v59, v11;
	v0 =	vor.u32 v0, v6;
	v58 =	vld.idx.msk [tilespmem:v58+s8+$0x0], $0xffff  }
0x169: {  	v62 =	vand.u32 $0x1, v51;
	v63 =	vadd.s32 v33, v0;
	v51 =	vor.u32 v9, v1  }
0x16a: {  	v1 =	vor.u32 v62, v55;
	v6 =	vadd.s32 v33, v51;
	v2 =	vshrl.u32 v46, v2;
	v46 =	vld.idx.msk [tilespmem:v56+s8+$0x0], $0xffff  }
0x16b: {  	v8 =	vld.idx.msk [tilespmem:v8+s8+$0x0], $0xffff;
	v9 =	vadd.s32 v33, v1;
	v11 =	vshra.s32 v60, $0x4;
	v2 =	vand.u32 $0x1, v2  }
0x16c: {  	v10 =	vshrl.u32 v10, v52;
	v52 =	vld.idx.msk [tilespmem:v57+s8+$0x0], $0xffff;
	v55 =	vadd.s32 v17, v11;
	v2 =	vor.u32 v2, v54  }
0x16d: {  	v56 =	vld.idx.msk [tilespmem:v38+s8+$0x0], $0xffff;
	v59 =	vadd.s32 v33, v2;
	v38 =	vshra.s32 v58, $0x4  }
0x16e: {  	v47 =	vshll.u32 v47, $0x1;
	v4 =	vand.u32 $0x1, v4;
	v54 =	vld.idx.msk [tilespmem:v63+s8+$0x0], $0xffff;
	v57 =	vadd.s32 v20, v38  }
0x16f: {  	v4 =	vor.u32 v4, v34;
	v10 =	vand.u32 $0x1, v10;
	v6 =	vld.idx.msk [tilespmem:v6+s8+$0x0], $0xffff;
	v5 =	vshra.s32 v46, $0x4  }
0x170: {  	v10 =	vor.u32 v10, v34;
	v38 =	vshll.u32 v48, $0x1;
	v9 =	vld.idx.msk [tilespmem:v9+s8+$0x0], $0xffff;
	v61 =	vadd.s32 v21, v5  }
0x171: {  	v50 =	vshll.u32 v50, $0x1;
	v48 =	vadd.s32 v47, v4;
	v47 =	vadd.s32 v38, v10;
	v10 =	vld.idx.msk [tilespmem:v55+s2+$0x0], $0xffff  }
0x172: {  	v3 =	vshll.u32 v3, $0x1;
	v7 =	vshll.u32 v7, $0x1;
	v53 =	vshll.u32 v53, $0x1;
	v59 =	vld.idx.msk [tilespmem:v59+s8+$0x0], $0xffff  }
0x173: {  	v60 =	vand.u32 $0xF, v60;
	v11 =	vshra.s32 v8, $0x4;
	v63 =	vshra.s32 v56, $0x4;
	v57 =	vld.idx.msk [tilespmem:v57+s2+$0x0], $0xffff  }
0x174: {  	v58 =	vand.u32 $0xF, v58;
	v4 =	vadd.s32 v15, v63;
	v38 =	vshra.s32 v54, $0x4  }
0x175: {  	v55 =	vadd.s32 v12, v11;
	v5 =	vshra.s32 v52, $0x4;
	v62 =	vadd.s32 v18, v38;
	v61 =	vld.idx.msk [tilespmem:v61+s2+$0x0], $0xffff  }
0x176: {  	v63 =	vadd.s32 v13, v5;
	v12 =	vshra.s32 v6, $0x4;
	v13 =	vshra.s32 v9, $0x4  }
0x177: {  	v38 =	vadd.s32 v14, v12;
	v11 =	vadd.s32 v16, v13;
	v14 =	vshra.s32 v59, $0x4  }
0x178: {  	v10 =	vshrl.u32 v10, v60;
	v60 =	vadd.s32 v19, v14;
	v57 =	vshrl.u32 v57, v58  }
0x179: {  	v41 =	vshll.u32 v41, $0x1;
	v46 =	vand.u32 $0xF, v46;
	v4 =	vld.idx.msk [tilespmem:v4+s2+$0x0], $0xffff;
	v57 =	vand.u32 $0x1, v57  }
0x17a: {  	v10 =	vand.u32 $0x1, v10;
	v62 =	vld.idx.msk [tilespmem:v62+s2+$0x0], $0xffff;
	v5 =	vshrl.u32 v61, v46;
	v7 =	vor.u32 v57, v7  }
0x17b: {  	v3 =	vor.u32 v10, v3;
	v10 =	vand.u32 $0x1, v5;
	v46 =	vadd.s32 v33, v7  }
0x17c: {  	v0 =	vshll.u32 v0, $0x1;
	v11 =	vld.idx.msk [tilespmem:v11+s2+$0x0], $0xffff;
	v57 =	vadd.s32 v33, v3;
	v10 =	vor.u32 v10, v53  }
0x17d: {  	v1 =	vshll.u32 v1, $0x1;
	v56 =	vand.u32 $0xF, v56;
	v13 =	vld.idx.msk [tilespmem:v60+s2+$0x0], $0xffff;
	v14 =	vadd.s32 v33, v10  }
0x17e: {  	v2 =	vshll.u32 v2, $0x1;
	v54 =	vand.u32 $0xF, v54;
	v4 =	vshrl.u32 v4, v56  }
0x17f: {  	v55 =	vld.idx.msk [tilespmem:v55+s2+$0x0], $0xffff;
	v4 =	vand.u32 $0x1, v4;
	v12 =	vshrl.u32 v62, v54;
	v60 =	vadd.s32 v22, v36  }
0x180: {  	v9 =	vand.u32 $0xF, v9;
	v4 =	vor.u32 v4, v41;
	v53 =	vand.u32 $0x1, v12;
	v46 =	vld.idx.msk [tilespmem:v46+s8+$0x0], $0xffff  }
0x181: {  	v62 =	vand.u32 $0xF, v59;
	v0 =	vor.u32 v53, v0;
	v9 =	vshrl.u32 v11, v9;
	v11 =	vld.idx.msk [tilespmem:v57+s8+$0x0], $0xffff  }
0x182: {  	v61 =	vadd.s32 v33, v0;
	v9 =	vand.u32 $0x1, v9;
	v54 =	vshrl.u32 v13, v62;
	v56 =	vld.idx.msk [tilespmem:v14+s8+$0x0], $0xffff  }
0x183: {  	v58 =	vadd.s32 v33, v4;
	v57 =	vld.idx.msk [tilespmem:v63+s2+$0x0], $0xffff;
	v1 =	vor.u32 v9, v1;
	v63 =	vand.u32 $0x1, v54  }
0x184: {  	v49 =	vshll.u32 v49, $0x1;
	v9 =	vld.idx.msk [tilespmem:v60+s2+$0x0], $0xffff;
	v54 =	vadd.s32 v33, v1;
	v2 =	vor.u32 v63, v2  }
0x185: {  	v8 =	vand.u32 $0xF, v8;
	v5 =	vadd.s32 v33, v2;
	v12 =	vshra.s32 v46, $0x4  }
0x186: {  	v38 =	vld.idx.msk [tilespmem:v38+s2+$0x0], $0xffff;
	v8 =	vshrl.u32 v55, v8;
	v13 =	vshra.s32 v11, $0x4;
	v55 =	vadd.s32 v20, v12  }
0x187: {  	v52 =	vand.u32 $0xF, v52;
	v41 =	vld.idx.msk [tilespmem:v61+s8+$0x0], $0xffff;
	v59 =	vadd.s32 v17, v13;
	v14 =	vshra.s32 v56, $0x4  }
0x188: {  	v8 =	vand.u32 $0x1, v8;
	v52 =	vshrl.u32 v57, v52;
	v57 =	vld.idx.msk [tilespmem:v58+s8+$0x0], $0xffff;
	v63 =	vadd.s32 v21, v14  }
0x189: {  	v8 =	vor.u32 v8, v34;
	v12 =	vand.u32 $0x1, v52;
	v9 =	vshrl.u32 v9, v35;
	v52 =	vld.idx.msk [tilespmem:v54+s8+$0x0], $0xffff  }
0x18a: {  	v6 =	vand.u32 $0xF, v6;
	v50 =	vadd.s32 v50, v8;
	v9 =	vand.u32 $0x1, v9;
	v53 =	vld.idx.msk [tilespmem:v5+s8+$0x0], $0xffff  }
0x18b: {  	v60 =	vadd.s32 v23, v36;
	v8 =	vor.u32 v12, v34;
	v9 =	vor.u32 $0x2, v9;
	v55 =	vld.idx.msk [tilespmem:v55+s2+$0x0], $0xffff  }
0x18c: {  	v49 =	vadd.s32 v49, v8;
	v13 =	vshra.s32 v41, $0x4;
	v8 =	vld.idx.msk [tilespmem:v59+s2+$0x0], $0xffff;
	v59 =	vadd.s32 v33, v9  }
0x18d: {  	v3 =	vshll.u32 v3, $0x1;
	v6 =	vshrl.u32 v38, v6;
	v54 =	vadd.s32 v18, v13;
	v58 =	vld.idx.msk [tilespmem:v63+s2+$0x0], $0xffff  }
0x18e: {  	v7 =	vshll.u32 v7, $0x1;
	v10 =	vshll.u32 v10, $0x1;
	v6 =	vand.u32 $0x1, v6  }
0x18f: {  	v46 =	vand.u32 $0xF, v46;
	v14 =	vshra.s32 v57, $0x4;
	v12 =	vshra.s32 v53, $0x4  }
0x190: {  	v38 =	vadd.s32 v15, v14;
	v15 =	vld.idx.msk [tilespmem:v60+s2+$0x0], $0xffff;
	v62 =	vadd.s32 v19, v12;
	v46 =	vshrl.u32 v55, v46  }
0x191: {  	v0 =	vshll.u32 v0, $0x1;
	v13 =	vand.u32 $0xF, v56;
	v56 =	vld.idx.msk [tilespmem:v59+s8+$0x0], $0xffff;
	v46 =	vand.u32 $0x1, v46  }
0x192: {  	v11 =	vand.u32 $0xF, v11;
	v54 =	vld.idx.msk [tilespmem:v54+s2+$0x0], $0xffff;
	v14 =	vshrl.u32 v58, v13;
	v7 =	vor.u32 v46, v7  }
0x193: {  	v8 =	vshrl.u32 v8, v11;
	v11 =	vand.u32 $0x1, v14;
	v60 =	vadd.s32 v33, v7  }
0x194: {  	v41 =	vand.u32 $0xF, v41;
	v5 =	vshra.s32 v52, $0x4;
	v10 =	vor.u32 v11, v10  }
0x195: {  	v61 =	vadd.s32 v16, v5;
	v8 =	vand.u32 $0x1, v8;
	v63 =	vld.idx.msk [tilespmem:v62+s2+$0x0], $0xffff;
	v12 =	vadd.s32 v33, v10  }
0x196: {  	v3 =	vor.u32 v8, v3;
	v46 =	vshrl.u32 v15, v35;
	v59 =	vshra.s32 v56, $0x4  }
0x197: {  	v46 =	vand.u32 $0x1, v46;
	v41 =	vshrl.u32 v54, v41;
	v14 =	vadd.s32 v22, v59  }
0x198: {  	v13 =	vadd.s32 v33, v3;
	v46 =	vor.u32 $0x2, v46;
	v41 =	vand.u32 $0x1, v41;
	v55 =	vld.idx.msk [tilespmem:v60+s8+$0x0], $0xffff  }
0x199: {  	v53 =	vand.u32 $0xF, v53;
	v38 =	vld.idx.msk [tilespmem:v38+s2+$0x0], $0xffff;
	v15 =	vadd.s32 v33, v46;
	v0 =	vor.u32 v41, v0  }
0x19a: {  	v5 =	vand.u32 $0xF, v57;
	v57 =	vadd.s32 v33, v0;
	v8 =	vshrl.u32 v63, v53;
	v41 =	vld.idx.msk [tilespmem:v12+s8+$0x0], $0xffff  }
0x19b: {  	v2 =	vshll.u32 v2, $0x1;
	v59 =	vld.idx.msk [tilespmem:v61+s2+$0x0], $0xffff;
	v60 =	vadd.s32 v24, v36;
	v8 =	vand.u32 $0x1, v8  }
0x19c: {  	v4 =	vshll.u32 v4, $0x1;
	v6 =	vor.u32 v6, v34;
	v2 =	vor.u32 v8, v2;
	v8 =	vld.idx.msk [tilespmem:v14+s2+$0x0], $0xffff  }
0x19d: {  	v1 =	vshll.u32 v1, $0x1;
	v11 =	vshll.u32 v51, $0x1;
	v58 =	vld.idx.msk [tilespmem:v13+s8+$0x0], $0xffff;
	v12 =	vshra.s32 v55, $0x4  }
0x19e: {  	v9 =	vshll.u32 v9, $0x1;
	v51 =	vadd.s32 v11, v6;
	v61 =	vld.idx.msk [tilespmem:v15+s8+$0x0], $0xffff;
	v11 =	vadd.s32 v20, v12  }
0x19f: {  	v38 =	vshrl.u32 v38, v5;
	v54 =	vadd.s32 v33, v2;
	v57 =	vld.idx.msk [tilespmem:v57+s8+$0x0], $0xffff;
	v14 =	vshra.s32 v41, $0x4  }
0x1a0: {  	v13 =	vand.u32 $0x1, v38;
	v15 =	vand.u32 $0xF, v56;
	v62 =	vld.idx.msk [tilespmem:v60+s2+$0x0], $0xffff;
	v38 =	vadd.s32 v21, v14  }
0x1a1: {  	v52 =	vand.u32 $0xF, v52;
	v7 =	vshll.u32 v7, $0x1;
	v8 =	vshrl.u32 v8, v15  }
0x1a2: {  	v6 =	vor.u32 v13, v34;
	v12 =	vshra.s32 v58, $0x4;
	v8 =	vand.u32 $0x1, v8  }
0x1a3: {  	v59 =	vshrl.u32 v59, v52;
	v13 =	vadd.s32 v17, v12;
	v8 =	vor.u32 v8, v9;
	v15 =	vld.idx.msk [tilespmem:v11+s2+$0x0], $0xffff  }
0x1a4: {  	v52 =	vadd.s32 v4, v6;
	v63 =	vshra.s32 v61, $0x4;
	v54 =	vld.idx.msk [tilespmem:v54+s8+$0x0], $0xffff;
	v9 =	vadd.s32 v33, v8  }
0x1a5: {  	v5 =	vshra.s32 v57, $0x4;
	v56 =	vshrl.u32 v62, v35;
	v11 =	vadd.s32 v23, v63;
	v38 =	vld.idx.msk [tilespmem:v38+s2+$0x0], $0xffff  }
0x1a6: {  	v55 =	vand.u32 $0xF, v55;
	v12 =	vadd.s32 v18, v5;
	v56 =	vand.u32 $0x1, v56  }
0x1a7: {  	v41 =	vand.u32 $0xF, v41;
	v14 =	vand.u32 $0x1, v59;
	v56 =	vor.u32 $0x2, v56  }
0x1a8: {  	v4 =	vor.u32 v14, v34;
	v53 =	vld.idx.msk [tilespmem:v13+s2+$0x0], $0xffff;
	v14 =	vadd.s32 v33, v56;
	v6 =	vshrl.u32 v15, v55  }
0x1a9: {  	v59 =	vand.u32 $0xF, v58;
	v13 =	vshra.s32 v54, $0x4;
	v9 =	vld.idx.msk [tilespmem:v9+s8+$0x0], $0xffff;
	v6 =	vand.u32 $0x1, v6  }
0x1aa: {  	v15 =	vadd.s32 v19, v13;
	v41 =	vshrl.u32 v38, v41;
	v58 =	vor.u32 v6, v7;
	v7 =	vld.idx.msk [tilespmem:v11+s2+$0x0], $0xffff  }
0x1ab: {  	v10 =	vshll.u32 v10, $0x1;
	v6 =	vand.u32 $0x1, v41;
	v41 =	vld.idx.msk [tilespmem:v12+s2+$0x0], $0xffff;
	v12 =	vadd.s32 v25, v36  }
0x1ac: {  	v3 =	vshll.u32 v3, $0x1;
	v11 =	vadd.s32 v33, v58;
	v6 =	vor.u32 v6, v10  }
0x1ad: {  	v63 =	vshrl.u32 v53, v59;
	v53 =	vadd.s32 v1, v4;
	v38 =	vld.idx.msk [tilespmem:v14+s8+$0x0], $0xffff;
	v4 =	vadd.s32 v33, v6  }
0x1ae: {  	v46 =	vshll.u32 v46, $0x1;
	v14 =	vand.u32 $0xF, v61;
	v13 =	vshra.s32 v9, $0x4  }
0x1af: {  	v0 =	vshll.u32 v0, $0x1;
	v15 =	vld.idx.msk [tilespmem:v15+s2+$0x0], $0xffff;
	v55 =	vadd.s32 v22, v13;
	v7 =	vshrl.u32 v7, v14  }
0x1b0: {  	v57 =	vand.u32 $0xF, v57;
	v8 =	vshll.u32 v8, $0x1;
	v10 =	vld.idx.msk [tilespmem:v12+s2+$0x0], $0xffff;
	v7 =	vand.u32 $0x1, v7  }
0x1b1: {  	v1 =	vand.u32 $0x1, v63;
	v12 =	vadd.s32 v26, v36;
	v11 =	vld.idx.msk [tilespmem:v11+s8+$0x0], $0xffff;
	v7 =	vor.u32 v7, v46  }
0x1b2: {  	v41 =	vshrl.u32 v41, v57;
	v13 =	vshra.s32 v38, $0x4;
	v4 =	vld.idx.msk [tilespmem:v4+s8+$0x0], $0xffff;
	v57 =	vadd.s32 v33, v7  }
0x1b3: {  	v54 =	vand.u32 $0xF, v54;
	v1 =	vor.u32 v1, v34;
	v59 =	vadd.s32 v24, v13  }
0x1b4: {  	v41 =	vand.u32 $0x1, v41;
	v60 =	vshrl.u32 v15, v54;
	v15 =	vadd.s32 v27, v36;
	v14 =	vld.idx.msk [tilespmem:v55+s2+$0x0], $0xffff  }
0x1b5: {  	v9 =	vand.u32 $0xF, v9;
	v41 =	vor.u32 v41, v34;
	v55 =	vadd.s32 v3, v1  }
0x1b6: {  	v1 =	vshll.u32 v2, $0x1;
	v3 =	vshrl.u32 v10, v35;
	v12 =	vld.idx.msk [tilespmem:v12+s2+$0x0], $0xffff;
	v2 =	vshra.s32 v11, $0x4  }
0x1b7: {  	v3 =	vand.u32 $0x1, v3;
	v2 =	vadd.s32 v20, v2;
	v13 =	vshra.s32 v4, $0x4;
	v46 =	vld.idx.msk [tilespmem:v57+s8+$0x0], $0xffff  }
0x1b8: {  	v54 =	vadd.s32 v0, v41;
	v3 =	vor.u32 $0x2, v3;
	v41 =	vadd.s32 v21, v13;
	v57 =	vld.idx.msk [tilespmem:v59+s2+$0x0], $0xffff  }
0x1b9: {  	v56 =	vshll.u32 v56, $0x1;
	v59 =	vadd.s32 v33, v3;
	v9 =	vshrl.u32 v14, v9;
	v14 =	vld.idx.msk [tilespmem:v15+s2+$0x0], $0xffff  }
0x1ba: {  	v38 =	vand.u32 $0xF, v38;
	v0 =	vand.u32 $0x1, v60;
	v15 =	vadd.s32 v29, v36  }
0x1bb: {  	v9 =	vand.u32 $0x1, v9;
	v5 =	vshrl.u32 v12, v35;
	v12 =	vadd.s32 v30, v36  }
0x1bc: {  	v0 =	vor.u32 v0, v34;
	v8 =	vor.u32 v9, v8;
	v9 =	vand.u32 $0x1, v5;
	v2 =	vld.idx.msk [tilespmem:v2+s2+$0x0], $0xffff  }
0x1bd: {  	v62 =	vadd.s32 v33, v8;
	v9 =	vor.u32 $0x2, v9;
	v41 =	vld.idx.msk [tilespmem:v41+s2+$0x0], $0xffff;
	v13 =	vshra.s32 v46, $0x4  }
0x1be: {  	v38 =	vshrl.u32 v57, v38;
	v59 =	vld.idx.msk [tilespmem:v59+s8+$0x0], $0xffff;
	v57 =	vadd.s32 v33, v9;
	v60 =	vshrl.u32 v14, v35  }
0x1bf: {  	v11 =	vand.u32 $0xF, v11;
	v63 =	vadd.s32 v23, v13;
	v61 =	vld.idx.msk [tilespmem:v15+s2+$0x0], $0xffff;
	v60 =	vand.u32 $0x1, v60  }
0x1c0: {  	v38 =	vand.u32 $0x1, v38;
	v10 =	vld.idx.msk [tilespmem:v12+s2+$0x0], $0xffff;
	v12 =	vadd.s32 v31, v36;
	v5 =	vor.u32 $0x2, v60  }
0x1c1: {  	v2 =	vshrl.u32 v2, v11;
	v11 =	vor.u32 v38, v56;
	v38 =	vadd.s32 v33, v5  }
0x1c2: {  	v6 =	vshll.u32 v6, $0x1;
	v36 =	vadd.s32 v32, v36;
	v56 =	vadd.s32 v1, v0;
	v0 =	vld.idx.msk [tilespmem:v62+s8+$0x0], $0xffff  }
0x1c3: {  	v60 =	vand.u32 $0x1, v2;
	v2 =	vand.u32 $0xF, v4;
	v14 =	vshra.s32 v59, $0x4;
	v62 =	vld.idx.msk [tilespmem:v57+s8+$0x0], $0xffff  }
0x1c4: {  	v2 =	vshrl.u32 v41, v2;
	v41 =	vld.idx.msk [tilespmem:v63+s2+$0x0], $0xffff;
	v4 =	vadd.s32 v25, v14;
	v15 =	vshrl.u32 v61, v35  }
0x1c5: {  	v1 =	vadd.s32 v33, v11;
	v57 =	vand.u32 $0x1, v15;
	v10 =	vshrl.u32 v10, v35;
	v12 =	vld.idx.msk [tilespmem:v12+s2+$0x0], $0xffff  }
0x1c6: {  	v2 =	vand.u32 $0x1, v2;
	v61 =	vor.u32 $0x2, v57;
	v10 =	vand.u32 $0x1, v10;
	v38 =	vld.idx.msk [tilespmem:v38+s8+$0x0], $0xffff  }
0x1c7: {  	v57 =	vor.u32 v2, v6;
	v2 =	vadd.s32 v33, v61;
	v6 =	vor.u32 $0x2, v10  }
0x1c8: {  	v7 =	vshll.u32 v7, $0x1;
	v36 =	vld.idx.msk [tilespmem:v36+s2+$0x0], $0xffff;
	v63 =	vshra.s32 v62, $0x4;
	v13 =	vadd.s32 v33, v6  }
0x1c9: {  	v3 =	vshll.u32 v3, $0x1;
	v8 =	vshll.u32 v8, $0x1;
	v4 =	vld.idx.msk [tilespmem:v4+s2+$0x0], $0xffff;
	v63 =	vadd.s32 v26, v63  }
0x1ca: {  	v46 =	vand.u32 $0xF, v46;
	v9 =	vshll.u32 v9, $0x1;
	v12 =	vshrl.u32 v12, v35  }
0x1cb: {  	v1 =	vld.idx.msk [tilespmem:v1+s8+$0x0], $0xffff;
	v41 =	vshrl.u32 v41, v46;
	v12 =	vand.u32 $0x1, v12;
	v46 =	vshra.s32 v38, $0x4  }
0x1cc: {  	v59 =	vand.u32 $0xF, v59;
	v2 =	vld.idx.msk [tilespmem:v2+s8+$0x0], $0xffff;
	v12 =	vor.u32 $0x2, v12;
	v46 =	vadd.s32 v27, v46  }
0x1cd: {  	v14 =	vshra.s32 v0, $0x4;
	v35 =	vshrl.u32 v36, v35;
	v13 =	vld.idx.msk [tilespmem:v13+s8+$0x0], $0xffff;
	v16 =	vadd.s32 v33, v12  }
0x1ce: {  	v14 =	vadd.s32 v22, v14;
	v35 =	vand.u32 $0x1, v35;
	v4 =	vshrl.u32 v4, v59;
	v59 =	vld.idx.msk [tilespmem:v63+s2+$0x0], $0xffff  }
0x1cf: {  	v41 =	vand.u32 $0x1, v41;
	v35 =	vor.u32 $0x2, v35;
	v4 =	vand.u32 $0x1, v4  }
0x1d0: {  	v15 =	vshra.s32 v1, $0x4;
	v3 =	vor.u32 v4, v3;
	v4 =	vadd.s32 v33, v35  }
0x1d1: {  	v5 =	vshll.u32 v5, $0x1;
	v36 =	vor.u32 v41, v7;
	v15 =	vadd.s32 v24, v15;
	v41 =	vld.idx.msk [tilespmem:v46+s2+$0x0], $0xffff  }
0x1d2: {  	v62 =	vand.u32 $0xF, v62;
	v7 =	vadd.s32 v33, v3;
	v46 =	vshra.s32 v2, $0x4;
	v16 =	vld.idx.msk [tilespmem:v16+s8+$0x0], $0xffff  }
0x1d3: {  	v14 =	vld.idx.msk [tilespmem:v14+s2+$0x0], $0xffff;
	v63 =	vshra.s32 v13, $0x4;
	v46 =	vadd.s32 v29, v46;
	v59 =	vshrl.u32 v59, v62  }
0x1d4: {  	v11 =	vshll.u32 v11, $0x1;
	v62 =	vadd.s32 v30, v63;
	v59 =	vand.u32 $0x1, v59  }
0x1d5: {  	v10 =	vadd.s32 v33, v57;
	v63 =	vadd.s32 v33, v36;
	v9 =	vor.u32 v59, v9;
	v4 =	vld.idx.msk [tilespmem:v4+s8+$0x0], $0xffff  }
0x1d6: {  	v0 =	vand.u32 $0xF, v0;
	v38 =	vand.u32 $0xF, v38;
	v15 =	vld.idx.msk [tilespmem:v15+s2+$0x0], $0xffff;
	v17 =	vadd.s32 v33, v9  }
0x1d7: {  	v61 =	vshll.u32 v61, $0x1;
	v7 =	vld.idx.msk [tilespmem:v7+s8+$0x0], $0xffff;
	v38 =	vshrl.u32 v41, v38;
	v59 =	vshra.s32 v16, $0x4  }
0x1d8: {  	v0 =	vshrl.u32 v14, v0;
	v41 =	vld.idx.msk [tilespmem:v46+s2+$0x0], $0xffff;
	v38 =	vand.u32 $0x1, v38;
	v46 =	vadd.s32 v31, v59  }
0x1d9: {  	v1 =	vand.u32 $0xF, v1;
	v0 =	vand.u32 $0x1, v0;
	v62 =	vld.idx.msk [tilespmem:v62+s2+$0x0], $0xffff;
	v5 =	vor.u32 v38, v5  }
0x1da: {  	v59 =	vor.u32 v0, v8;
	v0 =	vld.idx.msk [tilespmem:v63+s8+$0x0], $0xffff;
	v8 =	vadd.s32 v33, v5;
	v63 =	vshra.s32 v4, $0x4  }
0x1db: {  	v6 =	vshll.u32 v6, $0x1;
	v1 =	vshrl.u32 v15, v1;
	v15 =	vld.idx.msk [tilespmem:v17+s8+$0x0], $0xffff;
	v17 =	vadd.s32 v32, v63  }
0x1dc: {  	v10 =	vld.idx.msk [tilespmem:v10+s8+$0x0], $0xffff;
	v12 =	vshll.u32 v12, $0x1;
	v2 =	vand.u32 $0xF, v2;
	v63 =	vshra.s32 v7, $0x4  }
0x1dd: {  	v13 =	vand.u32 $0xF, v13;
	v38 =	vadd.s32 v25, v63;
	v2 =	vshrl.u32 v41, v2;
	v46 =	vld.idx.msk [tilespmem:v46+s2+$0x0], $0xffff  }
0x1de: {  	v35 =	vshll.u32 v35, $0x1;
	v13 =	vshrl.u32 v62, v13;
	v2 =	vand.u32 $0x1, v2  }
0x1df: {  	v3 =	vshll.u32 v3, $0x1;
	v13 =	vand.u32 $0x1, v13;
	v8 =	vld.idx.msk [tilespmem:v8+s8+$0x0], $0xffff;
	v2 =	vor.u32 v2, v61  }
0x1e0: {  	v6 =	vor.u32 v13, v6;
	v61 =	vshra.s32 v15, $0x4;
	v13 =	vadd.s32 v33, v2;
	v17 =	vld.idx.msk [tilespmem:v17+s2+$0x0], $0xffff  }
0x1e1: {  	v14 =	vshra.s32 v10, $0x4;
	v16 =	vand.u32 $0xF, v16;
	v61 =	vadd.s32 v26, v61  }
0x1e2: {  	v10 =	vand.u32 $0xF, v10;
	v14 =	vadd.s32 v21, v14;
	v38 =	vld.idx.msk [tilespmem:v38+s2+$0x0], $0xffff;
	v16 =	vshrl.u32 v46, v16  }
0x1e3: {  	v1 =	vand.u32 $0x1, v1;
	v46 =	vadd.s32 v33, v6;
	v16 =	vand.u32 $0x1, v16  }
0x1e4: {  	v4 =	vand.u32 $0xF, v4;
	v12 =	vor.u32 v16, v12;
	v16 =	vshra.s32 v8, $0x4  }
0x1e5: {  	v7 =	vand.u32 $0xF, v7;
	v16 =	vadd.s32 v27, v16;
	v13 =	vld.idx.msk [tilespmem:v13+s8+$0x0], $0xffff;
	v4 =	vshrl.u32 v17, v4  }
0x1e6: {  	v62 =	vshra.s32 v0, $0x4;
	v17 =	vld.idx.msk [tilespmem:v61+s2+$0x0], $0xffff;
	v61 =	vadd.s32 v33, v12;
	v4 =	vand.u32 $0x1, v4  }
0x1e7: {  	v14 =	vld.idx.msk [tilespmem:v14+s2+$0x0], $0xffff;
	v62 =	vadd.s32 v23, v62;
	v7 =	vshrl.u32 v38, v7;
	v4 =	vor.u32 v4, v35  }
0x1e8: {  	v1 =	vor.u32 v1, v11;
	v11 =	vld.idx.msk [tilespmem:v46+s8+$0x0], $0xffff;
	v7 =	vand.u32 $0x1, v7;
	v38 =	vadd.s32 v33, v4  }
0x1e9: {  	v41 =	vadd.s32 v33, v59;
	v46 =	vadd.s32 v33, v1;
	v3 =	vor.u32 v7, v3  }
0x1ea: {  	v35 =	vshll.u32 v58, $0x1;
	v7 =	vor.u32 v60, v34;
	v58 =	vadd.s32 v33, v3;
	v16 =	vld.idx.msk [tilespmem:v16+s2+$0x0], $0xffff  }
0x1eb: {  	v35 =	vadd.s32 v35, v7;
	v7 =	vand.u32 $0xF, v15;
	v60 =	vshra.s32 v13, $0x4;
	v61 =	vld.idx.msk [tilespmem:v61+s8+$0x0], $0xffff  }
0x1ec: {  	v9 =	vshll.u32 v9, $0x1;
	v15 =	vadd.s32 v29, v60;
	v60 =	vld.idx.msk [tilespmem:v62+s2+$0x0], $0xffff;
	v7 =	vshrl.u32 v17, v7  }
0x1ed: {  	v10 =	vshrl.u32 v14, v10;
	v17 =	vshra.s32 v11, $0x4;
	v7 =	vand.u32 $0x1, v7;
	v38 =	vld.idx.msk [tilespmem:v38+s8+$0x0], $0xffff  }
0x1ee: {  	v8 =	vand.u32 $0xF, v8;
	v14 =	vld.idx.msk [tilespmem:v46+s8+$0x0], $0xffff;
	v17 =	vadd.s32 v30, v17;
	v7 =	vor.u32 v7, v9  }
0x1ef: {  	v36 =	vshll.u32 v36, $0x1;
	v46 =	vld.idx.msk [tilespmem:v58+s8+$0x0], $0xffff;
	v58 =	vadd.s32 v33, v7;
	v8 =	vshrl.u32 v16, v8  }
0x1f0: {  	v5 =	vshll.u32 v5, $0x1;
	v41 =	vld.idx.msk [tilespmem:v41+s8+$0x0], $0xffff;
	v8 =	vand.u32 $0x1, v8;
	v16 =	vshra.s32 v61, $0x4  }
0x1f1: {  	v0 =	vand.u32 $0xF, v0;
	v15 =	vld.idx.msk [tilespmem:v15+s2+$0x0], $0xffff;
	v5 =	vor.u32 v8, v5;
	v8 =	vadd.s32 v31, v16  }
0x1f2: {  	v10 =	vand.u32 $0x1, v10;
	v0 =	vshrl.u32 v60, v0;
	v60 =	vshra.s32 v38, $0x4  }
0x1f3: {  	v2 =	vshll.u32 v2, $0x1;
	v0 =	vand.u32 $0x1, v0;
	v17 =	vld.idx.msk [tilespmem:v17+s2+$0x0], $0xffff;
	v62 =	vadd.s32 v32, v60  }
0x1f4: {  	v6 =	vshll.u32 v6, $0x1;
	v60 =	vor.u32 v0, v36;
	v0 =	vshra.s32 v14, $0x4;
	v58 =	vld.idx.msk [tilespmem:v58+s8+$0x0], $0xffff  }
0x1f5: {  	v37 =	vld.idx.msk [tilespmem:v37+s10+$0x0], $0xffff;
	v13 =	vand.u32 $0xF, v13;
	v11 =	vand.u32 $0xF, v11;
	v0 =	vadd.s32 v24, v0  }
0x1f6: {  	v9 =	vshra.s32 v41, $0x4;
	v16 =	vadd.s32 v33, v5;
	v13 =	vshrl.u32 v15, v13;
	v8 =	vld.idx.msk [tilespmem:v8+s2+$0x0], $0xffff  }
0x1f7: {  	v39 =	vld.idx.msk [tilespmem:v39+s10+$0x0], $0xffff;
	v9 =	vadd.s32 v22, v9;
	v36 =	vshra.s32 v46, $0x4;
	v13 =	vand.u32 $0x1, v13  }
0x1f8: {  	v15 =	vadd.s32 v25, v36;
	v11 =	vshrl.u32 v17, v11;
	v2 =	vor.u32 v13, v2;
	v13 =	vld.idx.msk [tilespmem:v62+s2+$0x0], $0xffff  }
0x1f9: {  	v40 =	vld.idx.msk [tilespmem:v40+s10+$0x0], $0xffff;
	v11 =	vand.u32 $0x1, v11;
	v17 =	vshra.s32 v58, $0x4;
	v36 =	vadd.s32 v33, v2  }
0x1fa: {  	v61 =	vand.u32 $0xF, v61;
	v6 =	vor.u32 v11, v6;
	v0 =	vld.idx.msk [tilespmem:v0+s2+$0x0], $0xffff;
	v17 =	vadd.s32 v26, v17  }
0x1fb: {  	v12 =	vshll.u32 v12, $0x1;
	v16 =	vld.idx.msk [tilespmem:v16+s8+$0x0], $0xffff;
	v8 =	vshrl.u32 v8, v61;
	v61 =	vadd.s32 v33, v6  }
0x1fc: {  	v1 =	vshll.u32 v1, $0x1;
	v38 =	vand.u32 $0xF, v38;
	v9 =	vld.idx.msk [tilespmem:v9+s2+$0x0], $0xffff;
	v8 =	vand.u32 $0x1, v8  }
0x1fd: {  	v4 =	vshll.u32 v4, $0x1;
	v15 =	vld.idx.msk [tilespmem:v15+s2+$0x0], $0xffff;
	v8 =	vor.u32 v8, v12;
	v13 =	vshrl.u32 v13, v38  }
0x1fe: {  	v14 =	vand.u32 $0xF, v14;
	v62 =	vld.idx.msk [tilespmem:v36+s8+$0x0], $0xffff;
	v38 =	vadd.s32 v33, v8;
	v13 =	vand.u32 $0x1, v13  }
0x1ff: {  	v3 =	vshll.u32 v3, $0x1;
	v0 =	vshrl.u32 v0, v14;
	v14 =	vld.idx.msk [tilespmem:v17+s2+$0x0], $0xffff;
	v4 =	vor.u32 v13, v4  }
0x200: {  	v41 =	vand.u32 $0xF, v41;
	v12 =	vshra.s32 v16, $0x4;
	v13 =	vld.idx.msk [tilespmem:v61+s8+$0x0], $0xffff;
	v17 =	vadd.s32 v33, v4  }
0x201: {  	v43 =	vld.idx.msk [tilespmem:v43+s10+$0x0], $0xffff;
	v7 =	vshll.u32 v7, $0x1;
	v12 =	vadd.s32 v27, v12;
	v0 =	vand.u32 $0x1, v0  }
0x202: {  	v42 =	vld.idx.msk [tilespmem:v42+s10+$0x0], $0xffff;
	v9 =	vshrl.u32 v9, v41;
	v0 =	vor.u32 v0, v1;
	v1 =	vand.u32 $0xF, v46  }
0x203: {  	v11 =	vadd.s32 v33, v60;
	v1 =	vshrl.u32 v15, v1;
	v63 =	vshra.s32 v62, $0x4;
	v46 =	vld.idx.msk [tilespmem:v38+s8+$0x0], $0xffff  }
0x204: {  	v44 =	vld.idx.msk [tilespmem:v44+s10+$0x0], $0xffff;
	v41 =	vadd.s32 v33, v0;
	v1 =	vand.u32 $0x1, v1;
	v15 =	vadd.s32 v29, v63  }
0x205: {  	v1 =	vor.u32 v1, v3;
	v3 =	vand.u32 $0xF, v58;
	v58 =	vshra.s32 v13, $0x4;
	v17 =	vld.idx.msk [tilespmem:v17+s8+$0x0], $0xffff  }
0x206: {  	v5 =	vshll.u32 v5, $0x1;
	v12 =	vld.idx.msk [tilespmem:v12+s2+$0x0], $0xffff;
	v3 =	vshrl.u32 v14, v3;
	v14 =	vadd.s32 v30, v58  }
0x207: {  	v18 =	vld [tilespmem:$0x1FEB0];
	v9 =	vand.u32 $0x1, v9;
	v61 =	vadd.s32 v33, v1;
	v3 =	vand.u32 $0x1, v3  }
0x208: {  	v11 =	vld.idx.msk [tilespmem:v11+s8+$0x0], $0xffff;
	v3 =	vor.u32 v3, v7;
	v7 =	vshll.u32 v59, $0x1;
	v63 =	vshra.s32 v46, $0x4  }
0x209: {  	v2 =	vshll.u32 v2, $0x1;
	v58 =	vor.u32 v9, v7;
	v9 =	vld.idx.msk [tilespmem:v15+s2+$0x0], $0xffff;
	v15 =	vadd.s32 v31, v63  }
0x20a: {  	v59 =	vld.idx.msk [tilespmem:v41+s8+$0x0], $0xffff;
	v41 =	vadd.s32 v33, v3;
	v7 =	vand.u32 $0xF, v16;
	v63 =	vshra.s32 v17, $0x4  }
0x20b: {  	v60 =	vshll.u32 v60, $0x1;
	v7 =	vshrl.u32 v12, v7;
	v14 =	vld.idx.msk [tilespmem:v14+s2+$0x0], $0xffff;
	v12 =	vadd.s32 v32, v63  }
0x20c: {  	v6 =	vshll.u32 v6, $0x1;
	v8 =	vshll.u32 v8, $0x1;
	v62 =	vand.u32 $0xF, v62;
	v61 =	vld.idx.msk [tilespmem:v61+s8+$0x0], $0xffff  }
0x20d: {  	v45 =	vld.idx.msk [tilespmem:v45+s10+$0x0], $0xffff;
	v13 =	vand.u32 $0xF, v13;
	v16 =	vshra.s32 v11, $0x4;
	v7 =	vand.u32 $0x1, v7  }
0x20e: {  	v16 =	vadd.s32 v23, v16;
	v5 =	vor.u32 v7, v5;
	v9 =	vshrl.u32 v9, v62;
	v15 =	vld.idx.msk [tilespmem:v15+s2+$0x0], $0xffff  }
0x20f: {  	v7 =	vshra.s32 v59, $0x4;
	v63 =	vld.idx.msk [tilespmem:v41+s8+$0x0], $0xffff;
	v62 =	vadd.s32 v33, v5;
	v9 =	vand.u32 $0x1, v9  }
0x210: {  	v7 =	vadd.s32 v24, v7;
	v2 =	vor.u32 v9, v2;
	v13 =	vshrl.u32 v14, v13;
	v12 =	vld.idx.msk [tilespmem:v12+s2+$0x0], $0xffff  }
0x211: {  	v36 =	vld.idx.msk [tilespmem:v18+s10+$0x0], $0xffff;
	v9 =	vshra.s32 v61, $0x4;
	v14 =	vadd.s32 v33, v2;
	v13 =	vand.u32 $0x1, v13  }
0x212: {  	v18 =	vld [tilespmem:$0x1FEC0];
	v9 =	vadd.s32 v25, v9;
	v6 =	vor.u32 v13, v6;
	v13 =	vand.u32 $0xF, v46  }
0x213: {  	v4 =	vshll.u32 v4, $0x1;
	v16 =	vld.idx.msk [tilespmem:v16+s2+$0x0], $0xffff;
	v13 =	vshrl.u32 v15, v13;
	v15 =	vadd.s32 v33, v6  }
0x214: {  	v0 =	vshll.u32 v0, $0x1;
	v17 =	vand.u32 $0xF, v17;
	v46 =	vshra.s32 v63, $0x4;
	v62 =	vld.idx.msk [tilespmem:v62+s8+$0x0], $0xffff  }
0x215: {  	v7 =	vld.idx.msk [tilespmem:v7+s2+$0x0], $0xffff;
	v46 =	vadd.s32 v26, v46;
	v13 =	vand.u32 $0x1, v13;
	v12 =	vshrl.u32 v12, v17  }
0x216: {  	v1 =	vshll.u32 v1, $0x1;
	v8 =	vor.u32 v13, v8;
	v13 =	vld.idx.msk [tilespmem:v14+s8+$0x0], $0xffff;
	v12 =	vand.u32 $0x1, v12  }
0x217: {  	v11 =	vand.u32 $0xF, v11;
	v9 =	vld.idx.msk [tilespmem:v9+s2+$0x0], $0xffff;
	v14 =	vadd.s32 v33, v8;
	v4 =	vor.u32 v12, v4  }
0x218: {  	v59 =	vand.u32 $0xF, v59;
	v11 =	vshrl.u32 v16, v11;
	v15 =	vld.idx.msk [tilespmem:v15+s8+$0x0], $0xffff;
	v16 =	vadd.s32 v33, v4  }
0x219: {  	v47 =	vld.idx.msk [tilespmem:v47+s10+$0x0], $0xffff;
	v61 =	vand.u32 $0xF, v61;
	v11 =	vand.u32 $0x1, v11;
	v12 =	vshra.s32 v62, $0x4  }
0x21a: {  	v11 =	vor.u32 v11, v60;
	v7 =	vshrl.u32 v7, v59;
	v12 =	vadd.s32 v27, v12;
	v46 =	vld.idx.msk [tilespmem:v46+s2+$0x0], $0xffff  }
0x21b: {  	v49 =	vld.idx.msk [tilespmem:v49+s10+$0x0], $0xffff;
	v17 =	vadd.s32 v33, v58;
	v59 =	vadd.s32 v33, v11;
	v7 =	vand.u32 $0x1, v7  }
0x21c: {  	v0 =	vor.u32 v7, v0;
	v60 =	vshra.s32 v13, $0x4;
	v7 =	vshrl.u32 v9, v61;
	v14 =	vld.idx.msk [tilespmem:v14+s8+$0x0], $0xffff  }
0x21d: {  	v60 =	vadd.s32 v29, v60;
	v7 =	vand.u32 $0x1, v7;
	v61 =	vshra.s32 v15, $0x4;
	v16 =	vld.idx.msk [tilespmem:v16+s8+$0x0], $0xffff  }
0x21e: {  	v38 =	vld.idx.msk [tilespmem:v18+s10+$0x0], $0xffff;
	v1 =	vor.u32 v7, v1;
	v7 =	vand.u32 $0xF, v63;
	v9 =	vadd.s32 v30, v61  }
0x21f: {  	v57 =	vshll.u32 v57, $0x1;
	v10 =	vor.u32 v10, v34;
	v12 =	vld.idx.msk [tilespmem:v12+s2+$0x0], $0xffff;
	v7 =	vshrl.u32 v46, v7  }
0x220: {  	v3 =	vshll.u32 v3, $0x1;
	v17 =	vld.idx.msk [tilespmem:v17+s8+$0x0], $0xffff;
	v61 =	vadd.s32 v33, v0;
	v7 =	vand.u32 $0x1, v7  }
0x221: {  	v10 =	vadd.s32 v57, v10;
	v59 =	vld.idx.msk [tilespmem:v59+s8+$0x0], $0xffff;
	v3 =	vor.u32 v7, v3;
	v46 =	vshra.s32 v14, $0x4  }
0x222: {  	v7 =	vand.u32 $0xF, v62;
	v60 =	vld.idx.msk [tilespmem:v60+s2+$0x0], $0xffff;
	v18 =	vadd.s32 v31, v46;
	v62 =	vshra.s32 v16, $0x4  }
0x223: {  	v5 =	vshll.u32 v5, $0x1;
	v2 =	vshll.u32 v2, $0x1;
	v9 =	vld.idx.msk [tilespmem:v9+s2+$0x0], $0xffff;
	v62 =	vadd.s32 v32, v62  }
0x224: {  	v51 =	vld.idx.msk [tilespmem:v51+s10+$0x0], $0xffff;
	v13 =	vand.u32 $0xF, v13;
	v63 =	vadd.s32 v33, v1;
	v7 =	vshrl.u32 v12, v7  }
0x225: {  	v15 =	vand.u32 $0xF, v15;
	v12 =	vshra.s32 v17, $0x4;
	v61 =	vld.idx.msk [tilespmem:v61+s8+$0x0], $0xffff;
	v7 =	vand.u32 $0x1, v7  }
0x226: {  	v46 =	vld.idx.msk [tilespmem:v48+s10+$0x0], $0xffff;
	v48 =	vshra.s32 v59, $0x4;
	v12 =	vadd.s32 v22, v12;
	v5 =	vor.u32 v7, v5  }
0x227: {  	v7 =	vadd.s32 v23, v48;
	v48 =	vadd.s32 v33, v3;
	v13 =	vshrl.u32 v60, v13;
	v18 =	vld.idx.msk [tilespmem:v18+s2+$0x0], $0xffff  }
0x228: {  	v6 =	vshll.u32 v6, $0x1;
	v13 =	vand.u32 $0x1, v13;
	v9 =	vshrl.u32 v9, v15;
	v15 =	vld.idx.msk [tilespmem:v62+s2+$0x0], $0xffff  }
0x229: {  	v41 =	vld [tilespmem:$0x1FED0];
	v58 =	vshll.u32 v58, $0x1;
	v2 =	vor.u32 v13, v2;
	v13 =	vadd.s32 v33, v5  }
0x22a: {  	v8 =	vshll.u32 v8, $0x1;
	v14 =	vand.u32 $0xF, v14;
	v60 =	vld.idx.msk [tilespmem:v63+s8+$0x0], $0xffff;
	v62 =	vshra.s32 v61, $0x4  }
0x22b: {  	v16 =	vand.u32 $0xF, v16;
	v12 =	vld.idx.msk [tilespmem:v12+s2+$0x0], $0xffff;
	v9 =	vand.u32 $0x1, v9;
	v62 =	vadd.s32 v24, v62  }
0x22c: {  	v48 =	vld.idx.msk [tilespmem:v48+s8+$0x0], $0xffff;
	v6 =	vor.u32 v9, v6;
	v9 =	vadd.s32 v33, v2;
	v14 =	vshrl.u32 v18, v14  }
0x22d: {  	v4 =	vshll.u32 v4, $0x1;
	v7 =	vld.idx.msk [tilespmem:v7+s2+$0x0], $0xffff;
	v14 =	vand.u32 $0x1, v14;
	v15 =	vshrl.u32 v15, v16  }
0x22e: {  	v18 =	vadd.s32 v33, v6;
	v13 =	vld.idx.msk [tilespmem:v13+s8+$0x0], $0xffff;
	v8 =	vor.u32 v14, v8;
	v15 =	vand.u32 $0x1, v15  }
0x22f: {  	v63 =	vshra.s32 v60, $0x4;
	v16 =	vld.idx.msk [tilespmem:v50+s10+$0x0], $0xffff;
	v50 =	vadd.s32 v33, v8;
	v4 =	vor.u32 v15, v4  }
0x230: {  	v14 =	vadd.s32 v25, v63;
	v63 =	vand.u32 $0xF, v17;
	v17 =	vld.idx.msk [tilespmem:v62+s2+$0x0], $0xffff;
	v33 =	vadd.s32 v33, v4  }
0x231: {  	v11 =	vshll.u32 v11, $0x1;
	v1 =	vshll.u32 v1, $0x1;
	v0 =	vshll.u32 v0, $0x1;
	v9 =	vld.idx.msk [tilespmem:v9+s8+$0x0], $0xffff  }
0x232: {  	v53 =	vld.idx.msk [tilespmem:v53+s10+$0x0], $0xffff;
	v3 =	vshll.u32 v3, $0x1;
	v62 =	vshra.s32 v48, $0x4;
	v12 =	vshrl.u32 v12, v63  }
0x233: {  	v63 =	vand.u32 $0xF, v59;
	v57 =	vadd.s32 v26, v62;
	v12 =	vand.u32 $0x1, v12;
	v18 =	vld.idx.msk [tilespmem:v18+s8+$0x0], $0xffff  }
0x234: {  	v7 =	vshrl.u32 v7, v63;
	v12 =	vor.u32 v12, v34;
	v62 =	vshra.s32 v13, $0x4;
	v50 =	vld.idx.msk [tilespmem:v50+s8+$0x0], $0xffff  }
0x235: {  	v7 =	vand.u32 $0x1, v7;
	v15 =	vadd.s32 v27, v62;
	v62 =	vand.u32 $0xF, v61;
	v33 =	vld.idx.msk [tilespmem:v33+s8+$0x0], $0xffff  }
0x236: {  	v10 =	vld.idx.msk [tilespmem:v10+s10+$0x0], $0xffff;
	v12 =	vadd.s32 v58, v12;
	v17 =	vshrl.u32 v17, v62;
	v63 =	vshra.s32 v9, $0x4  }
0x237: {  	v7 =	vor.u32 v7, v34;
	v14 =	vld.idx.msk [tilespmem:v14+s2+$0x0], $0xffff;
	v61 =	vand.u32 $0x1, v17;
	v58 =	vadd.s32 v29, v63  }
0x238: {  	v41 =	vld.idx.msk [tilespmem:v41+s10+$0x0], $0xffff;
	v7 =	vadd.s32 v11, v7;
	v63 =	vshra.s32 v18, $0x4;
	v11 =	vor.u32 v61, v34  }
0x239: {  	v57 =	vld.idx.msk [tilespmem:v57+s2+$0x0], $0xffff;
	v17 =	vadd.s32 v30, v63;
	v0 =	vadd.s32 v0, v11;
	v62 =	vshra.s32 v50, $0x4  }
0x23a: {  	v11 =	vld.idx.msk [tilespmem:v52+s10+$0x0], $0xffff;
	v63 =	vand.u32 $0xF, v60;
	v59 =	vadd.s32 v31, v62;
	v60 =	vshra.s32 v33, $0x4  }
0x23b: {  	v5 =	vshll.u32 v5, $0x1;
	v2 =	vshll.u32 v2, $0x1;
	v15 =	vld.idx.msk [tilespmem:v15+s2+$0x0], $0xffff;
	v61 =	vadd.s32 v32, v60  }
0x23c: {  	v6 =	vshll.u32 v6, $0x1;
	v48 =	vand.u32 $0xF, v48;
	v14 =	vshrl.u32 v14, v63;
	v52 =	vld.idx.msk [tilespmem:v58+s2+$0x0], $0xffff  }
0x23d: {  	v8 =	vshll.u32 v8, $0x1;
	v13 =	vand.u32 $0xF, v13;
	v12 =	vld.idx.msk [tilespmem:v12+s10+$0x0], $0xffff;
	v14 =	vand.u32 $0x1, v14  }
0x23e: {  	v9 =	vand.u32 $0xF, v9;
	v48 =	vshrl.u32 v57, v48;
	v14 =	vor.u32 v14, v34;
	v17 =	vld.idx.msk [tilespmem:v17+s2+$0x0], $0xffff  }
0x23f: {  	v18 =	vand.u32 $0xF, v18;
	v1 =	vadd.s32 v1, v14;
	v62 =	vand.u32 $0x1, v48;
	v63 =	vld.idx.msk [tilespmem:v59+s2+$0x0], $0xffff  }
0x240: {  	v33 =	vand.u32 $0xF, v33;
	v60 =	vand.u32 $0xF, v50;
	v13 =	vshrl.u32 v15, v13;
	v58 =	vld.idx.msk [tilespmem:v61+s2+$0x0], $0xffff  }
0x241: {  	v7 =	vld.idx.msk [tilespmem:v7+s10+$0x0], $0xffff;
	v15 =	vor.u32 v62, v34;
	v13 =	vand.u32 $0x1, v13;
	v9 =	vshrl.u32 v52, v9  }
0x242: {  	v14 =	vld.idx.msk [tilespmem:v55+s10+$0x0], $0xffff;
	v3 =	vadd.s32 v3, v15;
	v13 =	vor.u32 v13, v34;
	v9 =	vand.u32 $0x1, v9  }
0x243: {  	v0 =	vld.idx.msk [tilespmem:v0+s10+$0x0], $0xffff;
	v5 =	vadd.s32 v5, v13;
	v59 =	vshrl.u32 v17, v18;
	v9 =	vor.u32 v9, v34  }
0x244: {  	v15 =	vld.idx.msk [tilespmem:v54+s10+$0x0], $0xffff;
	v13 =	vand.u32 $0x1, v59;
	v2 =	vadd.s32 v2, v9;
	v61 =	vshrl.u32 v63, v60  }
0x245: {  	v1 =	vld.idx.msk [tilespmem:v1+s10+$0x0], $0xffff;
	v13 =	vor.u32 v13, v34;
	v9 =	vand.u32 $0x1, v61;
	v62 =	vshrl.u32 v58, v33  }
0x246: {  	v17 =	vld.idx.msk [tilespmem:v56+s10+$0x0], $0xffff;
	v6 =	vadd.s32 v6, v13;
	v9 =	vor.u32 v9, v34;
	v13 =	vand.u32 $0x1, v62  }
0x247: {  	v4 =	vshll.u32 v4, $0x1;
	v18 =	vld.idx.msk [tilespmem:v35+s10+$0x0], $0xffff;
	v8 =	vadd.s32 v8, v9;
	v63 =	vor.u32 v13, v34  }
0x248: {  	v3 =	vld.idx.msk [tilespmem:v3+s10+$0x0], $0xffff;
	v4 =	vadd.s32 v4, v63  }
0x249: {  	v5 =	vld.idx.msk [tilespmem:v5+s10+$0x0], $0xffff  }
0x24a: {  	s17 =	sand.u32 $0xC00, s15;
	v2 =	vld.idx.msk [tilespmem:v2+s10+$0x0], $0xffff  }
0x24b: {  	s18 =	sand.u32 $0x70, s16;
	s17 =	sadd.s32 s17, s14;
	v6 =	vld.idx.msk [tilespmem:v6+s10+$0x0], $0xffff  }
0x24c: {  	s17 =	sadd.s32 s18, s17;
	v8 =	vld.idx.msk [tilespmem:v8+s10+$0x0], $0xffff  }
0x24d: {  	v4 =	vld.idx.msk [tilespmem:v4+s10+$0x0], $0xffff;
	[tilespmem:s17+$0x0] =	vst v36  }
0x24e: {  	[tilespmem:s17+$0x80] =	vst v37  }
0x24f: {  	[tilespmem:s17+$0x100] =	vst v38  }
0x250: {  	[tilespmem:s17+$0x180] =	vst v39  }
0x251: {  	[tilespmem:s17+$0x200] =	vst v40  }
0x252: {  	[tilespmem:s17+$0x280] =	vst v41  }
0x253: {  	[tilespmem:s17+$0x300] =	vst v43  }
0x254: {  	[tilespmem:s17+$0x380] =	vst v42  }
0x255: {  	[tilespmem:s17+$0x1000] =	vst v44  }
0x256: {  	[tilespmem:s17+$0x1080] =	vst v45  }
0x257: {  	[tilespmem:s17+$0x1100] =	vst v46  }
0x258: {  	[tilespmem:s17+$0x1180] =	vst v47  }
0x259: {  	[tilespmem:s17+$0x1200] =	vst v16  }
0x25a: {  	[tilespmem:s17+$0x1280] =	vst v49  }
0x25b: {  	[tilespmem:s17+$0x1300] =	vst v51  }
0x25c: {  	[tilespmem:s17+$0x1380] =	vst v11  }
0x25d: {  	[tilespmem:s17+$0x2000] =	vst v53  }
0x25e: {  	[tilespmem:s17+$0x2080] =	vst v14  }
0x25f: {  	[tilespmem:s17+$0x2100] =	vst v15  }
0x260: {  	[tilespmem:s17+$0x2180] =	vst v17  }
0x261: {  	[tilespmem:s17+$0x2200] =	vst v18  }
0x262: {  	[tilespmem:s17+$0x2280] =	vst v10  }
0x263: {  	[tilespmem:s17+$0x2300] =	vst v12  }
0x264: {  	[tilespmem:s17+$0x2380] =	vst v7  }
0x265: {  	[tilespmem:s17+$0x3000] =	vst v0  }
0x266: {  	[tilespmem:s17+$0x3080] =	vst v1  }
0x267: {  	p0 =	sne.s32 s16, $0x1F0;
	[tilespmem:s17+$0x3100] =	vst v3  }
.Ltmp0:
0x268: {  	[tilespmem:s17+$0x3180] =	vst v5;
	(pc) =	sbr.rel @p0 .LBB2_3-.Ltmp0, $4  }
0x269: {  	[tilespmem:s17+$0x3200] =	vst v2  }
0x26a: {  	[tilespmem:s17+$0x3280] =	vst v6  }
0x26b: {  	[tilespmem:s17+$0x3300] =	vst v8  }
0x26c: {  	s15 =	sadd.s32 $0x80, s15;
	s16 =	sadd.s32 $0x10, s16;
	v0 =	vlaneseq.u32;
	[tilespmem:s17+$0x3380] =	vst v4  }
0x26d: {  	p0 =	seq.s32 s13, $0x0  }
0x26e: {  	s15 =	simm.s32 @!p0 $0x1  }
0x26f: {  	_ =	swait.ge @!p0 [sflag:s15], $0x4000  }
0x270: {  	s16 =	sshll.u32 s13, $0xB;
	s13 =	sadd.s32 $0x1, s13;
	[sflag:s15] =	ssyncset.done @!p0 $0x0  }
0x271: {  	[sflag:s15] =	ssyncadd.s32 @!p0 $0xFFFFC000;
	p0 =	sne.s32 s13, $0x8  }
.Ltmp1:
0x272: {  	_ = 	snop;
	(pc) =	sbr.rel @p0 .LBB2_2-.Ltmp1, $3  }
0x273: {  	_ =	sdelay $0x1  }
0x274: {  	s31 =	sadd.s32 s16, s6  }
0x275: {  	[hbm4b:s31+s2] =	stream.linear.scatter [tilespmem:s14], [sflag:$0x1], $0x4000, $0x38;
	[tilespmem:$0x1FE00] =	vst v63  }
0x276: {  	s12 =	sadd.s32 $0x1, s12  }
0x277: {  	p0 =	sne.s32 s12, s7  }
.Ltmp2:
0x278: {  	_ = 	snop;
	(pc) =	sbr.rel @p0 .LBB2_1-.Ltmp2, $4  }
0x279: {  	_ = 	snop  }
0x27a: {  	_ =	swait.ge [sflag:s11], $0x4000  }
0x27b: {  	[sflag:s11] =	ssyncset.done $0x0  }
0x27c: {  	[sflag:s11] =	ssyncadd.s32 $0xFFFFC000  }
0x27d: {  	_ =	sfence.sel $0x180000  }
0x27e: {  	[bflag:$0x0] =	sbarrier.arrive $0xFFFF  }
0x27f: {  	p0 =	sne.s32 s1, $0x0;
	_ =	strace $0x90000047  }
0x280: {  	s0 =	sadd.s32 @!p0 $0x100000, s0;
	[bflag:$0x2] =	sbarrier.arrive $0xFFFF  }
0x281: {  	[sflag:s0] =	ssyncadd.tile.s32 @!p0 $0x1;
	_ =	shalt  }
.Lfunc_end2:
_tile_overlayer_lowered:
.L_overlay_start_2:
0x282: {  	(tag) =	ssettag $0x2  }
0x283: {  	s0 =	rddreg [dreg:$0x0];
	s2 =	stileid.u32  }
0x284: {  	s1 =	rddreg [dreg:$0x1];
	p0 =	sne.s32 s2, $0x0  }
0x285: {  	s3 =	rddreg [dreg:$0x2];
	[bflag:$0x3] =	sbarrier.arrive $0xFFFF;
	s2 =	simm.s32 @!p0 $0x1C02  }
0x286: {  	[timem:s3], [sflag:s2] =	dma.local @!p0 [hbm:s0], s1  }
0x287: {  	s0 =	simm.s32 @!p0 $0x2  }
0x288: {  	_ =	swait.ge @!p0 [sflag:s0], s1  }
0x289: {  	s1 =	ssub.s32 @!p0 $0x0, s1;
	[sflag:s0] =	ssyncset.done @!p0 $0x0  }
0x28a: {  	[sflag:s0] =	ssyncadd.s32 @!p0 s1  }
0x28b: {  	[bflag:$0x3] =	sbarrier.arrive $0xFFFF  }
0x28c: {  	_ =	shalt  }

</sc_bundles>
